<compile_context>
chip_gen: v7x
topology: tpu7x:2x2x1
jax: 0.10.2.dev20260603
libtpu: 0.0.44.dev20260713+nightly
codegen_flags: <defaults>
</compile_context>

<pallas_src>
import functools

import jax
import jax.numpy as jnp
from jax import lax
from jax.experimental import pallas as pl
from jax.experimental.pallas import tpu as pltpu
from jax.experimental.pallas import tpu_sc as plsc

_BATCH = 16384
_SUB = 32
_DIM = 128
_NC = 2
_NS = 16
_NW = _NC * _NS
_BPW = _BATCH // _NW

_NITEMS = 1000000
_CW = 1024
_ALIGNED = (_NITEMS // _CW) * _CW
_NCHUNKS = _ALIGNED // _CW
_NTAIL = _NITEMS - _ALIGNED
_TAILN = 768
_TAIL0 = _NITEMS - _TAILN


def _build_scan():
    mesh = plsc.VectorSubcoreMesh(core_axis_name="c", subcore_axis_name="s")

    @functools.partial(
        pl.kernel,
        mesh=mesh,
        out_type=jax.ShapeDtypeStruct((_BATCH, _DIM), jnp.float32),
        compiler_params=pltpu.CompilerParams(needs_layout_passes=False),
        scratch_types=[
            pltpu.VMEM((_BATCH,), jnp.int32),
            pltpu.VMEM((_BATCH + 16,), jnp.int32),
            pltpu.VMEM((32, _CW), jnp.float32),
            pltpu.VMEM((32, _CW), jnp.float32),
            pltpu.VMEM((128, _DIM), jnp.float32),
            pltpu.VMEM((128,), jnp.int32),
            pltpu.SemaphoreType.DMA,
            pltpu.SemaphoreType.DMA,
            pltpu.SemaphoreType.DMA,
        ],
    )
    def k(ids_h, tt_h, tail_h, out_h, idx_v, mpos_v, bufa_v, bufb_v, rows_v,
          pos_v, sema, semb, sem):
        wid = lax.axis_index("s") * _NC + lax.axis_index("c")
        pltpu.sync_copy(ids_h, idx_v)

        is_last = wid == _NW - 1
        n_chunks = 31 - jnp.where(wid >= 16, 1, 0)
        lo = _CW * (30 * wid + jnp.minimum(wid, 16))
        hi = lo + n_chunks * _CW
        member_hi = hi + jnp.where(is_last, _NTAIL, 0)
        lane = lax.iota(jnp.int32, 16)

        def start(ch, buf, bsem):
            nbase = pl.multiple_of(lo + ch * _CW, _CW)
            pltpu.async_copy(tt_h.at[:, pl.ds(nbase, _CW)], buf, bsem)

        def drain(buf, bsem):
            pltpu.make_async_copy(tt_h.at[:, pl.ds(0, _CW)], buf, bsem).wait()

        start(0, bufa_v, sema)
        start(1, bufb_v, semb)

        def member(j, wcount):
            ids = idx_v[pl.ds(j * 16, 16)]
            m = (ids >= lo) & (ids < member_hi)
            pos = j * 16 + lane
            plsc.store_compressed(mpos_v.at[pl.ds(wcount, 16)], pos, mask=m)
            pc = plsc.all_reduce_population_count(m)
            return wcount + pc[0]

        wcount = lax.fori_loop(0, _BATCH // 16, member, 0)
        n_mv = (wcount + 15) // 16

        def reset_pos():
            neg = jnp.full((16,), -1, jnp.int32)
            for j in range(8):
                pos_v[pl.ds(j * 16, 16)] = neg

        def flush():
            pltpu.async_copy(
                rows_v,
                out_h.at[plsc.Indices(pos_v, ignored_value=-1)],
                sem,
            ).wait()
            reset_pos()

        def process(buf, lo_bound, hi_bound, off_base, maxoff, from_tail, k0):
            def do_members(v, k):
                pos_m = mpos_v[pl.ds(v * 16, 16)]
                valid = (v * 16 + lane) < wcount
                ids_m = plsc.load_gather(idx_v, [pos_m & (_BATCH - 1)])
                inch = valid & (ids_m >= lo_bound) & (ids_m < hi_bound)
                pcv = plsc.all_reduce_population_count(inch)[0]

                def hit(kk):
                    kk = lax.cond(kk + pcv > 128,
                                  lambda _: (flush(), 0)[1],
                                  lambda _: kk, 0)
                    off = jnp.minimum(jnp.maximum(ids_m - off_base, 0),
                                      maxoff)
                    slot = kk + plsc.cumsum(inch.astype(jnp.int32)) - 1
                    for c in range(_SUB):
                        cvec = jnp.full((16,), c, jnp.int32)
                        if from_tail:
                            f = off * _SUB + c
                            val = plsc.load_gather(
                                buf, [f >> 10, f & (_CW - 1)], mask=inch)
                        else:
                            val = plsc.load_gather(buf, [cvec, off],
                                                   mask=inch)
                        plsc.store_scatter(rows_v, [slot, cvec], val,
                                           mask=inch)
                    plsc.store_scatter(pos_v, [slot], pos_m, mask=inch)
                    return kk + pcv

                return lax.cond(pcv > 0, hit, lambda kk: kk, k)

            return lax.fori_loop(0, n_mv, do_members, k0)

        reset_pos()

        def do_chunk(ch, k):
            base = lo + ch * _CW

            def even(kk):
                drain(bufa_v, sema)
                kk = process(bufa_v, base, base + _CW, base, _CW - 1,
                             False, kk)

                @pl.when(ch + 2 < n_chunks)
                def _pre():
                    start(ch + 2, bufa_v, sema)

                return kk

            def odd(kk):
                drain(bufb_v, semb)
                kk = process(bufb_v, base, base + _CW, base, _CW - 1,
                             False, kk)

                @pl.when(ch + 2 < n_chunks)
                def _pre():
                    start(ch + 2, bufb_v, semb)

                return kk

            return lax.cond((ch & 1) == 0, even, odd, k)

        k = lax.fori_loop(0, n_chunks, do_chunk, 0)

        def tail(kk):
            pltpu.sync_copy(tail_h, bufa_v.at[pl.ds(0, _TAILN * _SUB // _CW), :])
            return process(bufa_v, _ALIGNED, _NITEMS, _TAIL0, _TAILN - 1,
                           True, kk)

        k = lax.cond(is_last, tail, lambda kk: kk, k)
        flush()

    return k


def _build_assemble():
    mesh = plsc.VectorSubcoreMesh(core_axis_name="c", subcore_axis_name="s")

    @functools.partial(
        pl.kernel,
        mesh=mesh,
        out_type=jax.ShapeDtypeStruct((_BATCH, _DIM), jnp.float32),
        compiler_params=pltpu.CompilerParams(use_tc_tiling_on_sc=False),
        scratch_types=[
            pltpu.VMEM((_BPW,), jnp.int32),
            pltpu.VMEM((_BPW,), jnp.int32),
            pltpu.VMEM((_BPW,), jnp.int32),
            pltpu.VMEM((_BPW, _SUB), jnp.float32),
            pltpu.VMEM((_BPW, _SUB), jnp.float32),
            pltpu.VMEM((_BPW, _SUB), jnp.float32),
            pltpu.VMEM((_BPW, _SUB), jnp.float32),
            pltpu.SemaphoreType.DMA,
            pltpu.SemaphoreType.DMA,
            pltpu.SemaphoreType.DMA,
            pltpu.SemaphoreType.DMA,
        ],
    )
    def k(store_h, dept_h, cat_h, oi_h, st_t, dp_t, ct_t,
          out_h, i1, i2, i3, bi, r1, r2, r3,
          sb, s1, s2, s3):
        wid = lax.axis_index("s") * _NC + lax.axis_index("c")
        base = wid * _BPW
        pltpu.sync_copy(store_h.at[pl.ds(base, _BPW)], i1)
        pltpu.sync_copy(dept_h.at[pl.ds(base, _BPW)], i2)
        pltpu.sync_copy(cat_h.at[pl.ds(base, _BPW)], i3)
        cb = pltpu.async_copy(
            oi_h.at[pl.ds(base, _BPW), pl.ds(0, _SUB)], bi, sb)
        c1 = pltpu.async_copy(st_t.at[i1], r1, s1)
        c2 = pltpu.async_copy(dp_t.at[i2], r2, s2)
        c3 = pltpu.async_copy(ct_t.at[i3], r3, s3)
        cb.wait()
        pltpu.sync_copy(bi, out_h.at[pl.ds(base, _BPW), pl.ds(0, _SUB)])
        c1.wait()
        pltpu.sync_copy(r1, out_h.at[pl.ds(base, _BPW), pl.ds(1 * _SUB, _SUB)])
        c2.wait()
        pltpu.sync_copy(r2, out_h.at[pl.ds(base, _BPW), pl.ds(2 * _SUB, _SUB)])
        c3.wait()
        pltpu.sync_copy(r3, out_h.at[pl.ds(base, _BPW), pl.ds(3 * _SUB, _SUB)])

    return k


_scan = _build_scan()
_assemble = _build_assemble()


def kernel(item_ids, store_ids, dept_ids, cat_ids,
           item_table, store_table, dept_table, cat_table):
    item_t = item_table.T
    tail = jnp.reshape(
        lax.slice(item_table, (_TAIL0, 0), (_NITEMS, _SUB)),
        (_TAILN * _SUB // _CW, _CW))
    out_item = _scan(item_ids, item_t, tail)
    return _assemble(store_ids, dept_ids, cat_ids, out_item,
                     store_table, dept_table, cat_table)

# --- scband reference (transcript-rebuilt; emitter-appended) ---
"""Pipeline reference for scband-hierarchical-embedding-63831803953394 (READ-ONLY COPY).

The authoritative reference and input builder live on the scoring server;
editing this copy changes nothing except your own understanding.
"""

import jax, jax.numpy as jnp
import numpy as np

NUM_ITEMS = 1000000
NUM_STORES = 1000
NUM_DEPTS = 1000
NUM_CATS = 1000
EMBED_DIM = 128
SUB_DIM = EMBED_DIM // 4
BATCH = 16384


def setup_inputs(seed: int = 0) -> dict:
    key = jax.random.key(seed)
    k1, k2, k3, k4, k5, k6, k7, k8 = jax.random.split(key, 8)
    item_ids = jax.random.randint(k1, (BATCH,), 0, NUM_ITEMS, dtype=jnp.int32)
    store_ids = jax.random.randint(k2, (BATCH,), 0, NUM_STORES, dtype=jnp.int32)
    dept_ids = jax.random.randint(k3, (BATCH,), 0, NUM_DEPTS, dtype=jnp.int32)
    cat_ids = jax.random.randint(k4, (BATCH,), 0, NUM_CATS, dtype=jnp.int32)
    item_table = jax.random.normal(k5, (NUM_ITEMS, SUB_DIM), dtype=jnp.float32)
    store_table = jax.random.normal(k6, (NUM_STORES, SUB_DIM), dtype=jnp.float32)
    dept_table = jax.random.normal(k7, (NUM_DEPTS, SUB_DIM), dtype=jnp.float32)
    cat_table = jax.random.normal(k8, (NUM_CATS, SUB_DIM), dtype=jnp.float32)
    return {
        "item_ids": item_ids,
        "store_ids": store_ids,
        "dept_ids": dept_ids,
        "cat_ids": cat_ids,
        "item_table": item_table,
        "store_table": store_table,
        "dept_table": dept_table,
        "cat_table": cat_table,
    }


def reference(item_ids, store_ids, dept_ids, cat_ids, item_table, store_table, dept_table, cat_table):
    item_emb = jnp.take(item_table, item_ids, axis=0)
    store_emb = jnp.take(store_table, store_ids, axis=0)
    dept_emb = jnp.take(dept_table, dept_ids, axis=0)
    cat_emb = jnp.take(cat_table, cat_ids, axis=0)
    return jnp.concatenate([item_emb, store_emb, dept_emb, cat_emb], axis=-1)

if __name__ == "__main__":
    import jax
    _d = setup_inputs()
    print(jax.jit(kernel)(*tuple(_d.values())))

</pallas_src>

<mosaic_0001>
#map = affine_map<(d0, d1) -> (0)>
#map1 = affine_map<(d0, d1) -> (0, 0)>
module attributes {stable_mosaic.version = 14 : i64} {
  func.func @k(%arg0: i32, %arg1: i32, %arg2: memref<16384xi32, #tpu.memory_space<hbm>>, %arg3: memref<32x1000000xf32, #tpu.memory_space<hbm>>, %arg4: memref<24x1024xf32, #tpu.memory_space<hbm>>, %arg5: memref<16384x128xf32, #tpu.memory_space<hbm>>, %arg6: memref<16384xi32, #tpu.memory_space<vmem>>, %arg7: memref<16400xi32, #tpu.memory_space<vmem>>, %arg8: memref<32x1024xf32, #tpu.memory_space<vmem>>, %arg9: memref<32x1024xf32, #tpu.memory_space<vmem>>, %arg10: memref<128x128xf32, #tpu.memory_space<vmem>>, %arg11: memref<128xi32, #tpu.memory_space<vmem>>, %arg12: memref<!tpu.dma_semaphore, #tpu.memory_space<semaphore_mem>>, %arg13: memref<!tpu.dma_semaphore, #tpu.memory_space<semaphore_mem>>, %arg14: memref<!tpu.dma_semaphore, #tpu.memory_space<semaphore_mem>>) attributes {dimension_semantics = [#tpu.dimension_semantics<core_parallel>, #tpu.dimension_semantics<subcore_parallel>], iteration_bounds = array<i64: 2, 16>, scalar_prefetch = 0 : i64, scratch_operands = 9 : i64, tpu.core_type = #tpu.core_type<sc_vector_subcore>, window_params = [{transform_indices = #map}, {transform_indices = #map1}, {transform_indices = #map1}, {transform_indices = #map1}]} {
    %mul3A = arith.constant 2 : i32
    %mul3A_0 = arith.muli %arg1, %mul3A : i32
    %add3A = arith.addi %mul3A_0, %arg0 : i32
    "tpu.region"() ({
      %run_scoped3A = tpu.sem_alloc : memref<!tpu.dma_semaphore, #tpu.memory_space<semaphore_mem>>
      tpu.enqueue_dma source(%arg2 : memref<16384xi32, #tpu.memory_space<hbm>>) target(%arg6 : memref<16384xi32, #tpu.memory_space<vmem>>) target_semaphore(%run_scoped3A : memref<!tpu.dma_semaphore, #tpu.memory_space<semaphore_mem>>)
      tpu.wait_dma2 semaphore(%run_scoped3A : memref<!tpu.dma_semaphore, #tpu.memory_space<semaphore_mem>>) src(%arg2 : memref<16384xi32, #tpu.memory_space<hbm>>) dst(%arg6 : memref<16384xi32, #tpu.memory_space<vmem>>)
      tpu.yield
    }) : () -> ()
    %eq3A = arith.constant 31 : i32
    %eq3A_1 = arith.cmpi eq, %add3A, %eq3A : i32
    %ge3A = arith.constant 16 : i32
    %ge3A_2 = arith.cmpi sge, %add3A, %ge3A : i32
    %jit3A = arith.constant 1 : i32
    %jit3A_3 = arith.constant 0 : i32
    %select_n3A = arith.select %ge3A_2, %jit3A, %jit3A_3 : i32
    %sub3A = arith.constant 31 : i32
    %sub3A_4 = arith.subi %sub3A, %select_n3A : i32
    %mul3A_5 = arith.constant 30 : i32
    %mul3A_6 = arith.muli %mul3A_5, %add3A : i32
    %min3A = arith.constant 16 : i32
    %min3A_7 = arith.minsi %add3A, %min3A : i32
    %add3A_8 = arith.addi %mul3A_6, %min3A_7 : i32
    %mul3A_9 = arith.constant 1024 : i32
    %mul3A_10 = arith.muli %mul3A_9, %add3A_8 : i32
    %mul3A_11 = arith.constant 1024 : i32
    %mul3A_12 = arith.muli %sub3A_4, %mul3A_11 : i32
    %add3A_13 = arith.addi %mul3A_10, %mul3A_12 : i32
    %jit3A_14 = arith.constant 576 : i32
    %jit3A_15 = arith.constant 0 : i32
    %select_n3A_16 = arith.select %eq3A_1, %jit3A_14, %jit3A_15 : i32
    %add3A_17 = arith.addi %add3A_13, %select_n3A_16 : i32
    %iota3A = tpu.iota {dimensions = array<i32: 0>} : vector<16xi32>
    %add3A_18 = arith.constant 0 : i32
    %add3A_19 = arith.addi %mul3A_10, %add3A_18 : i32
    %multiple_of3A = tpu.assume_multiple %add3A_19, 1024 : i32
    %dma_start3A = arith.constant 0 : i32
    %dma_start3A_20 = tpu.memref_slice %arg3[%dma_start3A, %multiple_of3A] : memref<32x1000000xf32, #tpu.memory_space<hbm>> -> memref<32x1024xf32, #tpu.memory_space<hbm>>
    %dma_start3A_21 = arith.constant 0 : i32
    %dma_start3A_22 = tpu.memref_slice %arg3[%dma_start3A_21, %multiple_of3A] : memref<32x1000000xf32, #tpu.memory_space<hbm>> -> memref<32x1024xf32, #tpu.memory_space<hbm>>
    tpu.enqueue_dma source(%dma_start3A_22 : memref<32x1024xf32, #tpu.memory_space<hbm>>) target(%arg8 : memref<32x1024xf32, #tpu.memory_space<vmem>>) target_semaphore(%arg12 : memref<!tpu.dma_semaphore, #tpu.memory_space<semaphore_mem>>)
    %add3A_23 = arith.constant 1024 : i32
    %add3A_24 = arith.addi %mul3A_10, %add3A_23 : i32
    %multiple_of3A_25 = tpu.assume_multiple %add3A_24, 1024 : i32
    %dma_start3A_26 = arith.constant 0 : i32
    %dma_start3A_27 = tpu.memref_slice %arg3[%dma_start3A_26, %multiple_of3A_25] : memref<32x1000000xf32, #tpu.memory_space<hbm>> -> memref<32x1024xf32, #tpu.memory_space<hbm>>
    %dma_start3A_28 = arith.constant 0 : i32
    %dma_start3A_29 = tpu.memref_slice %arg3[%dma_start3A_28, %multiple_of3A_25] : memref<32x1000000xf32, #tpu.memory_space<hbm>> -> memref<32x1024xf32, #tpu.memory_space<hbm>>
    tpu.enqueue_dma source(%dma_start3A_29 : memref<32x1024xf32, #tpu.memory_space<hbm>>) target(%arg9 : memref<32x1024xf32, #tpu.memory_space<vmem>>) target_semaphore(%arg13 : memref<!tpu.dma_semaphore, #tpu.memory_space<semaphore_mem>>)
    %scan3A = arith.constant 0 : i32
    %scan3A_30 = arith.constant 0 : i32
    %scan3A_31 = arith.constant 1024 : i32
    %scan3A_32 = arith.addi %scan3A_30, %scan3A_31 : i32
    %scan3A_33 = arith.constant 1 : i32
    %scan3A_34 = scf.for %scan3A_110 = %scan3A_30 to %scan3A_32 step %scan3A_33 iter_args(%scan3A_111 = %scan3A) -> (i32)  : i32 {
      %mul3A_112 = arith.constant 16 : i32
      %mul3A_113 = arith.muli %scan3A_110, %mul3A_112 : i32
      %get3A = arith.index_cast %mul3A_113 : i32 to index
      %get3A_114 = tpu.vector_load %arg6[%get3A] {strides = array<i32>} : memref<16384xi32, #tpu.memory_space<vmem>>, vector<16xi32>,
      %ge3A_115 = vector.broadcast %mul3A_10 : i32 to vector<16xi32>
      %ge3A_116 = arith.cmpi sge, %get3A_114, %ge3A_115 : vector<16xi32>
      %lt3A = vector.broadcast %add3A_17 : i32 to vector<16xi32>
      %lt3A_117 = arith.cmpi slt, %get3A_114, %lt3A : vector<16xi32>
      %and3A_118 = arith.andi %ge3A_116, %lt3A_117 : vector<16xi1>
      %mul3A_119 = arith.constant 16 : i32
      %mul3A_120 = arith.muli %scan3A_110, %mul3A_119 : i32
      %add3A_121 = vector.broadcast %mul3A_120 : i32 to vector<16xi32>
      %add3A_122 = arith.addi %add3A_121, %iota3A : vector<16xi32>
      %swap3A_123 = arith.index_cast %scan3A_111 : i32 to index
      %swap3A_124 = tpu.vector_load %arg7[%swap3A_123] masked %and3A_118 {strides = array<i32>} : memref<16400xi32, #tpu.memory_space<vmem>>, vector<16xi32>, vector<16xi1>
      tpu.vector_store %arg7[%swap3A_123], %add3A_122 masked %and3A_118 {strides = array<i32>} : memref<16400xi32, #tpu.memory_space<vmem>>, vector<16xi32>, vector<16xi1>
      %all_reduce_population_count3A = tpu.all_reduce %and3A_118 {dim = 0 : i64, kind = #tpu.reduction_kind<sum>} : vector<16xi1> -> vector<16xi32>
      %slice3A = vector.extract_strided_slice %all_reduce_population_count3A {offsets = [0], sizes = [1], strides = [1]} : vector<16xi32> to vector<1xi32>
      %squeeze3A = vector.extract %slice3A[0] : i32 from vector<1xi32>
      %add3A_125 = arith.addi %scan3A_111, %squeeze3A : i32
      scf.yield %add3A_125 : i32
    }
    %scan3A_35 = arith.constant 1024 : i32
    %add3A_36 = arith.constant 15 : i32
    %add3A_37 = arith.addi %scan3A_34, %add3A_36 : i32
    %jit3A_38 = arith.constant 16 : i32
    %div3A = arith.divsi %add3A_37, %jit3A_38 : i32
    %sign3A = arith.constant 0 : i32
    %sign3A_39 = arith.cmpi sgt, %add3A_37, %sign3A : i32
    %sign3A_40 = arith.extui %sign3A_39 : i1 to i32
    %sign3A_41 = arith.constant 0 : i32
    %sign3A_42 = arith.cmpi slt, %add3A_37, %sign3A_41 : i32
    %sign3A_43 = arith.extui %sign3A_42 : i1 to i32
    %sign3A_44 = arith.subi %sign3A_40, %sign3A_43 : i32
    %sign3A_45 = arith.constant 0 : i32
    %sign3A_46 = arith.cmpi sgt, %jit3A_38, %sign3A_45 : i32
    %sign3A_47 = arith.extui %sign3A_46 : i1 to i32
    %sign3A_48 = arith.constant 0 : i32
    %sign3A_49 = arith.cmpi slt, %jit3A_38, %sign3A_48 : i32
    %sign3A_50 = arith.extui %sign3A_49 : i1 to i32
    %sign3A_51 = arith.subi %sign3A_47, %sign3A_50 : i32
    %ne3A = arith.cmpi ne, %sign3A_44, %sign3A_51 : i32
    %rem3A = arith.remsi %add3A_37, %jit3A_38 : i32
    %ne3A_52 = arith.constant 0 : i32
    %ne3A_53 = arith.cmpi ne, %rem3A, %ne3A_52 : i32
    %and3A = arith.andi %ne3A, %ne3A_53 : i1
    %sub3A_54 = arith.constant 1 : i32
    %sub3A_55 = arith.subi %div3A, %sub3A_54 : i32
    %select_n3A_56 = arith.select %and3A, %sub3A_55, %div3A : i32
    %broadcast_in_dim3A = arith.constant -1 : i32
    %broadcast_in_dim3A_57 = vector.broadcast %broadcast_in_dim3A : i32 to vector<16xi32>
    %swap3A = arith.constant 0 : index
    %swap3A_58 = tpu.vector_load %arg11[%swap3A] {strides = array<i32>} : memref<128xi32, #tpu.memory_space<vmem>>, vector<16xi32>,
    tpu.vector_store %arg11[%swap3A], %broadcast_in_dim3A_57 {strides = array<i32>} : memref<128xi32, #tpu.memory_space<vmem>>, vector<16xi32>,
    %swap3A_59 = arith.constant 16 : index
    %swap3A_60 = tpu.vector_load %arg11[%swap3A_59] {strides = array<i32>} : memref<128xi32, #tpu.memory_space<vmem>>, vector<16xi32>,
    tpu.vector_store %arg11[%swap3A_59], %broadcast_in_dim3A_57 {strides = array<i32>} : memref<128xi32, #tpu.memory_space<vmem>>, vector<16xi32>,
    %swap3A_61 = arith.constant 32 : index
    %swap3A_62 = tpu.vector_load %arg11[%swap3A_61] {strides = array<i32>} : memref<128xi32, #tpu.memory_space<vmem>>, vector<16xi32>,
    tpu.vector_store %arg11[%swap3A_61], %broadcast_in_dim3A_57 {strides = array<i32>} : memref<128xi32, #tpu.memory_space<vmem>>, vector<16xi32>,
    %swap3A_63 = arith.constant 48 : index
    %swap3A_64 = tpu.vector_load %arg11[%swap3A_63] {strides = array<i32>} : memref<128xi32, #tpu.memory_space<vmem>>, vector<16xi32>,
    tpu.vector_store %arg11[%swap3A_63], %broadcast_in_dim3A_57 {strides = array<i32>} : memref<128xi32, #tpu.memory_space<vmem>>, vector<16xi32>,
    %swap3A_65 = arith.constant 64 : index
    %swap3A_66 = tpu.vector_load %arg11[%swap3A_65] {strides = array<i32>} : memref<128xi32, #tpu.memory_space<vmem>>, vector<16xi32>,
    tpu.vector_store %arg11[%swap3A_65], %broadcast_in_dim3A_57 {strides = array<i32>} : memref<128xi32, #tpu.memory_space<vmem>>, vector<16xi32>,
    %swap3A_67 = arith.constant 80 : index
    %swap3A_68 = tpu.vector_load %arg11[%swap3A_67] {strides = array<i32>} : memref<128xi32, #tpu.memory_space<vmem>>, vector<16xi32>,
    tpu.vector_store %arg11[%swap3A_67], %broadcast_in_dim3A_57 {strides = array<i32>} : memref<128xi32, #tpu.memory_space<vmem>>, vector<16xi32>,
    %swap3A_69 = arith.constant 96 : index
    %swap3A_70 = tpu.vector_load %arg11[%swap3A_69] {strides = array<i32>} : memref<128xi32, #tpu.memory_space<vmem>>, vector<16xi32>,
    tpu.vector_store %arg11[%swap3A_69], %broadcast_in_dim3A_57 {strides = array<i32>} : memref<128xi32, #tpu.memory_space<vmem>>, vector<16xi32>,
    %swap3A_71 = arith.constant 112 : index
    %swap3A_72 = tpu.vector_load %arg11[%swap3A_71] {strides = array<i32>} : memref<128xi32, #tpu.memory_space<vmem>>, vector<16xi32>,
    tpu.vector_store %arg11[%swap3A_71], %broadcast_in_dim3A_57 {strides = array<i32>} : memref<128xi32, #tpu.memory_space<vmem>>, vector<16xi32>,
    %while3A = arith.constant 0 : i32
    %while3A_73 = arith.constant 0 : i32
    %while3A_74 = arith.subi %sub3A_4, %while3A : i32
    %while3A_75 = arith.addi %while3A, %while3A_74 : i32
    %while3A_76 = arith.constant 1 : i32
    %while3A_77 = arith.divsi %while3A_74, %while3A_76 : i32
    %while3A_78 = arith.muli %while3A_77, %while3A_76 : i32
    %while3A_79 = arith.addi %while3A, %while3A_78 : i32
    %while3A_80 = arith.constant 1 : i32
    %while3A_81 = scf.for %while3A_110 = %while3A to %while3A_79 step %while3A_80 iter_args(%while3A_111 = %while3A_73) -> (i32)  : i32 {
      %mul3A_112 = arith.constant 1024 : i32
      %mul3A_113 = arith.muli %while3A_110, %mul3A_112 : i32
      %add3A_114 = arith.addi %mul3A_10, %mul3A_113 : i32
      %and3A_115 = arith.constant 1 : i32
      %and3A_116 = arith.andi %while3A_110, %and3A_115 : i32
      %eq3A_117 = arith.constant 0 : i32
      %eq3A_118 = arith.cmpi eq, %and3A_116, %eq3A_117 : i32
      %convert_element_type3A_119 = arith.extui %eq3A_118 : i1 to i32
      %cond3A_120 = arith.constant 0 : i32
      %cond3A_121 = arith.cmpi ne, %convert_element_type3A_119, %cond3A_120 : i32
      %cond3A_122 = scf.if %cond3A_121 -> (i32) {
        %dma_wait3A_123 = arith.constant 0 : i32
        %dma_wait3A_124 = arith.constant 0 : i32
        %dma_wait3A_125 = tpu.memref_slice %arg3[%dma_wait3A_123, %dma_wait3A_124] : memref<32x1000000xf32, #tpu.memory_space<hbm>> -> memref<32x1024xf32, #tpu.memory_space<hbm>>
        %dma_wait3A_126 = arith.constant 0 : i32
        %dma_wait3A_127 = arith.constant 0 : i32
        %dma_wait3A_128 = tpu.memref_slice %arg3[%dma_wait3A_126, %dma_wait3A_127] : memref<32x1000000xf32, #tpu.memory_space<hbm>> -> memref<32x1024xf32, #tpu.memory_space<hbm>>
        tpu.wait_dma2 semaphore(%arg12 : memref<!tpu.dma_semaphore, #tpu.memory_space<semaphore_mem>>) src(%dma_wait3A_128 : memref<32x1024xf32, #tpu.memory_space<hbm>>) dst(%arg8 : memref<32x1024xf32, #tpu.memory_space<vmem>>)
        %add3A_129 = arith.constant 1024 : i32
        %add3A_130 = arith.addi %add3A_114, %add3A_129 : i32
        %while3A_131 = arith.constant 0 : i32
        %while3A_132 = arith.subi %select_n3A_56, %while3A_131 : i32
        %while3A_133 = arith.addi %while3A_131, %while3A_132 : i32
        %while3A_134 = arith.constant 1 : i32
        %while3A_135 = arith.divsi %while3A_132, %while3A_134 : i32
        %while3A_136 = arith.muli %while3A_135, %while3A_134 : i32
        %while3A_137 = arith.addi %while3A_131, %while3A_136 : i32
        %while3A_138 = arith.constant 1 : i32
        %while3A_139 = scf.for %while3A_147 = %while3A_131 to %while3A_137 step %while3A_138 iter_args(%while3A_148 = %while3A_111) -> (i32)  : i32 {
          %mul3A_149 = arith.constant 16 : i32
          %mul3A_150 = arith.muli %while3A_147, %mul3A_149 : i32
          %get3A = arith.index_cast %mul3A_150 : i32 to index
          %get3A_151 = tpu.vector_load %arg7[%get3A] {strides = array<i32>} : memref<16400xi32, #tpu.memory_space<vmem>>, vector<16xi32>,
          %mul3A_152 = arith.constant 16 : i32
          %mul3A_153 = arith.muli %while3A_147, %mul3A_152 : i32
          %add3A_154 = vector.broadcast %mul3A_153 : i32 to vector<16xi32>
          %add3A_155 = arith.addi %add3A_154, %iota3A : vector<16xi32>
          %lt3A_156 = vector.broadcast %scan3A_34 : i32 to vector<16xi32>
          %lt3A_157 = arith.cmpi slt, %add3A_155, %lt3A_156 : vector<16xi32>
          %and3A_158 = arith.constant 16383 : i32
          %and3A_159 = vector.broadcast %and3A_158 : i32 to vector<16xi32>
          %and3A_160 = arith.andi %get3A_151, %and3A_159 : vector<16xi32>
          %gather3A = tpu.vector_load_idx %arg6[%and3A_160] : memref<16384xi32, #tpu.memory_space<vmem>>[vector<16xi32>], vector<16xi32>,
          %ge3A_161 = vector.broadcast %add3A_114 : i32 to vector<16xi32>
          %ge3A_162 = arith.cmpi sge, %gather3A, %ge3A_161 : vector<16xi32>
          %and3A_163 = arith.andi %lt3A_157, %ge3A_162 : vector<16xi1>
          %lt3A_164 = vector.broadcast %add3A_130 : i32 to vector<16xi32>
          %lt3A_165 = arith.cmpi slt, %gather3A, %lt3A_164 : vector<16xi32>
          %and3A_166 = arith.andi %and3A_163, %lt3A_165 : vector<16xi1>
          %all_reduce_population_count3A = tpu.all_reduce %and3A_166 {dim = 0 : i64, kind = #tpu.reduction_kind<sum>} : vector<16xi1> -> vector<16xi32>
          %slice3A = vector.extract_strided_slice %all_reduce_population_count3A {offsets = [0], sizes = [1], strides = [1]} : vector<16xi32> to vector<1xi32>
          %squeeze3A = vector.extract %slice3A[0] : i32 from vector<1xi32>
          %gt3A = arith.constant 0 : i32
          %gt3A_167 = arith.cmpi sgt, %squeeze3A, %gt3A : i32
          %convert_element_type3A_168 = arith.extui %gt3A_167 : i1 to i32
          %cond3A_169 = arith.constant 0 : i32
          %cond3A_170 = arith.cmpi ne, %convert_element_type3A_168, %cond3A_169 : i32
          %cond3A_171 = scf.if %cond3A_170 -> (i32) {
            %add3A_172 = arith.addi %while3A_148, %squeeze3A : i32
            %gt3A_173 = arith.constant 128 : i32
            %gt3A_174 = arith.cmpi sgt, %add3A_172, %gt3A_173 : i32
            %convert_element_type3A_175 = arith.extui %gt3A_174 : i1 to i32
            %cond3A_176 = arith.constant 0 : i32
            %cond3A_177 = arith.constant 0 : i32
            %cond3A_178 = arith.cmpi ne, %convert_element_type3A_175, %cond3A_177 : i32
            %cond3A_179 = scf.if %cond3A_178 -> (i32) {
              %dma_start3A_292 = arith.constant 0 : i32
              %dma_start3A_293 = arith.constant 0 : i32
              %dma_start3A_294 = tpu.memref_slice %arg5[%dma_start3A_292, %dma_start3A_293] : memref<16384x128xf32, #tpu.memory_space<hbm>> -> memref<16384x128xf32, #tpu.memory_space<hbm>>
              %dma_start3A_295 = arith.constant -1 : i32
              tpu.enqueue_indirect_dma source(%arg10 : memref<128x128xf32, #tpu.memory_space<vmem>>) target(%dma_start3A_294 : memref<16384x128xf32, #tpu.memory_space<hbm>>) offsets(%arg11 : memref<128xi32, #tpu.memory_space<vmem>>) offset_filter(%dma_start3A_295) semaphore(%arg14 : memref<!tpu.dma_semaphore, #tpu.memory_space<semaphore_mem>>)
              %dma_wait3A_296 = arith.constant 0 : i32
              %dma_wait3A_297 = arith.constant 0 : i32
              %dma_wait3A_298 = tpu.memref_slice %arg5[%dma_wait3A_296, %dma_wait3A_297] : memref<16384x128xf32, #tpu.memory_space<hbm>> -> memref<16384x128xf32, #tpu.memory_space<hbm>>
              tpu.wait_indirect_dma semaphore(%arg14 : memref<!tpu.dma_semaphore, #tpu.memory_space<semaphore_mem>>) src(%arg10 : memref<128x128xf32, #tpu.memory_space<vmem>>) dst(%dma_wait3A_298 : memref<16384x128xf32, #tpu.memory_space<hbm>>)
              %broadcast_in_dim3A_299 = arith.constant -1 : i32
              %broadcast_in_dim3A_300 = vector.broadcast %broadcast_in_dim3A_299 : i32 to vector<16xi32>
              %swap3A_301 = arith.constant 0 : index
              %swap3A_302 = tpu.vector_load %arg11[%swap3A_301] {strides = array<i32>} : memref<128xi32, #tpu.memory_space<vmem>>, vector<16xi32>,
              tpu.vector_store %arg11[%swap3A_301], %broadcast_in_dim3A_300 {strides = array<i32>} : memref<128xi32, #tpu.memory_space<vmem>>, vector<16xi32>,
              %swap3A_303 = arith.constant 16 : index
              %swap3A_304 = tpu.vector_load %arg11[%swap3A_303] {strides = array<i32>} : memref<128xi32, #tpu.memory_space<vmem>>, vector<16xi32>,
              tpu.vector_store %arg11[%swap3A_303], %broadcast_in_dim3A_300 {strides = array<i32>} : memref<128xi32, #tpu.memory_space<vmem>>, vector<16xi32>,
              %swap3A_305 = arith.constant 32 : index
              %swap3A_306 = tpu.vector_load %arg11[%swap3A_305] {strides = array<i32>} : memref<128xi32, #tpu.memory_space<vmem>>, vector<16xi32>,
              tpu.vector_store %arg11[%swap3A_305], %broadcast_in_dim3A_300 {strides = array<i32>} : memref<128xi32, #tpu.memory_space<vmem>>, vector<16xi32>,
              %swap3A_307 = arith.constant 48 : index
              %swap3A_308 = tpu.vector_load %arg11[%swap3A_307] {strides = array<i32>} : memref<128xi32, #tpu.memory_space<vmem>>, vector<16xi32>,
              tpu.vector_store %arg11[%swap3A_307], %broadcast_in_dim3A_300 {strides = array<i32>} : memref<128xi32, #tpu.memory_space<vmem>>, vector<16xi32>,
              %swap3A_309 = arith.constant 64 : index
              %swap3A_310 = tpu.vector_load %arg11[%swap3A_309] {strides = array<i32>} : memref<128xi32, #tpu.memory_space<vmem>>, vector<16xi32>,
              tpu.vector_store %arg11[%swap3A_309], %broadcast_in_dim3A_300 {strides = array<i32>} : memref<128xi32, #tpu.memory_space<vmem>>, vector<16xi32>,
              %swap3A_311 = arith.constant 80 : index
              %swap3A_312 = tpu.vector_load %arg11[%swap3A_311] {strides = array<i32>} : memref<128xi32, #tpu.memory_space<vmem>>, vector<16xi32>,
              tpu.vector_store %arg11[%swap3A_311], %broadcast_in_dim3A_300 {strides = array<i32>} : memref<128xi32, #tpu.memory_space<vmem>>, vector<16xi32>,
              %swap3A_313 = arith.constant 96 : index
              %swap3A_314 = tpu.vector_load %arg11[%swap3A_313] {strides = array<i32>} : memref<128xi32, #tpu.memory_space<vmem>>, vector<16xi32>,
              tpu.vector_store %arg11[%swap3A_313], %broadcast_in_dim3A_300 {strides = array<i32>} : memref<128xi32, #tpu.memory_space<vmem>>, vector<16xi32>,
              %swap3A_315 = arith.constant 112 : index
              %swap3A_316 = tpu.vector_load %arg11[%swap3A_315] {strides = array<i32>} : memref<128xi32, #tpu.memory_space<vmem>>, vector<16xi32>,
              tpu.vector_store %arg11[%swap3A_315], %broadcast_in_dim3A_300 {strides = array<i32>} : memref<128xi32, #tpu.memory_space<vmem>>, vector<16xi32>,
              %cond3A_317 = arith.constant 0 : i32
              scf.yield %cond3A_317 : i32
            } else {
              scf.yield %while3A_148 : i32
            }
            %sub3A_180 = vector.broadcast %add3A_114 : i32 to vector<16xi32>
            %sub3A_181 = arith.subi %gather3A, %sub3A_180 : vector<16xi32>
            %max3A = arith.constant 0 : i32
            %max3A_182 = vector.broadcast %max3A : i32 to vector<16xi32>
            %max3A_183 = arith.maxsi %sub3A_181, %max3A_182 : vector<16xi32>
            %min3A_184 = arith.constant 1023 : i32
            %min3A_185 = vector.broadcast %min3A_184 : i32 to vector<16xi32>
            %min3A_186 = arith.minsi %max3A_183, %min3A_185 : vector<16xi32>
            %convert_element_type3A_187 = arith.extui %and3A_166 : vector<16xi1> to vector<16xi32>
            %broadcast_in_dim3A_188 = arith.constant true
            %broadcast_in_dim3A_189 = vector.broadcast %broadcast_in_dim3A_188 : i1 to vector<16xi1>
            %masked_cumsum3A = tpu.scan <sum>, %convert_element_type3A_187 masked %broadcast_in_dim3A_189 : vector<16xi32>, vector<16xi1> -> vector<16xi32>
            %add3A_190 = vector.broadcast %cond3A_179 : i32 to vector<16xi32>
            %add3A_191 = arith.addi %add3A_190, %masked_cumsum3A : vector<16xi32>
            %sub3A_192 = arith.constant 1 : i32
            %sub3A_193 = vector.broadcast %sub3A_192 : i32 to vector<16xi32>
            %sub3A_194 = arith.subi %add3A_191, %sub3A_193 : vector<16xi32>
            %broadcast_in_dim3A_195 = arith.constant 0 : i32
            %broadcast_in_dim3A_196 = vector.broadcast %broadcast_in_dim3A_195 : i32 to vector<16xi32>
            %gather3A_197 = tpu.vector_load_idx %arg8[%broadcast_in_dim3A_196, %min3A_186] masked %and3A_166 : memref<32x1024xf32, #tpu.memory_space<vmem>>[vector<16xi32>, vector<16xi32>], vector<16xf32>, vector<16xi1>
            tpu.vector_store_idx %arg10[%sub3A_194, %broadcast_in_dim3A_196], %gather3A_197 masked %and3A_166 : memref<128x128xf32, #tpu.memory_space<vmem>>[vector<16xi32>, vector<16xi32>], vector<16xf32>, vector<16xi1>
            %broadcast_in_dim3A_198 = arith.constant 1 : i32
            %broadcast_in_dim3A_199 = vector.broadcast %broadcast_in_dim3A_198 : i32 to vector<16xi32>
            %gather3A_200 = tpu.vector_load_idx %arg8[%broadcast_in_dim3A_199, %min3A_186] masked %and3A_166 : memref<32x1024xf32, #tpu.memory_space<vmem>>[vector<16xi32>, vector<16xi32>], vector<16xf32>, vector<16xi1>
            tpu.vector_store_idx %arg10[%sub3A_194, %broadcast_in_dim3A_199], %gather3A_200 masked %and3A_166 : memref<128x128xf32, #tpu.memory_space<vmem>>[vector<16xi32>, vector<16xi32>], vector<16xf32>, vector<16xi1>
            %broadcast_in_dim3A_201 = arith.constant 2 : i32
            %broadcast_in_dim3A_202 = vector.broadcast %broadcast_in_dim3A_201 : i32 to vector<16xi32>
            %gather3A_203 = tpu.vector_load_idx %arg8[%broadcast_in_dim3A_202, %min3A_186] masked %and3A_166 : memref<32x1024xf32, #tpu.memory_space<vmem>>[vector<16xi32>, vector<16xi32>], vector<16xf32>, vector<16xi1>
            tpu.vector_store_idx %arg10[%sub3A_194, %broadcast_in_dim3A_202], %gather3A_203 masked %and3A_166 : memref<128x128xf32, #tpu.memory_space<vmem>>[vector<16xi32>, vector<16xi32>], vector<16xf32>, vector<16xi1>
            %broadcast_in_dim3A_204 = arith.constant 3 : i32
            %broadcast_in_dim3A_205 = vector.broadcast %broadcast_in_dim3A_204 : i32 to vector<16xi32>
            %gather3A_206 = tpu.vector_load_idx %arg8[%broadcast_in_dim3A_205, %min3A_186] masked %and3A_166 : memref<32x1024xf32, #tpu.memory_space<vmem>>[vector<16xi32>, vector<16xi32>], vector<16xf32>, vector<16xi1>
            tpu.vector_store_idx %arg10[%sub3A_194, %broadcast_in_dim3A_205], %gather3A_206 masked %and3A_166 : memref<128x128xf32, #tpu.memory_space<vmem>>[vector<16xi32>, vector<16xi32>], vector<16xf32>, vector<16xi1>
            %broadcast_in_dim3A_207 = arith.constant 4 : i32
            %broadcast_in_dim3A_208 = vector.broadcast %broadcast_in_dim3A_207 : i32 to vector<16xi32>
            %gather3A_209 = tpu.vector_load_idx %arg8[%broadcast_in_dim3A_208, %min3A_186] masked %and3A_166 : memref<32x1024xf32, #tpu.memory_space<vmem>>[vector<16xi32>, vector<16xi32>], vector<16xf32>, vector<16xi1>
            tpu.vector_store_idx %arg10[%sub3A_194, %broadcast_in_dim3A_208], %gather3A_209 masked %and3A_166 : memref<128x128xf32, #tpu.memory_space<vmem>>[vector<16xi32>, vector<16xi32>], vector<16xf32>, vector<16xi1>
            %broadcast_in_dim3A_210 = arith.constant 5 : i32
            %broadcast_in_dim3A_211 = vector.broadcast %broadcast_in_dim3A_210 : i32 to vector<16xi32>
            %gather3A_212 = tpu.vector_load_idx %arg8[%broadcast_in_dim3A_211, %min3A_186] masked %and3A_166 : memref<32x1024xf32, #tpu.memory_space<vmem>>[vector<16xi32>, vector<16xi32>], vector<16xf32>, vector<16xi1>
            tpu.vector_store_idx %arg10[%sub3A_194, %broadcast_in_dim3A_211], %gather3A_212 masked %and3A_166 : memref<128x128xf32, #tpu.memory_space<vmem>>[vector<16xi32>, vector<16xi32>], vector<16xf32>, vector<16xi1>
            %broadcast_in_dim3A_213 = arith.constant 6 : i32
            %broadcast_in_dim3A_214 = vector.broadcast %broadcast_in_dim3A_213 : i32 to vector<16xi32>
            %gather3A_215 = tpu.vector_load_idx %arg8[%broadcast_in_dim3A_214, %min3A_186] masked %and3A_166 : memref<32x1024xf32, #tpu.memory_space<vmem>>[vector<16xi32>, vector<16xi32>], vector<16xf32>, vector<16xi1>
            tpu.vector_store_idx %arg10[%sub3A_194, %broadcast_in_dim3A_214], %gather3A_215 masked %and3A_166 : memref<128x128xf32, #tpu.memory_space<vmem>>[vector<16xi32>, vector<16xi32>], vector<16xf32>, vector<16xi1>
            %broadcast_in_dim3A_216 = arith.constant 7 : i32
            %broadcast_in_dim3A_217 = vector.broadcast %broadcast_in_dim3A_216 : i32 to vector<16xi32>
            %gather3A_218 = tpu.vector_load_idx %arg8[%broadcast_in_dim3A_217, %min3A_186] masked %and3A_166 : memref<32x1024xf32, #tpu.memory_space<vmem>>[vector<16xi32>, vector<16xi32>], vector<16xf32>, vector<16xi1>
            tpu.vector_store_idx %arg10[%sub3A_194, %broadcast_in_dim3A_217], %gather3A_218 masked %and3A_166 : memref<128x128xf32, #tpu.memory_space<vmem>>[vector<16xi32>, vector<16xi32>], vector<16xf32>, vector<16xi1>
            %broadcast_in_dim3A_219 = arith.constant 8 : i32
            %broadcast_in_dim3A_220 = vector.broadcast %broadcast_in_dim3A_219 : i32 to vector<16xi32>
            %gather3A_221 = tpu.vector_load_idx %arg8[%broadcast_in_dim3A_220, %min3A_186] masked %and3A_166 : memref<32x1024xf32, #tpu.memory_space<vmem>>[vector<16xi32>, vector<16xi32>], vector<16xf32>, vector<16xi1>
            tpu.vector_store_idx %arg10[%sub3A_194, %broadcast_in_dim3A_220], %gather3A_221 masked %and3A_166 : memref<128x128xf32, #tpu.memory_space<vmem>>[vector<16xi32>, vector<16xi32>], vector<16xf32>, vector<16xi1>
            %broadcast_in_dim3A_222 = arith.constant 9 : i32
            %broadcast_in_dim3A_223 = vector.broadcast %broadcast_in_dim3A_222 : i32 to vector<16xi32>
            %gather3A_224 = tpu.vector_load_idx %arg8[%broadcast_in_dim3A_223, %min3A_186] masked %and3A_166 : memref<32x1024xf32, #tpu.memory_space<vmem>>[vector<16xi32>, vector<16xi32>], vector<16xf32>, vector<16xi1>
            tpu.vector_store_idx %arg10[%sub3A_194, %broadcast_in_dim3A_223], %gather3A_224 masked %and3A_166 : memref<128x128xf32, #tpu.memory_space<vmem>>[vector<16xi32>, vector<16xi32>], vector<16xf32>, vector<16xi1>
            %broadcast_in_dim3A_225 = arith.constant 10 : i32
            %broadcast_in_dim3A_226 = vector.broadcast %broadcast_in_dim3A_225 : i32 to vector<16xi32>
            %gather3A_227 = tpu.vector_load_idx %arg8[%broadcast_in_dim3A_226, %min3A_186] masked %and3A_166 : memref<32x1024xf32, #tpu.memory_space<vmem>>[vector<16xi32>, vector<16xi32>], vector<16xf32>, vector<16xi1>
            tpu.vector_store_idx %arg10[%sub3A_194, %broadcast_in_dim3A_226], %gather3A_227 masked %and3A_166 : memref<128x128xf32, #tpu.memory_space<vmem>>[vector<16xi32>, vector<16xi32>], vector<16xf32>, vector<16xi1>
            %broadcast_in_dim3A_228 = arith.constant 11 : i32
            %broadcast_in_dim3A_229 = vector.broadcast %broadcast_in_dim3A_228 : i32 to vector<16xi32>
            %gather3A_230 = tpu.vector_load_idx %arg8[%broadcast_in_dim3A_229, %min3A_186] masked %and3A_166 : memref<32x1024xf32, #tpu.memory_space<vmem>>[vector<16xi32>, vector<16xi32>], vector<16xf32>, vector<16xi1>
            tpu.vector_store_idx %arg10[%sub3A_194, %broadcast_in_dim3A_229], %gather3A_230 masked %and3A_166 : memref<128x128xf32, #tpu.memory_space<vmem>>[vector<16xi32>, vector<16xi32>], vector<16xf32>, vector<16xi1>
            %broadcast_in_dim3A_231 = arith.constant 12 : i32
            %broadcast_in_dim3A_232 = vector.broadcast %broadcast_in_dim3A_231 : i32 to vector<16xi32>
            %gather3A_233 = tpu.vector_load_idx %arg8[%broadcast_in_dim3A_232, %min3A_186] masked %and3A_166 : memref<32x1024xf32, #tpu.memory_space<vmem>>[vector<16xi32>, vector<16xi32>], vector<16xf32>, vector<16xi1>
            tpu.vector_store_idx %arg10[%sub3A_194, %broadcast_in_dim3A_232], %gather3A_233 masked %and3A_166 : memref<128x128xf32, #tpu.memory_space<vmem>>[vector<16xi32>, vector<16xi32>], vector<16xf32>, vector<16xi1>
            %broadcast_in_dim3A_234 = arith.constant 13 : i32
            %broadcast_in_dim3A_235 = vector.broadcast %broadcast_in_dim3A_234 : i32 to vector<16xi32>
            %gather3A_236 = tpu.vector_load_idx %arg8[%broadcast_in_dim3A_235, %min3A_186] masked %and3A_166 : memref<32x1024xf32, #tpu.memory_space<vmem>>[vector<16xi32>, vector<16xi32>], vector<16xf32>, vector<16xi1>
            tpu.vector_store_idx %arg10[%sub3A_194, %broadcast_in_dim3A_235], %gather3A_236 masked %and3A_166 : memref<128x128xf32, #tpu.memory_space<vmem>>[vector<16xi32>, vector<16xi32>], vector<16xf32>, vector<16xi1>
            %broadcast_in_dim3A_237 = arith.constant 14 : i32
            %broadcast_in_dim3A_238 = vector.broadcast %broadcast_in_dim3A_237 : i32 to vector<16xi32>
            %gather3A_239 = tpu.vector_load_idx %arg8[%broadcast_in_dim3A_238, %min3A_186] masked %and3A_166 : memref<32x1024xf32, #tpu.memory_space<vmem>>[vector<16xi32>, vector<16xi32>], vector<16xf32>, vector<16xi1>
            tpu.vector_store_idx %arg10[%sub3A_194, %broadcast_in_dim3A_238], %gather3A_239 masked %and3A_166 : memref<128x128xf32, #tpu.memory_space<vmem>>[vector<16xi32>, vector<16xi32>], vector<16xf32>, vector<16xi1>
            %broadcast_in_dim3A_240 = arith.constant 15 : i32
            %broadcast_in_dim3A_241 = vector.broadcast %broadcast_in_dim3A_240 : i32 to vector<16xi32>
            %gather3A_242 = tpu.vector_load_idx %arg8[%broadcast_in_dim3A_241, %min3A_186] masked %and3A_166 : memref<32x1024xf32, #tpu.memory_space<vmem>>[vector<16xi32>, vector<16xi32>], vector<16xf32>, vector<16xi1>
            tpu.vector_store_idx %arg10[%sub3A_194, %broadcast_in_dim3A_241], %gather3A_242 masked %and3A_166 : memref<128x128xf32, #tpu.memory_space<vmem>>[vector<16xi32>, vector<16xi32>], vector<16xf32>, vector<16xi1>
            %broadcast_in_dim3A_243 = arith.constant 16 : i32
            %broadcast_in_dim3A_244 = vector.broadcast %broadcast_in_dim3A_243 : i32 to vector<16xi32>
            %gather3A_245 = tpu.vector_load_idx %arg8[%broadcast_in_dim3A_244, %min3A_186] masked %and3A_166 : memref<32x1024xf32, #tpu.memory_space<vmem>>[vector<16xi32>, vector<16xi32>], vector<16xf32>, vector<16xi1>
            tpu.vector_store_idx %arg10[%sub3A_194, %broadcast_in_dim3A_244], %gather3A_245 masked %and3A_166 : memref<128x128xf32, #tpu.memory_space<vmem>>[vector<16xi32>, vector<16xi32>], vector<16xf32>, vector<16xi1>
            %broadcast_in_dim3A_246 = arith.constant 17 : i32
            %broadcast_in_dim3A_247 = vector.broadcast %broadcast_in_dim3A_246 : i32 to vector<16xi32>
            %gather3A_248 = tpu.vector_load_idx %arg8[%broadcast_in_dim3A_247, %min3A_186] masked %and3A_166 : memref<32x1024xf32, #tpu.memory_space<vmem>>[vector<16xi32>, vector<16xi32>], vector<16xf32>, vector<16xi1>
            tpu.vector_store_idx %arg10[%sub3A_194, %broadcast_in_dim3A_247], %gather3A_248 masked %and3A_166 : memref<128x128xf32, #tpu.memory_space<vmem>>[vector<16xi32>, vector<16xi32>], vector<16xf32>, vector<16xi1>
            %broadcast_in_dim3A_249 = arith.constant 18 : i32
            %broadcast_in_dim3A_250 = vector.broadcast %broadcast_in_dim3A_249 : i32 to vector<16xi32>
            %gather3A_251 = tpu.vector_load_idx %arg8[%broadcast_in_dim3A_250, %min3A_186] masked %and3A_166 : memref<32x1024xf32, #tpu.memory_space<vmem>>[vector<16xi32>, vector<16xi32>], vector<16xf32>, vector<16xi1>
            tpu.vector_store_idx %arg10[%sub3A_194, %broadcast_in_dim3A_250], %gather3A_251 masked %and3A_166 : memref<128x128xf32, #tpu.memory_space<vmem>>[vector<16xi32>, vector<16xi32>], vector<16xf32>, vector<16xi1>
            %broadcast_in_dim3A_252 = arith.constant 19 : i32
            %broadcast_in_dim3A_253 = vector.broadcast %broadcast_in_dim3A_252 : i32 to vector<16xi32>
            %gather3A_254 = tpu.vector_load_idx %arg8[%broadcast_in_dim3A_253, %min3A_186] masked %and3A_166 : memref<32x1024xf32, #tpu.memory_space<vmem>>[vector<16xi32>, vector<16xi32>], vector<16xf32>, vector<16xi1>
            tpu.vector_store_idx %arg10[%sub3A_194, %broadcast_in_dim3A_253], %gather3A_254 masked %and3A_166 : memref<128x128xf32, #tpu.memory_space<vmem>>[vector<16xi32>, vector<16xi32>], vector<16xf32>, vector<16xi1>
            %broadcast_in_dim3A_255 = arith.constant 20 : i32
            %broadcast_in_dim3A_256 = vector.broadcast %broadcast_in_dim3A_255 : i32 to vector<16xi32>
            %gather3A_257 = tpu.vector_load_idx %arg8[%broadcast_in_dim3A_256, %min3A_186] masked %and3A_166 : memref<32x1024xf32, #tpu.memory_space<vmem>>[vector<16xi32>, vector<16xi32>], vector<16xf32>, vector<16xi1>
            tpu.vector_store_idx %arg10[%sub3A_194, %broadcast_in_dim3A_256], %gather3A_257 masked %and3A_166 : memref<128x128xf32, #tpu.memory_space<vmem>>[vector<16xi32>, vector<16xi32>], vector<16xf32>, vector<16xi1>
            %broadcast_in_dim3A_258 = arith.constant 21 : i32
            %broadcast_in_dim3A_259 = vector.broadcast %broadcast_in_dim3A_258 : i32 to vector<16xi32>
            %gather3A_260 = tpu.vector_load_idx %arg8[%broadcast_in_dim3A_259, %min3A_186] masked %and3A_166 : memref<32x1024xf32, #tpu.memory_space<vmem>>[vector<16xi32>, vector<16xi32>], vector<16xf32>, vector<16xi1>
            tpu.vector_store_idx %arg10[%sub3A_194, %broadcast_in_dim3A_259], %gather3A_260 masked %and3A_166 : memref<128x128xf32, #tpu.memory_space<vmem>>[vector<16xi32>, vector<16xi32>], vector<16xf32>, vector<16xi1>
            %broadcast_in_dim3A_261 = arith.constant 22 : i32
            %broadcast_in_dim3A_262 = vector.broadcast %broadcast_in_dim3A_261 : i32 to vector<16xi32>
            %gather3A_263 = tpu.vector_load_idx %arg8[%broadcast_in_dim3A_262, %min3A_186] masked %and3A_166 : memref<32x1024xf32, #tpu.memory_space<vmem>>[vector<16xi32>, vector<16xi32>], vector<16xf32>, vector<16xi1>
            tpu.vector_store_idx %arg10[%sub3A_194, %broadcast_in_dim3A_262], %gather3A_263 masked %and3A_166 : memref<128x128xf32, #tpu.memory_space<vmem>>[vector<16xi32>, vector<16xi32>], vector<16xf32>, vector<16xi1>
            %broadcast_in_dim3A_264 = arith.constant 23 : i32
            %broadcast_in_dim3A_265 = vector.broadcast %broadcast_in_dim3A_264 : i32 to vector<16xi32>
            %gather3A_266 = tpu.vector_load_idx %arg8[%broadcast_in_dim3A_265, %min3A_186] masked %and3A_166 : memref<32x1024xf32, #tpu.memory_space<vmem>>[vector<16xi32>, vector<16xi32>], vector<16xf32>, vector<16xi1>
            tpu.vector_store_idx %arg10[%sub3A_194, %broadcast_in_dim3A_265], %gather3A_266 masked %and3A_166 : memref<128x128xf32, #tpu.memory_space<vmem>>[vector<16xi32>, vector<16xi32>], vector<16xf32>, vector<16xi1>
            %broadcast_in_dim3A_267 = arith.constant 24 : i32
            %broadcast_in_dim3A_268 = vector.broadcast %broadcast_in_dim3A_267 : i32 to vector<16xi32>
            %gather3A_269 = tpu.vector_load_idx %arg8[%broadcast_in_dim3A_268, %min3A_186] masked %and3A_166 : memref<32x1024xf32, #tpu.memory_space<vmem>>[vector<16xi32>, vector<16xi32>], vector<16xf32>, vector<16xi1>
            tpu.vector_store_idx %arg10[%sub3A_194, %broadcast_in_dim3A_268], %gather3A_269 masked %and3A_166 : memref<128x128xf32, #tpu.memory_space<vmem>>[vector<16xi32>, vector<16xi32>], vector<16xf32>, vector<16xi1>
            %broadcast_in_dim3A_270 = arith.constant 25 : i32
            %broadcast_in_dim3A_271 = vector.broadcast %broadcast_in_dim3A_270 : i32 to vector<16xi32>
            %gather3A_272 = tpu.vector_load_idx %arg8[%broadcast_in_dim3A_271, %min3A_186] masked %and3A_166 : memref<32x1024xf32, #tpu.memory_space<vmem>>[vector<16xi32>, vector<16xi32>], vector<16xf32>, vector<16xi1>
            tpu.vector_store_idx %arg10[%sub3A_194, %broadcast_in_dim3A_271], %gather3A_272 masked %and3A_166 : memref<128x128xf32, #tpu.memory_space<vmem>>[vector<16xi32>, vector<16xi32>], vector<16xf32>, vector<16xi1>
            %broadcast_in_dim3A_273 = arith.constant 26 : i32
            %broadcast_in_dim3A_274 = vector.broadcast %broadcast_in_dim3A_273 : i32 to vector<16xi32>
            %gather3A_275 = tpu.vector_load_idx %arg8[%broadcast_in_dim3A_274, %min3A_186] masked %and3A_166 : memref<32x1024xf32, #tpu.memory_space<vmem>>[vector<16xi32>, vector<16xi32>], vector<16xf32>, vector<16xi1>
            tpu.vector_store_idx %arg10[%sub3A_194, %broadcast_in_dim3A_274], %gather3A_275 masked %and3A_166 : memref<128x128xf32, #tpu.memory_space<vmem>>[vector<16xi32>, vector<16xi32>], vector<16xf32>, vector<16xi1>
            %broadcast_in_dim3A_276 = arith.constant 27 : i32
            %broadcast_in_dim3A_277 = vector.broadcast %broadcast_in_dim3A_276 : i32 to vector<16xi32>
            %gather3A_278 = tpu.vector_load_idx %arg8[%broadcast_in_dim3A_277, %min3A_186] masked %and3A_166 : memref<32x1024xf32, #tpu.memory_space<vmem>>[vector<16xi32>, vector<16xi32>], vector<16xf32>, vector<16xi1>
            tpu.vector_store_idx %arg10[%sub3A_194, %broadcast_in_dim3A_277], %gather3A_278 masked %and3A_166 : memref<128x128xf32, #tpu.memory_space<vmem>>[vector<16xi32>, vector<16xi32>], vector<16xf32>, vector<16xi1>
            %broadcast_in_dim3A_279 = arith.constant 28 : i32
            %broadcast_in_dim3A_280 = vector.broadcast %broadcast_in_dim3A_279 : i32 to vector<16xi32>
            %gather3A_281 = tpu.vector_load_idx %arg8[%broadcast_in_dim3A_280, %min3A_186] masked %and3A_166 : memref<32x1024xf32, #tpu.memory_space<vmem>>[vector<16xi32>, vector<16xi32>], vector<16xf32>, vector<16xi1>
            tpu.vector_store_idx %arg10[%sub3A_194, %broadcast_in_dim3A_280], %gather3A_281 masked %and3A_166 : memref<128x128xf32, #tpu.memory_space<vmem>>[vector<16xi32>, vector<16xi32>], vector<16xf32>, vector<16xi1>
            %broadcast_in_dim3A_282 = arith.constant 29 : i32
            %broadcast_in_dim3A_283 = vector.broadcast %broadcast_in_dim3A_282 : i32 to vector<16xi32>
            %gather3A_284 = tpu.vector_load_idx %arg8[%broadcast_in_dim3A_283, %min3A_186] masked %and3A_166 : memref<32x1024xf32, #tpu.memory_space<vmem>>[vector<16xi32>, vector<16xi32>], vector<16xf32>, vector<16xi1>
            tpu.vector_store_idx %arg10[%sub3A_194, %broadcast_in_dim3A_283], %gather3A_284 masked %and3A_166 : memref<128x128xf32, #tpu.memory_space<vmem>>[vector<16xi32>, vector<16xi32>], vector<16xf32>, vector<16xi1>
            %broadcast_in_dim3A_285 = arith.constant 30 : i32
            %broadcast_in_dim3A_286 = vector.broadcast %broadcast_in_dim3A_285 : i32 to vector<16xi32>
            %gather3A_287 = tpu.vector_load_idx %arg8[%broadcast_in_dim3A_286, %min3A_186] masked %and3A_166 : memref<32x1024xf32, #tpu.memory_space<vmem>>[vector<16xi32>, vector<16xi32>], vector<16xf32>, vector<16xi1>
            tpu.vector_store_idx %arg10[%sub3A_194, %broadcast_in_dim3A_286], %gather3A_287 masked %and3A_166 : memref<128x128xf32, #tpu.memory_space<vmem>>[vector<16xi32>, vector<16xi32>], vector<16xf32>, vector<16xi1>
            %broadcast_in_dim3A_288 = arith.constant 31 : i32
            %broadcast_in_dim3A_289 = vector.broadcast %broadcast_in_dim3A_288 : i32 to vector<16xi32>
            %gather3A_290 = tpu.vector_load_idx %arg8[%broadcast_in_dim3A_289, %min3A_186] masked %and3A_166 : memref<32x1024xf32, #tpu.memory_space<vmem>>[vector<16xi32>, vector<16xi32>], vector<16xf32>, vector<16xi1>
            tpu.vector_store_idx %arg10[%sub3A_194, %broadcast_in_dim3A_289], %gather3A_290 masked %and3A_166 : memref<128x128xf32, #tpu.memory_space<vmem>>[vector<16xi32>, vector<16xi32>], vector<16xf32>, vector<16xi1>
            tpu.vector_store_idx %arg11[%sub3A_194], %get3A_151 masked %and3A_166 : memref<128xi32, #tpu.memory_space<vmem>>[vector<16xi32>], vector<16xi32>, vector<16xi1>
            %add3A_291 = arith.addi %cond3A_179, %squeeze3A : i32
            scf.yield %add3A_291 : i32
          } else {
            scf.yield %while3A_148 : i32
          }
          scf.yield %cond3A_171 : i32
        }
        %while3A_140 = arith.constant 1 : i32
        %while3A_141 = scf.for %while3A_147 = %while3A_137 to %while3A_133 step %while3A_140 iter_args(%while3A_148 = %while3A_139) -> (i32)  : i32 {
          %mul3A_149 = arith.constant 16 : i32
          %mul3A_150 = arith.muli %while3A_147, %mul3A_149 : i32
          %get3A = arith.index_cast %mul3A_150 : i32 to index
          %get3A_151 = tpu.vector_load %arg7[%get3A] {strides = array<i32>} : memref<16400xi32, #tpu.memory_space<vmem>>, vector<16xi32>,
          %mul3A_152 = arith.constant 16 : i32
          %mul3A_153 = arith.muli %while3A_147, %mul3A_152 : i32
          %add3A_154 = vector.broadcast %mul3A_153 : i32 to vector<16xi32>
          %add3A_155 = arith.addi %add3A_154, %iota3A : vector<16xi32>
          %lt3A_156 = vector.broadcast %scan3A_34 : i32 to vector<16xi32>
          %lt3A_157 = arith.cmpi slt, %add3A_155, %lt3A_156 : vector<16xi32>
          %and3A_158 = arith.constant 16383 : i32
          %and3A_159 = vector.broadcast %and3A_158 : i32 to vector<16xi32>
          %and3A_160 = arith.andi %get3A_151, %and3A_159 : vector<16xi32>
          %gather3A = tpu.vector_load_idx %arg6[%and3A_160] : memref<16384xi32, #tpu.memory_space<vmem>>[vector<16xi32>], vector<16xi32>,
          %ge3A_161 = vector.broadcast %add3A_114 : i32 to vector<16xi32>
          %ge3A_162 = arith.cmpi sge, %gather3A, %ge3A_161 : vector<16xi32>
          %and3A_163 = arith.andi %lt3A_157, %ge3A_162 : vector<16xi1>
          %lt3A_164 = vector.broadcast %add3A_130 : i32 to vector<16xi32>
          %lt3A_165 = arith.cmpi slt, %gather3A, %lt3A_164 : vector<16xi32>
          %and3A_166 = arith.andi %and3A_163, %lt3A_165 : vector<16xi1>
          %all_reduce_population_count3A = tpu.all_reduce %and3A_166 {dim = 0 : i64, kind = #tpu.reduction_kind<sum>} : vector<16xi1> -> vector<16xi32>
          %slice3A = vector.extract_strided_slice %all_reduce_population_count3A {offsets = [0], sizes = [1], strides = [1]} : vector<16xi32> to vector<1xi32>
          %squeeze3A = vector.extract %slice3A[0] : i32 from vector<1xi32>
          %gt3A = arith.constant 0 : i32
          %gt3A_167 = arith.cmpi sgt, %squeeze3A, %gt3A : i32
          %convert_element_type3A_168 = arith.extui %gt3A_167 : i1 to i32
          %cond3A_169 = arith.constant 0 : i32
          %cond3A_170 = arith.cmpi ne, %convert_element_type3A_168, %cond3A_169 : i32
          %cond3A_171 = scf.if %cond3A_170 -> (i32) {
            %add3A_172 = arith.addi %while3A_148, %squeeze3A : i32
            %gt3A_173 = arith.constant 128 : i32
            %gt3A_174 = arith.cmpi sgt, %add3A_172, %gt3A_173 : i32
            %convert_element_type3A_175 = arith.extui %gt3A_174 : i1 to i32
            %cond3A_176 = arith.constant 0 : i32
            %cond3A_177 = arith.constant 0 : i32
            %cond3A_178 = arith.cmpi ne, %convert_element_type3A_175, %cond3A_177 : i32
            %cond3A_179 = scf.if %cond3A_178 -> (i32) {
              %dma_start3A_292 = arith.constant 0 : i32
              %dma_start3A_293 = arith.constant 0 : i32
              %dma_start3A_294 = tpu.memref_slice %arg5[%dma_start3A_292, %dma_start3A_293] : memref<16384x128xf32, #tpu.memory_space<hbm>> -> memref<16384x128xf32, #tpu.memory_space<hbm>>
              %dma_start3A_295 = arith.constant -1 : i32
              tpu.enqueue_indirect_dma source(%arg10 : memref<128x128xf32, #tpu.memory_space<vmem>>) target(%dma_start3A_294 : memref<16384x128xf32, #tpu.memory_space<hbm>>) offsets(%arg11 : memref<128xi32, #tpu.memory_space<vmem>>) offset_filter(%dma_start3A_295) semaphore(%arg14 : memref<!tpu.dma_semaphore, #tpu.memory_space<semaphore_mem>>)
              %dma_wait3A_296 = arith.constant 0 : i32
              %dma_wait3A_297 = arith.constant 0 : i32
              %dma_wait3A_298 = tpu.memref_slice %arg5[%dma_wait3A_296, %dma_wait3A_297] : memref<16384x128xf32, #tpu.memory_space<hbm>> -> memref<16384x128xf32, #tpu.memory_space<hbm>>
              tpu.wait_indirect_dma semaphore(%arg14 : memref<!tpu.dma_semaphore, #tpu.memory_space<semaphore_mem>>) src(%arg10 : memref<128x128xf32, #tpu.memory_space<vmem>>) dst(%dma_wait3A_298 : memref<16384x128xf32, #tpu.memory_space<hbm>>)
              %broadcast_in_dim3A_299 = arith.constant -1 : i32
              %broadcast_in_dim3A_300 = vector.broadcast %broadcast_in_dim3A_299 : i32 to vector<16xi32>
              %swap3A_301 = arith.constant 0 : index
              %swap3A_302 = tpu.vector_load %arg11[%swap3A_301] {strides = array<i32>} : memref<128xi32, #tpu.memory_space<vmem>>, vector<16xi32>,
              tpu.vector_store %arg11[%swap3A_301], %broadcast_in_dim3A_300 {strides = array<i32>} : memref<128xi32, #tpu.memory_space<vmem>>, vector<16xi32>,
              %swap3A_303 = arith.constant 16 : index
              %swap3A_304 = tpu.vector_load %arg11[%swap3A_303] {strides = array<i32>} : memref<128xi32, #tpu.memory_space<vmem>>, vector<16xi32>,
              tpu.vector_store %arg11[%swap3A_303], %broadcast_in_dim3A_300 {strides = array<i32>} : memref<128xi32, #tpu.memory_space<vmem>>, vector<16xi32>,
              %swap3A_305 = arith.constant 32 : index
              %swap3A_306 = tpu.vector_load %arg11[%swap3A_305] {strides = array<i32>} : memref<128xi32, #tpu.memory_space<vmem>>, vector<16xi32>,
              tpu.vector_store %arg11[%swap3A_305], %broadcast_in_dim3A_300 {strides = array<i32>} : memref<128xi32, #tpu.memory_space<vmem>>, vector<16xi32>,
              %swap3A_307 = arith.constant 48 : index
              %swap3A_308 = tpu.vector_load %arg11[%swap3A_307] {strides = array<i32>} : memref<128xi32, #tpu.memory_space<vmem>>, vector<16xi32>,
              tpu.vector_store %arg11[%swap3A_307], %broadcast_in_dim3A_300 {strides = array<i32>} : memref<128xi32, #tpu.memory_space<vmem>>, vector<16xi32>,
              %swap3A_309 = arith.constant 64 : index
              %swap3A_310 = tpu.vector_load %arg11[%swap3A_309] {strides = array<i32>} : memref<128xi32, #tpu.memory_space<vmem>>, vector<16xi32>,
              tpu.vector_store %arg11[%swap3A_309], %broadcast_in_dim3A_300 {strides = array<i32>} : memref<128xi32, #tpu.memory_space<vmem>>, vector<16xi32>,
              %swap3A_311 = arith.constant 80 : index
              %swap3A_312 = tpu.vector_load %arg11[%swap3A_311] {strides = array<i32>} : memref<128xi32, #tpu.memory_space<vmem>>, vector<16xi32>,
              tpu.vector_store %arg11[%swap3A_311], %broadcast_in_dim3A_300 {strides = array<i32>} : memref<128xi32, #tpu.memory_space<vmem>>, vector<16xi32>,
              %swap3A_313 = arith.constant 96 : index
              %swap3A_314 = tpu.vector_load %arg11[%swap3A_313] {strides = array<i32>} : memref<128xi32, #tpu.memory_space<vmem>>, vector<16xi32>,
              tpu.vector_store %arg11[%swap3A_313], %broadcast_in_dim3A_300 {strides = array<i32>} : memref<128xi32, #tpu.memory_space<vmem>>, vector<16xi32>,
              %swap3A_315 = arith.constant 112 : index
              %swap3A_316 = tpu.vector_load %arg11[%swap3A_315] {strides = array<i32>} : memref<128xi32, #tpu.memory_space<vmem>>, vector<16xi32>,
              tpu.vector_store %arg11[%swap3A_315], %broadcast_in_dim3A_300 {strides = array<i32>} : memref<128xi32, #tpu.memory_space<vmem>>, vector<16xi32>,
              %cond3A_317 = arith.constant 0 : i32
              scf.yield %cond3A_317 : i32
            } else {
              scf.yield %while3A_148 : i32
            }
            %sub3A_180 = vector.broadcast %add3A_114 : i32 to vector<16xi32>
            %sub3A_181 = arith.subi %gather3A, %sub3A_180 : vector<16xi32>
            %max3A = arith.constant 0 : i32
            %max3A_182 = vector.broadcast %max3A : i32 to vector<16xi32>
            %max3A_183 = arith.maxsi %sub3A_181, %max3A_182 : vector<16xi32>
            %min3A_184 = arith.constant 1023 : i32
            %min3A_185 = vector.broadcast %min3A_184 : i32 to vector<16xi32>
            %min3A_186 = arith.minsi %max3A_183, %min3A_185 : vector<16xi32>
            %convert_element_type3A_187 = arith.extui %and3A_166 : vector<16xi1> to vector<16xi32>
            %broadcast_in_dim3A_188 = arith.constant true
            %broadcast_in_dim3A_189 = vector.broadcast %broadcast_in_dim3A_188 : i1 to vector<16xi1>
            %masked_cumsum3A = tpu.scan <sum>, %convert_element_type3A_187 masked %broadcast_in_dim3A_189 : vector<16xi32>, vector<16xi1> -> vector<16xi32>
            %add3A_190 = vector.broadcast %cond3A_179 : i32 to vector<16xi32>
            %add3A_191 = arith.addi %add3A_190, %masked_cumsum3A : vector<16xi32>
            %sub3A_192 = arith.constant 1 : i32
            %sub3A_193 = vector.broadcast %sub3A_192 : i32 to vector<16xi32>
            %sub3A_194 = arith.subi %add3A_191, %sub3A_193 : vector<16xi32>
            %broadcast_in_dim3A_195 = arith.constant 0 : i32
            %broadcast_in_dim3A_196 = vector.broadcast %broadcast_in_dim3A_195 : i32 to vector<16xi32>
            %gather3A_197 = tpu.vector_load_idx %arg8[%broadcast_in_dim3A_196, %min3A_186] masked %and3A_166 : memref<32x1024xf32, #tpu.memory_space<vmem>>[vector<16xi32>, vector<16xi32>], vector<16xf32>, vector<16xi1>
            tpu.vector_store_idx %arg10[%sub3A_194, %broadcast_in_dim3A_196], %gather3A_197 masked %and3A_166 : memref<128x128xf32, #tpu.memory_space<vmem>>[vector<16xi32>, vector<16xi32>], vector<16xf32>, vector<16xi1>
            %broadcast_in_dim3A_198 = arith.constant 1 : i32
            %broadcast_in_dim3A_199 = vector.broadcast %broadcast_in_dim3A_198 : i32 to vector<16xi32>
            %gather3A_200 = tpu.vector_load_idx %arg8[%broadcast_in_dim3A_199, %min3A_186] masked %and3A_166 : memref<32x1024xf32, #tpu.memory_space<vmem>>[vector<16xi32>, vector<16xi32>], vector<16xf32>, vector<16xi1>
            tpu.vector_store_idx %arg10[%sub3A_194, %broadcast_in_dim3A_199], %gather3A_200 masked %and3A_166 : memref<128x128xf32, #tpu.memory_space<vmem>>[vector<16xi32>, vector<16xi32>], vector<16xf32>, vector<16xi1>
            %broadcast_in_dim3A_201 = arith.constant 2 : i32
            %broadcast_in_dim3A_202 = vector.broadcast %broadcast_in_dim3A_201 : i32 to vector<16xi32>
            %gather3A_203 = tpu.vector_load_idx %arg8[%broadcast_in_dim3A_202, %min3A_186] masked %and3A_166 : memref<32x1024xf32, #tpu.memory_space<vmem>>[vector<16xi32>, vector<16xi32>], vector<16xf32>, vector<16xi1>
            tpu.vector_store_idx %arg10[%sub3A_194, %broadcast_in_dim3A_202], %gather3A_203 masked %and3A_166 : memref<128x128xf32, #tpu.memory_space<vmem>>[vector<16xi32>, vector<16xi32>], vector<16xf32>, vector<16xi1>
            %broadcast_in_dim3A_204 = arith.constant 3 : i32
            %broadcast_in_dim3A_205 = vector.broadcast %broadcast_in_dim3A_204 : i32 to vector<16xi32>
            %gather3A_206 = tpu.vector_load_idx %arg8[%broadcast_in_dim3A_205, %min3A_186] masked %and3A_166 : memref<32x1024xf32, #tpu.memory_space<vmem>>[vector<16xi32>, vector<16xi32>], vector<16xf32>, vector<16xi1>
            tpu.vector_store_idx %arg10[%sub3A_194, %broadcast_in_dim3A_205], %gather3A_206 masked %and3A_166 : memref<128x128xf32, #tpu.memory_space<vmem>>[vector<16xi32>, vector<16xi32>], vector<16xf32>, vector<16xi1>
            %broadcast_in_dim3A_207 = arith.constant 4 : i32
            %broadcast_in_dim3A_208 = vector.broadcast %broadcast_in_dim3A_207 : i32 to vector<16xi32>
            %gather3A_209 = tpu.vector_load_idx %arg8[%broadcast_in_dim3A_208, %min3A_186] masked %and3A_166 : memref<32x1024xf32, #tpu.memory_space<vmem>>[vector<16xi32>, vector<16xi32>], vector<16xf32>, vector<16xi1>
            tpu.vector_store_idx %arg10[%sub3A_194, %broadcast_in_dim3A_208], %gather3A_209 masked %and3A_166 : memref<128x128xf32, #tpu.memory_space<vmem>>[vector<16xi32>, vector<16xi32>], vector<16xf32>, vector<16xi1>
            %broadcast_in_dim3A_210 = arith.constant 5 : i32
            %broadcast_in_dim3A_211 = vector.broadcast %broadcast_in_dim3A_210 : i32 to vector<16xi32>
            %gather3A_212 = tpu.vector_load_idx %arg8[%broadcast_in_dim3A_211, %min3A_186] masked %and3A_166 : memref<32x1024xf32, #tpu.memory_space<vmem>>[vector<16xi32>, vector<16xi32>], vector<16xf32>, vector<16xi1>
            tpu.vector_store_idx %arg10[%sub3A_194, %broadcast_in_dim3A_211], %gather3A_212 masked %and3A_166 : memref<128x128xf32, #tpu.memory_space<vmem>>[vector<16xi32>, vector<16xi32>], vector<16xf32>, vector<16xi1>
            %broadcast_in_dim3A_213 = arith.constant 6 : i32
            %broadcast_in_dim3A_214 = vector.broadcast %broadcast_in_dim3A_213 : i32 to vector<16xi32>
            %gather3A_215 = tpu.vector_load_idx %arg8[%broadcast_in_dim3A_214, %min3A_186] masked %and3A_166 : memref<32x1024xf32, #tpu.memory_space<vmem>>[vector<16xi32>, vector<16xi32>], vector<16xf32>, vector<16xi1>
            tpu.vector_store_idx %arg10[%sub3A_194, %broadcast_in_dim3A_214], %gather3A_215 masked %and3A_166 : memref<128x128xf32, #tpu.memory_space<vmem>>[vector<16xi32>, vector<16xi32>], vector<16xf32>, vector<16xi1>
            %broadcast_in_dim3A_216 = arith.constant 7 : i32
            %broadcast_in_dim3A_217 = vector.broadcast %broadcast_in_dim3A_216 : i32 to vector<16xi32>
            %gather3A_218 = tpu.vector_load_idx %arg8[%broadcast_in_dim3A_217, %min3A_186] masked %and3A_166 : memref<32x1024xf32, #tpu.memory_space<vmem>>[vector<16xi32>, vector<16xi32>], vector<16xf32>, vector<16xi1>
            tpu.vector_store_idx %arg10[%sub3A_194, %broadcast_in_dim3A_217], %gather3A_218 masked %and3A_166 : memref<128x128xf32, #tpu.memory_space<vmem>>[vector<16xi32>, vector<16xi32>], vector<16xf32>, vector<16xi1>
            %broadcast_in_dim3A_219 = arith.constant 8 : i32
            %broadcast_in_dim3A_220 = vector.broadcast %broadcast_in_dim3A_219 : i32 to vector<16xi32>
            %gather3A_221 = tpu.vector_load_idx %arg8[%broadcast_in_dim3A_220, %min3A_186] masked %and3A_166 : memref<32x1024xf32, #tpu.memory_space<vmem>>[vector<16xi32>, vector<16xi32>], vector<16xf32>, vector<16xi1>
            tpu.vector_store_idx %arg10[%sub3A_194, %broadcast_in_dim3A_220], %gather3A_221 masked %and3A_166 : memref<128x128xf32, #tpu.memory_space<vmem>>[vector<16xi32>, vector<16xi32>], vector<16xf32>, vector<16xi1>
            %broadcast_in_dim3A_222 = arith.constant 9 : i32
            %broadcast_in_dim3A_223 = vector.broadcast %broadcast_in_dim3A_222 : i32 to vector<16xi32>
            %gather3A_224 = tpu.vector_load_idx %arg8[%broadcast_in_dim3A_223, %min3A_186] masked %and3A_166 : memref<32x1024xf32, #tpu.memory_space<vmem>>[vector<16xi32>, vector<16xi32>], vector<16xf32>, vector<16xi1>
            tpu.vector_store_idx %arg10[%sub3A_194, %broadcast_in_dim3A_223], %gather3A_224 masked %and3A_166 : memref<128x128xf32, #tpu.memory_space<vmem>>[vector<16xi32>, vector<16xi32>], vector<16xf32>, vector<16xi1>
            %broadcast_in_dim3A_225 = arith.constant 10 : i32
            %broadcast_in_dim3A_226 = vector.broadcast %broadcast_in_dim3A_225 : i32 to vector<16xi32>
            %gather3A_227 = tpu.vector_load_idx %arg8[%broadcast_in_dim3A_226, %min3A_186] masked %and3A_166 : memref<32x1024xf32, #tpu.memory_space<vmem>>[vector<16xi32>, vector<16xi32>], vector<16xf32>, vector<16xi1>
            tpu.vector_store_idx %arg10[%sub3A_194, %broadcast_in_dim3A_226], %gather3A_227 masked %and3A_166 : memref<128x128xf32, #tpu.memory_space<vmem>>[vector<16xi32>, vector<16xi32>], vector<16xf32>, vector<16xi1>
            %broadcast_in_dim3A_228 = arith.constant 11 : i32
            %broadcast_in_dim3A_229 = vector.broadcast %broadcast_in_dim3A_228 : i32 to vector<16xi32>
            %gather3A_230 = tpu.vector_load_idx %arg8[%broadcast_in_dim3A_229, %min3A_186] masked %and3A_166 : memref<32x1024xf32, #tpu.memory_space<vmem>>[vector<16xi32>, vector<16xi32>], vector<16xf32>, vector<16xi1>
            tpu.vector_store_idx %arg10[%sub3A_194, %broadcast_in_dim3A_229], %gather3A_230 masked %and3A_166 : memref<128x128xf32, #tpu.memory_space<vmem>>[vector<16xi32>, vector<16xi32>], vector<16xf32>, vector<16xi1>
            %broadcast_in_dim3A_231 = arith.constant 12 : i32
            %broadcast_in_dim3A_232 = vector.broadcast %broadcast_in_dim3A_231 : i32 to vector<16xi32>
            %gather3A_233 = tpu.vector_load_idx %arg8[%broadcast_in_dim3A_232, %min3A_186] masked %and3A_166 : memref<32x1024xf32, #tpu.memory_space<vmem>>[vector<16xi32>, vector<16xi32>], vector<16xf32>, vector<16xi1>
            tpu.vector_store_idx %arg10[%sub3A_194, %broadcast_in_dim3A_232], %gather3A_233 masked %and3A_166 : memref<128x128xf32, #tpu.memory_space<vmem>>[vector<16xi32>, vector<16xi32>], vector<16xf32>, vector<16xi1>
            %broadcast_in_dim3A_234 = arith.constant 13 : i32
            %broadcast_in_dim3A_235 = vector.broadcast %broadcast_in_dim3A_234 : i32 to vector<16xi32>
            %gather3A_236 = tpu.vector_load_idx %arg8[%broadcast_in_dim3A_235, %min3A_186] masked %and3A_166 : memref<32x1024xf32, #tpu.memory_space<vmem>>[vector<16xi32>, vector<16xi32>], vector<16xf32>, vector<16xi1>
            tpu.vector_store_idx %arg10[%sub3A_194, %broadcast_in_dim3A_235], %gather3A_236 masked %and3A_166 : memref<128x128xf32, #tpu.memory_space<vmem>>[vector<16xi32>, vector<16xi32>], vector<16xf32>, vector<16xi1>
            %broadcast_in_dim3A_237 = arith.constant 14 : i32
            %broadcast_in_dim3A_238 = vector.broadcast %broadcast_in_dim3A_237 : i32 to vector<16xi32>
            %gather3A_239 = tpu.vector_load_idx %arg8[%broadcast_in_dim3A_238, %min3A_186] masked %and3A_166 : memref<32x1024xf32, #tpu.memory_space<vmem>>[vector<16xi32>, vector<16xi32>], vector<16xf32>, vector<16xi1>
            tpu.vector_store_idx %arg10[%sub3A_194, %broadcast_in_dim3A_238], %gather3A_239 masked %and3A_166 : memref<128x128xf32, #tpu.memory_space<vmem>>[vector<16xi32>, vector<16xi32>], vector<16xf32>, vector<16xi1>
            %broadcast_in_dim3A_240 = arith.constant 15 : i32
            %broadcast_in_dim3A_241 = vector.broadcast %broadcast_in_dim3A_240 : i32 to vector<16xi32>
            %gather3A_242 = tpu.vector_load_idx %arg8[%broadcast_in_dim3A_241, %min3A_186] masked %and3A_166 : memref<32x1024xf32, #tpu.memory_space<vmem>>[vector<16xi32>, vector<16xi32>], vector<16xf32>, vector<16xi1>
            tpu.vector_store_idx %arg10[%sub3A_194, %broadcast_in_dim3A_241], %gather3A_242 masked %and3A_166 : memref<128x128xf32, #tpu.memory_space<vmem>>[vector<16xi32>, vector<16xi32>], vector<16xf32>, vector<16xi1>
            %broadcast_in_dim3A_243 = arith.constant 16 : i32
            %broadcast_in_dim3A_244 = vector.broadcast %broadcast_in_dim3A_243 : i32 to vector<16xi32>
            %gather3A_245 = tpu.vector_load_idx %arg8[%broadcast_in_dim3A_244, %min3A_186] masked %and3A_166 : memref<32x1024xf32, #tpu.memory_space<vmem>>[vector<16xi32>, vector<16xi32>], vector<16xf32>, vector<16xi1>
            tpu.vector_store_idx %arg10[%sub3A_194, %broadcast_in_dim3A_244], %gather3A_245 masked %and3A_166 : memref<128x128xf32, #tpu.memory_space<vmem>>[vector<16xi32>, vector<16xi32>], vector<16xf32>, vector<16xi1>
            %broadcast_in_dim3A_246 = arith.constant 17 : i32
            %broadcast_in_dim3A_247 = vector.broadcast %broadcast_in_dim3A_246 : i32 to vector<16xi32>
            %gather3A_248 = tpu.vector_load_idx %arg8[%broadcast_in_dim3A_247, %min3A_186] masked %and3A_166 : memref<32x1024xf32, #tpu.memory_space<vmem>>[vector<16xi32>, vector<16xi32>], vector<16xf32>, vector<16xi1>
            tpu.vector_store_idx %arg10[%sub3A_194, %broadcast_in_dim3A_247], %gather3A_248 masked %and3A_166 : memref<128x128xf32, #tpu.memory_space<vmem>>[vector<16xi32>, vector<16xi32>], vector<16xf32>, vector<16xi1>
            %broadcast_in_dim3A_249 = arith.constant 18 : i32
            %broadcast_in_dim3A_250 = vector.broadcast %broadcast_in_dim3A_249 : i32 to vector<16xi32>
            %gather3A_251 = tpu.vector_load_idx %arg8[%broadcast_in_dim3A_250, %min3A_186] masked %and3A_166 : memref<32x1024xf32, #tpu.memory_space<vmem>>[vector<16xi32>, vector<16xi32>], vector<16xf32>, vector<16xi1>
            tpu.vector_store_idx %arg10[%sub3A_194, %broadcast_in_dim3A_250], %gather3A_251 masked %and3A_166 : memref<128x128xf32, #tpu.memory_space<vmem>>[vector<16xi32>, vector<16xi32>], vector<16xf32>, vector<16xi1>
            %broadcast_in_dim3A_252 = arith.constant 19 : i32
            %broadcast_in_dim3A_253 = vector.broadcast %broadcast_in_dim3A_252 : i32 to vector<16xi32>
            %gather3A_254 = tpu.vector_load_idx %arg8[%broadcast_in_dim3A_253, %min3A_186] masked %and3A_166 : memref<32x1024xf32, #tpu.memory_space<vmem>>[vector<16xi32>, vector<16xi32>], vector<16xf32>, vector<16xi1>
            tpu.vector_store_idx %arg10[%sub3A_194, %broadcast_in_dim3A_253], %gather3A_254 masked %and3A_166 : memref<128x128xf32, #tpu.memory_space<vmem>>[vector<16xi32>, vector<16xi32>], vector<16xf32>, vector<16xi1>
            %broadcast_in_dim3A_255 = arith.constant 20 : i32
            %broadcast_in_dim3A_256 = vector.broadcast %broadcast_in_dim3A_255 : i32 to vector<16xi32>
            %gather3A_257 = tpu.vector_load_idx %arg8[%broadcast_in_dim3A_256, %min3A_186] masked %and3A_166 : memref<32x1024xf32, #tpu.memory_space<vmem>>[vector<16xi32>, vector<16xi32>], vector<16xf32>, vector<16xi1>
            tpu.vector_store_idx %arg10[%sub3A_194, %broadcast_in_dim3A_256], %gather3A_257 masked %and3A_166 : memref<128x128xf32, #tpu.memory_space<vmem>>[vector<16xi32>, vector<16xi32>], vector<16xf32>, vector<16xi1>
            %broadcast_in_dim3A_258 = arith.constant 21 : i32
            %broadcast_in_dim3A_259 = vector.broadcast %broadcast_in_dim3A_258 : i32 to vector<16xi32>
            %gather3A_260 = tpu.vector_load_idx %arg8[%broadcast_in_dim3A_259, %min3A_186] masked %and3A_166 : memref<32x1024xf32, #tpu.memory_space<vmem>>[vector<16xi32>, vector<16xi32>], vector<16xf32>, vector<16xi1>
            tpu.vector_store_idx %arg10[%sub3A_194, %broadcast_in_dim3A_259], %gather3A_260 masked %and3A_166 : memref<128x128xf32, #tpu.memory_space<vmem>>[vector<16xi32>, vector<16xi32>], vector<16xf32>, vector<16xi1>
            %broadcast_in_dim3A_261 = arith.constant 22 : i32
            %broadcast_in_dim3A_262 = vector.broadcast %broadcast_in_dim3A_261 : i32 to vector<16xi32>
            %gather3A_263 = tpu.vector_load_idx %arg8[%broadcast_in_dim3A_262, %min3A_186] masked %and3A_166 : memref<32x1024xf32, #tpu.memory_space<vmem>>[vector<16xi32>, vector<16xi32>], vector<16xf32>, vector<16xi1>
            tpu.vector_store_idx %arg10[%sub3A_194, %broadcast_in_dim3A_262], %gather3A_263 masked %and3A_166 : memref<128x128xf32, #tpu.memory_space<vmem>>[vector<16xi32>, vector<16xi32>], vector<16xf32>, vector<16xi1>
            %broadcast_in_dim3A_264 = arith.constant 23 : i32
            %broadcast_in_dim3A_265 = vector.broadcast %broadcast_in_dim3A_264 : i32 to vector<16xi32>
            %gather3A_266 = tpu.vector_load_idx %arg8[%broadcast_in_dim3A_265, %min3A_186] masked %and3A_166 : memref<32x1024xf32, #tpu.memory_space<vmem>>[vector<16xi32>, vector<16xi32>], vector<16xf32>, vector<16xi1>
            tpu.vector_store_idx %arg10[%sub3A_194, %broadcast_in_dim3A_265], %gather3A_266 masked %and3A_166 : memref<128x128xf32, #tpu.memory_space<vmem>>[vector<16xi32>, vector<16xi32>], vector<16xf32>, vector<16xi1>
            %broadcast_in_dim3A_267 = arith.constant 24 : i32
            %broadcast_in_dim3A_268 = vector.broadcast %broadcast_in_dim3A_267 : i32 to vector<16xi32>
            %gather3A_269 = tpu.vector_load_idx %arg8[%broadcast_in_dim3A_268, %min3A_186] masked %and3A_166 : memref<32x1024xf32, #tpu.memory_space<vmem>>[vector<16xi32>, vector<16xi32>], vector<16xf32>, vector<16xi1>
            tpu.vector_store_idx %arg10[%sub3A_194, %broadcast_in_dim3A_268], %gather3A_269 masked %and3A_166 : memref<128x128xf32, #tpu.memory_space<vmem>>[vector<16xi32>, vector<16xi32>], vector<16xf32>, vector<16xi1>
            %broadcast_in_dim3A_270 = arith.constant 25 : i32
            %broadcast_in_dim3A_271 = vector.broadcast %broadcast_in_dim3A_270 : i32 to vector<16xi32>
            %gather3A_272 = tpu.vector_load_idx %arg8[%broadcast_in_dim3A_271, %min3A_186] masked %and3A_166 : memref<32x1024xf32, #tpu.memory_space<vmem>>[vector<16xi32>, vector<16xi32>], vector<16xf32>, vector<16xi1>
            tpu.vector_store_idx %arg10[%sub3A_194, %broadcast_in_dim3A_271], %gather3A_272 masked %and3A_166 : memref<128x128xf32, #tpu.memory_space<vmem>>[vector<16xi32>, vector<16xi32>], vector<16xf32>, vector<16xi1>
            %broadcast_in_dim3A_273 = arith.constant 26 : i32
            %broadcast_in_dim3A_274 = vector.broadcast %broadcast_in_dim3A_273 : i32 to vector<16xi32>
            %gather3A_275 = tpu.vector_load_idx %arg8[%broadcast_in_dim3A_274, %min3A_186] masked %and3A_166 : memref<32x1024xf32, #tpu.memory_space<vmem>>[vector<16xi32>, vector<16xi32>], vector<16xf32>, vector<16xi1>
            tpu.vector_store_idx %arg10[%sub3A_194, %broadcast_in_dim3A_274], %gather3A_275 masked %and3A_166 : memref<128x128xf32, #tpu.memory_space<vmem>>[vector<16xi32>, vector<16xi32>], vector<16xf32>, vector<16xi1>
            %broadcast_in_dim3A_276 = arith.constant 27 : i32
            %broadcast_in_dim3A_277 = vector.broadcast %broadcast_in_dim3A_276 : i32 to vector<16xi32>
            %gather3A_278 = tpu.vector_load_idx %arg8[%broadcast_in_dim3A_277, %min3A_186] masked %and3A_166 : memref<32x1024xf32, #tpu.memory_space<vmem>>[vector<16xi32>, vector<16xi32>], vector<16xf32>, vector<16xi1>
            tpu.vector_store_idx %arg10[%sub3A_194, %broadcast_in_dim3A_277], %gather3A_278 masked %and3A_166 : memref<128x128xf32, #tpu.memory_space<vmem>>[vector<16xi32>, vector<16xi32>], vector<16xf32>, vector<16xi1>
            %broadcast_in_dim3A_279 = arith.constant 28 : i32
            %broadcast_in_dim3A_280 = vector.broadcast %broadcast_in_dim3A_279 : i32 to vector<16xi32>
            %gather3A_281 = tpu.vector_load_idx %arg8[%broadcast_in_dim3A_280, %min3A_186] masked %and3A_166 : memref<32x1024xf32, #tpu.memory_space<vmem>>[vector<16xi32>, vector<16xi32>], vector<16xf32>, vector<16xi1>
            tpu.vector_store_idx %arg10[%sub3A_194, %broadcast_in_dim3A_280], %gather3A_281 masked %and3A_166 : memref<128x128xf32, #tpu.memory_space<vmem>>[vector<16xi32>, vector<16xi32>], vector<16xf32>, vector<16xi1>
            %broadcast_in_dim3A_282 = arith.constant 29 : i32
            %broadcast_in_dim3A_283 = vector.broadcast %broadcast_in_dim3A_282 : i32 to vector<16xi32>
            %gather3A_284 = tpu.vector_load_idx %arg8[%broadcast_in_dim3A_283, %min3A_186] masked %and3A_166 : memref<32x1024xf32, #tpu.memory_space<vmem>>[vector<16xi32>, vector<16xi32>], vector<16xf32>, vector<16xi1>
            tpu.vector_store_idx %arg10[%sub3A_194, %broadcast_in_dim3A_283], %gather3A_284 masked %and3A_166 : memref<128x128xf32, #tpu.memory_space<vmem>>[vector<16xi32>, vector<16xi32>], vector<16xf32>, vector<16xi1>
            %broadcast_in_dim3A_285 = arith.constant 30 : i32
            %broadcast_in_dim3A_286 = vector.broadcast %broadcast_in_dim3A_285 : i32 to vector<16xi32>
            %gather3A_287 = tpu.vector_load_idx %arg8[%broadcast_in_dim3A_286, %min3A_186] masked %and3A_166 : memref<32x1024xf32, #tpu.memory_space<vmem>>[vector<16xi32>, vector<16xi32>], vector<16xf32>, vector<16xi1>
            tpu.vector_store_idx %arg10[%sub3A_194, %broadcast_in_dim3A_286], %gather3A_287 masked %and3A_166 : memref<128x128xf32, #tpu.memory_space<vmem>>[vector<16xi32>, vector<16xi32>], vector<16xf32>, vector<16xi1>
            %broadcast_in_dim3A_288 = arith.constant 31 : i32
            %broadcast_in_dim3A_289 = vector.broadcast %broadcast_in_dim3A_288 : i32 to vector<16xi32>
            %gather3A_290 = tpu.vector_load_idx %arg8[%broadcast_in_dim3A_289, %min3A_186] masked %and3A_166 : memref<32x1024xf32, #tpu.memory_space<vmem>>[vector<16xi32>, vector<16xi32>], vector<16xf32>, vector<16xi1>
            tpu.vector_store_idx %arg10[%sub3A_194, %broadcast_in_dim3A_289], %gather3A_290 masked %and3A_166 : memref<128x128xf32, #tpu.memory_space<vmem>>[vector<16xi32>, vector<16xi32>], vector<16xf32>, vector<16xi1>
            tpu.vector_store_idx %arg11[%sub3A_194], %get3A_151 masked %and3A_166 : memref<128xi32, #tpu.memory_space<vmem>>[vector<16xi32>], vector<16xi32>, vector<16xi1>
            %add3A_291 = arith.addi %cond3A_179, %squeeze3A : i32
            scf.yield %add3A_291 : i32
          } else {
            scf.yield %while3A_148 : i32
          }
          scf.yield %cond3A_171 : i32
        }
        %add3A_142 = arith.constant 2 : i32
        %add3A_143 = arith.addi %while3A_110, %add3A_142 : i32
        %lt3A = arith.cmpi slt, %add3A_143, %sub3A_4 : i32
        %convert_element_type3A_144 = arith.extui %lt3A : i1 to i32
        %cond3A_145 = arith.constant 0 : i32
        %cond3A_146 = arith.cmpi ne, %convert_element_type3A_144, %cond3A_145 : i32
        scf.if %cond3A_146 {
          %add3A_147 = arith.constant 2 : i32
          %add3A_148 = arith.addi %while3A_110, %add3A_147 : i32
          %mul3A_149 = arith.constant 1024 : i32
          %mul3A_150 = arith.muli %add3A_148, %mul3A_149 : i32
          %add3A_151 = arith.addi %mul3A_10, %mul3A_150 : i32
          %multiple_of3A_152 = tpu.assume_multiple %add3A_151, 1024 : i32
          %dma_start3A_153 = arith.constant 0 : i32
          %dma_start3A_154 = tpu.memref_slice %arg3[%dma_start3A_153, %multiple_of3A_152] : memref<32x1000000xf32, #tpu.memory_space<hbm>> -> memref<32x1024xf32, #tpu.memory_space<hbm>>
          %dma_start3A_155 = arith.constant 0 : i32
          %dma_start3A_156 = tpu.memref_slice %arg3[%dma_start3A_155, %multiple_of3A_152] : memref<32x1000000xf32, #tpu.memory_space<hbm>> -> memref<32x1024xf32, #tpu.memory_space<hbm>>
          tpu.enqueue_dma source(%dma_start3A_156 : memref<32x1024xf32, #tpu.memory_space<hbm>>) target(%arg8 : memref<32x1024xf32, #tpu.memory_space<vmem>>) target_semaphore(%arg12 : memref<!tpu.dma_semaphore, #tpu.memory_space<semaphore_mem>>)
        } else {
        }
        scf.yield %while3A_141 : i32
      } else {
        %dma_wait3A_123 = arith.constant 0 : i32
        %dma_wait3A_124 = arith.constant 0 : i32
        %dma_wait3A_125 = tpu.memref_slice %arg3[%dma_wait3A_123, %dma_wait3A_124] : memref<32x1000000xf32, #tpu.memory_space<hbm>> -> memref<32x1024xf32, #tpu.memory_space<hbm>>
        %dma_wait3A_126 = arith.constant 0 : i32
        %dma_wait3A_127 = arith.constant 0 : i32
        %dma_wait3A_128 = tpu.memref_slice %arg3[%dma_wait3A_126, %dma_wait3A_127] : memref<32x1000000xf32, #tpu.memory_space<hbm>> -> memref<32x1024xf32, #tpu.memory_space<hbm>>
        tpu.wait_dma2 semaphore(%arg13 : memref<!tpu.dma_semaphore, #tpu.memory_space<semaphore_mem>>) src(%dma_wait3A_128 : memref<32x1024xf32, #tpu.memory_space<hbm>>) dst(%arg9 : memref<32x1024xf32, #tpu.memory_space<vmem>>)
        %add3A_129 = arith.constant 1024 : i32
        %add3A_130 = arith.addi %add3A_114, %add3A_129 : i32
        %while3A_131 = arith.constant 0 : i32
        %while3A_132 = arith.subi %select_n3A_56, %while3A_131 : i32
        %while3A_133 = arith.addi %while3A_131, %while3A_132 : i32
        %while3A_134 = arith.constant 1 : i32
        %while3A_135 = arith.divsi %while3A_132, %while3A_134 : i32
        %while3A_136 = arith.muli %while3A_135, %while3A_134 : i32
        %while3A_137 = arith.addi %while3A_131, %while3A_136 : i32
        %while3A_138 = arith.constant 1 : i32
        %while3A_139 = scf.for %while3A_147 = %while3A_131 to %while3A_137 step %while3A_138 iter_args(%while3A_148 = %while3A_111) -> (i32)  : i32 {
          %mul3A_149 = arith.constant 16 : i32
          %mul3A_150 = arith.muli %while3A_147, %mul3A_149 : i32
          %get3A = arith.index_cast %mul3A_150 : i32 to index
          %get3A_151 = tpu.vector_load %arg7[%get3A] {strides = array<i32>} : memref<16400xi32, #tpu.memory_space<vmem>>, vector<16xi32>,
          %mul3A_152 = arith.constant 16 : i32
          %mul3A_153 = arith.muli %while3A_147, %mul3A_152 : i32
          %add3A_154 = vector.broadcast %mul3A_153 : i32 to vector<16xi32>
          %add3A_155 = arith.addi %add3A_154, %iota3A : vector<16xi32>
          %lt3A_156 = vector.broadcast %scan3A_34 : i32 to vector<16xi32>
          %lt3A_157 = arith.cmpi slt, %add3A_155, %lt3A_156 : vector<16xi32>
          %and3A_158 = arith.constant 16383 : i32
          %and3A_159 = vector.broadcast %and3A_158 : i32 to vector<16xi32>
          %and3A_160 = arith.andi %get3A_151, %and3A_159 : vector<16xi32>
          %gather3A = tpu.vector_load_idx %arg6[%and3A_160] : memref<16384xi32, #tpu.memory_space<vmem>>[vector<16xi32>], vector<16xi32>,
          %ge3A_161 = vector.broadcast %add3A_114 : i32 to vector<16xi32>
          %ge3A_162 = arith.cmpi sge, %gather3A, %ge3A_161 : vector<16xi32>
          %and3A_163 = arith.andi %lt3A_157, %ge3A_162 : vector<16xi1>
          %lt3A_164 = vector.broadcast %add3A_130 : i32 to vector<16xi32>
          %lt3A_165 = arith.cmpi slt, %gather3A, %lt3A_164 : vector<16xi32>
          %and3A_166 = arith.andi %and3A_163, %lt3A_165 : vector<16xi1>
          %all_reduce_population_count3A = tpu.all_reduce %and3A_166 {dim = 0 : i64, kind = #tpu.reduction_kind<sum>} : vector<16xi1> -> vector<16xi32>
          %slice3A = vector.extract_strided_slice %all_reduce_population_count3A {offsets = [0], sizes = [1], strides = [1]} : vector<16xi32> to vector<1xi32>
          %squeeze3A = vector.extract %slice3A[0] : i32 from vector<1xi32>
          %gt3A = arith.constant 0 : i32
          %gt3A_167 = arith.cmpi sgt, %squeeze3A, %gt3A : i32
          %convert_element_type3A_168 = arith.extui %gt3A_167 : i1 to i32
          %cond3A_169 = arith.constant 0 : i32
          %cond3A_170 = arith.cmpi ne, %convert_element_type3A_168, %cond3A_169 : i32
          %cond3A_171 = scf.if %cond3A_170 -> (i32) {
            %add3A_172 = arith.addi %while3A_148, %squeeze3A : i32
            %gt3A_173 = arith.constant 128 : i32
            %gt3A_174 = arith.cmpi sgt, %add3A_172, %gt3A_173 : i32
            %convert_element_type3A_175 = arith.extui %gt3A_174 : i1 to i32
            %cond3A_176 = arith.constant 0 : i32
            %cond3A_177 = arith.constant 0 : i32
            %cond3A_178 = arith.cmpi ne, %convert_element_type3A_175, %cond3A_177 : i32
            %cond3A_179 = scf.if %cond3A_178 -> (i32) {
              %dma_start3A_292 = arith.constant 0 : i32
              %dma_start3A_293 = arith.constant 0 : i32
              %dma_start3A_294 = tpu.memref_slice %arg5[%dma_start3A_292, %dma_start3A_293] : memref<16384x128xf32, #tpu.memory_space<hbm>> -> memref<16384x128xf32, #tpu.memory_space<hbm>>
              %dma_start3A_295 = arith.constant -1 : i32
              tpu.enqueue_indirect_dma source(%arg10 : memref<128x128xf32, #tpu.memory_space<vmem>>) target(%dma_start3A_294 : memref<16384x128xf32, #tpu.memory_space<hbm>>) offsets(%arg11 : memref<128xi32, #tpu.memory_space<vmem>>) offset_filter(%dma_start3A_295) semaphore(%arg14 : memref<!tpu.dma_semaphore, #tpu.memory_space<semaphore_mem>>)
              %dma_wait3A_296 = arith.constant 0 : i32
              %dma_wait3A_297 = arith.constant 0 : i32
              %dma_wait3A_298 = tpu.memref_slice %arg5[%dma_wait3A_296, %dma_wait3A_297] : memref<16384x128xf32, #tpu.memory_space<hbm>> -> memref<16384x128xf32, #tpu.memory_space<hbm>>
              tpu.wait_indirect_dma semaphore(%arg14 : memref<!tpu.dma_semaphore, #tpu.memory_space<semaphore_mem>>) src(%arg10 : memref<128x128xf32, #tpu.memory_space<vmem>>) dst(%dma_wait3A_298 : memref<16384x128xf32, #tpu.memory_space<hbm>>)
              %broadcast_in_dim3A_299 = arith.constant -1 : i32
              %broadcast_in_dim3A_300 = vector.broadcast %broadcast_in_dim3A_299 : i32 to vector<16xi32>
              %swap3A_301 = arith.constant 0 : index
              %swap3A_302 = tpu.vector_load %arg11[%swap3A_301] {strides = array<i32>} : memref<128xi32, #tpu.memory_space<vmem>>, vector<16xi32>,
              tpu.vector_store %arg11[%swap3A_301], %broadcast_in_dim3A_300 {strides = array<i32>} : memref<128xi32, #tpu.memory_space<vmem>>, vector<16xi32>,
              %swap3A_303 = arith.constant 16 : index
              %swap3A_304 = tpu.vector_load %arg11[%swap3A_303] {strides = array<i32>} : memref<128xi32, #tpu.memory_space<vmem>>, vector<16xi32>,
              tpu.vector_store %arg11[%swap3A_303], %broadcast_in_dim3A_300 {strides = array<i32>} : memref<128xi32, #tpu.memory_space<vmem>>, vector<16xi32>,
              %swap3A_305 = arith.constant 32 : index
              %swap3A_306 = tpu.vector_load %arg11[%swap3A_305] {strides = array<i32>} : memref<128xi32, #tpu.memory_space<vmem>>, vector<16xi32>,
              tpu.vector_store %arg11[%swap3A_305], %broadcast_in_dim3A_300 {strides = array<i32>} : memref<128xi32, #tpu.memory_space<vmem>>, vector<16xi32>,
              %swap3A_307 = arith.constant 48 : index
              %swap3A_308 = tpu.vector_load %arg11[%swap3A_307] {strides = array<i32>} : memref<128xi32, #tpu.memory_space<vmem>>, vector<16xi32>,
              tpu.vector_store %arg11[%swap3A_307], %broadcast_in_dim3A_300 {strides = array<i32>} : memref<128xi32, #tpu.memory_space<vmem>>, vector<16xi32>,
              %swap3A_309 = arith.constant 64 : index
              %swap3A_310 = tpu.vector_load %arg11[%swap3A_309] {strides = array<i32>} : memref<128xi32, #tpu.memory_space<vmem>>, vector<16xi32>,
              tpu.vector_store %arg11[%swap3A_309], %broadcast_in_dim3A_300 {strides = array<i32>} : memref<128xi32, #tpu.memory_space<vmem>>, vector<16xi32>,
              %swap3A_311 = arith.constant 80 : index
              %swap3A_312 = tpu.vector_load %arg11[%swap3A_311] {strides = array<i32>} : memref<128xi32, #tpu.memory_space<vmem>>, vector<16xi32>,
              tpu.vector_store %arg11[%swap3A_311], %broadcast_in_dim3A_300 {strides = array<i32>} : memref<128xi32, #tpu.memory_space<vmem>>, vector<16xi32>,
              %swap3A_313 = arith.constant 96 : index
              %swap3A_314 = tpu.vector_load %arg11[%swap3A_313] {strides = array<i32>} : memref<128xi32, #tpu.memory_space<vmem>>, vector<16xi32>,
              tpu.vector_store %arg11[%swap3A_313], %broadcast_in_dim3A_300 {strides = array<i32>} : memref<128xi32, #tpu.memory_space<vmem>>, vector<16xi32>,
              %swap3A_315 = arith.constant 112 : index
              %swap3A_316 = tpu.vector_load %arg11[%swap3A_315] {strides = array<i32>} : memref<128xi32, #tpu.memory_space<vmem>>, vector<16xi32>,
              tpu.vector_store %arg11[%swap3A_315], %broadcast_in_dim3A_300 {strides = array<i32>} : memref<128xi32, #tpu.memory_space<vmem>>, vector<16xi32>,
              %cond3A_317 = arith.constant 0 : i32
              scf.yield %cond3A_317 : i32
            } else {
              scf.yield %while3A_148 : i32
            }
            %sub3A_180 = vector.broadcast %add3A_114 : i32 to vector<16xi32>
            %sub3A_181 = arith.subi %gather3A, %sub3A_180 : vector<16xi32>
            %max3A = arith.constant 0 : i32
            %max3A_182 = vector.broadcast %max3A : i32 to vector<16xi32>
            %max3A_183 = arith.maxsi %sub3A_181, %max3A_182 : vector<16xi32>
            %min3A_184 = arith.constant 1023 : i32
            %min3A_185 = vector.broadcast %min3A_184 : i32 to vector<16xi32>
            %min3A_186 = arith.minsi %max3A_183, %min3A_185 : vector<16xi32>
            %convert_element_type3A_187 = arith.extui %and3A_166 : vector<16xi1> to vector<16xi32>
            %broadcast_in_dim3A_188 = arith.constant true
            %broadcast_in_dim3A_189 = vector.broadcast %broadcast_in_dim3A_188 : i1 to vector<16xi1>
            %masked_cumsum3A = tpu.scan <sum>, %convert_element_type3A_187 masked %broadcast_in_dim3A_189 : vector<16xi32>, vector<16xi1> -> vector<16xi32>
            %add3A_190 = vector.broadcast %cond3A_179 : i32 to vector<16xi32>
            %add3A_191 = arith.addi %add3A_190, %masked_cumsum3A : vector<16xi32>
            %sub3A_192 = arith.constant 1 : i32
            %sub3A_193 = vector.broadcast %sub3A_192 : i32 to vector<16xi32>
            %sub3A_194 = arith.subi %add3A_191, %sub3A_193 : vector<16xi32>
            %broadcast_in_dim3A_195 = arith.constant 0 : i32
            %broadcast_in_dim3A_196 = vector.broadcast %broadcast_in_dim3A_195 : i32 to vector<16xi32>
            %gather3A_197 = tpu.vector_load_idx %arg9[%broadcast_in_dim3A_196, %min3A_186] masked %and3A_166 : memref<32x1024xf32, #tpu.memory_space<vmem>>[vector<16xi32>, vector<16xi32>], vector<16xf32>, vector<16xi1>
            tpu.vector_store_idx %arg10[%sub3A_194, %broadcast_in_dim3A_196], %gather3A_197 masked %and3A_166 : memref<128x128xf32, #tpu.memory_space<vmem>>[vector<16xi32>, vector<16xi32>], vector<16xf32>, vector<16xi1>
            %broadcast_in_dim3A_198 = arith.constant 1 : i32
            %broadcast_in_dim3A_199 = vector.broadcast %broadcast_in_dim3A_198 : i32 to vector<16xi32>
            %gather3A_200 = tpu.vector_load_idx %arg9[%broadcast_in_dim3A_199, %min3A_186] masked %and3A_166 : memref<32x1024xf32, #tpu.memory_space<vmem>>[vector<16xi32>, vector<16xi32>], vector<16xf32>, vector<16xi1>
            tpu.vector_store_idx %arg10[%sub3A_194, %broadcast_in_dim3A_199], %gather3A_200 masked %and3A_166 : memref<128x128xf32, #tpu.memory_space<vmem>>[vector<16xi32>, vector<16xi32>], vector<16xf32>, vector<16xi1>
            %broadcast_in_dim3A_201 = arith.constant 2 : i32
            %broadcast_in_dim3A_202 = vector.broadcast %broadcast_in_dim3A_201 : i32 to vector<16xi32>
            %gather3A_203 = tpu.vector_load_idx %arg9[%broadcast_in_dim3A_202, %min3A_186] masked %and3A_166 : memref<32x1024xf32, #tpu.memory_space<vmem>>[vector<16xi32>, vector<16xi32>], vector<16xf32>, vector<16xi1>
            tpu.vector_store_idx %arg10[%sub3A_194, %broadcast_in_dim3A_202], %gather3A_203 masked %and3A_166 : memref<128x128xf32, #tpu.memory_space<vmem>>[vector<16xi32>, vector<16xi32>], vector<16xf32>, vector<16xi1>
            %broadcast_in_dim3A_204 = arith.constant 3 : i32
            %broadcast_in_dim3A_205 = vector.broadcast %broadcast_in_dim3A_204 : i32 to vector<16xi32>
            %gather3A_206 = tpu.vector_load_idx %arg9[%broadcast_in_dim3A_205, %min3A_186] masked %and3A_166 : memref<32x1024xf32, #tpu.memory_space<vmem>>[vector<16xi32>, vector<16xi32>], vector<16xf32>, vector<16xi1>
            tpu.vector_store_idx %arg10[%sub3A_194, %broadcast_in_dim3A_205], %gather3A_206 masked %and3A_166 : memref<128x128xf32, #tpu.memory_space<vmem>>[vector<16xi32>, vector<16xi32>], vector<16xf32>, vector<16xi1>
            %broadcast_in_dim3A_207 = arith.constant 4 : i32
            %broadcast_in_dim3A_208 = vector.broadcast %broadcast_in_dim3A_207 : i32 to vector<16xi32>
            %gather3A_209 = tpu.vector_load_idx %arg9[%broadcast_in_dim3A_208, %min3A_186] masked %and3A_166 : memref<32x1024xf32, #tpu.memory_space<vmem>>[vector<16xi32>, vector<16xi32>], vector<16xf32>, vector<16xi1>
            tpu.vector_store_idx %arg10[%sub3A_194, %broadcast_in_dim3A_208], %gather3A_209 masked %and3A_166 : memref<128x128xf32, #tpu.memory_space<vmem>>[vector<16xi32>, vector<16xi32>], vector<16xf32>, vector<16xi1>
            %broadcast_in_dim3A_210 = arith.constant 5 : i32
            %broadcast_in_dim3A_211 = vector.broadcast %broadcast_in_dim3A_210 : i32 to vector<16xi32>
            %gather3A_212 = tpu.vector_load_idx %arg9[%broadcast_in_dim3A_211, %min3A_186] masked %and3A_166 : memref<32x1024xf32, #tpu.memory_space<vmem>>[vector<16xi32>, vector<16xi32>], vector<16xf32>, vector<16xi1>
            tpu.vector_store_idx %arg10[%sub3A_194, %broadcast_in_dim3A_211], %gather3A_212 masked %and3A_166 : memref<128x128xf32, #tpu.memory_space<vmem>>[vector<16xi32>, vector<16xi32>], vector<16xf32>, vector<16xi1>
            %broadcast_in_dim3A_213 = arith.constant 6 : i32
            %broadcast_in_dim3A_214 = vector.broadcast %broadcast_in_dim3A_213 : i32 to vector<16xi32>
            %gather3A_215 = tpu.vector_load_idx %arg9[%broadcast_in_dim3A_214, %min3A_186] masked %and3A_166 : memref<32x1024xf32, #tpu.memory_space<vmem>>[vector<16xi32>, vector<16xi32>], vector<16xf32>, vector<16xi1>
            tpu.vector_store_idx %arg10[%sub3A_194, %broadcast_in_dim3A_214], %gather3A_215 masked %and3A_166 : memref<128x128xf32, #tpu.memory_space<vmem>>[vector<16xi32>, vector<16xi32>], vector<16xf32>, vector<16xi1>
            %broadcast_in_dim3A_216 = arith.constant 7 : i32
            %broadcast_in_dim3A_217 = vector.broadcast %broadcast_in_dim3A_216 : i32 to vector<16xi32>
            %gather3A_218 = tpu.vector_load_idx %arg9[%broadcast_in_dim3A_217, %min3A_186] masked %and3A_166 : memref<32x1024xf32, #tpu.memory_space<vmem>>[vector<16xi32>, vector<16xi32>], vector<16xf32>, vector<16xi1>
            tpu.vector_store_idx %arg10[%sub3A_194, %broadcast_in_dim3A_217], %gather3A_218 masked %and3A_166 : memref<128x128xf32, #tpu.memory_space<vmem>>[vector<16xi32>, vector<16xi32>], vector<16xf32>, vector<16xi1>
            %broadcast_in_dim3A_219 = arith.constant 8 : i32
            %broadcast_in_dim3A_220 = vector.broadcast %broadcast_in_dim3A_219 : i32 to vector<16xi32>
            %gather3A_221 = tpu.vector_load_idx %arg9[%broadcast_in_dim3A_220, %min3A_186] masked %and3A_166 : memref<32x1024xf32, #tpu.memory_space<vmem>>[vector<16xi32>, vector<16xi32>], vector<16xf32>, vector<16xi1>
            tpu.vector_store_idx %arg10[%sub3A_194, %broadcast_in_dim3A_220], %gather3A_221 masked %and3A_166 : memref<128x128xf32, #tpu.memory_space<vmem>>[vector<16xi32>, vector<16xi32>], vector<16xf32>, vector<16xi1>
            %broadcast_in_dim3A_222 = arith.constant 9 : i32
            %broadcast_in_dim3A_223 = vector.broadcast %broadcast_in_dim3A_222 : i32 to vector<16xi32>
            %gather3A_224 = tpu.vector_load_idx %arg9[%broadcast_in_dim3A_223, %min3A_186] masked %and3A_166 : memref<32x1024xf32, #tpu.memory_space<vmem>>[vector<16xi32>, vector<16xi32>], vector<16xf32>, vector<16xi1>
            tpu.vector_store_idx %arg10[%sub3A_194, %broadcast_in_dim3A_223], %gather3A_224 masked %and3A_166 : memref<128x128xf32, #tpu.memory_space<vmem>>[vector<16xi32>, vector<16xi32>], vector<16xf32>, vector<16xi1>
            %broadcast_in_dim3A_225 = arith.constant 10 : i32
            %broadcast_in_dim3A_226 = vector.broadcast %broadcast_in_dim3A_225 : i32 to vector<16xi32>
            %gather3A_227 = tpu.vector_load_idx %arg9[%broadcast_in_dim3A_226, %min3A_186] masked %and3A_166 : memref<32x1024xf32, #tpu.memory_space<vmem>>[vector<16xi32>, vector<16xi32>], vector<16xf32>, vector<16xi1>
            tpu.vector_store_idx %arg10[%sub3A_194, %broadcast_in_dim3A_226], %gather3A_227 masked %and3A_166 : memref<128x128xf32, #tpu.memory_space<vmem>>[vector<16xi32>, vector<16xi32>], vector<16xf32>, vector<16xi1>
            %broadcast_in_dim3A_228 = arith.constant 11 : i32
            %broadcast_in_dim3A_229 = vector.broadcast %broadcast_in_dim3A_228 : i32 to vector<16xi32>
            %gather3A_230 = tpu.vector_load_idx %arg9[%broadcast_in_dim3A_229, %min3A_186] masked %and3A_166 : memref<32x1024xf32, #tpu.memory_space<vmem>>[vector<16xi32>, vector<16xi32>], vector<16xf32>, vector<16xi1>
            tpu.vector_store_idx %arg10[%sub3A_194, %broadcast_in_dim3A_229], %gather3A_230 masked %and3A_166 : memref<128x128xf32, #tpu.memory_space<vmem>>[vector<16xi32>, vector<16xi32>], vector<16xf32>, vector<16xi1>
            %broadcast_in_dim3A_231 = arith.constant 12 : i32
            %broadcast_in_dim3A_232 = vector.broadcast %broadcast_in_dim3A_231 : i32 to vector<16xi32>
            %gather3A_233 = tpu.vector_load_idx %arg9[%broadcast_in_dim3A_232, %min3A_186] masked %and3A_166 : memref<32x1024xf32, #tpu.memory_space<vmem>>[vector<16xi32>, vector<16xi32>], vector<16xf32>, vector<16xi1>
            tpu.vector_store_idx %arg10[%sub3A_194, %broadcast_in_dim3A_232], %gather3A_233 masked %and3A_166 : memref<128x128xf32, #tpu.memory_space<vmem>>[vector<16xi32>, vector<16xi32>], vector<16xf32>, vector<16xi1>
            %broadcast_in_dim3A_234 = arith.constant 13 : i32
            %broadcast_in_dim3A_235 = vector.broadcast %broadcast_in_dim3A_234 : i32 to vector<16xi32>
            %gather3A_236 = tpu.vector_load_idx %arg9[%broadcast_in_dim3A_235, %min3A_186] masked %and3A_166 : memref<32x1024xf32, #tpu.memory_space<vmem>>[vector<16xi32>, vector<16xi32>], vector<16xf32>, vector<16xi1>
            tpu.vector_store_idx %arg10[%sub3A_194, %broadcast_in_dim3A_235], %gather3A_236 masked %and3A_166 : memref<128x128xf32, #tpu.memory_space<vmem>>[vector<16xi32>, vector<16xi32>], vector<16xf32>, vector<16xi1>
            %broadcast_in_dim3A_237 = arith.constant 14 : i32
            %broadcast_in_dim3A_238 = vector.broadcast %broadcast_in_dim3A_237 : i32 to vector<16xi32>
            %gather3A_239 = tpu.vector_load_idx %arg9[%broadcast_in_dim3A_238, %min3A_186] masked %and3A_166 : memref<32x1024xf32, #tpu.memory_space<vmem>>[vector<16xi32>, vector<16xi32>], vector<16xf32>, vector<16xi1>
            tpu.vector_store_idx %arg10[%sub3A_194, %broadcast_in_dim3A_238], %gather3A_239 masked %and3A_166 : memref<128x128xf32, #tpu.memory_space<vmem>>[vector<16xi32>, vector<16xi32>], vector<16xf32>, vector<16xi1>
            %broadcast_in_dim3A_240 = arith.constant 15 : i32
            %broadcast_in_dim3A_241 = vector.broadcast %broadcast_in_dim3A_240 : i32 to vector<16xi32>
            %gather3A_242 = tpu.vector_load_idx %arg9[%broadcast_in_dim3A_241, %min3A_186] masked %and3A_166 : memref<32x1024xf32, #tpu.memory_space<vmem>>[vector<16xi32>, vector<16xi32>], vector<16xf32>, vector<16xi1>
            tpu.vector_store_idx %arg10[%sub3A_194, %broadcast_in_dim3A_241], %gather3A_242 masked %and3A_166 : memref<128x128xf32, #tpu.memory_space<vmem>>[vector<16xi32>, vector<16xi32>], vector<16xf32>, vector<16xi1>
            %broadcast_in_dim3A_243 = arith.constant 16 : i32
            %broadcast_in_dim3A_244 = vector.broadcast %broadcast_in_dim3A_243 : i32 to vector<16xi32>
            %gather3A_245 = tpu.vector_load_idx %arg9[%broadcast_in_dim3A_244, %min3A_186] masked %and3A_166 : memref<32x1024xf32, #tpu.memory_space<vmem>>[vector<16xi32>, vector<16xi32>], vector<16xf32>, vector<16xi1>
            tpu.vector_store_idx %arg10[%sub3A_194, %broadcast_in_dim3A_244], %gather3A_245 masked %and3A_166 : memref<128x128xf32, #tpu.memory_space<vmem>>[vector<16xi32>, vector<16xi32>], vector<16xf32>, vector<16xi1>
            %broadcast_in_dim3A_246 = arith.constant 17 : i32
            %broadcast_in_dim3A_247 = vector.broadcast %broadcast_in_dim3A_246 : i32 to vector<16xi32>
            %gather3A_248 = tpu.vector_load_idx %arg9[%broadcast_in_dim3A_247, %min3A_186] masked %and3A_166 : memref<32x1024xf32, #tpu.memory_space<vmem>>[vector<16xi32>, vector<16xi32>], vector<16xf32>, vector<16xi1>
            tpu.vector_store_idx %arg10[%sub3A_194, %broadcast_in_dim3A_247], %gather3A_248 masked %and3A_166 : memref<128x128xf32, #tpu.memory_space<vmem>>[vector<16xi32>, vector<16xi32>], vector<16xf32>, vector<16xi1>
            %broadcast_in_dim3A_249 = arith.constant 18 : i32
            %broadcast_in_dim3A_250 = vector.broadcast %broadcast_in_dim3A_249 : i32 to vector<16xi32>
            %gather3A_251 = tpu.vector_load_idx %arg9[%broadcast_in_dim3A_250, %min3A_186] masked %and3A_166 : memref<32x1024xf32, #tpu.memory_space<vmem>>[vector<16xi32>, vector<16xi32>], vector<16xf32>, vector<16xi1>
            tpu.vector_store_idx %arg10[%sub3A_194, %broadcast_in_dim3A_250], %gather3A_251 masked %and3A_166 : memref<128x128xf32, #tpu.memory_space<vmem>>[vector<16xi32>, vector<16xi32>], vector<16xf32>, vector<16xi1>
            %broadcast_in_dim3A_252 = arith.constant 19 : i32
            %broadcast_in_dim3A_253 = vector.broadcast %broadcast_in_dim3A_252 : i32 to vector<16xi32>
            %gather3A_254 = tpu.vector_load_idx %arg9[%broadcast_in_dim3A_253, %min3A_186] masked %and3A_166 : memref<32x1024xf32, #tpu.memory_space<vmem>>[vector<16xi32>, vector<16xi32>], vector<16xf32>, vector<16xi1>
            tpu.vector_store_idx %arg10[%sub3A_194, %broadcast_in_dim3A_253], %gather3A_254 masked %and3A_166 : memref<128x128xf32, #tpu.memory_space<vmem>>[vector<16xi32>, vector<16xi32>], vector<16xf32>, vector<16xi1>
            %broadcast_in_dim3A_255 = arith.constant 20 : i32
            %broadcast_in_dim3A_256 = vector.broadcast %broadcast_in_dim3A_255 : i32 to vector<16xi32>
            %gather3A_257 = tpu.vector_load_idx %arg9[%broadcast_in_dim3A_256, %min3A_186] masked %and3A_166 : memref<32x1024xf32, #tpu.memory_space<vmem>>[vector<16xi32>, vector<16xi32>], vector<16xf32>, vector<16xi1>
            tpu.vector_store_idx %arg10[%sub3A_194, %broadcast_in_dim3A_256], %gather3A_257 masked %and3A_166 : memref<128x128xf32, #tpu.memory_space<vmem>>[vector<16xi32>, vector<16xi32>], vector<16xf32>, vector<16xi1>
            %broadcast_in_dim3A_258 = arith.constant 21 : i32
            %broadcast_in_dim3A_259 = vector.broadcast %broadcast_in_dim3A_258 : i32 to vector<16xi32>
            %gather3A_260 = tpu.vector_load_idx %arg9[%broadcast_in_dim3A_259, %min3A_186] masked %and3A_166 : memref<32x1024xf32, #tpu.memory_space<vmem>>[vector<16xi32>, vector<16xi32>], vector<16xf32>, vector<16xi1>
            tpu.vector_store_idx %arg10[%sub3A_194, %broadcast_in_dim3A_259], %gather3A_260 masked %and3A_166 : memref<128x128xf32, #tpu.memory_space<vmem>>[vector<16xi32>, vector<16xi32>], vector<16xf32>, vector<16xi1>
            %broadcast_in_dim3A_261 = arith.constant 22 : i32
            %broadcast_in_dim3A_262 = vector.broadcast %broadcast_in_dim3A_261 : i32 to vector<16xi32>
            %gather3A_263 = tpu.vector_load_idx %arg9[%broadcast_in_dim3A_262, %min3A_186] masked %and3A_166 : memref<32x1024xf32, #tpu.memory_space<vmem>>[vector<16xi32>, vector<16xi32>], vector<16xf32>, vector<16xi1>
            tpu.vector_store_idx %arg10[%sub3A_194, %broadcast_in_dim3A_262], %gather3A_263 masked %and3A_166 : memref<128x128xf32, #tpu.memory_space<vmem>>[vector<16xi32>, vector<16xi32>], vector<16xf32>, vector<16xi1>
            %broadcast_in_dim3A_264 = arith.constant 23 : i32
            %broadcast_in_dim3A_265 = vector.broadcast %broadcast_in_dim3A_264 : i32 to vector<16xi32>
            %gather3A_266 = tpu.vector_load_idx %arg9[%broadcast_in_dim3A_265, %min3A_186] masked %and3A_166 : memref<32x1024xf32, #tpu.memory_space<vmem>>[vector<16xi32>, vector<16xi32>], vector<16xf32>, vector<16xi1>
            tpu.vector_store_idx %arg10[%sub3A_194, %broadcast_in_dim3A_265], %gather3A_266 masked %and3A_166 : memref<128x128xf32, #tpu.memory_space<vmem>>[vector<16xi32>, vector<16xi32>], vector<16xf32>, vector<16xi1>
            %broadcast_in_dim3A_267 = arith.constant 24 : i32
            %broadcast_in_dim3A_268 = vector.broadcast %broadcast_in_dim3A_267 : i32 to vector<16xi32>
            %gather3A_269 = tpu.vector_load_idx %arg9[%broadcast_in_dim3A_268, %min3A_186] masked %and3A_166 : memref<32x1024xf32, #tpu.memory_space<vmem>>[vector<16xi32>, vector<16xi32>], vector<16xf32>, vector<16xi1>
            tpu.vector_store_idx %arg10[%sub3A_194, %broadcast_in_dim3A_268], %gather3A_269 masked %and3A_166 : memref<128x128xf32, #tpu.memory_space<vmem>>[vector<16xi32>, vector<16xi32>], vector<16xf32>, vector<16xi1>
            %broadcast_in_dim3A_270 = arith.constant 25 : i32
            %broadcast_in_dim3A_271 = vector.broadcast %broadcast_in_dim3A_270 : i32 to vector<16xi32>
            %gather3A_272 = tpu.vector_load_idx %arg9[%broadcast_in_dim3A_271, %min3A_186] masked %and3A_166 : memref<32x1024xf32, #tpu.memory_space<vmem>>[vector<16xi32>, vector<16xi32>], vector<16xf32>, vector<16xi1>
            tpu.vector_store_idx %arg10[%sub3A_194, %broadcast_in_dim3A_271], %gather3A_272 masked %and3A_166 : memref<128x128xf32, #tpu.memory_space<vmem>>[vector<16xi32>, vector<16xi32>], vector<16xf32>, vector<16xi1>
            %broadcast_in_dim3A_273 = arith.constant 26 : i32
            %broadcast_in_dim3A_274 = vector.broadcast %broadcast_in_dim3A_273 : i32 to vector<16xi32>
            %gather3A_275 = tpu.vector_load_idx %arg9[%broadcast_in_dim3A_274, %min3A_186] masked %and3A_166 : memref<32x1024xf32, #tpu.memory_space<vmem>>[vector<16xi32>, vector<16xi32>], vector<16xf32>, vector<16xi1>
            tpu.vector_store_idx %arg10[%sub3A_194, %broadcast_in_dim3A_274], %gather3A_275 masked %and3A_166 : memref<128x128xf32, #tpu.memory_space<vmem>>[vector<16xi32>, vector<16xi32>], vector<16xf32>, vector<16xi1>
            %broadcast_in_dim3A_276 = arith.constant 27 : i32
            %broadcast_in_dim3A_277 = vector.broadcast %broadcast_in_dim3A_276 : i32 to vector<16xi32>
            %gather3A_278 = tpu.vector_load_idx %arg9[%broadcast_in_dim3A_277, %min3A_186] masked %and3A_166 : memref<32x1024xf32, #tpu.memory_space<vmem>>[vector<16xi32>, vector<16xi32>], vector<16xf32>, vector<16xi1>
            tpu.vector_store_idx %arg10[%sub3A_194, %broadcast_in_dim3A_277], %gather3A_278 masked %and3A_166 : memref<128x128xf32, #tpu.memory_space<vmem>>[vector<16xi32>, vector<16xi32>], vector<16xf32>, vector<16xi1>
            %broadcast_in_dim3A_279 = arith.constant 28 : i32
            %broadcast_in_dim3A_280 = vector.broadcast %broadcast_in_dim3A_279 : i32 to vector<16xi32>
            %gather3A_281 = tpu.vector_load_idx %arg9[%broadcast_in_dim3A_280, %min3A_186] masked %and3A_166 : memref<32x1024xf32, #tpu.memory_space<vmem>>[vector<16xi32>, vector<16xi32>], vector<16xf32>, vector<16xi1>
            tpu.vector_store_idx %arg10[%sub3A_194, %broadcast_in_dim3A_280], %gather3A_281 masked %and3A_166 : memref<128x128xf32, #tpu.memory_space<vmem>>[vector<16xi32>, vector<16xi32>], vector<16xf32>, vector<16xi1>
            %broadcast_in_dim3A_282 = arith.constant 29 : i32
            %broadcast_in_dim3A_283 = vector.broadcast %broadcast_in_dim3A_282 : i32 to vector<16xi32>
            %gather3A_284 = tpu.vector_load_idx %arg9[%broadcast_in_dim3A_283, %min3A_186] masked %and3A_166 : memref<32x1024xf32, #tpu.memory_space<vmem>>[vector<16xi32>, vector<16xi32>], vector<16xf32>, vector<16xi1>
            tpu.vector_store_idx %arg10[%sub3A_194, %broadcast_in_dim3A_283], %gather3A_284 masked %and3A_166 : memref<128x128xf32, #tpu.memory_space<vmem>>[vector<16xi32>, vector<16xi32>], vector<16xf32>, vector<16xi1>
            %broadcast_in_dim3A_285 = arith.constant 30 : i32
            %broadcast_in_dim3A_286 = vector.broadcast %broadcast_in_dim3A_285 : i32 to vector<16xi32>
            %gather3A_287 = tpu.vector_load_idx %arg9[%broadcast_in_dim3A_286, %min3A_186] masked %and3A_166 : memref<32x1024xf32, #tpu.memory_space<vmem>>[vector<16xi32>, vector<16xi32>], vector<16xf32>, vector<16xi1>
            tpu.vector_store_idx %arg10[%sub3A_194, %broadcast_in_dim3A_286], %gather3A_287 masked %and3A_166 : memref<128x128xf32, #tpu.memory_space<vmem>>[vector<16xi32>, vector<16xi32>], vector<16xf32>, vector<16xi1>
            %broadcast_in_dim3A_288 = arith.constant 31 : i32
            %broadcast_in_dim3A_289 = vector.broadcast %broadcast_in_dim3A_288 : i32 to vector<16xi32>
            %gather3A_290 = tpu.vector_load_idx %arg9[%broadcast_in_dim3A_289, %min3A_186] masked %and3A_166 : memref<32x1024xf32, #tpu.memory_space<vmem>>[vector<16xi32>, vector<16xi32>], vector<16xf32>, vector<16xi1>
            tpu.vector_store_idx %arg10[%sub3A_194, %broadcast_in_dim3A_289], %gather3A_290 masked %and3A_166 : memref<128x128xf32, #tpu.memory_space<vmem>>[vector<16xi32>, vector<16xi32>], vector<16xf32>, vector<16xi1>
            tpu.vector_store_idx %arg11[%sub3A_194], %get3A_151 masked %and3A_166 : memref<128xi32, #tpu.memory_space<vmem>>[vector<16xi32>], vector<16xi32>, vector<16xi1>
            %add3A_291 = arith.addi %cond3A_179, %squeeze3A : i32
            scf.yield %add3A_291 : i32
          } else {
            scf.yield %while3A_148 : i32
          }
          scf.yield %cond3A_171 : i32
        }
        %while3A_140 = arith.constant 1 : i32
        %while3A_141 = scf.for %while3A_147 = %while3A_137 to %while3A_133 step %while3A_140 iter_args(%while3A_148 = %while3A_139) -> (i32)  : i32 {
          %mul3A_149 = arith.constant 16 : i32
          %mul3A_150 = arith.muli %while3A_147, %mul3A_149 : i32
          %get3A = arith.index_cast %mul3A_150 : i32 to index
          %get3A_151 = tpu.vector_load %arg7[%get3A] {strides = array<i32>} : memref<16400xi32, #tpu.memory_space<vmem>>, vector<16xi32>,
          %mul3A_152 = arith.constant 16 : i32
          %mul3A_153 = arith.muli %while3A_147, %mul3A_152 : i32
          %add3A_154 = vector.broadcast %mul3A_153 : i32 to vector<16xi32>
          %add3A_155 = arith.addi %add3A_154, %iota3A : vector<16xi32>
          %lt3A_156 = vector.broadcast %scan3A_34 : i32 to vector<16xi32>
          %lt3A_157 = arith.cmpi slt, %add3A_155, %lt3A_156 : vector<16xi32>
          %and3A_158 = arith.constant 16383 : i32
          %and3A_159 = vector.broadcast %and3A_158 : i32 to vector<16xi32>
          %and3A_160 = arith.andi %get3A_151, %and3A_159 : vector<16xi32>
          %gather3A = tpu.vector_load_idx %arg6[%and3A_160] : memref<16384xi32, #tpu.memory_space<vmem>>[vector<16xi32>], vector<16xi32>,
          %ge3A_161 = vector.broadcast %add3A_114 : i32 to vector<16xi32>
          %ge3A_162 = arith.cmpi sge, %gather3A, %ge3A_161 : vector<16xi32>
          %and3A_163 = arith.andi %lt3A_157, %ge3A_162 : vector<16xi1>
          %lt3A_164 = vector.broadcast %add3A_130 : i32 to vector<16xi32>
          %lt3A_165 = arith.cmpi slt, %gather3A, %lt3A_164 : vector<16xi32>
          %and3A_166 = arith.andi %and3A_163, %lt3A_165 : vector<16xi1>
          %all_reduce_population_count3A = tpu.all_reduce %and3A_166 {dim = 0 : i64, kind = #tpu.reduction_kind<sum>} : vector<16xi1> -> vector<16xi32>
          %slice3A = vector.extract_strided_slice %all_reduce_population_count3A {offsets = [0], sizes = [1], strides = [1]} : vector<16xi32> to vector<1xi32>
          %squeeze3A = vector.extract %slice3A[0] : i32 from vector<1xi32>
          %gt3A = arith.constant 0 : i32
          %gt3A_167 = arith.cmpi sgt, %squeeze3A, %gt3A : i32
          %convert_element_type3A_168 = arith.extui %gt3A_167 : i1 to i32
          %cond3A_169 = arith.constant 0 : i32
          %cond3A_170 = arith.cmpi ne, %convert_element_type3A_168, %cond3A_169 : i32
          %cond3A_171 = scf.if %cond3A_170 -> (i32) {
            %add3A_172 = arith.addi %while3A_148, %squeeze3A : i32
            %gt3A_173 = arith.constant 128 : i32
            %gt3A_174 = arith.cmpi sgt, %add3A_172, %gt3A_173 : i32
            %convert_element_type3A_175 = arith.extui %gt3A_174 : i1 to i32
            %cond3A_176 = arith.constant 0 : i32
            %cond3A_177 = arith.constant 0 : i32
            %cond3A_178 = arith.cmpi ne, %convert_element_type3A_175, %cond3A_177 : i32
            %cond3A_179 = scf.if %cond3A_178 -> (i32) {
              %dma_start3A_292 = arith.constant 0 : i32
              %dma_start3A_293 = arith.constant 0 : i32
              %dma_start3A_294 = tpu.memref_slice %arg5[%dma_start3A_292, %dma_start3A_293] : memref<16384x128xf32, #tpu.memory_space<hbm>> -> memref<16384x128xf32, #tpu.memory_space<hbm>>
              %dma_start3A_295 = arith.constant -1 : i32
              tpu.enqueue_indirect_dma source(%arg10 : memref<128x128xf32, #tpu.memory_space<vmem>>) target(%dma_start3A_294 : memref<16384x128xf32, #tpu.memory_space<hbm>>) offsets(%arg11 : memref<128xi32, #tpu.memory_space<vmem>>) offset_filter(%dma_start3A_295) semaphore(%arg14 : memref<!tpu.dma_semaphore, #tpu.memory_space<semaphore_mem>>)
              %dma_wait3A_296 = arith.constant 0 : i32
              %dma_wait3A_297 = arith.constant 0 : i32
              %dma_wait3A_298 = tpu.memref_slice %arg5[%dma_wait3A_296, %dma_wait3A_297] : memref<16384x128xf32, #tpu.memory_space<hbm>> -> memref<16384x128xf32, #tpu.memory_space<hbm>>
              tpu.wait_indirect_dma semaphore(%arg14 : memref<!tpu.dma_semaphore, #tpu.memory_space<semaphore_mem>>) src(%arg10 : memref<128x128xf32, #tpu.memory_space<vmem>>) dst(%dma_wait3A_298 : memref<16384x128xf32, #tpu.memory_space<hbm>>)
              %broadcast_in_dim3A_299 = arith.constant -1 : i32
              %broadcast_in_dim3A_300 = vector.broadcast %broadcast_in_dim3A_299 : i32 to vector<16xi32>
              %swap3A_301 = arith.constant 0 : index
              %swap3A_302 = tpu.vector_load %arg11[%swap3A_301] {strides = array<i32>} : memref<128xi32, #tpu.memory_space<vmem>>, vector<16xi32>,
              tpu.vector_store %arg11[%swap3A_301], %broadcast_in_dim3A_300 {strides = array<i32>} : memref<128xi32, #tpu.memory_space<vmem>>, vector<16xi32>,
              %swap3A_303 = arith.constant 16 : index
              %swap3A_304 = tpu.vector_load %arg11[%swap3A_303] {strides = array<i32>} : memref<128xi32, #tpu.memory_space<vmem>>, vector<16xi32>,
              tpu.vector_store %arg11[%swap3A_303], %broadcast_in_dim3A_300 {strides = array<i32>} : memref<128xi32, #tpu.memory_space<vmem>>, vector<16xi32>,
              %swap3A_305 = arith.constant 32 : index
              %swap3A_306 = tpu.vector_load %arg11[%swap3A_305] {strides = array<i32>} : memref<128xi32, #tpu.memory_space<vmem>>, vector<16xi32>,
              tpu.vector_store %arg11[%swap3A_305], %broadcast_in_dim3A_300 {strides = array<i32>} : memref<128xi32, #tpu.memory_space<vmem>>, vector<16xi32>,
              %swap3A_307 = arith.constant 48 : index
              %swap3A_308 = tpu.vector_load %arg11[%swap3A_307] {strides = array<i32>} : memref<128xi32, #tpu.memory_space<vmem>>, vector<16xi32>,
              tpu.vector_store %arg11[%swap3A_307], %broadcast_in_dim3A_300 {strides = array<i32>} : memref<128xi32, #tpu.memory_space<vmem>>, vector<16xi32>,
              %swap3A_309 = arith.constant 64 : index
              %swap3A_310 = tpu.vector_load %arg11[%swap3A_309] {strides = array<i32>} : memref<128xi32, #tpu.memory_space<vmem>>, vector<16xi32>,
              tpu.vector_store %arg11[%swap3A_309], %broadcast_in_dim3A_300 {strides = array<i32>} : memref<128xi32, #tpu.memory_space<vmem>>, vector<16xi32>,
              %swap3A_311 = arith.constant 80 : index
              %swap3A_312 = tpu.vector_load %arg11[%swap3A_311] {strides = array<i32>} : memref<128xi32, #tpu.memory_space<vmem>>, vector<16xi32>,
              tpu.vector_store %arg11[%swap3A_311], %broadcast_in_dim3A_300 {strides = array<i32>} : memref<128xi32, #tpu.memory_space<vmem>>, vector<16xi32>,
              %swap3A_313 = arith.constant 96 : index
              %swap3A_314 = tpu.vector_load %arg11[%swap3A_313] {strides = array<i32>} : memref<128xi32, #tpu.memory_space<vmem>>, vector<16xi32>,
              tpu.vector_store %arg11[%swap3A_313], %broadcast_in_dim3A_300 {strides = array<i32>} : memref<128xi32, #tpu.memory_space<vmem>>, vector<16xi32>,
              %swap3A_315 = arith.constant 112 : index
              %swap3A_316 = tpu.vector_load %arg11[%swap3A_315] {strides = array<i32>} : memref<128xi32, #tpu.memory_space<vmem>>, vector<16xi32>,
              tpu.vector_store %arg11[%swap3A_315], %broadcast_in_dim3A_300 {strides = array<i32>} : memref<128xi32, #tpu.memory_space<vmem>>, vector<16xi32>,
              %cond3A_317 = arith.constant 0 : i32
              scf.yield %cond3A_317 : i32
            } else {
              scf.yield %while3A_148 : i32
            }
            %sub3A_180 = vector.broadcast %add3A_114 : i32 to vector<16xi32>
            %sub3A_181 = arith.subi %gather3A, %sub3A_180 : vector<16xi32>
            %max3A = arith.constant 0 : i32
            %max3A_182 = vector.broadcast %max3A : i32 to vector<16xi32>
            %max3A_183 = arith.maxsi %sub3A_181, %max3A_182 : vector<16xi32>
            %min3A_184 = arith.constant 1023 : i32
            %min3A_185 = vector.broadcast %min3A_184 : i32 to vector<16xi32>
            %min3A_186 = arith.minsi %max3A_183, %min3A_185 : vector<16xi32>
            %convert_element_type3A_187 = arith.extui %and3A_166 : vector<16xi1> to vector<16xi32>
            %broadcast_in_dim3A_188 = arith.constant true
            %broadcast_in_dim3A_189 = vector.broadcast %broadcast_in_dim3A_188 : i1 to vector<16xi1>
            %masked_cumsum3A = tpu.scan <sum>, %convert_element_type3A_187 masked %broadcast_in_dim3A_189 : vector<16xi32>, vector<16xi1> -> vector<16xi32>
            %add3A_190 = vector.broadcast %cond3A_179 : i32 to vector<16xi32>
            %add3A_191 = arith.addi %add3A_190, %masked_cumsum3A : vector<16xi32>
            %sub3A_192 = arith.constant 1 : i32
            %sub3A_193 = vector.broadcast %sub3A_192 : i32 to vector<16xi32>
            %sub3A_194 = arith.subi %add3A_191, %sub3A_193 : vector<16xi32>
            %broadcast_in_dim3A_195 = arith.constant 0 : i32
            %broadcast_in_dim3A_196 = vector.broadcast %broadcast_in_dim3A_195 : i32 to vector<16xi32>
            %gather3A_197 = tpu.vector_load_idx %arg9[%broadcast_in_dim3A_196, %min3A_186] masked %and3A_166 : memref<32x1024xf32, #tpu.memory_space<vmem>>[vector<16xi32>, vector<16xi32>], vector<16xf32>, vector<16xi1>
            tpu.vector_store_idx %arg10[%sub3A_194, %broadcast_in_dim3A_196], %gather3A_197 masked %and3A_166 : memref<128x128xf32, #tpu.memory_space<vmem>>[vector<16xi32>, vector<16xi32>], vector<16xf32>, vector<16xi1>
            %broadcast_in_dim3A_198 = arith.constant 1 : i32
            %broadcast_in_dim3A_199 = vector.broadcast %broadcast_in_dim3A_198 : i32 to vector<16xi32>
            %gather3A_200 = tpu.vector_load_idx %arg9[%broadcast_in_dim3A_199, %min3A_186] masked %and3A_166 : memref<32x1024xf32, #tpu.memory_space<vmem>>[vector<16xi32>, vector<16xi32>], vector<16xf32>, vector<16xi1>
            tpu.vector_store_idx %arg10[%sub3A_194, %broadcast_in_dim3A_199], %gather3A_200 masked %and3A_166 : memref<128x128xf32, #tpu.memory_space<vmem>>[vector<16xi32>, vector<16xi32>], vector<16xf32>, vector<16xi1>
            %broadcast_in_dim3A_201 = arith.constant 2 : i32
            %broadcast_in_dim3A_202 = vector.broadcast %broadcast_in_dim3A_201 : i32 to vector<16xi32>
            %gather3A_203 = tpu.vector_load_idx %arg9[%broadcast_in_dim3A_202, %min3A_186] masked %and3A_166 : memref<32x1024xf32, #tpu.memory_space<vmem>>[vector<16xi32>, vector<16xi32>], vector<16xf32>, vector<16xi1>
            tpu.vector_store_idx %arg10[%sub3A_194, %broadcast_in_dim3A_202], %gather3A_203 masked %and3A_166 : memref<128x128xf32, #tpu.memory_space<vmem>>[vector<16xi32>, vector<16xi32>], vector<16xf32>, vector<16xi1>
            %broadcast_in_dim3A_204 = arith.constant 3 : i32
            %broadcast_in_dim3A_205 = vector.broadcast %broadcast_in_dim3A_204 : i32 to vector<16xi32>
            %gather3A_206 = tpu.vector_load_idx %arg9[%broadcast_in_dim3A_205, %min3A_186] masked %and3A_166 : memref<32x1024xf32, #tpu.memory_space<vmem>>[vector<16xi32>, vector<16xi32>], vector<16xf32>, vector<16xi1>
            tpu.vector_store_idx %arg10[%sub3A_194, %broadcast_in_dim3A_205], %gather3A_206 masked %and3A_166 : memref<128x128xf32, #tpu.memory_space<vmem>>[vector<16xi32>, vector<16xi32>], vector<16xf32>, vector<16xi1>
            %broadcast_in_dim3A_207 = arith.constant 4 : i32
            %broadcast_in_dim3A_208 = vector.broadcast %broadcast_in_dim3A_207 : i32 to vector<16xi32>
            %gather3A_209 = tpu.vector_load_idx %arg9[%broadcast_in_dim3A_208, %min3A_186] masked %and3A_166 : memref<32x1024xf32, #tpu.memory_space<vmem>>[vector<16xi32>, vector<16xi32>], vector<16xf32>, vector<16xi1>
            tpu.vector_store_idx %arg10[%sub3A_194, %broadcast_in_dim3A_208], %gather3A_209 masked %and3A_166 : memref<128x128xf32, #tpu.memory_space<vmem>>[vector<16xi32>, vector<16xi32>], vector<16xf32>, vector<16xi1>
            %broadcast_in_dim3A_210 = arith.constant 5 : i32
            %broadcast_in_dim3A_211 = vector.broadcast %broadcast_in_dim3A_210 : i32 to vector<16xi32>
            %gather3A_212 = tpu.vector_load_idx %arg9[%broadcast_in_dim3A_211, %min3A_186] masked %and3A_166 : memref<32x1024xf32, #tpu.memory_space<vmem>>[vector<16xi32>, vector<16xi32>], vector<16xf32>, vector<16xi1>
            tpu.vector_store_idx %arg10[%sub3A_194, %broadcast_in_dim3A_211], %gather3A_212 masked %and3A_166 : memref<128x128xf32, #tpu.memory_space<vmem>>[vector<16xi32>, vector<16xi32>], vector<16xf32>, vector<16xi1>
            %broadcast_in_dim3A_213 = arith.constant 6 : i32
            %broadcast_in_dim3A_214 = vector.broadcast %broadcast_in_dim3A_213 : i32 to vector<16xi32>
            %gather3A_215 = tpu.vector_load_idx %arg9[%broadcast_in_dim3A_214, %min3A_186] masked %and3A_166 : memref<32x1024xf32, #tpu.memory_space<vmem>>[vector<16xi32>, vector<16xi32>], vector<16xf32>, vector<16xi1>
            tpu.vector_store_idx %arg10[%sub3A_194, %broadcast_in_dim3A_214], %gather3A_215 masked %and3A_166 : memref<128x128xf32, #tpu.memory_space<vmem>>[vector<16xi32>, vector<16xi32>], vector<16xf32>, vector<16xi1>
            %broadcast_in_dim3A_216 = arith.constant 7 : i32
            %broadcast_in_dim3A_217 = vector.broadcast %broadcast_in_dim3A_216 : i32 to vector<16xi32>
            %gather3A_218 = tpu.vector_load_idx %arg9[%broadcast_in_dim3A_217, %min3A_186] masked %and3A_166 : memref<32x1024xf32, #tpu.memory_space<vmem>>[vector<16xi32>, vector<16xi32>], vector<16xf32>, vector<16xi1>
            tpu.vector_store_idx %arg10[%sub3A_194, %broadcast_in_dim3A_217], %gather3A_218 masked %and3A_166 : memref<128x128xf32, #tpu.memory_space<vmem>>[vector<16xi32>, vector<16xi32>], vector<16xf32>, vector<16xi1>
            %broadcast_in_dim3A_219 = arith.constant 8 : i32
            %broadcast_in_dim3A_220 = vector.broadcast %broadcast_in_dim3A_219 : i32 to vector<16xi32>
            %gather3A_221 = tpu.vector_load_idx %arg9[%broadcast_in_dim3A_220, %min3A_186] masked %and3A_166 : memref<32x1024xf32, #tpu.memory_space<vmem>>[vector<16xi32>, vector<16xi32>], vector<16xf32>, vector<16xi1>
            tpu.vector_store_idx %arg10[%sub3A_194, %broadcast_in_dim3A_220], %gather3A_221 masked %and3A_166 : memref<128x128xf32, #tpu.memory_space<vmem>>[vector<16xi32>, vector<16xi32>], vector<16xf32>, vector<16xi1>
            %broadcast_in_dim3A_222 = arith.constant 9 : i32
            %broadcast_in_dim3A_223 = vector.broadcast %broadcast_in_dim3A_222 : i32 to vector<16xi32>
            %gather3A_224 = tpu.vector_load_idx %arg9[%broadcast_in_dim3A_223, %min3A_186] masked %and3A_166 : memref<32x1024xf32, #tpu.memory_space<vmem>>[vector<16xi32>, vector<16xi32>], vector<16xf32>, vector<16xi1>
            tpu.vector_store_idx %arg10[%sub3A_194, %broadcast_in_dim3A_223], %gather3A_224 masked %and3A_166 : memref<128x128xf32, #tpu.memory_space<vmem>>[vector<16xi32>, vector<16xi32>], vector<16xf32>, vector<16xi1>
            %broadcast_in_dim3A_225 = arith.constant 10 : i32
            %broadcast_in_dim3A_226 = vector.broadcast %broadcast_in_dim3A_225 : i32 to vector<16xi32>
            %gather3A_227 = tpu.vector_load_idx %arg9[%broadcast_in_dim3A_226, %min3A_186] masked %and3A_166 : memref<32x1024xf32, #tpu.memory_space<vmem>>[vector<16xi32>, vector<16xi32>], vector<16xf32>, vector<16xi1>
            tpu.vector_store_idx %arg10[%sub3A_194, %broadcast_in_dim3A_226], %gather3A_227 masked %and3A_166 : memref<128x128xf32, #tpu.memory_space<vmem>>[vector<16xi32>, vector<16xi32>], vector<16xf32>, vector<16xi1>
            %broadcast_in_dim3A_228 = arith.constant 11 : i32
            %broadcast_in_dim3A_229 = vector.broadcast %broadcast_in_dim3A_228 : i32 to vector<16xi32>
            %gather3A_230 = tpu.vector_load_idx %arg9[%broadcast_in_dim3A_229, %min3A_186] masked %and3A_166 : memref<32x1024xf32, #tpu.memory_space<vmem>>[vector<16xi32>, vector<16xi32>], vector<16xf32>, vector<16xi1>
            tpu.vector_store_idx %arg10[%sub3A_194, %broadcast_in_dim3A_229], %gather3A_230 masked %and3A_166 : memref<128x128xf32, #tpu.memory_space<vmem>>[vector<16xi32>, vector<16xi32>], vector<16xf32>, vector<16xi1>
            %broadcast_in_dim3A_231 = arith.constant 12 : i32
            %broadcast_in_dim3A_232 = vector.broadcast %broadcast_in_dim3A_231 : i32 to vector<16xi32>
            %gather3A_233 = tpu.vector_load_idx %arg9[%broadcast_in_dim3A_232, %min3A_186] masked %and3A_166 : memref<32x1024xf32, #tpu.memory_space<vmem>>[vector<16xi32>, vector<16xi32>], vector<16xf32>, vector<16xi1>
            tpu.vector_store_idx %arg10[%sub3A_194, %broadcast_in_dim3A_232], %gather3A_233 masked %and3A_166 : memref<128x128xf32, #tpu.memory_space<vmem>>[vector<16xi32>, vector<16xi32>], vector<16xf32>, vector<16xi1>
            %broadcast_in_dim3A_234 = arith.constant 13 : i32
            %broadcast_in_dim3A_235 = vector.broadcast %broadcast_in_dim3A_234 : i32 to vector<16xi32>
            %gather3A_236 = tpu.vector_load_idx %arg9[%broadcast_in_dim3A_235, %min3A_186] masked %and3A_166 : memref<32x1024xf32, #tpu.memory_space<vmem>>[vector<16xi32>, vector<16xi32>], vector<16xf32>, vector<16xi1>
            tpu.vector_store_idx %arg10[%sub3A_194, %broadcast_in_dim3A_235], %gather3A_236 masked %and3A_166 : memref<128x128xf32, #tpu.memory_space<vmem>>[vector<16xi32>, vector<16xi32>], vector<16xf32>, vector<16xi1>
            %broadcast_in_dim3A_237 = arith.constant 14 : i32
            %broadcast_in_dim3A_238 = vector.broadcast %broadcast_in_dim3A_237 : i32 to vector<16xi32>
            %gather3A_239 = tpu.vector_load_idx %arg9[%broadcast_in_dim3A_238, %min3A_186] masked %and3A_166 : memref<32x1024xf32, #tpu.memory_space<vmem>>[vector<16xi32>, vector<16xi32>], vector<16xf32>, vector<16xi1>
            tpu.vector_store_idx %arg10[%sub3A_194, %broadcast_in_dim3A_238], %gather3A_239 masked %and3A_166 : memref<128x128xf32, #tpu.memory_space<vmem>>[vector<16xi32>, vector<16xi32>], vector<16xf32>, vector<16xi1>
            %broadcast_in_dim3A_240 = arith.constant 15 : i32
            %broadcast_in_dim3A_241 = vector.broadcast %broadcast_in_dim3A_240 : i32 to vector<16xi32>
            %gather3A_242 = tpu.vector_load_idx %arg9[%broadcast_in_dim3A_241, %min3A_186] masked %and3A_166 : memref<32x1024xf32, #tpu.memory_space<vmem>>[vector<16xi32>, vector<16xi32>], vector<16xf32>, vector<16xi1>
            tpu.vector_store_idx %arg10[%sub3A_194, %broadcast_in_dim3A_241], %gather3A_242 masked %and3A_166 : memref<128x128xf32, #tpu.memory_space<vmem>>[vector<16xi32>, vector<16xi32>], vector<16xf32>, vector<16xi1>
            %broadcast_in_dim3A_243 = arith.constant 16 : i32
            %broadcast_in_dim3A_244 = vector.broadcast %broadcast_in_dim3A_243 : i32 to vector<16xi32>
            %gather3A_245 = tpu.vector_load_idx %arg9[%broadcast_in_dim3A_244, %min3A_186] masked %and3A_166 : memref<32x1024xf32, #tpu.memory_space<vmem>>[vector<16xi32>, vector<16xi32>], vector<16xf32>, vector<16xi1>
            tpu.vector_store_idx %arg10[%sub3A_194, %broadcast_in_dim3A_244], %gather3A_245 masked %and3A_166 : memref<128x128xf32, #tpu.memory_space<vmem>>[vector<16xi32>, vector<16xi32>], vector<16xf32>, vector<16xi1>
            %broadcast_in_dim3A_246 = arith.constant 17 : i32
            %broadcast_in_dim3A_247 = vector.broadcast %broadcast_in_dim3A_246 : i32 to vector<16xi32>
            %gather3A_248 = tpu.vector_load_idx %arg9[%broadcast_in_dim3A_247, %min3A_186] masked %and3A_166 : memref<32x1024xf32, #tpu.memory_space<vmem>>[vector<16xi32>, vector<16xi32>], vector<16xf32>, vector<16xi1>
            tpu.vector_store_idx %arg10[%sub3A_194, %broadcast_in_dim3A_247], %gather3A_248 masked %and3A_166 : memref<128x128xf32, #tpu.memory_space<vmem>>[vector<16xi32>, vector<16xi32>], vector<16xf32>, vector<16xi1>
            %broadcast_in_dim3A_249 = arith.constant 18 : i32
            %broadcast_in_dim3A_250 = vector.broadcast %broadcast_in_dim3A_249 : i32 to vector<16xi32>
            %gather3A_251 = tpu.vector_load_idx %arg9[%broadcast_in_dim3A_250, %min3A_186] masked %and3A_166 : memref<32x1024xf32, #tpu.memory_space<vmem>>[vector<16xi32>, vector<16xi32>], vector<16xf32>, vector<16xi1>
            tpu.vector_store_idx %arg10[%sub3A_194, %broadcast_in_dim3A_250], %gather3A_251 masked %and3A_166 : memref<128x128xf32, #tpu.memory_space<vmem>>[vector<16xi32>, vector<16xi32>], vector<16xf32>, vector<16xi1>
            %broadcast_in_dim3A_252 = arith.constant 19 : i32
            %broadcast_in_dim3A_253 = vector.broadcast %broadcast_in_dim3A_252 : i32 to vector<16xi32>
            %gather3A_254 = tpu.vector_load_idx %arg9[%broadcast_in_dim3A_253, %min3A_186] masked %and3A_166 : memref<32x1024xf32, #tpu.memory_space<vmem>>[vector<16xi32>, vector<16xi32>], vector<16xf32>, vector<16xi1>
            tpu.vector_store_idx %arg10[%sub3A_194, %broadcast_in_dim3A_253], %gather3A_254 masked %and3A_166 : memref<128x128xf32, #tpu.memory_space<vmem>>[vector<16xi32>, vector<16xi32>], vector<16xf32>, vector<16xi1>
            %broadcast_in_dim3A_255 = arith.constant 20 : i32
            %broadcast_in_dim3A_256 = vector.broadcast %broadcast_in_dim3A_255 : i32 to vector<16xi32>
            %gather3A_257 = tpu.vector_load_idx %arg9[%broadcast_in_dim3A_256, %min3A_186] masked %and3A_166 : memref<32x1024xf32, #tpu.memory_space<vmem>>[vector<16xi32>, vector<16xi32>], vector<16xf32>, vector<16xi1>
            tpu.vector_store_idx %arg10[%sub3A_194, %broadcast_in_dim3A_256], %gather3A_257 masked %and3A_166 : memref<128x128xf32, #tpu.memory_space<vmem>>[vector<16xi32>, vector<16xi32>], vector<16xf32>, vector<16xi1>
            %broadcast_in_dim3A_258 = arith.constant 21 : i32
            %broadcast_in_dim3A_259 = vector.broadcast %broadcast_in_dim3A_258 : i32 to vector<16xi32>
            %gather3A_260 = tpu.vector_load_idx %arg9[%broadcast_in_dim3A_259, %min3A_186] masked %and3A_166 : memref<32x1024xf32, #tpu.memory_space<vmem>>[vector<16xi32>, vector<16xi32>], vector<16xf32>, vector<16xi1>
            tpu.vector_store_idx %arg10[%sub3A_194, %broadcast_in_dim3A_259], %gather3A_260 masked %and3A_166 : memref<128x128xf32, #tpu.memory_space<vmem>>[vector<16xi32>, vector<16xi32>], vector<16xf32>, vector<16xi1>
            %broadcast_in_dim3A_261 = arith.constant 22 : i32
            %broadcast_in_dim3A_262 = vector.broadcast %broadcast_in_dim3A_261 : i32 to vector<16xi32>
            %gather3A_263 = tpu.vector_load_idx %arg9[%broadcast_in_dim3A_262, %min3A_186] masked %and3A_166 : memref<32x1024xf32, #tpu.memory_space<vmem>>[vector<16xi32>, vector<16xi32>], vector<16xf32>, vector<16xi1>
            tpu.vector_store_idx %arg10[%sub3A_194, %broadcast_in_dim3A_262], %gather3A_263 masked %and3A_166 : memref<128x128xf32, #tpu.memory_space<vmem>>[vector<16xi32>, vector<16xi32>], vector<16xf32>, vector<16xi1>
            %broadcast_in_dim3A_264 = arith.constant 23 : i32
            %broadcast_in_dim3A_265 = vector.broadcast %broadcast_in_dim3A_264 : i32 to vector<16xi32>
            %gather3A_266 = tpu.vector_load_idx %arg9[%broadcast_in_dim3A_265, %min3A_186] masked %and3A_166 : memref<32x1024xf32, #tpu.memory_space<vmem>>[vector<16xi32>, vector<16xi32>], vector<16xf32>, vector<16xi1>
            tpu.vector_store_idx %arg10[%sub3A_194, %broadcast_in_dim3A_265], %gather3A_266 masked %and3A_166 : memref<128x128xf32, #tpu.memory_space<vmem>>[vector<16xi32>, vector<16xi32>], vector<16xf32>, vector<16xi1>
            %broadcast_in_dim3A_267 = arith.constant 24 : i32
            %broadcast_in_dim3A_268 = vector.broadcast %broadcast_in_dim3A_267 : i32 to vector<16xi32>
            %gather3A_269 = tpu.vector_load_idx %arg9[%broadcast_in_dim3A_268, %min3A_186] masked %and3A_166 : memref<32x1024xf32, #tpu.memory_space<vmem>>[vector<16xi32>, vector<16xi32>], vector<16xf32>, vector<16xi1>
            tpu.vector_store_idx %arg10[%sub3A_194, %broadcast_in_dim3A_268], %gather3A_269 masked %and3A_166 : memref<128x128xf32, #tpu.memory_space<vmem>>[vector<16xi32>, vector<16xi32>], vector<16xf32>, vector<16xi1>
            %broadcast_in_dim3A_270 = arith.constant 25 : i32
            %broadcast_in_dim3A_271 = vector.broadcast %broadcast_in_dim3A_270 : i32 to vector<16xi32>
            %gather3A_272 = tpu.vector_load_idx %arg9[%broadcast_in_dim3A_271, %min3A_186] masked %and3A_166 : memref<32x1024xf32, #tpu.memory_space<vmem>>[vector<16xi32>, vector<16xi32>], vector<16xf32>, vector<16xi1>
            tpu.vector_store_idx %arg10[%sub3A_194, %broadcast_in_dim3A_271], %gather3A_272 masked %and3A_166 : memref<128x128xf32, #tpu.memory_space<vmem>>[vector<16xi32>, vector<16xi32>], vector<16xf32>, vector<16xi1>
            %broadcast_in_dim3A_273 = arith.constant 26 : i32
            %broadcast_in_dim3A_274 = vector.broadcast %broadcast_in_dim3A_273 : i32 to vector<16xi32>
            %gather3A_275 = tpu.vector_load_idx %arg9[%broadcast_in_dim3A_274, %min3A_186] masked %and3A_166 : memref<32x1024xf32, #tpu.memory_space<vmem>>[vector<16xi32>, vector<16xi32>], vector<16xf32>, vector<16xi1>
            tpu.vector_store_idx %arg10[%sub3A_194, %broadcast_in_dim3A_274], %gather3A_275 masked %and3A_166 : memref<128x128xf32, #tpu.memory_space<vmem>>[vector<16xi32>, vector<16xi32>], vector<16xf32>, vector<16xi1>
            %broadcast_in_dim3A_276 = arith.constant 27 : i32
            %broadcast_in_dim3A_277 = vector.broadcast %broadcast_in_dim3A_276 : i32 to vector<16xi32>
            %gather3A_278 = tpu.vector_load_idx %arg9[%broadcast_in_dim3A_277, %min3A_186] masked %and3A_166 : memref<32x1024xf32, #tpu.memory_space<vmem>>[vector<16xi32>, vector<16xi32>], vector<16xf32>, vector<16xi1>
            tpu.vector_store_idx %arg10[%sub3A_194, %broadcast_in_dim3A_277], %gather3A_278 masked %and3A_166 : memref<128x128xf32, #tpu.memory_space<vmem>>[vector<16xi32>, vector<16xi32>], vector<16xf32>, vector<16xi1>
            %broadcast_in_dim3A_279 = arith.constant 28 : i32
            %broadcast_in_dim3A_280 = vector.broadcast %broadcast_in_dim3A_279 : i32 to vector<16xi32>
            %gather3A_281 = tpu.vector_load_idx %arg9[%broadcast_in_dim3A_280, %min3A_186] masked %and3A_166 : memref<32x1024xf32, #tpu.memory_space<vmem>>[vector<16xi32>, vector<16xi32>], vector<16xf32>, vector<16xi1>
            tpu.vector_store_idx %arg10[%sub3A_194, %broadcast_in_dim3A_280], %gather3A_281 masked %and3A_166 : memref<128x128xf32, #tpu.memory_space<vmem>>[vector<16xi32>, vector<16xi32>], vector<16xf32>, vector<16xi1>
            %broadcast_in_dim3A_282 = arith.constant 29 : i32
            %broadcast_in_dim3A_283 = vector.broadcast %broadcast_in_dim3A_282 : i32 to vector<16xi32>
            %gather3A_284 = tpu.vector_load_idx %arg9[%broadcast_in_dim3A_283, %min3A_186] masked %and3A_166 : memref<32x1024xf32, #tpu.memory_space<vmem>>[vector<16xi32>, vector<16xi32>], vector<16xf32>, vector<16xi1>
            tpu.vector_store_idx %arg10[%sub3A_194, %broadcast_in_dim3A_283], %gather3A_284 masked %and3A_166 : memref<128x128xf32, #tpu.memory_space<vmem>>[vector<16xi32>, vector<16xi32>], vector<16xf32>, vector<16xi1>
            %broadcast_in_dim3A_285 = arith.constant 30 : i32
            %broadcast_in_dim3A_286 = vector.broadcast %broadcast_in_dim3A_285 : i32 to vector<16xi32>
            %gather3A_287 = tpu.vector_load_idx %arg9[%broadcast_in_dim3A_286, %min3A_186] masked %and3A_166 : memref<32x1024xf32, #tpu.memory_space<vmem>>[vector<16xi32>, vector<16xi32>], vector<16xf32>, vector<16xi1>
            tpu.vector_store_idx %arg10[%sub3A_194, %broadcast_in_dim3A_286], %gather3A_287 masked %and3A_166 : memref<128x128xf32, #tpu.memory_space<vmem>>[vector<16xi32>, vector<16xi32>], vector<16xf32>, vector<16xi1>
            %broadcast_in_dim3A_288 = arith.constant 31 : i32
            %broadcast_in_dim3A_289 = vector.broadcast %broadcast_in_dim3A_288 : i32 to vector<16xi32>
            %gather3A_290 = tpu.vector_load_idx %arg9[%broadcast_in_dim3A_289, %min3A_186] masked %and3A_166 : memref<32x1024xf32, #tpu.memory_space<vmem>>[vector<16xi32>, vector<16xi32>], vector<16xf32>, vector<16xi1>
            tpu.vector_store_idx %arg10[%sub3A_194, %broadcast_in_dim3A_289], %gather3A_290 masked %and3A_166 : memref<128x128xf32, #tpu.memory_space<vmem>>[vector<16xi32>, vector<16xi32>], vector<16xf32>, vector<16xi1>
            tpu.vector_store_idx %arg11[%sub3A_194], %get3A_151 masked %and3A_166 : memref<128xi32, #tpu.memory_space<vmem>>[vector<16xi32>], vector<16xi32>, vector<16xi1>
            %add3A_291 = arith.addi %cond3A_179, %squeeze3A : i32
            scf.yield %add3A_291 : i32
          } else {
            scf.yield %while3A_148 : i32
          }
          scf.yield %cond3A_171 : i32
        }
        %add3A_142 = arith.constant 2 : i32
        %add3A_143 = arith.addi %while3A_110, %add3A_142 : i32
        %lt3A = arith.cmpi slt, %add3A_143, %sub3A_4 : i32
        %convert_element_type3A_144 = arith.extui %lt3A : i1 to i32
        %cond3A_145 = arith.constant 0 : i32
        %cond3A_146 = arith.cmpi ne, %convert_element_type3A_144, %cond3A_145 : i32
        scf.if %cond3A_146 {
          %add3A_147 = arith.constant 2 : i32
          %add3A_148 = arith.addi %while3A_110, %add3A_147 : i32
          %mul3A_149 = arith.constant 1024 : i32
          %mul3A_150 = arith.muli %add3A_148, %mul3A_149 : i32
          %add3A_151 = arith.addi %mul3A_10, %mul3A_150 : i32
          %multiple_of3A_152 = tpu.assume_multiple %add3A_151, 1024 : i32
          %dma_start3A_153 = arith.constant 0 : i32
          %dma_start3A_154 = tpu.memref_slice %arg3[%dma_start3A_153, %multiple_of3A_152] : memref<32x1000000xf32, #tpu.memory_space<hbm>> -> memref<32x1024xf32, #tpu.memory_space<hbm>>
          %dma_start3A_155 = arith.constant 0 : i32
          %dma_start3A_156 = tpu.memref_slice %arg3[%dma_start3A_155, %multiple_of3A_152] : memref<32x1000000xf32, #tpu.memory_space<hbm>> -> memref<32x1024xf32, #tpu.memory_space<hbm>>
          tpu.enqueue_dma source(%dma_start3A_156 : memref<32x1024xf32, #tpu.memory_space<hbm>>) target(%arg9 : memref<32x1024xf32, #tpu.memory_space<vmem>>) target_semaphore(%arg13 : memref<!tpu.dma_semaphore, #tpu.memory_space<semaphore_mem>>)
        } else {
        }
        scf.yield %while3A_141 : i32
      }
      scf.yield %cond3A_122 : i32
    }
    %while3A_82 = arith.constant 1 : i32
    %while3A_83 = scf.for %while3A_110 = %while3A_79 to %while3A_75 step %while3A_82 iter_args(%while3A_111 = %while3A_81) -> (i32)  : i32 {
      %mul3A_112 = arith.constant 1024 : i32
      %mul3A_113 = arith.muli %while3A_110, %mul3A_112 : i32
      %add3A_114 = arith.addi %mul3A_10, %mul3A_113 : i32
      %and3A_115 = arith.constant 1 : i32
      %and3A_116 = arith.andi %while3A_110, %and3A_115 : i32
      %eq3A_117 = arith.constant 0 : i32
      %eq3A_118 = arith.cmpi eq, %and3A_116, %eq3A_117 : i32
      %convert_element_type3A_119 = arith.extui %eq3A_118 : i1 to i32
      %cond3A_120 = arith.constant 0 : i32
      %cond3A_121 = arith.cmpi ne, %convert_element_type3A_119, %cond3A_120 : i32
      %cond3A_122 = scf.if %cond3A_121 -> (i32) {
        %dma_wait3A_123 = arith.constant 0 : i32
        %dma_wait3A_124 = arith.constant 0 : i32
        %dma_wait3A_125 = tpu.memref_slice %arg3[%dma_wait3A_123, %dma_wait3A_124] : memref<32x1000000xf32, #tpu.memory_space<hbm>> -> memref<32x1024xf32, #tpu.memory_space<hbm>>
        %dma_wait3A_126 = arith.constant 0 : i32
        %dma_wait3A_127 = arith.constant 0 : i32
        %dma_wait3A_128 = tpu.memref_slice %arg3[%dma_wait3A_126, %dma_wait3A_127] : memref<32x1000000xf32, #tpu.memory_space<hbm>> -> memref<32x1024xf32, #tpu.memory_space<hbm>>
        tpu.wait_dma2 semaphore(%arg12 : memref<!tpu.dma_semaphore, #tpu.memory_space<semaphore_mem>>) src(%dma_wait3A_128 : memref<32x1024xf32, #tpu.memory_space<hbm>>) dst(%arg8 : memref<32x1024xf32, #tpu.memory_space<vmem>>)
        %add3A_129 = arith.constant 1024 : i32
        %add3A_130 = arith.addi %add3A_114, %add3A_129 : i32
        %while3A_131 = arith.constant 0 : i32
        %while3A_132 = arith.subi %select_n3A_56, %while3A_131 : i32
        %while3A_133 = arith.addi %while3A_131, %while3A_132 : i32
        %while3A_134 = arith.constant 1 : i32
        %while3A_135 = arith.divsi %while3A_132, %while3A_134 : i32
        %while3A_136 = arith.muli %while3A_135, %while3A_134 : i32
        %while3A_137 = arith.addi %while3A_131, %while3A_136 : i32
        %while3A_138 = arith.constant 1 : i32
        %while3A_139 = scf.for %while3A_147 = %while3A_131 to %while3A_137 step %while3A_138 iter_args(%while3A_148 = %while3A_111) -> (i32)  : i32 {
          %mul3A_149 = arith.constant 16 : i32
          %mul3A_150 = arith.muli %while3A_147, %mul3A_149 : i32
          %get3A = arith.index_cast %mul3A_150 : i32 to index
          %get3A_151 = tpu.vector_load %arg7[%get3A] {strides = array<i32>} : memref<16400xi32, #tpu.memory_space<vmem>>, vector<16xi32>,
          %mul3A_152 = arith.constant 16 : i32
          %mul3A_153 = arith.muli %while3A_147, %mul3A_152 : i32
          %add3A_154 = vector.broadcast %mul3A_153 : i32 to vector<16xi32>
          %add3A_155 = arith.addi %add3A_154, %iota3A : vector<16xi32>
          %lt3A_156 = vector.broadcast %scan3A_34 : i32 to vector<16xi32>
          %lt3A_157 = arith.cmpi slt, %add3A_155, %lt3A_156 : vector<16xi32>
          %and3A_158 = arith.constant 16383 : i32
          %and3A_159 = vector.broadcast %and3A_158 : i32 to vector<16xi32>
          %and3A_160 = arith.andi %get3A_151, %and3A_159 : vector<16xi32>
          %gather3A = tpu.vector_load_idx %arg6[%and3A_160] : memref<16384xi32, #tpu.memory_space<vmem>>[vector<16xi32>], vector<16xi32>,
          %ge3A_161 = vector.broadcast %add3A_114 : i32 to vector<16xi32>
          %ge3A_162 = arith.cmpi sge, %gather3A, %ge3A_161 : vector<16xi32>
          %and3A_163 = arith.andi %lt3A_157, %ge3A_162 : vector<16xi1>
          %lt3A_164 = vector.broadcast %add3A_130 : i32 to vector<16xi32>
          %lt3A_165 = arith.cmpi slt, %gather3A, %lt3A_164 : vector<16xi32>
          %and3A_166 = arith.andi %and3A_163, %lt3A_165 : vector<16xi1>
          %all_reduce_population_count3A = tpu.all_reduce %and3A_166 {dim = 0 : i64, kind = #tpu.reduction_kind<sum>} : vector<16xi1> -> vector<16xi32>
          %slice3A = vector.extract_strided_slice %all_reduce_population_count3A {offsets = [0], sizes = [1], strides = [1]} : vector<16xi32> to vector<1xi32>
          %squeeze3A = vector.extract %slice3A[0] : i32 from vector<1xi32>
          %gt3A = arith.constant 0 : i32
          %gt3A_167 = arith.cmpi sgt, %squeeze3A, %gt3A : i32
          %convert_element_type3A_168 = arith.extui %gt3A_167 : i1 to i32
          %cond3A_169 = arith.constant 0 : i32
          %cond3A_170 = arith.cmpi ne, %convert_element_type3A_168, %cond3A_169 : i32
          %cond3A_171 = scf.if %cond3A_170 -> (i32) {
            %add3A_172 = arith.addi %while3A_148, %squeeze3A : i32
            %gt3A_173 = arith.constant 128 : i32
            %gt3A_174 = arith.cmpi sgt, %add3A_172, %gt3A_173 : i32
            %convert_element_type3A_175 = arith.extui %gt3A_174 : i1 to i32
            %cond3A_176 = arith.constant 0 : i32
            %cond3A_177 = arith.constant 0 : i32
            %cond3A_178 = arith.cmpi ne, %convert_element_type3A_175, %cond3A_177 : i32
            %cond3A_179 = scf.if %cond3A_178 -> (i32) {
              %dma_start3A_292 = arith.constant 0 : i32
              %dma_start3A_293 = arith.constant 0 : i32
              %dma_start3A_294 = tpu.memref_slice %arg5[%dma_start3A_292, %dma_start3A_293] : memref<16384x128xf32, #tpu.memory_space<hbm>> -> memref<16384x128xf32, #tpu.memory_space<hbm>>
              %dma_start3A_295 = arith.constant -1 : i32
              tpu.enqueue_indirect_dma source(%arg10 : memref<128x128xf32, #tpu.memory_space<vmem>>) target(%dma_start3A_294 : memref<16384x128xf32, #tpu.memory_space<hbm>>) offsets(%arg11 : memref<128xi32, #tpu.memory_space<vmem>>) offset_filter(%dma_start3A_295) semaphore(%arg14 : memref<!tpu.dma_semaphore, #tpu.memory_space<semaphore_mem>>)
              %dma_wait3A_296 = arith.constant 0 : i32
              %dma_wait3A_297 = arith.constant 0 : i32
              %dma_wait3A_298 = tpu.memref_slice %arg5[%dma_wait3A_296, %dma_wait3A_297] : memref<16384x128xf32, #tpu.memory_space<hbm>> -> memref<16384x128xf32, #tpu.memory_space<hbm>>
              tpu.wait_indirect_dma semaphore(%arg14 : memref<!tpu.dma_semaphore, #tpu.memory_space<semaphore_mem>>) src(%arg10 : memref<128x128xf32, #tpu.memory_space<vmem>>) dst(%dma_wait3A_298 : memref<16384x128xf32, #tpu.memory_space<hbm>>)
              %broadcast_in_dim3A_299 = arith.constant -1 : i32
              %broadcast_in_dim3A_300 = vector.broadcast %broadcast_in_dim3A_299 : i32 to vector<16xi32>
              %swap3A_301 = arith.constant 0 : index
              %swap3A_302 = tpu.vector_load %arg11[%swap3A_301] {strides = array<i32>} : memref<128xi32, #tpu.memory_space<vmem>>, vector<16xi32>,
              tpu.vector_store %arg11[%swap3A_301], %broadcast_in_dim3A_300 {strides = array<i32>} : memref<128xi32, #tpu.memory_space<vmem>>, vector<16xi32>,
              %swap3A_303 = arith.constant 16 : index
              %swap3A_304 = tpu.vector_load %arg11[%swap3A_303] {strides = array<i32>} : memref<128xi32, #tpu.memory_space<vmem>>, vector<16xi32>,
              tpu.vector_store %arg11[%swap3A_303], %broadcast_in_dim3A_300 {strides = array<i32>} : memref<128xi32, #tpu.memory_space<vmem>>, vector<16xi32>,
              %swap3A_305 = arith.constant 32 : index
              %swap3A_306 = tpu.vector_load %arg11[%swap3A_305] {strides = array<i32>} : memref<128xi32, #tpu.memory_space<vmem>>, vector<16xi32>,
              tpu.vector_store %arg11[%swap3A_305], %broadcast_in_dim3A_300 {strides = array<i32>} : memref<128xi32, #tpu.memory_space<vmem>>, vector<16xi32>,
              %swap3A_307 = arith.constant 48 : index
              %swap3A_308 = tpu.vector_load %arg11[%swap3A_307] {strides = array<i32>} : memref<128xi32, #tpu.memory_space<vmem>>, vector<16xi32>,
              tpu.vector_store %arg11[%swap3A_307], %broadcast_in_dim3A_300 {strides = array<i32>} : memref<128xi32, #tpu.memory_space<vmem>>, vector<16xi32>,
              %swap3A_309 = arith.constant 64 : index
              %swap3A_310 = tpu.vector_load %arg11[%swap3A_309] {strides = array<i32>} : memref<128xi32, #tpu.memory_space<vmem>>, vector<16xi32>,
              tpu.vector_store %arg11[%swap3A_309], %broadcast_in_dim3A_300 {strides = array<i32>} : memref<128xi32, #tpu.memory_space<vmem>>, vector<16xi32>,
              %swap3A_311 = arith.constant 80 : index
              %swap3A_312 = tpu.vector_load %arg11[%swap3A_311] {strides = array<i32>} : memref<128xi32, #tpu.memory_space<vmem>>, vector<16xi32>,
              tpu.vector_store %arg11[%swap3A_311], %broadcast_in_dim3A_300 {strides = array<i32>} : memref<128xi32, #tpu.memory_space<vmem>>, vector<16xi32>,
              %swap3A_313 = arith.constant 96 : index
              %swap3A_314 = tpu.vector_load %arg11[%swap3A_313] {strides = array<i32>} : memref<128xi32, #tpu.memory_space<vmem>>, vector<16xi32>,
              tpu.vector_store %arg11[%swap3A_313], %broadcast_in_dim3A_300 {strides = array<i32>} : memref<128xi32, #tpu.memory_space<vmem>>, vector<16xi32>,
              %swap3A_315 = arith.constant 112 : index
              %swap3A_316 = tpu.vector_load %arg11[%swap3A_315] {strides = array<i32>} : memref<128xi32, #tpu.memory_space<vmem>>, vector<16xi32>,
              tpu.vector_store %arg11[%swap3A_315], %broadcast_in_dim3A_300 {strides = array<i32>} : memref<128xi32, #tpu.memory_space<vmem>>, vector<16xi32>,
              %cond3A_317 = arith.constant 0 : i32
              scf.yield %cond3A_317 : i32
            } else {
              scf.yield %while3A_148 : i32
            }
            %sub3A_180 = vector.broadcast %add3A_114 : i32 to vector<16xi32>
            %sub3A_181 = arith.subi %gather3A, %sub3A_180 : vector<16xi32>
            %max3A = arith.constant 0 : i32
            %max3A_182 = vector.broadcast %max3A : i32 to vector<16xi32>
            %max3A_183 = arith.maxsi %sub3A_181, %max3A_182 : vector<16xi32>
            %min3A_184 = arith.constant 1023 : i32
            %min3A_185 = vector.broadcast %min3A_184 : i32 to vector<16xi32>
            %min3A_186 = arith.minsi %max3A_183, %min3A_185 : vector<16xi32>
            %convert_element_type3A_187 = arith.extui %and3A_166 : vector<16xi1> to vector<16xi32>
            %broadcast_in_dim3A_188 = arith.constant true
            %broadcast_in_dim3A_189 = vector.broadcast %broadcast_in_dim3A_188 : i1 to vector<16xi1>
            %masked_cumsum3A = tpu.scan <sum>, %convert_element_type3A_187 masked %broadcast_in_dim3A_189 : vector<16xi32>, vector<16xi1> -> vector<16xi32>
            %add3A_190 = vector.broadcast %cond3A_179 : i32 to vector<16xi32>
            %add3A_191 = arith.addi %add3A_190, %masked_cumsum3A : vector<16xi32>
            %sub3A_192 = arith.constant 1 : i32
            %sub3A_193 = vector.broadcast %sub3A_192 : i32 to vector<16xi32>
            %sub3A_194 = arith.subi %add3A_191, %sub3A_193 : vector<16xi32>
            %broadcast_in_dim3A_195 = arith.constant 0 : i32
            %broadcast_in_dim3A_196 = vector.broadcast %broadcast_in_dim3A_195 : i32 to vector<16xi32>
            %gather3A_197 = tpu.vector_load_idx %arg8[%broadcast_in_dim3A_196, %min3A_186] masked %and3A_166 : memref<32x1024xf32, #tpu.memory_space<vmem>>[vector<16xi32>, vector<16xi32>], vector<16xf32>, vector<16xi1>
            tpu.vector_store_idx %arg10[%sub3A_194, %broadcast_in_dim3A_196], %gather3A_197 masked %and3A_166 : memref<128x128xf32, #tpu.memory_space<vmem>>[vector<16xi32>, vector<16xi32>], vector<16xf32>, vector<16xi1>
            %broadcast_in_dim3A_198 = arith.constant 1 : i32
            %broadcast_in_dim3A_199 = vector.broadcast %broadcast_in_dim3A_198 : i32 to vector<16xi32>
            %gather3A_200 = tpu.vector_load_idx %arg8[%broadcast_in_dim3A_199, %min3A_186] masked %and3A_166 : memref<32x1024xf32, #tpu.memory_space<vmem>>[vector<16xi32>, vector<16xi32>], vector<16xf32>, vector<16xi1>
            tpu.vector_store_idx %arg10[%sub3A_194, %broadcast_in_dim3A_199], %gather3A_200 masked %and3A_166 : memref<128x128xf32, #tpu.memory_space<vmem>>[vector<16xi32>, vector<16xi32>], vector<16xf32>, vector<16xi1>
            %broadcast_in_dim3A_201 = arith.constant 2 : i32
            %broadcast_in_dim3A_202 = vector.broadcast %broadcast_in_dim3A_201 : i32 to vector<16xi32>
            %gather3A_203 = tpu.vector_load_idx %arg8[%broadcast_in_dim3A_202, %min3A_186] masked %and3A_166 : memref<32x1024xf32, #tpu.memory_space<vmem>>[vector<16xi32>, vector<16xi32>], vector<16xf32>, vector<16xi1>
            tpu.vector_store_idx %arg10[%sub3A_194, %broadcast_in_dim3A_202], %gather3A_203 masked %and3A_166 : memref<128x128xf32, #tpu.memory_space<vmem>>[vector<16xi32>, vector<16xi32>], vector<16xf32>, vector<16xi1>
            %broadcast_in_dim3A_204 = arith.constant 3 : i32
            %broadcast_in_dim3A_205 = vector.broadcast %broadcast_in_dim3A_204 : i32 to vector<16xi32>
            %gather3A_206 = tpu.vector_load_idx %arg8[%broadcast_in_dim3A_205, %min3A_186] masked %and3A_166 : memref<32x1024xf32, #tpu.memory_space<vmem>>[vector<16xi32>, vector<16xi32>], vector<16xf32>, vector<16xi1>
            tpu.vector_store_idx %arg10[%sub3A_194, %broadcast_in_dim3A_205], %gather3A_206 masked %and3A_166 : memref<128x128xf32, #tpu.memory_space<vmem>>[vector<16xi32>, vector<16xi32>], vector<16xf32>, vector<16xi1>
            %broadcast_in_dim3A_207 = arith.constant 4 : i32
            %broadcast_in_dim3A_208 = vector.broadcast %broadcast_in_dim3A_207 : i32 to vector<16xi32>
            %gather3A_209 = tpu.vector_load_idx %arg8[%broadcast_in_dim3A_208, %min3A_186] masked %and3A_166 : memref<32x1024xf32, #tpu.memory_space<vmem>>[vector<16xi32>, vector<16xi32>], vector<16xf32>, vector<16xi1>
            tpu.vector_store_idx %arg10[%sub3A_194, %broadcast_in_dim3A_208], %gather3A_209 masked %and3A_166 : memref<128x128xf32, #tpu.memory_space<vmem>>[vector<16xi32>, vector<16xi32>], vector<16xf32>, vector<16xi1>
            %broadcast_in_dim3A_210 = arith.constant 5 : i32
            %broadcast_in_dim3A_211 = vector.broadcast %broadcast_in_dim3A_210 : i32 to vector<16xi32>
            %gather3A_212 = tpu.vector_load_idx %arg8[%broadcast_in_dim3A_211, %min3A_186] masked %and3A_166 : memref<32x1024xf32, #tpu.memory_space<vmem>>[vector<16xi32>, vector<16xi32>], vector<16xf32>, vector<16xi1>
            tpu.vector_store_idx %arg10[%sub3A_194, %broadcast_in_dim3A_211], %gather3A_212 masked %and3A_166 : memref<128x128xf32, #tpu.memory_space<vmem>>[vector<16xi32>, vector<16xi32>], vector<16xf32>, vector<16xi1>
            %broadcast_in_dim3A_213 = arith.constant 6 : i32
            %broadcast_in_dim3A_214 = vector.broadcast %broadcast_in_dim3A_213 : i32 to vector<16xi32>
            %gather3A_215 = tpu.vector_load_idx %arg8[%broadcast_in_dim3A_214, %min3A_186] masked %and3A_166 : memref<32x1024xf32, #tpu.memory_space<vmem>>[vector<16xi32>, vector<16xi32>], vector<16xf32>, vector<16xi1>
            tpu.vector_store_idx %arg10[%sub3A_194, %broadcast_in_dim3A_214], %gather3A_215 masked %and3A_166 : memref<128x128xf32, #tpu.memory_space<vmem>>[vector<16xi32>, vector<16xi32>], vector<16xf32>, vector<16xi1>
            %broadcast_in_dim3A_216 = arith.constant 7 : i32
            %broadcast_in_dim3A_217 = vector.broadcast %broadcast_in_dim3A_216 : i32 to vector<16xi32>
            %gather3A_218 = tpu.vector_load_idx %arg8[%broadcast_in_dim3A_217, %min3A_186] masked %and3A_166 : memref<32x1024xf32, #tpu.memory_space<vmem>>[vector<16xi32>, vector<16xi32>], vector<16xf32>, vector<16xi1>
            tpu.vector_store_idx %arg10[%sub3A_194, %broadcast_in_dim3A_217], %gather3A_218 masked %and3A_166 : memref<128x128xf32, #tpu.memory_space<vmem>>[vector<16xi32>, vector<16xi32>], vector<16xf32>, vector<16xi1>
            %broadcast_in_dim3A_219 = arith.constant 8 : i32
            %broadcast_in_dim3A_220 = vector.broadcast %broadcast_in_dim3A_219 : i32 to vector<16xi32>
            %gather3A_221 = tpu.vector_load_idx %arg8[%broadcast_in_dim3A_220, %min3A_186] masked %and3A_166 : memref<32x1024xf32, #tpu.memory_space<vmem>>[vector<16xi32>, vector<16xi32>], vector<16xf32>, vector<16xi1>
            tpu.vector_store_idx %arg10[%sub3A_194, %broadcast_in_dim3A_220], %gather3A_221 masked %and3A_166 : memref<128x128xf32, #tpu.memory_space<vmem>>[vector<16xi32>, vector<16xi32>], vector<16xf32>, vector<16xi1>
            %broadcast_in_dim3A_222 = arith.constant 9 : i32
            %broadcast_in_dim3A_223 = vector.broadcast %broadcast_in_dim3A_222 : i32 to vector<16xi32>
            %gather3A_224 = tpu.vector_load_idx %arg8[%broadcast_in_dim3A_223, %min3A_186] masked %and3A_166 : memref<32x1024xf32, #tpu.memory_space<vmem>>[vector<16xi32>, vector<16xi32>], vector<16xf32>, vector<16xi1>
            tpu.vector_store_idx %arg10[%sub3A_194, %broadcast_in_dim3A_223], %gather3A_224 masked %and3A_166 : memref<128x128xf32, #tpu.memory_space<vmem>>[vector<16xi32>, vector<16xi32>], vector<16xf32>, vector<16xi1>
            %broadcast_in_dim3A_225 = arith.constant 10 : i32
            %broadcast_in_dim3A_226 = vector.broadcast %broadcast_in_dim3A_225 : i32 to vector<16xi32>
            %gather3A_227 = tpu.vector_load_idx %arg8[%broadcast_in_dim3A_226, %min3A_186] masked %and3A_166 : memref<32x1024xf32, #tpu.memory_space<vmem>>[vector<16xi32>, vector<16xi32>], vector<16xf32>, vector<16xi1>
            tpu.vector_store_idx %arg10[%sub3A_194, %broadcast_in_dim3A_226], %gather3A_227 masked %and3A_166 : memref<128x128xf32, #tpu.memory_space<vmem>>[vector<16xi32>, vector<16xi32>], vector<16xf32>, vector<16xi1>
            %broadcast_in_dim3A_228 = arith.constant 11 : i32
            %broadcast_in_dim3A_229 = vector.broadcast %broadcast_in_dim3A_228 : i32 to vector<16xi32>
            %gather3A_230 = tpu.vector_load_idx %arg8[%broadcast_in_dim3A_229, %min3A_186] masked %and3A_166 : memref<32x1024xf32, #tpu.memory_space<vmem>>[vector<16xi32>, vector<16xi32>], vector<16xf32>, vector<16xi1>
            tpu.vector_store_idx %arg10[%sub3A_194, %broadcast_in_dim3A_229], %gather3A_230 masked %and3A_166 : memref<128x128xf32, #tpu.memory_space<vmem>>[vector<16xi32>, vector<16xi32>], vector<16xf32>, vector<16xi1>
            %broadcast_in_dim3A_231 = arith.constant 12 : i32
            %broadcast_in_dim3A_232 = vector.broadcast %broadcast_in_dim3A_231 : i32 to vector<16xi32>
            %gather3A_233 = tpu.vector_load_idx %arg8[%broadcast_in_dim3A_232, %min3A_186] masked %and3A_166 : memref<32x1024xf32, #tpu.memory_space<vmem>>[vector<16xi32>, vector<16xi32>], vector<16xf32>, vector<16xi1>
            tpu.vector_store_idx %arg10[%sub3A_194, %broadcast_in_dim3A_232], %gather3A_233 masked %and3A_166 : memref<128x128xf32, #tpu.memory_space<vmem>>[vector<16xi32>, vector<16xi32>], vector<16xf32>, vector<16xi1>
            %broadcast_in_dim3A_234 = arith.constant 13 : i32
            %broadcast_in_dim3A_235 = vector.broadcast %broadcast_in_dim3A_234 : i32 to vector<16xi32>
            %gather3A_236 = tpu.vector_load_idx %arg8[%broadcast_in_dim3A_235, %min3A_186] masked %and3A_166 : memref<32x1024xf32, #tpu.memory_space<vmem>>[vector<16xi32>, vector<16xi32>], vector<16xf32>, vector<16xi1>
            tpu.vector_store_idx %arg10[%sub3A_194, %broadcast_in_dim3A_235], %gather3A_236 masked %and3A_166 : memref<128x128xf32, #tpu.memory_space<vmem>>[vector<16xi32>, vector<16xi32>], vector<16xf32>, vector<16xi1>
            %broadcast_in_dim3A_237 = arith.constant 14 : i32
            %broadcast_in_dim3A_238 = vector.broadcast %broadcast_in_dim3A_237 : i32 to vector<16xi32>
            %gather3A_239 = tpu.vector_load_idx %arg8[%broadcast_in_dim3A_238, %min3A_186] masked %and3A_166 : memref<32x1024xf32, #tpu.memory_space<vmem>>[vector<16xi32>, vector<16xi32>], vector<16xf32>, vector<16xi1>
            tpu.vector_store_idx %arg10[%sub3A_194, %broadcast_in_dim3A_238], %gather3A_239 masked %and3A_166 : memref<128x128xf32, #tpu.memory_space<vmem>>[vector<16xi32>, vector<16xi32>], vector<16xf32>, vector<16xi1>
            %broadcast_in_dim3A_240 = arith.constant 15 : i32
            %broadcast_in_dim3A_241 = vector.broadcast %broadcast_in_dim3A_240 : i32 to vector<16xi32>
            %gather3A_242 = tpu.vector_load_idx %arg8[%broadcast_in_dim3A_241, %min3A_186] masked %and3A_166 : memref<32x1024xf32, #tpu.memory_space<vmem>>[vector<16xi32>, vector<16xi32>], vector<16xf32>, vector<16xi1>
            tpu.vector_store_idx %arg10[%sub3A_194, %broadcast_in_dim3A_241], %gather3A_242 masked %and3A_166 : memref<128x128xf32, #tpu.memory_space<vmem>>[vector<16xi32>, vector<16xi32>], vector<16xf32>, vector<16xi1>
            %broadcast_in_dim3A_243 = arith.constant 16 : i32
            %broadcast_in_dim3A_244 = vector.broadcast %broadcast_in_dim3A_243 : i32 to vector<16xi32>
            %gather3A_245 = tpu.vector_load_idx %arg8[%broadcast_in_dim3A_244, %min3A_186] masked %and3A_166 : memref<32x1024xf32, #tpu.memory_space<vmem>>[vector<16xi32>, vector<16xi32>], vector<16xf32>, vector<16xi1>
            tpu.vector_store_idx %arg10[%sub3A_194, %broadcast_in_dim3A_244], %gather3A_245 masked %and3A_166 : memref<128x128xf32, #tpu.memory_space<vmem>>[vector<16xi32>, vector<16xi32>], vector<16xf32>, vector<16xi1>
            %broadcast_in_dim3A_246 = arith.constant 17 : i32
            %broadcast_in_dim3A_247 = vector.broadcast %broadcast_in_dim3A_246 : i32 to vector<16xi32>
            %gather3A_248 = tpu.vector_load_idx %arg8[%broadcast_in_dim3A_247, %min3A_186] masked %and3A_166 : memref<32x1024xf32, #tpu.memory_space<vmem>>[vector<16xi32>, vector<16xi32>], vector<16xf32>, vector<16xi1>
            tpu.vector_store_idx %arg10[%sub3A_194, %broadcast_in_dim3A_247], %gather3A_248 masked %and3A_166 : memref<128x128xf32, #tpu.memory_space<vmem>>[vector<16xi32>, vector<16xi32>], vector<16xf32>, vector<16xi1>
            %broadcast_in_dim3A_249 = arith.constant 18 : i32
            %broadcast_in_dim3A_250 = vector.broadcast %broadcast_in_dim3A_249 : i32 to vector<16xi32>
            %gather3A_251 = tpu.vector_load_idx %arg8[%broadcast_in_dim3A_250, %min3A_186] masked %and3A_166 : memref<32x1024xf32, #tpu.memory_space<vmem>>[vector<16xi32>, vector<16xi32>], vector<16xf32>, vector<16xi1>
            tpu.vector_store_idx %arg10[%sub3A_194, %broadcast_in_dim3A_250], %gather3A_251 masked %and3A_166 : memref<128x128xf32, #tpu.memory_space<vmem>>[vector<16xi32>, vector<16xi32>], vector<16xf32>, vector<16xi1>
            %broadcast_in_dim3A_252 = arith.constant 19 : i32
            %broadcast_in_dim3A_253 = vector.broadcast %broadcast_in_dim3A_252 : i32 to vector<16xi32>
            %gather3A_254 = tpu.vector_load_idx %arg8[%broadcast_in_dim3A_253, %min3A_186] masked %and3A_166 : memref<32x1024xf32, #tpu.memory_space<vmem>>[vector<16xi32>, vector<16xi32>], vector<16xf32>, vector<16xi1>
            tpu.vector_store_idx %arg10[%sub3A_194, %broadcast_in_dim3A_253], %gather3A_254 masked %and3A_166 : memref<128x128xf32, #tpu.memory_space<vmem>>[vector<16xi32>, vector<16xi32>], vector<16xf32>, vector<16xi1>
            %broadcast_in_dim3A_255 = arith.constant 20 : i32
            %broadcast_in_dim3A_256 = vector.broadcast %broadcast_in_dim3A_255 : i32 to vector<16xi32>
            %gather3A_257 = tpu.vector_load_idx %arg8[%broadcast_in_dim3A_256, %min3A_186] masked %and3A_166 : memref<32x1024xf32, #tpu.memory_space<vmem>>[vector<16xi32>, vector<16xi32>], vector<16xf32>, vector<16xi1>
            tpu.vector_store_idx %arg10[%sub3A_194, %broadcast_in_dim3A_256], %gather3A_257 masked %and3A_166 : memref<128x128xf32, #tpu.memory_space<vmem>>[vector<16xi32>, vector<16xi32>], vector<16xf32>, vector<16xi1>
            %broadcast_in_dim3A_258 = arith.constant 21 : i32
            %broadcast_in_dim3A_259 = vector.broadcast %broadcast_in_dim3A_258 : i32 to vector<16xi32>
            %gather3A_260 = tpu.vector_load_idx %arg8[%broadcast_in_dim3A_259, %min3A_186] masked %and3A_166 : memref<32x1024xf32, #tpu.memory_space<vmem>>[vector<16xi32>, vector<16xi32>], vector<16xf32>, vector<16xi1>
            tpu.vector_store_idx %arg10[%sub3A_194, %broadcast_in_dim3A_259], %gather3A_260 masked %and3A_166 : memref<128x128xf32, #tpu.memory_space<vmem>>[vector<16xi32>, vector<16xi32>], vector<16xf32>, vector<16xi1>
            %broadcast_in_dim3A_261 = arith.constant 22 : i32
            %broadcast_in_dim3A_262 = vector.broadcast %broadcast_in_dim3A_261 : i32 to vector<16xi32>
            %gather3A_263 = tpu.vector_load_idx %arg8[%broadcast_in_dim3A_262, %min3A_186] masked %and3A_166 : memref<32x1024xf32, #tpu.memory_space<vmem>>[vector<16xi32>, vector<16xi32>], vector<16xf32>, vector<16xi1>
            tpu.vector_store_idx %arg10[%sub3A_194, %broadcast_in_dim3A_262], %gather3A_263 masked %and3A_166 : memref<128x128xf32, #tpu.memory_space<vmem>>[vector<16xi32>, vector<16xi32>], vector<16xf32>, vector<16xi1>
            %broadcast_in_dim3A_264 = arith.constant 23 : i32
            %broadcast_in_dim3A_265 = vector.broadcast %broadcast_in_dim3A_264 : i32 to vector<16xi32>
            %gather3A_266 = tpu.vector_load_idx %arg8[%broadcast_in_dim3A_265, %min3A_186] masked %and3A_166 : memref<32x1024xf32, #tpu.memory_space<vmem>>[vector<16xi32>, vector<16xi32>], vector<16xf32>, vector<16xi1>
            tpu.vector_store_idx %arg10[%sub3A_194, %broadcast_in_dim3A_265], %gather3A_266 masked %and3A_166 : memref<128x128xf32, #tpu.memory_space<vmem>>[vector<16xi32>, vector<16xi32>], vector<16xf32>, vector<16xi1>
            %broadcast_in_dim3A_267 = arith.constant 24 : i32
            %broadcast_in_dim3A_268 = vector.broadcast %broadcast_in_dim3A_267 : i32 to vector<16xi32>
            %gather3A_269 = tpu.vector_load_idx %arg8[%broadcast_in_dim3A_268, %min3A_186] masked %and3A_166 : memref<32x1024xf32, #tpu.memory_space<vmem>>[vector<16xi32>, vector<16xi32>], vector<16xf32>, vector<16xi1>
            tpu.vector_store_idx %arg10[%sub3A_194, %broadcast_in_dim3A_268], %gather3A_269 masked %and3A_166 : memref<128x128xf32, #tpu.memory_space<vmem>>[vector<16xi32>, vector<16xi32>], vector<16xf32>, vector<16xi1>
            %broadcast_in_dim3A_270 = arith.constant 25 : i32
            %broadcast_in_dim3A_271 = vector.broadcast %broadcast_in_dim3A_270 : i32 to vector<16xi32>
            %gather3A_272 = tpu.vector_load_idx %arg8[%broadcast_in_dim3A_271, %min3A_186] masked %and3A_166 : memref<32x1024xf32, #tpu.memory_space<vmem>>[vector<16xi32>, vector<16xi32>], vector<16xf32>, vector<16xi1>
            tpu.vector_store_idx %arg10[%sub3A_194, %broadcast_in_dim3A_271], %gather3A_272 masked %and3A_166 : memref<128x128xf32, #tpu.memory_space<vmem>>[vector<16xi32>, vector<16xi32>], vector<16xf32>, vector<16xi1>
            %broadcast_in_dim3A_273 = arith.constant 26 : i32
            %broadcast_in_dim3A_274 = vector.broadcast %broadcast_in_dim3A_273 : i32 to vector<16xi32>
            %gather3A_275 = tpu.vector_load_idx %arg8[%broadcast_in_dim3A_274, %min3A_186] masked %and3A_166 : memref<32x1024xf32, #tpu.memory_space<vmem>>[vector<16xi32>, vector<16xi32>], vector<16xf32>, vector<16xi1>
            tpu.vector_store_idx %arg10[%sub3A_194, %broadcast_in_dim3A_274], %gather3A_275 masked %and3A_166 : memref<128x128xf32, #tpu.memory_space<vmem>>[vector<16xi32>, vector<16xi32>], vector<16xf32>, vector<16xi1>
            %broadcast_in_dim3A_276 = arith.constant 27 : i32
            %broadcast_in_dim3A_277 = vector.broadcast %broadcast_in_dim3A_276 : i32 to vector<16xi32>
            %gather3A_278 = tpu.vector_load_idx %arg8[%broadcast_in_dim3A_277, %min3A_186] masked %and3A_166 : memref<32x1024xf32, #tpu.memory_space<vmem>>[vector<16xi32>, vector<16xi32>], vector<16xf32>, vector<16xi1>
            tpu.vector_store_idx %arg10[%sub3A_194, %broadcast_in_dim3A_277], %gather3A_278 masked %and3A_166 : memref<128x128xf32, #tpu.memory_space<vmem>>[vector<16xi32>, vector<16xi32>], vector<16xf32>, vector<16xi1>
            %broadcast_in_dim3A_279 = arith.constant 28 : i32
            %broadcast_in_dim3A_280 = vector.broadcast %broadcast_in_dim3A_279 : i32 to vector<16xi32>
            %gather3A_281 = tpu.vector_load_idx %arg8[%broadcast_in_dim3A_280, %min3A_186] masked %and3A_166 : memref<32x1024xf32, #tpu.memory_space<vmem>>[vector<16xi32>, vector<16xi32>], vector<16xf32>, vector<16xi1>
            tpu.vector_store_idx %arg10[%sub3A_194, %broadcast_in_dim3A_280], %gather3A_281 masked %and3A_166 : memref<128x128xf32, #tpu.memory_space<vmem>>[vector<16xi32>, vector<16xi32>], vector<16xf32>, vector<16xi1>
            %broadcast_in_dim3A_282 = arith.constant 29 : i32
            %broadcast_in_dim3A_283 = vector.broadcast %broadcast_in_dim3A_282 : i32 to vector<16xi32>
            %gather3A_284 = tpu.vector_load_idx %arg8[%broadcast_in_dim3A_283, %min3A_186] masked %and3A_166 : memref<32x1024xf32, #tpu.memory_space<vmem>>[vector<16xi32>, vector<16xi32>], vector<16xf32>, vector<16xi1>
            tpu.vector_store_idx %arg10[%sub3A_194, %broadcast_in_dim3A_283], %gather3A_284 masked %and3A_166 : memref<128x128xf32, #tpu.memory_space<vmem>>[vector<16xi32>, vector<16xi32>], vector<16xf32>, vector<16xi1>
            %broadcast_in_dim3A_285 = arith.constant 30 : i32
            %broadcast_in_dim3A_286 = vector.broadcast %broadcast_in_dim3A_285 : i32 to vector<16xi32>
            %gather3A_287 = tpu.vector_load_idx %arg8[%broadcast_in_dim3A_286, %min3A_186] masked %and3A_166 : memref<32x1024xf32, #tpu.memory_space<vmem>>[vector<16xi32>, vector<16xi32>], vector<16xf32>, vector<16xi1>
            tpu.vector_store_idx %arg10[%sub3A_194, %broadcast_in_dim3A_286], %gather3A_287 masked %and3A_166 : memref<128x128xf32, #tpu.memory_space<vmem>>[vector<16xi32>, vector<16xi32>], vector<16xf32>, vector<16xi1>
            %broadcast_in_dim3A_288 = arith.constant 31 : i32
            %broadcast_in_dim3A_289 = vector.broadcast %broadcast_in_dim3A_288 : i32 to vector<16xi32>
            %gather3A_290 = tpu.vector_load_idx %arg8[%broadcast_in_dim3A_289, %min3A_186] masked %and3A_166 : memref<32x1024xf32, #tpu.memory_space<vmem>>[vector<16xi32>, vector<16xi32>], vector<16xf32>, vector<16xi1>
            tpu.vector_store_idx %arg10[%sub3A_194, %broadcast_in_dim3A_289], %gather3A_290 masked %and3A_166 : memref<128x128xf32, #tpu.memory_space<vmem>>[vector<16xi32>, vector<16xi32>], vector<16xf32>, vector<16xi1>
            tpu.vector_store_idx %arg11[%sub3A_194], %get3A_151 masked %and3A_166 : memref<128xi32, #tpu.memory_space<vmem>>[vector<16xi32>], vector<16xi32>, vector<16xi1>
            %add3A_291 = arith.addi %cond3A_179, %squeeze3A : i32
            scf.yield %add3A_291 : i32
          } else {
            scf.yield %while3A_148 : i32
          }
          scf.yield %cond3A_171 : i32
        }
        %while3A_140 = arith.constant 1 : i32
        %while3A_141 = scf.for %while3A_147 = %while3A_137 to %while3A_133 step %while3A_140 iter_args(%while3A_148 = %while3A_139) -> (i32)  : i32 {
          %mul3A_149 = arith.constant 16 : i32
          %mul3A_150 = arith.muli %while3A_147, %mul3A_149 : i32
          %get3A = arith.index_cast %mul3A_150 : i32 to index
          %get3A_151 = tpu.vector_load %arg7[%get3A] {strides = array<i32>} : memref<16400xi32, #tpu.memory_space<vmem>>, vector<16xi32>,
          %mul3A_152 = arith.constant 16 : i32
          %mul3A_153 = arith.muli %while3A_147, %mul3A_152 : i32
          %add3A_154 = vector.broadcast %mul3A_153 : i32 to vector<16xi32>
          %add3A_155 = arith.addi %add3A_154, %iota3A : vector<16xi32>
          %lt3A_156 = vector.broadcast %scan3A_34 : i32 to vector<16xi32>
          %lt3A_157 = arith.cmpi slt, %add3A_155, %lt3A_156 : vector<16xi32>
          %and3A_158 = arith.constant 16383 : i32
          %and3A_159 = vector.broadcast %and3A_158 : i32 to vector<16xi32>
          %and3A_160 = arith.andi %get3A_151, %and3A_159 : vector<16xi32>
          %gather3A = tpu.vector_load_idx %arg6[%and3A_160] : memref<16384xi32, #tpu.memory_space<vmem>>[vector<16xi32>], vector<16xi32>,
          %ge3A_161 = vector.broadcast %add3A_114 : i32 to vector<16xi32>
          %ge3A_162 = arith.cmpi sge, %gather3A, %ge3A_161 : vector<16xi32>
          %and3A_163 = arith.andi %lt3A_157, %ge3A_162 : vector<16xi1>
          %lt3A_164 = vector.broadcast %add3A_130 : i32 to vector<16xi32>
          %lt3A_165 = arith.cmpi slt, %gather3A, %lt3A_164 : vector<16xi32>
          %and3A_166 = arith.andi %and3A_163, %lt3A_165 : vector<16xi1>
          %all_reduce_population_count3A = tpu.all_reduce %and3A_166 {dim = 0 : i64, kind = #tpu.reduction_kind<sum>} : vector<16xi1> -> vector<16xi32>
          %slice3A = vector.extract_strided_slice %all_reduce_population_count3A {offsets = [0], sizes = [1], strides = [1]} : vector<16xi32> to vector<1xi32>
          %squeeze3A = vector.extract %slice3A[0] : i32 from vector<1xi32>
          %gt3A = arith.constant 0 : i32
          %gt3A_167 = arith.cmpi sgt, %squeeze3A, %gt3A : i32
          %convert_element_type3A_168 = arith.extui %gt3A_167 : i1 to i32
          %cond3A_169 = arith.constant 0 : i32
          %cond3A_170 = arith.cmpi ne, %convert_element_type3A_168, %cond3A_169 : i32
          %cond3A_171 = scf.if %cond3A_170 -> (i32) {
            %add3A_172 = arith.addi %while3A_148, %squeeze3A : i32
            %gt3A_173 = arith.constant 128 : i32
            %gt3A_174 = arith.cmpi sgt, %add3A_172, %gt3A_173 : i32
            %convert_element_type3A_175 = arith.extui %gt3A_174 : i1 to i32
            %cond3A_176 = arith.constant 0 : i32
            %cond3A_177 = arith.constant 0 : i32
            %cond3A_178 = arith.cmpi ne, %convert_element_type3A_175, %cond3A_177 : i32
            %cond3A_179 = scf.if %cond3A_178 -> (i32) {
              %dma_start3A_292 = arith.constant 0 : i32
              %dma_start3A_293 = arith.constant 0 : i32
              %dma_start3A_294 = tpu.memref_slice %arg5[%dma_start3A_292, %dma_start3A_293] : memref<16384x128xf32, #tpu.memory_space<hbm>> -> memref<16384x128xf32, #tpu.memory_space<hbm>>
              %dma_start3A_295 = arith.constant -1 : i32
              tpu.enqueue_indirect_dma source(%arg10 : memref<128x128xf32, #tpu.memory_space<vmem>>) target(%dma_start3A_294 : memref<16384x128xf32, #tpu.memory_space<hbm>>) offsets(%arg11 : memref<128xi32, #tpu.memory_space<vmem>>) offset_filter(%dma_start3A_295) semaphore(%arg14 : memref<!tpu.dma_semaphore, #tpu.memory_space<semaphore_mem>>)
              %dma_wait3A_296 = arith.constant 0 : i32
              %dma_wait3A_297 = arith.constant 0 : i32
              %dma_wait3A_298 = tpu.memref_slice %arg5[%dma_wait3A_296, %dma_wait3A_297] : memref<16384x128xf32, #tpu.memory_space<hbm>> -> memref<16384x128xf32, #tpu.memory_space<hbm>>
              tpu.wait_indirect_dma semaphore(%arg14 : memref<!tpu.dma_semaphore, #tpu.memory_space<semaphore_mem>>) src(%arg10 : memref<128x128xf32, #tpu.memory_space<vmem>>) dst(%dma_wait3A_298 : memref<16384x128xf32, #tpu.memory_space<hbm>>)
              %broadcast_in_dim3A_299 = arith.constant -1 : i32
              %broadcast_in_dim3A_300 = vector.broadcast %broadcast_in_dim3A_299 : i32 to vector<16xi32>
              %swap3A_301 = arith.constant 0 : index
              %swap3A_302 = tpu.vector_load %arg11[%swap3A_301] {strides = array<i32>} : memref<128xi32, #tpu.memory_space<vmem>>, vector<16xi32>,
              tpu.vector_store %arg11[%swap3A_301], %broadcast_in_dim3A_300 {strides = array<i32>} : memref<128xi32, #tpu.memory_space<vmem>>, vector<16xi32>,
              %swap3A_303 = arith.constant 16 : index
              %swap3A_304 = tpu.vector_load %arg11[%swap3A_303] {strides = array<i32>} : memref<128xi32, #tpu.memory_space<vmem>>, vector<16xi32>,
              tpu.vector_store %arg11[%swap3A_303], %broadcast_in_dim3A_300 {strides = array<i32>} : memref<128xi32, #tpu.memory_space<vmem>>, vector<16xi32>,
              %swap3A_305 = arith.constant 32 : index
              %swap3A_306 = tpu.vector_load %arg11[%swap3A_305] {strides = array<i32>} : memref<128xi32, #tpu.memory_space<vmem>>, vector<16xi32>,
              tpu.vector_store %arg11[%swap3A_305], %broadcast_in_dim3A_300 {strides = array<i32>} : memref<128xi32, #tpu.memory_space<vmem>>, vector<16xi32>,
              %swap3A_307 = arith.constant 48 : index
              %swap3A_308 = tpu.vector_load %arg11[%swap3A_307] {strides = array<i32>} : memref<128xi32, #tpu.memory_space<vmem>>, vector<16xi32>,
              tpu.vector_store %arg11[%swap3A_307], %broadcast_in_dim3A_300 {strides = array<i32>} : memref<128xi32, #tpu.memory_space<vmem>>, vector<16xi32>,
              %swap3A_309 = arith.constant 64 : index
              %swap3A_310 = tpu.vector_load %arg11[%swap3A_309] {strides = array<i32>} : memref<128xi32, #tpu.memory_space<vmem>>, vector<16xi32>,
              tpu.vector_store %arg11[%swap3A_309], %broadcast_in_dim3A_300 {strides = array<i32>} : memref<128xi32, #tpu.memory_space<vmem>>, vector<16xi32>,
              %swap3A_311 = arith.constant 80 : index
              %swap3A_312 = tpu.vector_load %arg11[%swap3A_311] {strides = array<i32>} : memref<128xi32, #tpu.memory_space<vmem>>, vector<16xi32>,
              tpu.vector_store %arg11[%swap3A_311], %broadcast_in_dim3A_300 {strides = array<i32>} : memref<128xi32, #tpu.memory_space<vmem>>, vector<16xi32>,
              %swap3A_313 = arith.constant 96 : index
              %swap3A_314 = tpu.vector_load %arg11[%swap3A_313] {strides = array<i32>} : memref<128xi32, #tpu.memory_space<vmem>>, vector<16xi32>,
              tpu.vector_store %arg11[%swap3A_313], %broadcast_in_dim3A_300 {strides = array<i32>} : memref<128xi32, #tpu.memory_space<vmem>>, vector<16xi32>,
              %swap3A_315 = arith.constant 112 : index
              %swap3A_316 = tpu.vector_load %arg11[%swap3A_315] {strides = array<i32>} : memref<128xi32, #tpu.memory_space<vmem>>, vector<16xi32>,
              tpu.vector_store %arg11[%swap3A_315], %broadcast_in_dim3A_300 {strides = array<i32>} : memref<128xi32, #tpu.memory_space<vmem>>, vector<16xi32>,
              %cond3A_317 = arith.constant 0 : i32
              scf.yield %cond3A_317 : i32
            } else {
              scf.yield %while3A_148 : i32
            }
            %sub3A_180 = vector.broadcast %add3A_114 : i32 to vector<16xi32>
            %sub3A_181 = arith.subi %gather3A, %sub3A_180 : vector<16xi32>
            %max3A = arith.constant 0 : i32
            %max3A_182 = vector.broadcast %max3A : i32 to vector<16xi32>
            %max3A_183 = arith.maxsi %sub3A_181, %max3A_182 : vector<16xi32>
            %min3A_184 = arith.constant 1023 : i32
            %min3A_185 = vector.broadcast %min3A_184 : i32 to vector<16xi32>
            %min3A_186 = arith.minsi %max3A_183, %min3A_185 : vector<16xi32>
            %convert_element_type3A_187 = arith.extui %and3A_166 : vector<16xi1> to vector<16xi32>
            %broadcast_in_dim3A_188 = arith.constant true
            %broadcast_in_dim3A_189 = vector.broadcast %broadcast_in_dim3A_188 : i1 to vector<16xi1>
            %masked_cumsum3A = tpu.scan <sum>, %convert_element_type3A_187 masked %broadcast_in_dim3A_189 : vector<16xi32>, vector<16xi1> -> vector<16xi32>
            %add3A_190 = vector.broadcast %cond3A_179 : i32 to vector<16xi32>
            %add3A_191 = arith.addi %add3A_190, %masked_cumsum3A : vector<16xi32>
            %sub3A_192 = arith.constant 1 : i32
            %sub3A_193 = vector.broadcast %sub3A_192 : i32 to vector<16xi32>
            %sub3A_194 = arith.subi %add3A_191, %sub3A_193 : vector<16xi32>
            %broadcast_in_dim3A_195 = arith.constant 0 : i32
            %broadcast_in_dim3A_196 = vector.broadcast %broadcast_in_dim3A_195 : i32 to vector<16xi32>
            %gather3A_197 = tpu.vector_load_idx %arg8[%broadcast_in_dim3A_196, %min3A_186] masked %and3A_166 : memref<32x1024xf32, #tpu.memory_space<vmem>>[vector<16xi32>, vector<16xi32>], vector<16xf32>, vector<16xi1>
            tpu.vector_store_idx %arg10[%sub3A_194, %broadcast_in_dim3A_196], %gather3A_197 masked %and3A_166 : memref<128x128xf32, #tpu.memory_space<vmem>>[vector<16xi32>, vector<16xi32>], vector<16xf32>, vector<16xi1>
            %broadcast_in_dim3A_198 = arith.constant 1 : i32
            %broadcast_in_dim3A_199 = vector.broadcast %broadcast_in_dim3A_198 : i32 to vector<16xi32>
            %gather3A_200 = tpu.vector_load_idx %arg8[%broadcast_in_dim3A_199, %min3A_186] masked %and3A_166 : memref<32x1024xf32, #tpu.memory_space<vmem>>[vector<16xi32>, vector<16xi32>], vector<16xf32>, vector<16xi1>
            tpu.vector_store_idx %arg10[%sub3A_194, %broadcast_in_dim3A_199], %gather3A_200 masked %and3A_166 : memref<128x128xf32, #tpu.memory_space<vmem>>[vector<16xi32>, vector<16xi32>], vector<16xf32>, vector<16xi1>
            %broadcast_in_dim3A_201 = arith.constant 2 : i32
            %broadcast_in_dim3A_202 = vector.broadcast %broadcast_in_dim3A_201 : i32 to vector<16xi32>
            %gather3A_203 = tpu.vector_load_idx %arg8[%broadcast_in_dim3A_202, %min3A_186] masked %and3A_166 : memref<32x1024xf32, #tpu.memory_space<vmem>>[vector<16xi32>, vector<16xi32>], vector<16xf32>, vector<16xi1>
            tpu.vector_store_idx %arg10[%sub3A_194, %broadcast_in_dim3A_202], %gather3A_203 masked %and3A_166 : memref<128x128xf32, #tpu.memory_space<vmem>>[vector<16xi32>, vector<16xi32>], vector<16xf32>, vector<16xi1>
            %broadcast_in_dim3A_204 = arith.constant 3 : i32
            %broadcast_in_dim3A_205 = vector.broadcast %broadcast_in_dim3A_204 : i32 to vector<16xi32>
            %gather3A_206 = tpu.vector_load_idx %arg8[%broadcast_in_dim3A_205, %min3A_186] masked %and3A_166 : memref<32x1024xf32, #tpu.memory_space<vmem>>[vector<16xi32>, vector<16xi32>], vector<16xf32>, vector<16xi1>
            tpu.vector_store_idx %arg10[%sub3A_194, %broadcast_in_dim3A_205], %gather3A_206 masked %and3A_166 : memref<128x128xf32, #tpu.memory_space<vmem>>[vector<16xi32>, vector<16xi32>], vector<16xf32>, vector<16xi1>
            %broadcast_in_dim3A_207 = arith.constant 4 : i32
            %broadcast_in_dim3A_208 = vector.broadcast %broadcast_in_dim3A_207 : i32 to vector<16xi32>
            %gather3A_209 = tpu.vector_load_idx %arg8[%broadcast_in_dim3A_208, %min3A_186] masked %and3A_166 : memref<32x1024xf32, #tpu.memory_space<vmem>>[vector<16xi32>, vector<16xi32>], vector<16xf32>, vector<16xi1>
            tpu.vector_store_idx %arg10[%sub3A_194, %broadcast_in_dim3A_208], %gather3A_209 masked %and3A_166 : memref<128x128xf32, #tpu.memory_space<vmem>>[vector<16xi32>, vector<16xi32>], vector<16xf32>, vector<16xi1>
            %broadcast_in_dim3A_210 = arith.constant 5 : i32
            %broadcast_in_dim3A_211 = vector.broadcast %broadcast_in_dim3A_210 : i32 to vector<16xi32>
            %gather3A_212 = tpu.vector_load_idx %arg8[%broadcast_in_dim3A_211, %min3A_186] masked %and3A_166 : memref<32x1024xf32, #tpu.memory_space<vmem>>[vector<16xi32>, vector<16xi32>], vector<16xf32>, vector<16xi1>
            tpu.vector_store_idx %arg10[%sub3A_194, %broadcast_in_dim3A_211], %gather3A_212 masked %and3A_166 : memref<128x128xf32, #tpu.memory_space<vmem>>[vector<16xi32>, vector<16xi32>], vector<16xf32>, vector<16xi1>
            %broadcast_in_dim3A_213 = arith.constant 6 : i32
            %broadcast_in_dim3A_214 = vector.broadcast %broadcast_in_dim3A_213 : i32 to vector<16xi32>
            %gather3A_215 = tpu.vector_load_idx %arg8[%broadcast_in_dim3A_214, %min3A_186] masked %and3A_166 : memref<32x1024xf32, #tpu.memory_space<vmem>>[vector<16xi32>, vector<16xi32>], vector<16xf32>, vector<16xi1>
            tpu.vector_store_idx %arg10[%sub3A_194, %broadcast_in_dim3A_214], %gather3A_215 masked %and3A_166 : memref<128x128xf32, #tpu.memory_space<vmem>>[vector<16xi32>, vector<16xi32>], vector<16xf32>, vector<16xi1>
            %broadcast_in_dim3A_216 = arith.constant 7 : i32
            %broadcast_in_dim3A_217 = vector.broadcast %broadcast_in_dim3A_216 : i32 to vector<16xi32>
            %gather3A_218 = tpu.vector_load_idx %arg8[%broadcast_in_dim3A_217, %min3A_186] masked %and3A_166 : memref<32x1024xf32, #tpu.memory_space<vmem>>[vector<16xi32>, vector<16xi32>], vector<16xf32>, vector<16xi1>
            tpu.vector_store_idx %arg10[%sub3A_194, %broadcast_in_dim3A_217], %gather3A_218 masked %and3A_166 : memref<128x128xf32, #tpu.memory_space<vmem>>[vector<16xi32>, vector<16xi32>], vector<16xf32>, vector<16xi1>
            %broadcast_in_dim3A_219 = arith.constant 8 : i32
            %broadcast_in_dim3A_220 = vector.broadcast %broadcast_in_dim3A_219 : i32 to vector<16xi32>
            %gather3A_221 = tpu.vector_load_idx %arg8[%broadcast_in_dim3A_220, %min3A_186] masked %and3A_166 : memref<32x1024xf32, #tpu.memory_space<vmem>>[vector<16xi32>, vector<16xi32>], vector<16xf32>, vector<16xi1>
            tpu.vector_store_idx %arg10[%sub3A_194, %broadcast_in_dim3A_220], %gather3A_221 masked %and3A_166 : memref<128x128xf32, #tpu.memory_space<vmem>>[vector<16xi32>, vector<16xi32>], vector<16xf32>, vector<16xi1>
            %broadcast_in_dim3A_222 = arith.constant 9 : i32
            %broadcast_in_dim3A_223 = vector.broadcast %broadcast_in_dim3A_222 : i32 to vector<16xi32>
            %gather3A_224 = tpu.vector_load_idx %arg8[%broadcast_in_dim3A_223, %min3A_186] masked %and3A_166 : memref<32x1024xf32, #tpu.memory_space<vmem>>[vector<16xi32>, vector<16xi32>], vector<16xf32>, vector<16xi1>
            tpu.vector_store_idx %arg10[%sub3A_194, %broadcast_in_dim3A_223], %gather3A_224 masked %and3A_166 : memref<128x128xf32, #tpu.memory_space<vmem>>[vector<16xi32>, vector<16xi32>], vector<16xf32>, vector<16xi1>
            %broadcast_in_dim3A_225 = arith.constant 10 : i32
            %broadcast_in_dim3A_226 = vector.broadcast %broadcast_in_dim3A_225 : i32 to vector<16xi32>
            %gather3A_227 = tpu.vector_load_idx %arg8[%broadcast_in_dim3A_226, %min3A_186] masked %and3A_166 : memref<32x1024xf32, #tpu.memory_space<vmem>>[vector<16xi32>, vector<16xi32>], vector<16xf32>, vector<16xi1>
            tpu.vector_store_idx %arg10[%sub3A_194, %broadcast_in_dim3A_226], %gather3A_227 masked %and3A_166 : memref<128x128xf32, #tpu.memory_space<vmem>>[vector<16xi32>, vector<16xi32>], vector<16xf32>, vector<16xi1>
            %broadcast_in_dim3A_228 = arith.constant 11 : i32
            %broadcast_in_dim3A_229 = vector.broadcast %broadcast_in_dim3A_228 : i32 to vector<16xi32>
            %gather3A_230 = tpu.vector_load_idx %arg8[%broadcast_in_dim3A_229, %min3A_186] masked %and3A_166 : memref<32x1024xf32, #tpu.memory_space<vmem>>[vector<16xi32>, vector<16xi32>], vector<16xf32>, vector<16xi1>
            tpu.vector_store_idx %arg10[%sub3A_194, %broadcast_in_dim3A_229], %gather3A_230 masked %and3A_166 : memref<128x128xf32, #tpu.memory_space<vmem>>[vector<16xi32>, vector<16xi32>], vector<16xf32>, vector<16xi1>
            %broadcast_in_dim3A_231 = arith.constant 12 : i32
            %broadcast_in_dim3A_232 = vector.broadcast %broadcast_in_dim3A_231 : i32 to vector<16xi32>
            %gather3A_233 = tpu.vector_load_idx %arg8[%broadcast_in_dim3A_232, %min3A_186] masked %and3A_166 : memref<32x1024xf32, #tpu.memory_space<vmem>>[vector<16xi32>, vector<16xi32>], vector<16xf32>, vector<16xi1>
            tpu.vector_store_idx %arg10[%sub3A_194, %broadcast_in_dim3A_232], %gather3A_233 masked %and3A_166 : memref<128x128xf32, #tpu.memory_space<vmem>>[vector<16xi32>, vector<16xi32>], vector<16xf32>, vector<16xi1>
            %broadcast_in_dim3A_234 = arith.constant 13 : i32
            %broadcast_in_dim3A_235 = vector.broadcast %broadcast_in_dim3A_234 : i32 to vector<16xi32>
            %gather3A_236 = tpu.vector_load_idx %arg8[%broadcast_in_dim3A_235, %min3A_186] masked %and3A_166 : memref<32x1024xf32, #tpu.memory_space<vmem>>[vector<16xi32>, vector<16xi32>], vector<16xf32>, vector<16xi1>
            tpu.vector_store_idx %arg10[%sub3A_194, %broadcast_in_dim3A_235], %gather3A_236 masked %and3A_166 : memref<128x128xf32, #tpu.memory_space<vmem>>[vector<16xi32>, vector<16xi32>], vector<16xf32>, vector<16xi1>
            %broadcast_in_dim3A_237 = arith.constant 14 : i32
            %broadcast_in_dim3A_238 = vector.broadcast %broadcast_in_dim3A_237 : i32 to vector<16xi32>
            %gather3A_239 = tpu.vector_load_idx %arg8[%broadcast_in_dim3A_238, %min3A_186] masked %and3A_166 : memref<32x1024xf32, #tpu.memory_space<vmem>>[vector<16xi32>, vector<16xi32>], vector<16xf32>, vector<16xi1>
            tpu.vector_store_idx %arg10[%sub3A_194, %broadcast_in_dim3A_238], %gather3A_239 masked %and3A_166 : memref<128x128xf32, #tpu.memory_space<vmem>>[vector<16xi32>, vector<16xi32>], vector<16xf32>, vector<16xi1>
            %broadcast_in_dim3A_240 = arith.constant 15 : i32
            %broadcast_in_dim3A_241 = vector.broadcast %broadcast_in_dim3A_240 : i32 to vector<16xi32>
            %gather3A_242 = tpu.vector_load_idx %arg8[%broadcast_in_dim3A_241, %min3A_186] masked %and3A_166 : memref<32x1024xf32, #tpu.memory_space<vmem>>[vector<16xi32>, vector<16xi32>], vector<16xf32>, vector<16xi1>
            tpu.vector_store_idx %arg10[%sub3A_194, %broadcast_in_dim3A_241], %gather3A_242 masked %and3A_166 : memref<128x128xf32, #tpu.memory_space<vmem>>[vector<16xi32>, vector<16xi32>], vector<16xf32>, vector<16xi1>
            %broadcast_in_dim3A_243 = arith.constant 16 : i32
            %broadcast_in_dim3A_244 = vector.broadcast %broadcast_in_dim3A_243 : i32 to vector<16xi32>
            %gather3A_245 = tpu.vector_load_idx %arg8[%broadcast_in_dim3A_244, %min3A_186] masked %and3A_166 : memref<32x1024xf32, #tpu.memory_space<vmem>>[vector<16xi32>, vector<16xi32>], vector<16xf32>, vector<16xi1>
            tpu.vector_store_idx %arg10[%sub3A_194, %broadcast_in_dim3A_244], %gather3A_245 masked %and3A_166 : memref<128x128xf32, #tpu.memory_space<vmem>>[vector<16xi32>, vector<16xi32>], vector<16xf32>, vector<16xi1>
            %broadcast_in_dim3A_246 = arith.constant 17 : i32
            %broadcast_in_dim3A_247 = vector.broadcast %broadcast_in_dim3A_246 : i32 to vector<16xi32>
            %gather3A_248 = tpu.vector_load_idx %arg8[%broadcast_in_dim3A_247, %min3A_186] masked %and3A_166 : memref<32x1024xf32, #tpu.memory_space<vmem>>[vector<16xi32>, vector<16xi32>], vector<16xf32>, vector<16xi1>
            tpu.vector_store_idx %arg10[%sub3A_194, %broadcast_in_dim3A_247], %gather3A_248 masked %and3A_166 : memref<128x128xf32, #tpu.memory_space<vmem>>[vector<16xi32>, vector<16xi32>], vector<16xf32>, vector<16xi1>
            %broadcast_in_dim3A_249 = arith.constant 18 : i32
            %broadcast_in_dim3A_250 = vector.broadcast %broadcast_in_dim3A_249 : i32 to vector<16xi32>
            %gather3A_251 = tpu.vector_load_idx %arg8[%broadcast_in_dim3A_250, %min3A_186] masked %and3A_166 : memref<32x1024xf32, #tpu.memory_space<vmem>>[vector<16xi32>, vector<16xi32>], vector<16xf32>, vector<16xi1>
            tpu.vector_store_idx %arg10[%sub3A_194, %broadcast_in_dim3A_250], %gather3A_251 masked %and3A_166 : memref<128x128xf32, #tpu.memory_space<vmem>>[vector<16xi32>, vector<16xi32>], vector<16xf32>, vector<16xi1>
            %broadcast_in_dim3A_252 = arith.constant 19 : i32
            %broadcast_in_dim3A_253 = vector.broadcast %broadcast_in_dim3A_252 : i32 to vector<16xi32>
            %gather3A_254 = tpu.vector_load_idx %arg8[%broadcast_in_dim3A_253, %min3A_186] masked %and3A_166 : memref<32x1024xf32, #tpu.memory_space<vmem>>[vector<16xi32>, vector<16xi32>], vector<16xf32>, vector<16xi1>
            tpu.vector_store_idx %arg10[%sub3A_194, %broadcast_in_dim3A_253], %gather3A_254 masked %and3A_166 : memref<128x128xf32, #tpu.memory_space<vmem>>[vector<16xi32>, vector<16xi32>], vector<16xf32>, vector<16xi1>
            %broadcast_in_dim3A_255 = arith.constant 20 : i32
            %broadcast_in_dim3A_256 = vector.broadcast %broadcast_in_dim3A_255 : i32 to vector<16xi32>
            %gather3A_257 = tpu.vector_load_idx %arg8[%broadcast_in_dim3A_256, %min3A_186] masked %and3A_166 : memref<32x1024xf32, #tpu.memory_space<vmem>>[vector<16xi32>, vector<16xi32>], vector<16xf32>, vector<16xi1>
            tpu.vector_store_idx %arg10[%sub3A_194, %broadcast_in_dim3A_256], %gather3A_257 masked %and3A_166 : memref<128x128xf32, #tpu.memory_space<vmem>>[vector<16xi32>, vector<16xi32>], vector<16xf32>, vector<16xi1>
            %broadcast_in_dim3A_258 = arith.constant 21 : i32
            %broadcast_in_dim3A_259 = vector.broadcast %broadcast_in_dim3A_258 : i32 to vector<16xi32>
            %gather3A_260 = tpu.vector_load_idx %arg8[%broadcast_in_dim3A_259, %min3A_186] masked %and3A_166 : memref<32x1024xf32, #tpu.memory_space<vmem>>[vector<16xi32>, vector<16xi32>], vector<16xf32>, vector<16xi1>
            tpu.vector_store_idx %arg10[%sub3A_194, %broadcast_in_dim3A_259], %gather3A_260 masked %and3A_166 : memref<128x128xf32, #tpu.memory_space<vmem>>[vector<16xi32>, vector<16xi32>], vector<16xf32>, vector<16xi1>
            %broadcast_in_dim3A_261 = arith.constant 22 : i32
            %broadcast_in_dim3A_262 = vector.broadcast %broadcast_in_dim3A_261 : i32 to vector<16xi32>
            %gather3A_263 = tpu.vector_load_idx %arg8[%broadcast_in_dim3A_262, %min3A_186] masked %and3A_166 : memref<32x1024xf32, #tpu.memory_space<vmem>>[vector<16xi32>, vector<16xi32>], vector<16xf32>, vector<16xi1>
            tpu.vector_store_idx %arg10[%sub3A_194, %broadcast_in_dim3A_262], %gather3A_263 masked %and3A_166 : memref<128x128xf32, #tpu.memory_space<vmem>>[vector<16xi32>, vector<16xi32>], vector<16xf32>, vector<16xi1>
            %broadcast_in_dim3A_264 = arith.constant 23 : i32
            %broadcast_in_dim3A_265 = vector.broadcast %broadcast_in_dim3A_264 : i32 to vector<16xi32>
            %gather3A_266 = tpu.vector_load_idx %arg8[%broadcast_in_dim3A_265, %min3A_186] masked %and3A_166 : memref<32x1024xf32, #tpu.memory_space<vmem>>[vector<16xi32>, vector<16xi32>], vector<16xf32>, vector<16xi1>
            tpu.vector_store_idx %arg10[%sub3A_194, %broadcast_in_dim3A_265], %gather3A_266 masked %and3A_166 : memref<128x128xf32, #tpu.memory_space<vmem>>[vector<16xi32>, vector<16xi32>], vector<16xf32>, vector<16xi1>
            %broadcast_in_dim3A_267 = arith.constant 24 : i32
            %broadcast_in_dim3A_268 = vector.broadcast %broadcast_in_dim3A_267 : i32 to vector<16xi32>
            %gather3A_269 = tpu.vector_load_idx %arg8[%broadcast_in_dim3A_268, %min3A_186] masked %and3A_166 : memref<32x1024xf32, #tpu.memory_space<vmem>>[vector<16xi32>, vector<16xi32>], vector<16xf32>, vector<16xi1>
            tpu.vector_store_idx %arg10[%sub3A_194, %broadcast_in_dim3A_268], %gather3A_269 masked %and3A_166 : memref<128x128xf32, #tpu.memory_space<vmem>>[vector<16xi32>, vector<16xi32>], vector<16xf32>, vector<16xi1>
            %broadcast_in_dim3A_270 = arith.constant 25 : i32
            %broadcast_in_dim3A_271 = vector.broadcast %broadcast_in_dim3A_270 : i32 to vector<16xi32>
            %gather3A_272 = tpu.vector_load_idx %arg8[%broadcast_in_dim3A_271, %min3A_186] masked %and3A_166 : memref<32x1024xf32, #tpu.memory_space<vmem>>[vector<16xi32>, vector<16xi32>], vector<16xf32>, vector<16xi1>
            tpu.vector_store_idx %arg10[%sub3A_194, %broadcast_in_dim3A_271], %gather3A_272 masked %and3A_166 : memref<128x128xf32, #tpu.memory_space<vmem>>[vector<16xi32>, vector<16xi32>], vector<16xf32>, vector<16xi1>
            %broadcast_in_dim3A_273 = arith.constant 26 : i32
            %broadcast_in_dim3A_274 = vector.broadcast %broadcast_in_dim3A_273 : i32 to vector<16xi32>
            %gather3A_275 = tpu.vector_load_idx %arg8[%broadcast_in_dim3A_274, %min3A_186] masked %and3A_166 : memref<32x1024xf32, #tpu.memory_space<vmem>>[vector<16xi32>, vector<16xi32>], vector<16xf32>, vector<16xi1>
            tpu.vector_store_idx %arg10[%sub3A_194, %broadcast_in_dim3A_274], %gather3A_275 masked %and3A_166 : memref<128x128xf32, #tpu.memory_space<vmem>>[vector<16xi32>, vector<16xi32>], vector<16xf32>, vector<16xi1>
            %broadcast_in_dim3A_276 = arith.constant 27 : i32
            %broadcast_in_dim3A_277 = vector.broadcast %broadcast_in_dim3A_276 : i32 to vector<16xi32>
            %gather3A_278 = tpu.vector_load_idx %arg8[%broadcast_in_dim3A_277, %min3A_186] masked %and3A_166 : memref<32x1024xf32, #tpu.memory_space<vmem>>[vector<16xi32>, vector<16xi32>], vector<16xf32>, vector<16xi1>
            tpu.vector_store_idx %arg10[%sub3A_194, %broadcast_in_dim3A_277], %gather3A_278 masked %and3A_166 : memref<128x128xf32, #tpu.memory_space<vmem>>[vector<16xi32>, vector<16xi32>], vector<16xf32>, vector<16xi1>
            %broadcast_in_dim3A_279 = arith.constant 28 : i32
            %broadcast_in_dim3A_280 = vector.broadcast %broadcast_in_dim3A_279 : i32 to vector<16xi32>
            %gather3A_281 = tpu.vector_load_idx %arg8[%broadcast_in_dim3A_280, %min3A_186] masked %and3A_166 : memref<32x1024xf32, #tpu.memory_space<vmem>>[vector<16xi32>, vector<16xi32>], vector<16xf32>, vector<16xi1>
            tpu.vector_store_idx %arg10[%sub3A_194, %broadcast_in_dim3A_280], %gather3A_281 masked %and3A_166 : memref<128x128xf32, #tpu.memory_space<vmem>>[vector<16xi32>, vector<16xi32>], vector<16xf32>, vector<16xi1>
            %broadcast_in_dim3A_282 = arith.constant 29 : i32
            %broadcast_in_dim3A_283 = vector.broadcast %broadcast_in_dim3A_282 : i32 to vector<16xi32>
            %gather3A_284 = tpu.vector_load_idx %arg8[%broadcast_in_dim3A_283, %min3A_186] masked %and3A_166 : memref<32x1024xf32, #tpu.memory_space<vmem>>[vector<16xi32>, vector<16xi32>], vector<16xf32>, vector<16xi1>
            tpu.vector_store_idx %arg10[%sub3A_194, %broadcast_in_dim3A_283], %gather3A_284 masked %and3A_166 : memref<128x128xf32, #tpu.memory_space<vmem>>[vector<16xi32>, vector<16xi32>], vector<16xf32>, vector<16xi1>
            %broadcast_in_dim3A_285 = arith.constant 30 : i32
            %broadcast_in_dim3A_286 = vector.broadcast %broadcast_in_dim3A_285 : i32 to vector<16xi32>
            %gather3A_287 = tpu.vector_load_idx %arg8[%broadcast_in_dim3A_286, %min3A_186] masked %and3A_166 : memref<32x1024xf32, #tpu.memory_space<vmem>>[vector<16xi32>, vector<16xi32>], vector<16xf32>, vector<16xi1>
            tpu.vector_store_idx %arg10[%sub3A_194, %broadcast_in_dim3A_286], %gather3A_287 masked %and3A_166 : memref<128x128xf32, #tpu.memory_space<vmem>>[vector<16xi32>, vector<16xi32>], vector<16xf32>, vector<16xi1>
            %broadcast_in_dim3A_288 = arith.constant 31 : i32
            %broadcast_in_dim3A_289 = vector.broadcast %broadcast_in_dim3A_288 : i32 to vector<16xi32>
            %gather3A_290 = tpu.vector_load_idx %arg8[%broadcast_in_dim3A_289, %min3A_186] masked %and3A_166 : memref<32x1024xf32, #tpu.memory_space<vmem>>[vector<16xi32>, vector<16xi32>], vector<16xf32>, vector<16xi1>
            tpu.vector_store_idx %arg10[%sub3A_194, %broadcast_in_dim3A_289], %gather3A_290 masked %and3A_166 : memref<128x128xf32, #tpu.memory_space<vmem>>[vector<16xi32>, vector<16xi32>], vector<16xf32>, vector<16xi1>
            tpu.vector_store_idx %arg11[%sub3A_194], %get3A_151 masked %and3A_166 : memref<128xi32, #tpu.memory_space<vmem>>[vector<16xi32>], vector<16xi32>, vector<16xi1>
            %add3A_291 = arith.addi %cond3A_179, %squeeze3A : i32
            scf.yield %add3A_291 : i32
          } else {
            scf.yield %while3A_148 : i32
          }
          scf.yield %cond3A_171 : i32
        }
        %add3A_142 = arith.constant 2 : i32
        %add3A_143 = arith.addi %while3A_110, %add3A_142 : i32
        %lt3A = arith.cmpi slt, %add3A_143, %sub3A_4 : i32
        %convert_element_type3A_144 = arith.extui %lt3A : i1 to i32
        %cond3A_145 = arith.constant 0 : i32
        %cond3A_146 = arith.cmpi ne, %convert_element_type3A_144, %cond3A_145 : i32
        scf.if %cond3A_146 {
          %add3A_147 = arith.constant 2 : i32
          %add3A_148 = arith.addi %while3A_110, %add3A_147 : i32
          %mul3A_149 = arith.constant 1024 : i32
          %mul3A_150 = arith.muli %add3A_148, %mul3A_149 : i32
          %add3A_151 = arith.addi %mul3A_10, %mul3A_150 : i32
          %multiple_of3A_152 = tpu.assume_multiple %add3A_151, 1024 : i32
          %dma_start3A_153 = arith.constant 0 : i32
          %dma_start3A_154 = tpu.memref_slice %arg3[%dma_start3A_153, %multiple_of3A_152] : memref<32x1000000xf32, #tpu.memory_space<hbm>> -> memref<32x1024xf32, #tpu.memory_space<hbm>>
          %dma_start3A_155 = arith.constant 0 : i32
          %dma_start3A_156 = tpu.memref_slice %arg3[%dma_start3A_155, %multiple_of3A_152] : memref<32x1000000xf32, #tpu.memory_space<hbm>> -> memref<32x1024xf32, #tpu.memory_space<hbm>>
          tpu.enqueue_dma source(%dma_start3A_156 : memref<32x1024xf32, #tpu.memory_space<hbm>>) target(%arg8 : memref<32x1024xf32, #tpu.memory_space<vmem>>) target_semaphore(%arg12 : memref<!tpu.dma_semaphore, #tpu.memory_space<semaphore_mem>>)
        } else {
        }
        scf.yield %while3A_141 : i32
      } else {
        %dma_wait3A_123 = arith.constant 0 : i32
        %dma_wait3A_124 = arith.constant 0 : i32
        %dma_wait3A_125 = tpu.memref_slice %arg3[%dma_wait3A_123, %dma_wait3A_124] : memref<32x1000000xf32, #tpu.memory_space<hbm>> -> memref<32x1024xf32, #tpu.memory_space<hbm>>
        %dma_wait3A_126 = arith.constant 0 : i32
        %dma_wait3A_127 = arith.constant 0 : i32
        %dma_wait3A_128 = tpu.memref_slice %arg3[%dma_wait3A_126, %dma_wait3A_127] : memref<32x1000000xf32, #tpu.memory_space<hbm>> -> memref<32x1024xf32, #tpu.memory_space<hbm>>
        tpu.wait_dma2 semaphore(%arg13 : memref<!tpu.dma_semaphore, #tpu.memory_space<semaphore_mem>>) src(%dma_wait3A_128 : memref<32x1024xf32, #tpu.memory_space<hbm>>) dst(%arg9 : memref<32x1024xf32, #tpu.memory_space<vmem>>)
        %add3A_129 = arith.constant 1024 : i32
        %add3A_130 = arith.addi %add3A_114, %add3A_129 : i32
        %while3A_131 = arith.constant 0 : i32
        %while3A_132 = arith.subi %select_n3A_56, %while3A_131 : i32
        %while3A_133 = arith.addi %while3A_131, %while3A_132 : i32
        %while3A_134 = arith.constant 1 : i32
        %while3A_135 = arith.divsi %while3A_132, %while3A_134 : i32
        %while3A_136 = arith.muli %while3A_135, %while3A_134 : i32
        %while3A_137 = arith.addi %while3A_131, %while3A_136 : i32
        %while3A_138 = arith.constant 1 : i32
        %while3A_139 = scf.for %while3A_147 = %while3A_131 to %while3A_137 step %while3A_138 iter_args(%while3A_148 = %while3A_111) -> (i32)  : i32 {
          %mul3A_149 = arith.constant 16 : i32
          %mul3A_150 = arith.muli %while3A_147, %mul3A_149 : i32
          %get3A = arith.index_cast %mul3A_150 : i32 to index
          %get3A_151 = tpu.vector_load %arg7[%get3A] {strides = array<i32>} : memref<16400xi32, #tpu.memory_space<vmem>>, vector<16xi32>,
          %mul3A_152 = arith.constant 16 : i32
          %mul3A_153 = arith.muli %while3A_147, %mul3A_152 : i32
          %add3A_154 = vector.broadcast %mul3A_153 : i32 to vector<16xi32>
          %add3A_155 = arith.addi %add3A_154, %iota3A : vector<16xi32>
          %lt3A_156 = vector.broadcast %scan3A_34 : i32 to vector<16xi32>
          %lt3A_157 = arith.cmpi slt, %add3A_155, %lt3A_156 : vector<16xi32>
          %and3A_158 = arith.constant 16383 : i32
          %and3A_159 = vector.broadcast %and3A_158 : i32 to vector<16xi32>
          %and3A_160 = arith.andi %get3A_151, %and3A_159 : vector<16xi32>
          %gather3A = tpu.vector_load_idx %arg6[%and3A_160] : memref<16384xi32, #tpu.memory_space<vmem>>[vector<16xi32>], vector<16xi32>,
          %ge3A_161 = vector.broadcast %add3A_114 : i32 to vector<16xi32>
          %ge3A_162 = arith.cmpi sge, %gather3A, %ge3A_161 : vector<16xi32>
          %and3A_163 = arith.andi %lt3A_157, %ge3A_162 : vector<16xi1>
          %lt3A_164 = vector.broadcast %add3A_130 : i32 to vector<16xi32>
          %lt3A_165 = arith.cmpi slt, %gather3A, %lt3A_164 : vector<16xi32>
          %and3A_166 = arith.andi %and3A_163, %lt3A_165 : vector<16xi1>
          %all_reduce_population_count3A = tpu.all_reduce %and3A_166 {dim = 0 : i64, kind = #tpu.reduction_kind<sum>} : vector<16xi1> -> vector<16xi32>
          %slice3A = vector.extract_strided_slice %all_reduce_population_count3A {offsets = [0], sizes = [1], strides = [1]} : vector<16xi32> to vector<1xi32>
          %squeeze3A = vector.extract %slice3A[0] : i32 from vector<1xi32>
          %gt3A = arith.constant 0 : i32
          %gt3A_167 = arith.cmpi sgt, %squeeze3A, %gt3A : i32
          %convert_element_type3A_168 = arith.extui %gt3A_167 : i1 to i32
          %cond3A_169 = arith.constant 0 : i32
          %cond3A_170 = arith.cmpi ne, %convert_element_type3A_168, %cond3A_169 : i32
          %cond3A_171 = scf.if %cond3A_170 -> (i32) {
            %add3A_172 = arith.addi %while3A_148, %squeeze3A : i32
            %gt3A_173 = arith.constant 128 : i32
            %gt3A_174 = arith.cmpi sgt, %add3A_172, %gt3A_173 : i32
            %convert_element_type3A_175 = arith.extui %gt3A_174 : i1 to i32
            %cond3A_176 = arith.constant 0 : i32
            %cond3A_177 = arith.constant 0 : i32
            %cond3A_178 = arith.cmpi ne, %convert_element_type3A_175, %cond3A_177 : i32
            %cond3A_179 = scf.if %cond3A_178 -> (i32) {
              %dma_start3A_292 = arith.constant 0 : i32
              %dma_start3A_293 = arith.constant 0 : i32
              %dma_start3A_294 = tpu.memref_slice %arg5[%dma_start3A_292, %dma_start3A_293] : memref<16384x128xf32, #tpu.memory_space<hbm>> -> memref<16384x128xf32, #tpu.memory_space<hbm>>
              %dma_start3A_295 = arith.constant -1 : i32
              tpu.enqueue_indirect_dma source(%arg10 : memref<128x128xf32, #tpu.memory_space<vmem>>) target(%dma_start3A_294 : memref<16384x128xf32, #tpu.memory_space<hbm>>) offsets(%arg11 : memref<128xi32, #tpu.memory_space<vmem>>) offset_filter(%dma_start3A_295) semaphore(%arg14 : memref<!tpu.dma_semaphore, #tpu.memory_space<semaphore_mem>>)
              %dma_wait3A_296 = arith.constant 0 : i32
              %dma_wait3A_297 = arith.constant 0 : i32
              %dma_wait3A_298 = tpu.memref_slice %arg5[%dma_wait3A_296, %dma_wait3A_297] : memref<16384x128xf32, #tpu.memory_space<hbm>> -> memref<16384x128xf32, #tpu.memory_space<hbm>>
              tpu.wait_indirect_dma semaphore(%arg14 : memref<!tpu.dma_semaphore, #tpu.memory_space<semaphore_mem>>) src(%arg10 : memref<128x128xf32, #tpu.memory_space<vmem>>) dst(%dma_wait3A_298 : memref<16384x128xf32, #tpu.memory_space<hbm>>)
              %broadcast_in_dim3A_299 = arith.constant -1 : i32
              %broadcast_in_dim3A_300 = vector.broadcast %broadcast_in_dim3A_299 : i32 to vector<16xi32>
              %swap3A_301 = arith.constant 0 : index
              %swap3A_302 = tpu.vector_load %arg11[%swap3A_301] {strides = array<i32>} : memref<128xi32, #tpu.memory_space<vmem>>, vector<16xi32>,
              tpu.vector_store %arg11[%swap3A_301], %broadcast_in_dim3A_300 {strides = array<i32>} : memref<128xi32, #tpu.memory_space<vmem>>, vector<16xi32>,
              %swap3A_303 = arith.constant 16 : index
              %swap3A_304 = tpu.vector_load %arg11[%swap3A_303] {strides = array<i32>} : memref<128xi32, #tpu.memory_space<vmem>>, vector<16xi32>,
              tpu.vector_store %arg11[%swap3A_303], %broadcast_in_dim3A_300 {strides = array<i32>} : memref<128xi32, #tpu.memory_space<vmem>>, vector<16xi32>,
              %swap3A_305 = arith.constant 32 : index
              %swap3A_306 = tpu.vector_load %arg11[%swap3A_305] {strides = array<i32>} : memref<128xi32, #tpu.memory_space<vmem>>, vector<16xi32>,
              tpu.vector_store %arg11[%swap3A_305], %broadcast_in_dim3A_300 {strides = array<i32>} : memref<128xi32, #tpu.memory_space<vmem>>, vector<16xi32>,
              %swap3A_307 = arith.constant 48 : index
              %swap3A_308 = tpu.vector_load %arg11[%swap3A_307] {strides = array<i32>} : memref<128xi32, #tpu.memory_space<vmem>>, vector<16xi32>,
              tpu.vector_store %arg11[%swap3A_307], %broadcast_in_dim3A_300 {strides = array<i32>} : memref<128xi32, #tpu.memory_space<vmem>>, vector<16xi32>,
              %swap3A_309 = arith.constant 64 : index
              %swap3A_310 = tpu.vector_load %arg11[%swap3A_309] {strides = array<i32>} : memref<128xi32, #tpu.memory_space<vmem>>, vector<16xi32>,
              tpu.vector_store %arg11[%swap3A_309], %broadcast_in_dim3A_300 {strides = array<i32>} : memref<128xi32, #tpu.memory_space<vmem>>, vector<16xi32>,
              %swap3A_311 = arith.constant 80 : index
              %swap3A_312 = tpu.vector_load %arg11[%swap3A_311] {strides = array<i32>} : memref<128xi32, #tpu.memory_space<vmem>>, vector<16xi32>,
              tpu.vector_store %arg11[%swap3A_311], %broadcast_in_dim3A_300 {strides = array<i32>} : memref<128xi32, #tpu.memory_space<vmem>>, vector<16xi32>,
              %swap3A_313 = arith.constant 96 : index
              %swap3A_314 = tpu.vector_load %arg11[%swap3A_313] {strides = array<i32>} : memref<128xi32, #tpu.memory_space<vmem>>, vector<16xi32>,
              tpu.vector_store %arg11[%swap3A_313], %broadcast_in_dim3A_300 {strides = array<i32>} : memref<128xi32, #tpu.memory_space<vmem>>, vector<16xi32>,
              %swap3A_315 = arith.constant 112 : index
              %swap3A_316 = tpu.vector_load %arg11[%swap3A_315] {strides = array<i32>} : memref<128xi32, #tpu.memory_space<vmem>>, vector<16xi32>,
              tpu.vector_store %arg11[%swap3A_315], %broadcast_in_dim3A_300 {strides = array<i32>} : memref<128xi32, #tpu.memory_space<vmem>>, vector<16xi32>,
              %cond3A_317 = arith.constant 0 : i32
              scf.yield %cond3A_317 : i32
            } else {
              scf.yield %while3A_148 : i32
            }
            %sub3A_180 = vector.broadcast %add3A_114 : i32 to vector<16xi32>
            %sub3A_181 = arith.subi %gather3A, %sub3A_180 : vector<16xi32>
            %max3A = arith.constant 0 : i32
            %max3A_182 = vector.broadcast %max3A : i32 to vector<16xi32>
            %max3A_183 = arith.maxsi %sub3A_181, %max3A_182 : vector<16xi32>
            %min3A_184 = arith.constant 1023 : i32
            %min3A_185 = vector.broadcast %min3A_184 : i32 to vector<16xi32>
            %min3A_186 = arith.minsi %max3A_183, %min3A_185 : vector<16xi32>
            %convert_element_type3A_187 = arith.extui %and3A_166 : vector<16xi1> to vector<16xi32>
            %broadcast_in_dim3A_188 = arith.constant true
            %broadcast_in_dim3A_189 = vector.broadcast %broadcast_in_dim3A_188 : i1 to vector<16xi1>
            %masked_cumsum3A = tpu.scan <sum>, %convert_element_type3A_187 masked %broadcast_in_dim3A_189 : vector<16xi32>, vector<16xi1> -> vector<16xi32>
            %add3A_190 = vector.broadcast %cond3A_179 : i32 to vector<16xi32>
            %add3A_191 = arith.addi %add3A_190, %masked_cumsum3A : vector<16xi32>
            %sub3A_192 = arith.constant 1 : i32
            %sub3A_193 = vector.broadcast %sub3A_192 : i32 to vector<16xi32>
            %sub3A_194 = arith.subi %add3A_191, %sub3A_193 : vector<16xi32>
            %broadcast_in_dim3A_195 = arith.constant 0 : i32
            %broadcast_in_dim3A_196 = vector.broadcast %broadcast_in_dim3A_195 : i32 to vector<16xi32>
            %gather3A_197 = tpu.vector_load_idx %arg9[%broadcast_in_dim3A_196, %min3A_186] masked %and3A_166 : memref<32x1024xf32, #tpu.memory_space<vmem>>[vector<16xi32>, vector<16xi32>], vector<16xf32>, vector<16xi1>
            tpu.vector_store_idx %arg10[%sub3A_194, %broadcast_in_dim3A_196], %gather3A_197 masked %and3A_166 : memref<128x128xf32, #tpu.memory_space<vmem>>[vector<16xi32>, vector<16xi32>], vector<16xf32>, vector<16xi1>
            %broadcast_in_dim3A_198 = arith.constant 1 : i32
            %broadcast_in_dim3A_199 = vector.broadcast %broadcast_in_dim3A_198 : i32 to vector<16xi32>
            %gather3A_200 = tpu.vector_load_idx %arg9[%broadcast_in_dim3A_199, %min3A_186] masked %and3A_166 : memref<32x1024xf32, #tpu.memory_space<vmem>>[vector<16xi32>, vector<16xi32>], vector<16xf32>, vector<16xi1>
            tpu.vector_store_idx %arg10[%sub3A_194, %broadcast_in_dim3A_199], %gather3A_200 masked %and3A_166 : memref<128x128xf32, #tpu.memory_space<vmem>>[vector<16xi32>, vector<16xi32>], vector<16xf32>, vector<16xi1>
            %broadcast_in_dim3A_201 = arith.constant 2 : i32
            %broadcast_in_dim3A_202 = vector.broadcast %broadcast_in_dim3A_201 : i32 to vector<16xi32>
            %gather3A_203 = tpu.vector_load_idx %arg9[%broadcast_in_dim3A_202, %min3A_186] masked %and3A_166 : memref<32x1024xf32, #tpu.memory_space<vmem>>[vector<16xi32>, vector<16xi32>], vector<16xf32>, vector<16xi1>
            tpu.vector_store_idx %arg10[%sub3A_194, %broadcast_in_dim3A_202], %gather3A_203 masked %and3A_166 : memref<128x128xf32, #tpu.memory_space<vmem>>[vector<16xi32>, vector<16xi32>], vector<16xf32>, vector<16xi1>
            %broadcast_in_dim3A_204 = arith.constant 3 : i32
            %broadcast_in_dim3A_205 = vector.broadcast %broadcast_in_dim3A_204 : i32 to vector<16xi32>
            %gather3A_206 = tpu.vector_load_idx %arg9[%broadcast_in_dim3A_205, %min3A_186] masked %and3A_166 : memref<32x1024xf32, #tpu.memory_space<vmem>>[vector<16xi32>, vector<16xi32>], vector<16xf32>, vector<16xi1>
            tpu.vector_store_idx %arg10[%sub3A_194, %broadcast_in_dim3A_205], %gather3A_206 masked %and3A_166 : memref<128x128xf32, #tpu.memory_space<vmem>>[vector<16xi32>, vector<16xi32>], vector<16xf32>, vector<16xi1>
            %broadcast_in_dim3A_207 = arith.constant 4 : i32
            %broadcast_in_dim3A_208 = vector.broadcast %broadcast_in_dim3A_207 : i32 to vector<16xi32>
            %gather3A_209 = tpu.vector_load_idx %arg9[%broadcast_in_dim3A_208, %min3A_186] masked %and3A_166 : memref<32x1024xf32, #tpu.memory_space<vmem>>[vector<16xi32>, vector<16xi32>], vector<16xf32>, vector<16xi1>
            tpu.vector_store_idx %arg10[%sub3A_194, %broadcast_in_dim3A_208], %gather3A_209 masked %and3A_166 : memref<128x128xf32, #tpu.memory_space<vmem>>[vector<16xi32>, vector<16xi32>], vector<16xf32>, vector<16xi1>
            %broadcast_in_dim3A_210 = arith.constant 5 : i32
            %broadcast_in_dim3A_211 = vector.broadcast %broadcast_in_dim3A_210 : i32 to vector<16xi32>
            %gather3A_212 = tpu.vector_load_idx %arg9[%broadcast_in_dim3A_211, %min3A_186] masked %and3A_166 : memref<32x1024xf32, #tpu.memory_space<vmem>>[vector<16xi32>, vector<16xi32>], vector<16xf32>, vector<16xi1>
            tpu.vector_store_idx %arg10[%sub3A_194, %broadcast_in_dim3A_211], %gather3A_212 masked %and3A_166 : memref<128x128xf32, #tpu.memory_space<vmem>>[vector<16xi32>, vector<16xi32>], vector<16xf32>, vector<16xi1>
            %broadcast_in_dim3A_213 = arith.constant 6 : i32
            %broadcast_in_dim3A_214 = vector.broadcast %broadcast_in_dim3A_213 : i32 to vector<16xi32>
            %gather3A_215 = tpu.vector_load_idx %arg9[%broadcast_in_dim3A_214, %min3A_186] masked %and3A_166 : memref<32x1024xf32, #tpu.memory_space<vmem>>[vector<16xi32>, vector<16xi32>], vector<16xf32>, vector<16xi1>
            tpu.vector_store_idx %arg10[%sub3A_194, %broadcast_in_dim3A_214], %gather3A_215 masked %and3A_166 : memref<128x128xf32, #tpu.memory_space<vmem>>[vector<16xi32>, vector<16xi32>], vector<16xf32>, vector<16xi1>
            %broadcast_in_dim3A_216 = arith.constant 7 : i32
            %broadcast_in_dim3A_217 = vector.broadcast %broadcast_in_dim3A_216 : i32 to vector<16xi32>
            %gather3A_218 = tpu.vector_load_idx %arg9[%broadcast_in_dim3A_217, %min3A_186] masked %and3A_166 : memref<32x1024xf32, #tpu.memory_space<vmem>>[vector<16xi32>, vector<16xi32>], vector<16xf32>, vector<16xi1>
            tpu.vector_store_idx %arg10[%sub3A_194, %broadcast_in_dim3A_217], %gather3A_218 masked %and3A_166 : memref<128x128xf32, #tpu.memory_space<vmem>>[vector<16xi32>, vector<16xi32>], vector<16xf32>, vector<16xi1>
            %broadcast_in_dim3A_219 = arith.constant 8 : i32
            %broadcast_in_dim3A_220 = vector.broadcast %broadcast_in_dim3A_219 : i32 to vector<16xi32>
            %gather3A_221 = tpu.vector_load_idx %arg9[%broadcast_in_dim3A_220, %min3A_186] masked %and3A_166 : memref<32x1024xf32, #tpu.memory_space<vmem>>[vector<16xi32>, vector<16xi32>], vector<16xf32>, vector<16xi1>
            tpu.vector_store_idx %arg10[%sub3A_194, %broadcast_in_dim3A_220], %gather3A_221 masked %and3A_166 : memref<128x128xf32, #tpu.memory_space<vmem>>[vector<16xi32>, vector<16xi32>], vector<16xf32>, vector<16xi1>
            %broadcast_in_dim3A_222 = arith.constant 9 : i32
            %broadcast_in_dim3A_223 = vector.broadcast %broadcast_in_dim3A_222 : i32 to vector<16xi32>
            %gather3A_224 = tpu.vector_load_idx %arg9[%broadcast_in_dim3A_223, %min3A_186] masked %and3A_166 : memref<32x1024xf32, #tpu.memory_space<vmem>>[vector<16xi32>, vector<16xi32>], vector<16xf32>, vector<16xi1>
            tpu.vector_store_idx %arg10[%sub3A_194, %broadcast_in_dim3A_223], %gather3A_224 masked %and3A_166 : memref<128x128xf32, #tpu.memory_space<vmem>>[vector<16xi32>, vector<16xi32>], vector<16xf32>, vector<16xi1>
            %broadcast_in_dim3A_225 = arith.constant 10 : i32
            %broadcast_in_dim3A_226 = vector.broadcast %broadcast_in_dim3A_225 : i32 to vector<16xi32>
            %gather3A_227 = tpu.vector_load_idx %arg9[%broadcast_in_dim3A_226, %min3A_186] masked %and3A_166 : memref<32x1024xf32, #tpu.memory_space<vmem>>[vector<16xi32>, vector<16xi32>], vector<16xf32>, vector<16xi1>
            tpu.vector_store_idx %arg10[%sub3A_194, %broadcast_in_dim3A_226], %gather3A_227 masked %and3A_166 : memref<128x128xf32, #tpu.memory_space<vmem>>[vector<16xi32>, vector<16xi32>], vector<16xf32>, vector<16xi1>
            %broadcast_in_dim3A_228 = arith.constant 11 : i32
            %broadcast_in_dim3A_229 = vector.broadcast %broadcast_in_dim3A_228 : i32 to vector<16xi32>
            %gather3A_230 = tpu.vector_load_idx %arg9[%broadcast_in_dim3A_229, %min3A_186] masked %and3A_166 : memref<32x1024xf32, #tpu.memory_space<vmem>>[vector<16xi32>, vector<16xi32>], vector<16xf32>, vector<16xi1>
            tpu.vector_store_idx %arg10[%sub3A_194, %broadcast_in_dim3A_229], %gather3A_230 masked %and3A_166 : memref<128x128xf32, #tpu.memory_space<vmem>>[vector<16xi32>, vector<16xi32>], vector<16xf32>, vector<16xi1>
            %broadcast_in_dim3A_231 = arith.constant 12 : i32
            %broadcast_in_dim3A_232 = vector.broadcast %broadcast_in_dim3A_231 : i32 to vector<16xi32>
            %gather3A_233 = tpu.vector_load_idx %arg9[%broadcast_in_dim3A_232, %min3A_186] masked %and3A_166 : memref<32x1024xf32, #tpu.memory_space<vmem>>[vector<16xi32>, vector<16xi32>], vector<16xf32>, vector<16xi1>
            tpu.vector_store_idx %arg10[%sub3A_194, %broadcast_in_dim3A_232], %gather3A_233 masked %and3A_166 : memref<128x128xf32, #tpu.memory_space<vmem>>[vector<16xi32>, vector<16xi32>], vector<16xf32>, vector<16xi1>
            %broadcast_in_dim3A_234 = arith.constant 13 : i32
            %broadcast_in_dim3A_235 = vector.broadcast %broadcast_in_dim3A_234 : i32 to vector<16xi32>
            %gather3A_236 = tpu.vector_load_idx %arg9[%broadcast_in_dim3A_235, %min3A_186] masked %and3A_166 : memref<32x1024xf32, #tpu.memory_space<vmem>>[vector<16xi32>, vector<16xi32>], vector<16xf32>, vector<16xi1>
            tpu.vector_store_idx %arg10[%sub3A_194, %broadcast_in_dim3A_235], %gather3A_236 masked %and3A_166 : memref<128x128xf32, #tpu.memory_space<vmem>>[vector<16xi32>, vector<16xi32>], vector<16xf32>, vector<16xi1>
            %broadcast_in_dim3A_237 = arith.constant 14 : i32
            %broadcast_in_dim3A_238 = vector.broadcast %broadcast_in_dim3A_237 : i32 to vector<16xi32>
            %gather3A_239 = tpu.vector_load_idx %arg9[%broadcast_in_dim3A_238, %min3A_186] masked %and3A_166 : memref<32x1024xf32, #tpu.memory_space<vmem>>[vector<16xi32>, vector<16xi32>], vector<16xf32>, vector<16xi1>
            tpu.vector_store_idx %arg10[%sub3A_194, %broadcast_in_dim3A_238], %gather3A_239 masked %and3A_166 : memref<128x128xf32, #tpu.memory_space<vmem>>[vector<16xi32>, vector<16xi32>], vector<16xf32>, vector<16xi1>
            %broadcast_in_dim3A_240 = arith.constant 15 : i32
            %broadcast_in_dim3A_241 = vector.broadcast %broadcast_in_dim3A_240 : i32 to vector<16xi32>
            %gather3A_242 = tpu.vector_load_idx %arg9[%broadcast_in_dim3A_241, %min3A_186] masked %and3A_166 : memref<32x1024xf32, #tpu.memory_space<vmem>>[vector<16xi32>, vector<16xi32>], vector<16xf32>, vector<16xi1>
            tpu.vector_store_idx %arg10[%sub3A_194, %broadcast_in_dim3A_241], %gather3A_242 masked %and3A_166 : memref<128x128xf32, #tpu.memory_space<vmem>>[vector<16xi32>, vector<16xi32>], vector<16xf32>, vector<16xi1>
            %broadcast_in_dim3A_243 = arith.constant 16 : i32
            %broadcast_in_dim3A_244 = vector.broadcast %broadcast_in_dim3A_243 : i32 to vector<16xi32>
            %gather3A_245 = tpu.vector_load_idx %arg9[%broadcast_in_dim3A_244, %min3A_186] masked %and3A_166 : memref<32x1024xf32, #tpu.memory_space<vmem>>[vector<16xi32>, vector<16xi32>], vector<16xf32>, vector<16xi1>
            tpu.vector_store_idx %arg10[%sub3A_194, %broadcast_in_dim3A_244], %gather3A_245 masked %and3A_166 : memref<128x128xf32, #tpu.memory_space<vmem>>[vector<16xi32>, vector<16xi32>], vector<16xf32>, vector<16xi1>
            %broadcast_in_dim3A_246 = arith.constant 17 : i32
            %broadcast_in_dim3A_247 = vector.broadcast %broadcast_in_dim3A_246 : i32 to vector<16xi32>
            %gather3A_248 = tpu.vector_load_idx %arg9[%broadcast_in_dim3A_247, %min3A_186] masked %and3A_166 : memref<32x1024xf32, #tpu.memory_space<vmem>>[vector<16xi32>, vector<16xi32>], vector<16xf32>, vector<16xi1>
            tpu.vector_store_idx %arg10[%sub3A_194, %broadcast_in_dim3A_247], %gather3A_248 masked %and3A_166 : memref<128x128xf32, #tpu.memory_space<vmem>>[vector<16xi32>, vector<16xi32>], vector<16xf32>, vector<16xi1>
            %broadcast_in_dim3A_249 = arith.constant 18 : i32
            %broadcast_in_dim3A_250 = vector.broadcast %broadcast_in_dim3A_249 : i32 to vector<16xi32>
            %gather3A_251 = tpu.vector_load_idx %arg9[%broadcast_in_dim3A_250, %min3A_186] masked %and3A_166 : memref<32x1024xf32, #tpu.memory_space<vmem>>[vector<16xi32>, vector<16xi32>], vector<16xf32>, vector<16xi1>
            tpu.vector_store_idx %arg10[%sub3A_194, %broadcast_in_dim3A_250], %gather3A_251 masked %and3A_166 : memref<128x128xf32, #tpu.memory_space<vmem>>[vector<16xi32>, vector<16xi32>], vector<16xf32>, vector<16xi1>
            %broadcast_in_dim3A_252 = arith.constant 19 : i32
            %broadcast_in_dim3A_253 = vector.broadcast %broadcast_in_dim3A_252 : i32 to vector<16xi32>
            %gather3A_254 = tpu.vector_load_idx %arg9[%broadcast_in_dim3A_253, %min3A_186] masked %and3A_166 : memref<32x1024xf32, #tpu.memory_space<vmem>>[vector<16xi32>, vector<16xi32>], vector<16xf32>, vector<16xi1>
            tpu.vector_store_idx %arg10[%sub3A_194, %broadcast_in_dim3A_253], %gather3A_254 masked %and3A_166 : memref<128x128xf32, #tpu.memory_space<vmem>>[vector<16xi32>, vector<16xi32>], vector<16xf32>, vector<16xi1>
            %broadcast_in_dim3A_255 = arith.constant 20 : i32
            %broadcast_in_dim3A_256 = vector.broadcast %broadcast_in_dim3A_255 : i32 to vector<16xi32>
            %gather3A_257 = tpu.vector_load_idx %arg9[%broadcast_in_dim3A_256, %min3A_186] masked %and3A_166 : memref<32x1024xf32, #tpu.memory_space<vmem>>[vector<16xi32>, vector<16xi32>], vector<16xf32>, vector<16xi1>
            tpu.vector_store_idx %arg10[%sub3A_194, %broadcast_in_dim3A_256], %gather3A_257 masked %and3A_166 : memref<128x128xf32, #tpu.memory_space<vmem>>[vector<16xi32>, vector<16xi32>], vector<16xf32>, vector<16xi1>
            %broadcast_in_dim3A_258 = arith.constant 21 : i32
            %broadcast_in_dim3A_259 = vector.broadcast %broadcast_in_dim3A_258 : i32 to vector<16xi32>
            %gather3A_260 = tpu.vector_load_idx %arg9[%broadcast_in_dim3A_259, %min3A_186] masked %and3A_166 : memref<32x1024xf32, #tpu.memory_space<vmem>>[vector<16xi32>, vector<16xi32>], vector<16xf32>, vector<16xi1>
            tpu.vector_store_idx %arg10[%sub3A_194, %broadcast_in_dim3A_259], %gather3A_260 masked %and3A_166 : memref<128x128xf32, #tpu.memory_space<vmem>>[vector<16xi32>, vector<16xi32>], vector<16xf32>, vector<16xi1>
            %broadcast_in_dim3A_261 = arith.constant 22 : i32
            %broadcast_in_dim3A_262 = vector.broadcast %broadcast_in_dim3A_261 : i32 to vector<16xi32>
            %gather3A_263 = tpu.vector_load_idx %arg9[%broadcast_in_dim3A_262, %min3A_186] masked %and3A_166 : memref<32x1024xf32, #tpu.memory_space<vmem>>[vector<16xi32>, vector<16xi32>], vector<16xf32>, vector<16xi1>
            tpu.vector_store_idx %arg10[%sub3A_194, %broadcast_in_dim3A_262], %gather3A_263 masked %and3A_166 : memref<128x128xf32, #tpu.memory_space<vmem>>[vector<16xi32>, vector<16xi32>], vector<16xf32>, vector<16xi1>
            %broadcast_in_dim3A_264 = arith.constant 23 : i32
            %broadcast_in_dim3A_265 = vector.broadcast %broadcast_in_dim3A_264 : i32 to vector<16xi32>
            %gather3A_266 = tpu.vector_load_idx %arg9[%broadcast_in_dim3A_265, %min3A_186] masked %and3A_166 : memref<32x1024xf32, #tpu.memory_space<vmem>>[vector<16xi32>, vector<16xi32>], vector<16xf32>, vector<16xi1>
            tpu.vector_store_idx %arg10[%sub3A_194, %broadcast_in_dim3A_265], %gather3A_266 masked %and3A_166 : memref<128x128xf32, #tpu.memory_space<vmem>>[vector<16xi32>, vector<16xi32>], vector<16xf32>, vector<16xi1>
            %broadcast_in_dim3A_267 = arith.constant 24 : i32
            %broadcast_in_dim3A_268 = vector.broadcast %broadcast_in_dim3A_267 : i32 to vector<16xi32>
            %gather3A_269 = tpu.vector_load_idx %arg9[%broadcast_in_dim3A_268, %min3A_186] masked %and3A_166 : memref<32x1024xf32, #tpu.memory_space<vmem>>[vector<16xi32>, vector<16xi32>], vector<16xf32>, vector<16xi1>
            tpu.vector_store_idx %arg10[%sub3A_194, %broadcast_in_dim3A_268], %gather3A_269 masked %and3A_166 : memref<128x128xf32, #tpu.memory_space<vmem>>[vector<16xi32>, vector<16xi32>], vector<16xf32>, vector<16xi1>
            %broadcast_in_dim3A_270 = arith.constant 25 : i32
            %broadcast_in_dim3A_271 = vector.broadcast %broadcast_in_dim3A_270 : i32 to vector<16xi32>
            %gather3A_272 = tpu.vector_load_idx %arg9[%broadcast_in_dim3A_271, %min3A_186] masked %and3A_166 : memref<32x1024xf32, #tpu.memory_space<vmem>>[vector<16xi32>, vector<16xi32>], vector<16xf32>, vector<16xi1>
            tpu.vector_store_idx %arg10[%sub3A_194, %broadcast_in_dim3A_271], %gather3A_272 masked %and3A_166 : memref<128x128xf32, #tpu.memory_space<vmem>>[vector<16xi32>, vector<16xi32>], vector<16xf32>, vector<16xi1>
            %broadcast_in_dim3A_273 = arith.constant 26 : i32
            %broadcast_in_dim3A_274 = vector.broadcast %broadcast_in_dim3A_273 : i32 to vector<16xi32>
            %gather3A_275 = tpu.vector_load_idx %arg9[%broadcast_in_dim3A_274, %min3A_186] masked %and3A_166 : memref<32x1024xf32, #tpu.memory_space<vmem>>[vector<16xi32>, vector<16xi32>], vector<16xf32>, vector<16xi1>
            tpu.vector_store_idx %arg10[%sub3A_194, %broadcast_in_dim3A_274], %gather3A_275 masked %and3A_166 : memref<128x128xf32, #tpu.memory_space<vmem>>[vector<16xi32>, vector<16xi32>], vector<16xf32>, vector<16xi1>
            %broadcast_in_dim3A_276 = arith.constant 27 : i32
            %broadcast_in_dim3A_277 = vector.broadcast %broadcast_in_dim3A_276 : i32 to vector<16xi32>
            %gather3A_278 = tpu.vector_load_idx %arg9[%broadcast_in_dim3A_277, %min3A_186] masked %and3A_166 : memref<32x1024xf32, #tpu.memory_space<vmem>>[vector<16xi32>, vector<16xi32>], vector<16xf32>, vector<16xi1>
            tpu.vector_store_idx %arg10[%sub3A_194, %broadcast_in_dim3A_277], %gather3A_278 masked %and3A_166 : memref<128x128xf32, #tpu.memory_space<vmem>>[vector<16xi32>, vector<16xi32>], vector<16xf32>, vector<16xi1>
            %broadcast_in_dim3A_279 = arith.constant 28 : i32
            %broadcast_in_dim3A_280 = vector.broadcast %broadcast_in_dim3A_279 : i32 to vector<16xi32>
            %gather3A_281 = tpu.vector_load_idx %arg9[%broadcast_in_dim3A_280, %min3A_186] masked %and3A_166 : memref<32x1024xf32, #tpu.memory_space<vmem>>[vector<16xi32>, vector<16xi32>], vector<16xf32>, vector<16xi1>
            tpu.vector_store_idx %arg10[%sub3A_194, %broadcast_in_dim3A_280], %gather3A_281 masked %and3A_166 : memref<128x128xf32, #tpu.memory_space<vmem>>[vector<16xi32>, vector<16xi32>], vector<16xf32>, vector<16xi1>
            %broadcast_in_dim3A_282 = arith.constant 29 : i32
            %broadcast_in_dim3A_283 = vector.broadcast %broadcast_in_dim3A_282 : i32 to vector<16xi32>
            %gather3A_284 = tpu.vector_load_idx %arg9[%broadcast_in_dim3A_283, %min3A_186] masked %and3A_166 : memref<32x1024xf32, #tpu.memory_space<vmem>>[vector<16xi32>, vector<16xi32>], vector<16xf32>, vector<16xi1>
            tpu.vector_store_idx %arg10[%sub3A_194, %broadcast_in_dim3A_283], %gather3A_284 masked %and3A_166 : memref<128x128xf32, #tpu.memory_space<vmem>>[vector<16xi32>, vector<16xi32>], vector<16xf32>, vector<16xi1>
            %broadcast_in_dim3A_285 = arith.constant 30 : i32
            %broadcast_in_dim3A_286 = vector.broadcast %broadcast_in_dim3A_285 : i32 to vector<16xi32>
            %gather3A_287 = tpu.vector_load_idx %arg9[%broadcast_in_dim3A_286, %min3A_186] masked %and3A_166 : memref<32x1024xf32, #tpu.memory_space<vmem>>[vector<16xi32>, vector<16xi32>], vector<16xf32>, vector<16xi1>
            tpu.vector_store_idx %arg10[%sub3A_194, %broadcast_in_dim3A_286], %gather3A_287 masked %and3A_166 : memref<128x128xf32, #tpu.memory_space<vmem>>[vector<16xi32>, vector<16xi32>], vector<16xf32>, vector<16xi1>
            %broadcast_in_dim3A_288 = arith.constant 31 : i32
            %broadcast_in_dim3A_289 = vector.broadcast %broadcast_in_dim3A_288 : i32 to vector<16xi32>
            %gather3A_290 = tpu.vector_load_idx %arg9[%broadcast_in_dim3A_289, %min3A_186] masked %and3A_166 : memref<32x1024xf32, #tpu.memory_space<vmem>>[vector<16xi32>, vector<16xi32>], vector<16xf32>, vector<16xi1>
            tpu.vector_store_idx %arg10[%sub3A_194, %broadcast_in_dim3A_289], %gather3A_290 masked %and3A_166 : memref<128x128xf32, #tpu.memory_space<vmem>>[vector<16xi32>, vector<16xi32>], vector<16xf32>, vector<16xi1>
            tpu.vector_store_idx %arg11[%sub3A_194], %get3A_151 masked %and3A_166 : memref<128xi32, #tpu.memory_space<vmem>>[vector<16xi32>], vector<16xi32>, vector<16xi1>
            %add3A_291 = arith.addi %cond3A_179, %squeeze3A : i32
            scf.yield %add3A_291 : i32
          } else {
            scf.yield %while3A_148 : i32
          }
          scf.yield %cond3A_171 : i32
        }
        %while3A_140 = arith.constant 1 : i32
        %while3A_141 = scf.for %while3A_147 = %while3A_137 to %while3A_133 step %while3A_140 iter_args(%while3A_148 = %while3A_139) -> (i32)  : i32 {
          %mul3A_149 = arith.constant 16 : i32
          %mul3A_150 = arith.muli %while3A_147, %mul3A_149 : i32
          %get3A = arith.index_cast %mul3A_150 : i32 to index
          %get3A_151 = tpu.vector_load %arg7[%get3A] {strides = array<i32>} : memref<16400xi32, #tpu.memory_space<vmem>>, vector<16xi32>,
          %mul3A_152 = arith.constant 16 : i32
          %mul3A_153 = arith.muli %while3A_147, %mul3A_152 : i32
          %add3A_154 = vector.broadcast %mul3A_153 : i32 to vector<16xi32>
          %add3A_155 = arith.addi %add3A_154, %iota3A : vector<16xi32>
          %lt3A_156 = vector.broadcast %scan3A_34 : i32 to vector<16xi32>
          %lt3A_157 = arith.cmpi slt, %add3A_155, %lt3A_156 : vector<16xi32>
          %and3A_158 = arith.constant 16383 : i32
          %and3A_159 = vector.broadcast %and3A_158 : i32 to vector<16xi32>
          %and3A_160 = arith.andi %get3A_151, %and3A_159 : vector<16xi32>
          %gather3A = tpu.vector_load_idx %arg6[%and3A_160] : memref<16384xi32, #tpu.memory_space<vmem>>[vector<16xi32>], vector<16xi32>,
          %ge3A_161 = vector.broadcast %add3A_114 : i32 to vector<16xi32>
          %ge3A_162 = arith.cmpi sge, %gather3A, %ge3A_161 : vector<16xi32>
          %and3A_163 = arith.andi %lt3A_157, %ge3A_162 : vector<16xi1>
          %lt3A_164 = vector.broadcast %add3A_130 : i32 to vector<16xi32>
          %lt3A_165 = arith.cmpi slt, %gather3A, %lt3A_164 : vector<16xi32>
          %and3A_166 = arith.andi %and3A_163, %lt3A_165 : vector<16xi1>
          %all_reduce_population_count3A = tpu.all_reduce %and3A_166 {dim = 0 : i64, kind = #tpu.reduction_kind<sum>} : vector<16xi1> -> vector<16xi32>
          %slice3A = vector.extract_strided_slice %all_reduce_population_count3A {offsets = [0], sizes = [1], strides = [1]} : vector<16xi32> to vector<1xi32>
          %squeeze3A = vector.extract %slice3A[0] : i32 from vector<1xi32>
          %gt3A = arith.constant 0 : i32
          %gt3A_167 = arith.cmpi sgt, %squeeze3A, %gt3A : i32
          %convert_element_type3A_168 = arith.extui %gt3A_167 : i1 to i32
          %cond3A_169 = arith.constant 0 : i32
          %cond3A_170 = arith.cmpi ne, %convert_element_type3A_168, %cond3A_169 : i32
          %cond3A_171 = scf.if %cond3A_170 -> (i32) {
            %add3A_172 = arith.addi %while3A_148, %squeeze3A : i32
            %gt3A_173 = arith.constant 128 : i32
            %gt3A_174 = arith.cmpi sgt, %add3A_172, %gt3A_173 : i32
            %convert_element_type3A_175 = arith.extui %gt3A_174 : i1 to i32
            %cond3A_176 = arith.constant 0 : i32
            %cond3A_177 = arith.constant 0 : i32
            %cond3A_178 = arith.cmpi ne, %convert_element_type3A_175, %cond3A_177 : i32
            %cond3A_179 = scf.if %cond3A_178 -> (i32) {
              %dma_start3A_292 = arith.constant 0 : i32
              %dma_start3A_293 = arith.constant 0 : i32
              %dma_start3A_294 = tpu.memref_slice %arg5[%dma_start3A_292, %dma_start3A_293] : memref<16384x128xf32, #tpu.memory_space<hbm>> -> memref<16384x128xf32, #tpu.memory_space<hbm>>
              %dma_start3A_295 = arith.constant -1 : i32
              tpu.enqueue_indirect_dma source(%arg10 : memref<128x128xf32, #tpu.memory_space<vmem>>) target(%dma_start3A_294 : memref<16384x128xf32, #tpu.memory_space<hbm>>) offsets(%arg11 : memref<128xi32, #tpu.memory_space<vmem>>) offset_filter(%dma_start3A_295) semaphore(%arg14 : memref<!tpu.dma_semaphore, #tpu.memory_space<semaphore_mem>>)
              %dma_wait3A_296 = arith.constant 0 : i32
              %dma_wait3A_297 = arith.constant 0 : i32
              %dma_wait3A_298 = tpu.memref_slice %arg5[%dma_wait3A_296, %dma_wait3A_297] : memref<16384x128xf32, #tpu.memory_space<hbm>> -> memref<16384x128xf32, #tpu.memory_space<hbm>>
              tpu.wait_indirect_dma semaphore(%arg14 : memref<!tpu.dma_semaphore, #tpu.memory_space<semaphore_mem>>) src(%arg10 : memref<128x128xf32, #tpu.memory_space<vmem>>) dst(%dma_wait3A_298 : memref<16384x128xf32, #tpu.memory_space<hbm>>)
              %broadcast_in_dim3A_299 = arith.constant -1 : i32
              %broadcast_in_dim3A_300 = vector.broadcast %broadcast_in_dim3A_299 : i32 to vector<16xi32>
              %swap3A_301 = arith.constant 0 : index
              %swap3A_302 = tpu.vector_load %arg11[%swap3A_301] {strides = array<i32>} : memref<128xi32, #tpu.memory_space<vmem>>, vector<16xi32>,
              tpu.vector_store %arg11[%swap3A_301], %broadcast_in_dim3A_300 {strides = array<i32>} : memref<128xi32, #tpu.memory_space<vmem>>, vector<16xi32>,
              %swap3A_303 = arith.constant 16 : index
              %swap3A_304 = tpu.vector_load %arg11[%swap3A_303] {strides = array<i32>} : memref<128xi32, #tpu.memory_space<vmem>>, vector<16xi32>,
              tpu.vector_store %arg11[%swap3A_303], %broadcast_in_dim3A_300 {strides = array<i32>} : memref<128xi32, #tpu.memory_space<vmem>>, vector<16xi32>,
              %swap3A_305 = arith.constant 32 : index
              %swap3A_306 = tpu.vector_load %arg11[%swap3A_305] {strides = array<i32>} : memref<128xi32, #tpu.memory_space<vmem>>, vector<16xi32>,
              tpu.vector_store %arg11[%swap3A_305], %broadcast_in_dim3A_300 {strides = array<i32>} : memref<128xi32, #tpu.memory_space<vmem>>, vector<16xi32>,
              %swap3A_307 = arith.constant 48 : index
              %swap3A_308 = tpu.vector_load %arg11[%swap3A_307] {strides = array<i32>} : memref<128xi32, #tpu.memory_space<vmem>>, vector<16xi32>,
              tpu.vector_store %arg11[%swap3A_307], %broadcast_in_dim3A_300 {strides = array<i32>} : memref<128xi32, #tpu.memory_space<vmem>>, vector<16xi32>,
              %swap3A_309 = arith.constant 64 : index
              %swap3A_310 = tpu.vector_load %arg11[%swap3A_309] {strides = array<i32>} : memref<128xi32, #tpu.memory_space<vmem>>, vector<16xi32>,
              tpu.vector_store %arg11[%swap3A_309], %broadcast_in_dim3A_300 {strides = array<i32>} : memref<128xi32, #tpu.memory_space<vmem>>, vector<16xi32>,
              %swap3A_311 = arith.constant 80 : index
              %swap3A_312 = tpu.vector_load %arg11[%swap3A_311] {strides = array<i32>} : memref<128xi32, #tpu.memory_space<vmem>>, vector<16xi32>,
              tpu.vector_store %arg11[%swap3A_311], %broadcast_in_dim3A_300 {strides = array<i32>} : memref<128xi32, #tpu.memory_space<vmem>>, vector<16xi32>,
              %swap3A_313 = arith.constant 96 : index
              %swap3A_314 = tpu.vector_load %arg11[%swap3A_313] {strides = array<i32>} : memref<128xi32, #tpu.memory_space<vmem>>, vector<16xi32>,
              tpu.vector_store %arg11[%swap3A_313], %broadcast_in_dim3A_300 {strides = array<i32>} : memref<128xi32, #tpu.memory_space<vmem>>, vector<16xi32>,
              %swap3A_315 = arith.constant 112 : index
              %swap3A_316 = tpu.vector_load %arg11[%swap3A_315] {strides = array<i32>} : memref<128xi32, #tpu.memory_space<vmem>>, vector<16xi32>,
              tpu.vector_store %arg11[%swap3A_315], %broadcast_in_dim3A_300 {strides = array<i32>} : memref<128xi32, #tpu.memory_space<vmem>>, vector<16xi32>,
              %cond3A_317 = arith.constant 0 : i32
              scf.yield %cond3A_317 : i32
            } else {
              scf.yield %while3A_148 : i32
            }
            %sub3A_180 = vector.broadcast %add3A_114 : i32 to vector<16xi32>
            %sub3A_181 = arith.subi %gather3A, %sub3A_180 : vector<16xi32>
            %max3A = arith.constant 0 : i32
            %max3A_182 = vector.broadcast %max3A : i32 to vector<16xi32>
            %max3A_183 = arith.maxsi %sub3A_181, %max3A_182 : vector<16xi32>
            %min3A_184 = arith.constant 1023 : i32
            %min3A_185 = vector.broadcast %min3A_184 : i32 to vector<16xi32>
            %min3A_186 = arith.minsi %max3A_183, %min3A_185 : vector<16xi32>
            %convert_element_type3A_187 = arith.extui %and3A_166 : vector<16xi1> to vector<16xi32>
            %broadcast_in_dim3A_188 = arith.constant true
            %broadcast_in_dim3A_189 = vector.broadcast %broadcast_in_dim3A_188 : i1 to vector<16xi1>
            %masked_cumsum3A = tpu.scan <sum>, %convert_element_type3A_187 masked %broadcast_in_dim3A_189 : vector<16xi32>, vector<16xi1> -> vector<16xi32>
            %add3A_190 = vector.broadcast %cond3A_179 : i32 to vector<16xi32>
            %add3A_191 = arith.addi %add3A_190, %masked_cumsum3A : vector<16xi32>
            %sub3A_192 = arith.constant 1 : i32
            %sub3A_193 = vector.broadcast %sub3A_192 : i32 to vector<16xi32>
            %sub3A_194 = arith.subi %add3A_191, %sub3A_193 : vector<16xi32>
            %broadcast_in_dim3A_195 = arith.constant 0 : i32
            %broadcast_in_dim3A_196 = vector.broadcast %broadcast_in_dim3A_195 : i32 to vector<16xi32>
            %gather3A_197 = tpu.vector_load_idx %arg9[%broadcast_in_dim3A_196, %min3A_186] masked %and3A_166 : memref<32x1024xf32, #tpu.memory_space<vmem>>[vector<16xi32>, vector<16xi32>], vector<16xf32>, vector<16xi1>
            tpu.vector_store_idx %arg10[%sub3A_194, %broadcast_in_dim3A_196], %gather3A_197 masked %and3A_166 : memref<128x128xf32, #tpu.memory_space<vmem>>[vector<16xi32>, vector<16xi32>], vector<16xf32>, vector<16xi1>
            %broadcast_in_dim3A_198 = arith.constant 1 : i32
            %broadcast_in_dim3A_199 = vector.broadcast %broadcast_in_dim3A_198 : i32 to vector<16xi32>
            %gather3A_200 = tpu.vector_load_idx %arg9[%broadcast_in_dim3A_199, %min3A_186] masked %and3A_166 : memref<32x1024xf32, #tpu.memory_space<vmem>>[vector<16xi32>, vector<16xi32>], vector<16xf32>, vector<16xi1>
            tpu.vector_store_idx %arg10[%sub3A_194, %broadcast_in_dim3A_199], %gather3A_200 masked %and3A_166 : memref<128x128xf32, #tpu.memory_space<vmem>>[vector<16xi32>, vector<16xi32>], vector<16xf32>, vector<16xi1>
            %broadcast_in_dim3A_201 = arith.constant 2 : i32
            %broadcast_in_dim3A_202 = vector.broadcast %broadcast_in_dim3A_201 : i32 to vector<16xi32>
            %gather3A_203 = tpu.vector_load_idx %arg9[%broadcast_in_dim3A_202, %min3A_186] masked %and3A_166 : memref<32x1024xf32, #tpu.memory_space<vmem>>[vector<16xi32>, vector<16xi32>], vector<16xf32>, vector<16xi1>
            tpu.vector_store_idx %arg10[%sub3A_194, %broadcast_in_dim3A_202], %gather3A_203 masked %and3A_166 : memref<128x128xf32, #tpu.memory_space<vmem>>[vector<16xi32>, vector<16xi32>], vector<16xf32>, vector<16xi1>
            %broadcast_in_dim3A_204 = arith.constant 3 : i32
            %broadcast_in_dim3A_205 = vector.broadcast %broadcast_in_dim3A_204 : i32 to vector<16xi32>
            %gather3A_206 = tpu.vector_load_idx %arg9[%broadcast_in_dim3A_205, %min3A_186] masked %and3A_166 : memref<32x1024xf32, #tpu.memory_space<vmem>>[vector<16xi32>, vector<16xi32>], vector<16xf32>, vector<16xi1>
            tpu.vector_store_idx %arg10[%sub3A_194, %broadcast_in_dim3A_205], %gather3A_206 masked %and3A_166 : memref<128x128xf32, #tpu.memory_space<vmem>>[vector<16xi32>, vector<16xi32>], vector<16xf32>, vector<16xi1>
            %broadcast_in_dim3A_207 = arith.constant 4 : i32
            %broadcast_in_dim3A_208 = vector.broadcast %broadcast_in_dim3A_207 : i32 to vector<16xi32>
            %gather3A_209 = tpu.vector_load_idx %arg9[%broadcast_in_dim3A_208, %min3A_186] masked %and3A_166 : memref<32x1024xf32, #tpu.memory_space<vmem>>[vector<16xi32>, vector<16xi32>], vector<16xf32>, vector<16xi1>
            tpu.vector_store_idx %arg10[%sub3A_194, %broadcast_in_dim3A_208], %gather3A_209 masked %and3A_166 : memref<128x128xf32, #tpu.memory_space<vmem>>[vector<16xi32>, vector<16xi32>], vector<16xf32>, vector<16xi1>
            %broadcast_in_dim3A_210 = arith.constant 5 : i32
            %broadcast_in_dim3A_211 = vector.broadcast %broadcast_in_dim3A_210 : i32 to vector<16xi32>
            %gather3A_212 = tpu.vector_load_idx %arg9[%broadcast_in_dim3A_211, %min3A_186] masked %and3A_166 : memref<32x1024xf32, #tpu.memory_space<vmem>>[vector<16xi32>, vector<16xi32>], vector<16xf32>, vector<16xi1>
            tpu.vector_store_idx %arg10[%sub3A_194, %broadcast_in_dim3A_211], %gather3A_212 masked %and3A_166 : memref<128x128xf32, #tpu.memory_space<vmem>>[vector<16xi32>, vector<16xi32>], vector<16xf32>, vector<16xi1>
            %broadcast_in_dim3A_213 = arith.constant 6 : i32
            %broadcast_in_dim3A_214 = vector.broadcast %broadcast_in_dim3A_213 : i32 to vector<16xi32>
            %gather3A_215 = tpu.vector_load_idx %arg9[%broadcast_in_dim3A_214, %min3A_186] masked %and3A_166 : memref<32x1024xf32, #tpu.memory_space<vmem>>[vector<16xi32>, vector<16xi32>], vector<16xf32>, vector<16xi1>
            tpu.vector_store_idx %arg10[%sub3A_194, %broadcast_in_dim3A_214], %gather3A_215 masked %and3A_166 : memref<128x128xf32, #tpu.memory_space<vmem>>[vector<16xi32>, vector<16xi32>], vector<16xf32>, vector<16xi1>
            %broadcast_in_dim3A_216 = arith.constant 7 : i32
            %broadcast_in_dim3A_217 = vector.broadcast %broadcast_in_dim3A_216 : i32 to vector<16xi32>
            %gather3A_218 = tpu.vector_load_idx %arg9[%broadcast_in_dim3A_217, %min3A_186] masked %and3A_166 : memref<32x1024xf32, #tpu.memory_space<vmem>>[vector<16xi32>, vector<16xi32>], vector<16xf32>, vector<16xi1>
            tpu.vector_store_idx %arg10[%sub3A_194, %broadcast_in_dim3A_217], %gather3A_218 masked %and3A_166 : memref<128x128xf32, #tpu.memory_space<vmem>>[vector<16xi32>, vector<16xi32>], vector<16xf32>, vector<16xi1>
            %broadcast_in_dim3A_219 = arith.constant 8 : i32
            %broadcast_in_dim3A_220 = vector.broadcast %broadcast_in_dim3A_219 : i32 to vector<16xi32>
            %gather3A_221 = tpu.vector_load_idx %arg9[%broadcast_in_dim3A_220, %min3A_186] masked %and3A_166 : memref<32x1024xf32, #tpu.memory_space<vmem>>[vector<16xi32>, vector<16xi32>], vector<16xf32>, vector<16xi1>
            tpu.vector_store_idx %arg10[%sub3A_194, %broadcast_in_dim3A_220], %gather3A_221 masked %and3A_166 : memref<128x128xf32, #tpu.memory_space<vmem>>[vector<16xi32>, vector<16xi32>], vector<16xf32>, vector<16xi1>
            %broadcast_in_dim3A_222 = arith.constant 9 : i32
            %broadcast_in_dim3A_223 = vector.broadcast %broadcast_in_dim3A_222 : i32 to vector<16xi32>
            %gather3A_224 = tpu.vector_load_idx %arg9[%broadcast_in_dim3A_223, %min3A_186] masked %and3A_166 : memref<32x1024xf32, #tpu.memory_space<vmem>>[vector<16xi32>, vector<16xi32>], vector<16xf32>, vector<16xi1>
            tpu.vector_store_idx %arg10[%sub3A_194, %broadcast_in_dim3A_223], %gather3A_224 masked %and3A_166 : memref<128x128xf32, #tpu.memory_space<vmem>>[vector<16xi32>, vector<16xi32>], vector<16xf32>, vector<16xi1>
            %broadcast_in_dim3A_225 = arith.constant 10 : i32
            %broadcast_in_dim3A_226 = vector.broadcast %broadcast_in_dim3A_225 : i32 to vector<16xi32>
            %gather3A_227 = tpu.vector_load_idx %arg9[%broadcast_in_dim3A_226, %min3A_186] masked %and3A_166 : memref<32x1024xf32, #tpu.memory_space<vmem>>[vector<16xi32>, vector<16xi32>], vector<16xf32>, vector<16xi1>
            tpu.vector_store_idx %arg10[%sub3A_194, %broadcast_in_dim3A_226], %gather3A_227 masked %and3A_166 : memref<128x128xf32, #tpu.memory_space<vmem>>[vector<16xi32>, vector<16xi32>], vector<16xf32>, vector<16xi1>
            %broadcast_in_dim3A_228 = arith.constant 11 : i32
            %broadcast_in_dim3A_229 = vector.broadcast %broadcast_in_dim3A_228 : i32 to vector<16xi32>
            %gather3A_230 = tpu.vector_load_idx %arg9[%broadcast_in_dim3A_229, %min3A_186] masked %and3A_166 : memref<32x1024xf32, #tpu.memory_space<vmem>>[vector<16xi32>, vector<16xi32>], vector<16xf32>, vector<16xi1>
            tpu.vector_store_idx %arg10[%sub3A_194, %broadcast_in_dim3A_229], %gather3A_230 masked %and3A_166 : memref<128x128xf32, #tpu.memory_space<vmem>>[vector<16xi32>, vector<16xi32>], vector<16xf32>, vector<16xi1>
            %broadcast_in_dim3A_231 = arith.constant 12 : i32
            %broadcast_in_dim3A_232 = vector.broadcast %broadcast_in_dim3A_231 : i32 to vector<16xi32>
            %gather3A_233 = tpu.vector_load_idx %arg9[%broadcast_in_dim3A_232, %min3A_186] masked %and3A_166 : memref<32x1024xf32, #tpu.memory_space<vmem>>[vector<16xi32>, vector<16xi32>], vector<16xf32>, vector<16xi1>
            tpu.vector_store_idx %arg10[%sub3A_194, %broadcast_in_dim3A_232], %gather3A_233 masked %and3A_166 : memref<128x128xf32, #tpu.memory_space<vmem>>[vector<16xi32>, vector<16xi32>], vector<16xf32>, vector<16xi1>
            %broadcast_in_dim3A_234 = arith.constant 13 : i32
            %broadcast_in_dim3A_235 = vector.broadcast %broadcast_in_dim3A_234 : i32 to vector<16xi32>
            %gather3A_236 = tpu.vector_load_idx %arg9[%broadcast_in_dim3A_235, %min3A_186] masked %and3A_166 : memref<32x1024xf32, #tpu.memory_space<vmem>>[vector<16xi32>, vector<16xi32>], vector<16xf32>, vector<16xi1>
            tpu.vector_store_idx %arg10[%sub3A_194, %broadcast_in_dim3A_235], %gather3A_236 masked %and3A_166 : memref<128x128xf32, #tpu.memory_space<vmem>>[vector<16xi32>, vector<16xi32>], vector<16xf32>, vector<16xi1>
            %broadcast_in_dim3A_237 = arith.constant 14 : i32
            %broadcast_in_dim3A_238 = vector.broadcast %broadcast_in_dim3A_237 : i32 to vector<16xi32>
            %gather3A_239 = tpu.vector_load_idx %arg9[%broadcast_in_dim3A_238, %min3A_186] masked %and3A_166 : memref<32x1024xf32, #tpu.memory_space<vmem>>[vector<16xi32>, vector<16xi32>], vector<16xf32>, vector<16xi1>
            tpu.vector_store_idx %arg10[%sub3A_194, %broadcast_in_dim3A_238], %gather3A_239 masked %and3A_166 : memref<128x128xf32, #tpu.memory_space<vmem>>[vector<16xi32>, vector<16xi32>], vector<16xf32>, vector<16xi1>
            %broadcast_in_dim3A_240 = arith.constant 15 : i32
            %broadcast_in_dim3A_241 = vector.broadcast %broadcast_in_dim3A_240 : i32 to vector<16xi32>
            %gather3A_242 = tpu.vector_load_idx %arg9[%broadcast_in_dim3A_241, %min3A_186] masked %and3A_166 : memref<32x1024xf32, #tpu.memory_space<vmem>>[vector<16xi32>, vector<16xi32>], vector<16xf32>, vector<16xi1>
            tpu.vector_store_idx %arg10[%sub3A_194, %broadcast_in_dim3A_241], %gather3A_242 masked %and3A_166 : memref<128x128xf32, #tpu.memory_space<vmem>>[vector<16xi32>, vector<16xi32>], vector<16xf32>, vector<16xi1>
            %broadcast_in_dim3A_243 = arith.constant 16 : i32
            %broadcast_in_dim3A_244 = vector.broadcast %broadcast_in_dim3A_243 : i32 to vector<16xi32>
            %gather3A_245 = tpu.vector_load_idx %arg9[%broadcast_in_dim3A_244, %min3A_186] masked %and3A_166 : memref<32x1024xf32, #tpu.memory_space<vmem>>[vector<16xi32>, vector<16xi32>], vector<16xf32>, vector<16xi1>
            tpu.vector_store_idx %arg10[%sub3A_194, %broadcast_in_dim3A_244], %gather3A_245 masked %and3A_166 : memref<128x128xf32, #tpu.memory_space<vmem>>[vector<16xi32>, vector<16xi32>], vector<16xf32>, vector<16xi1>
            %broadcast_in_dim3A_246 = arith.constant 17 : i32
            %broadcast_in_dim3A_247 = vector.broadcast %broadcast_in_dim3A_246 : i32 to vector<16xi32>
            %gather3A_248 = tpu.vector_load_idx %arg9[%broadcast_in_dim3A_247, %min3A_186] masked %and3A_166 : memref<32x1024xf32, #tpu.memory_space<vmem>>[vector<16xi32>, vector<16xi32>], vector<16xf32>, vector<16xi1>
            tpu.vector_store_idx %arg10[%sub3A_194, %broadcast_in_dim3A_247], %gather3A_248 masked %and3A_166 : memref<128x128xf32, #tpu.memory_space<vmem>>[vector<16xi32>, vector<16xi32>], vector<16xf32>, vector<16xi1>
            %broadcast_in_dim3A_249 = arith.constant 18 : i32
            %broadcast_in_dim3A_250 = vector.broadcast %broadcast_in_dim3A_249 : i32 to vector<16xi32>
            %gather3A_251 = tpu.vector_load_idx %arg9[%broadcast_in_dim3A_250, %min3A_186] masked %and3A_166 : memref<32x1024xf32, #tpu.memory_space<vmem>>[vector<16xi32>, vector<16xi32>], vector<16xf32>, vector<16xi1>
            tpu.vector_store_idx %arg10[%sub3A_194, %broadcast_in_dim3A_250], %gather3A_251 masked %and3A_166 : memref<128x128xf32, #tpu.memory_space<vmem>>[vector<16xi32>, vector<16xi32>], vector<16xf32>, vector<16xi1>
            %broadcast_in_dim3A_252 = arith.constant 19 : i32
            %broadcast_in_dim3A_253 = vector.broadcast %broadcast_in_dim3A_252 : i32 to vector<16xi32>
            %gather3A_254 = tpu.vector_load_idx %arg9[%broadcast_in_dim3A_253, %min3A_186] masked %and3A_166 : memref<32x1024xf32, #tpu.memory_space<vmem>>[vector<16xi32>, vector<16xi32>], vector<16xf32>, vector<16xi1>
            tpu.vector_store_idx %arg10[%sub3A_194, %broadcast_in_dim3A_253], %gather3A_254 masked %and3A_166 : memref<128x128xf32, #tpu.memory_space<vmem>>[vector<16xi32>, vector<16xi32>], vector<16xf32>, vector<16xi1>
            %broadcast_in_dim3A_255 = arith.constant 20 : i32
            %broadcast_in_dim3A_256 = vector.broadcast %broadcast_in_dim3A_255 : i32 to vector<16xi32>
            %gather3A_257 = tpu.vector_load_idx %arg9[%broadcast_in_dim3A_256, %min3A_186] masked %and3A_166 : memref<32x1024xf32, #tpu.memory_space<vmem>>[vector<16xi32>, vector<16xi32>], vector<16xf32>, vector<16xi1>
            tpu.vector_store_idx %arg10[%sub3A_194, %broadcast_in_dim3A_256], %gather3A_257 masked %and3A_166 : memref<128x128xf32, #tpu.memory_space<vmem>>[vector<16xi32>, vector<16xi32>], vector<16xf32>, vector<16xi1>
            %broadcast_in_dim3A_258 = arith.constant 21 : i32
            %broadcast_in_dim3A_259 = vector.broadcast %broadcast_in_dim3A_258 : i32 to vector<16xi32>
            %gather3A_260 = tpu.vector_load_idx %arg9[%broadcast_in_dim3A_259, %min3A_186] masked %and3A_166 : memref<32x1024xf32, #tpu.memory_space<vmem>>[vector<16xi32>, vector<16xi32>], vector<16xf32>, vector<16xi1>
            tpu.vector_store_idx %arg10[%sub3A_194, %broadcast_in_dim3A_259], %gather3A_260 masked %and3A_166 : memref<128x128xf32, #tpu.memory_space<vmem>>[vector<16xi32>, vector<16xi32>], vector<16xf32>, vector<16xi1>
            %broadcast_in_dim3A_261 = arith.constant 22 : i32
            %broadcast_in_dim3A_262 = vector.broadcast %broadcast_in_dim3A_261 : i32 to vector<16xi32>
            %gather3A_263 = tpu.vector_load_idx %arg9[%broadcast_in_dim3A_262, %min3A_186] masked %and3A_166 : memref<32x1024xf32, #tpu.memory_space<vmem>>[vector<16xi32>, vector<16xi32>], vector<16xf32>, vector<16xi1>
            tpu.vector_store_idx %arg10[%sub3A_194, %broadcast_in_dim3A_262], %gather3A_263 masked %and3A_166 : memref<128x128xf32, #tpu.memory_space<vmem>>[vector<16xi32>, vector<16xi32>], vector<16xf32>, vector<16xi1>
            %broadcast_in_dim3A_264 = arith.constant 23 : i32
            %broadcast_in_dim3A_265 = vector.broadcast %broadcast_in_dim3A_264 : i32 to vector<16xi32>
            %gather3A_266 = tpu.vector_load_idx %arg9[%broadcast_in_dim3A_265, %min3A_186] masked %and3A_166 : memref<32x1024xf32, #tpu.memory_space<vmem>>[vector<16xi32>, vector<16xi32>], vector<16xf32>, vector<16xi1>
            tpu.vector_store_idx %arg10[%sub3A_194, %broadcast_in_dim3A_265], %gather3A_266 masked %and3A_166 : memref<128x128xf32, #tpu.memory_space<vmem>>[vector<16xi32>, vector<16xi32>], vector<16xf32>, vector<16xi1>
            %broadcast_in_dim3A_267 = arith.constant 24 : i32
            %broadcast_in_dim3A_268 = vector.broadcast %broadcast_in_dim3A_267 : i32 to vector<16xi32>
            %gather3A_269 = tpu.vector_load_idx %arg9[%broadcast_in_dim3A_268, %min3A_186] masked %and3A_166 : memref<32x1024xf32, #tpu.memory_space<vmem>>[vector<16xi32>, vector<16xi32>], vector<16xf32>, vector<16xi1>
            tpu.vector_store_idx %arg10[%sub3A_194, %broadcast_in_dim3A_268], %gather3A_269 masked %and3A_166 : memref<128x128xf32, #tpu.memory_space<vmem>>[vector<16xi32>, vector<16xi32>], vector<16xf32>, vector<16xi1>
            %broadcast_in_dim3A_270 = arith.constant 25 : i32
            %broadcast_in_dim3A_271 = vector.broadcast %broadcast_in_dim3A_270 : i32 to vector<16xi32>
            %gather3A_272 = tpu.vector_load_idx %arg9[%broadcast_in_dim3A_271, %min3A_186] masked %and3A_166 : memref<32x1024xf32, #tpu.memory_space<vmem>>[vector<16xi32>, vector<16xi32>], vector<16xf32>, vector<16xi1>
            tpu.vector_store_idx %arg10[%sub3A_194, %broadcast_in_dim3A_271], %gather3A_272 masked %and3A_166 : memref<128x128xf32, #tpu.memory_space<vmem>>[vector<16xi32>, vector<16xi32>], vector<16xf32>, vector<16xi1>
            %broadcast_in_dim3A_273 = arith.constant 26 : i32
            %broadcast_in_dim3A_274 = vector.broadcast %broadcast_in_dim3A_273 : i32 to vector<16xi32>
            %gather3A_275 = tpu.vector_load_idx %arg9[%broadcast_in_dim3A_274, %min3A_186] masked %and3A_166 : memref<32x1024xf32, #tpu.memory_space<vmem>>[vector<16xi32>, vector<16xi32>], vector<16xf32>, vector<16xi1>
            tpu.vector_store_idx %arg10[%sub3A_194, %broadcast_in_dim3A_274], %gather3A_275 masked %and3A_166 : memref<128x128xf32, #tpu.memory_space<vmem>>[vector<16xi32>, vector<16xi32>], vector<16xf32>, vector<16xi1>
            %broadcast_in_dim3A_276 = arith.constant 27 : i32
            %broadcast_in_dim3A_277 = vector.broadcast %broadcast_in_dim3A_276 : i32 to vector<16xi32>
            %gather3A_278 = tpu.vector_load_idx %arg9[%broadcast_in_dim3A_277, %min3A_186] masked %and3A_166 : memref<32x1024xf32, #tpu.memory_space<vmem>>[vector<16xi32>, vector<16xi32>], vector<16xf32>, vector<16xi1>
            tpu.vector_store_idx %arg10[%sub3A_194, %broadcast_in_dim3A_277], %gather3A_278 masked %and3A_166 : memref<128x128xf32, #tpu.memory_space<vmem>>[vector<16xi32>, vector<16xi32>], vector<16xf32>, vector<16xi1>
            %broadcast_in_dim3A_279 = arith.constant 28 : i32
            %broadcast_in_dim3A_280 = vector.broadcast %broadcast_in_dim3A_279 : i32 to vector<16xi32>
            %gather3A_281 = tpu.vector_load_idx %arg9[%broadcast_in_dim3A_280, %min3A_186] masked %and3A_166 : memref<32x1024xf32, #tpu.memory_space<vmem>>[vector<16xi32>, vector<16xi32>], vector<16xf32>, vector<16xi1>
            tpu.vector_store_idx %arg10[%sub3A_194, %broadcast_in_dim3A_280], %gather3A_281 masked %and3A_166 : memref<128x128xf32, #tpu.memory_space<vmem>>[vector<16xi32>, vector<16xi32>], vector<16xf32>, vector<16xi1>
            %broadcast_in_dim3A_282 = arith.constant 29 : i32
            %broadcast_in_dim3A_283 = vector.broadcast %broadcast_in_dim3A_282 : i32 to vector<16xi32>
            %gather3A_284 = tpu.vector_load_idx %arg9[%broadcast_in_dim3A_283, %min3A_186] masked %and3A_166 : memref<32x1024xf32, #tpu.memory_space<vmem>>[vector<16xi32>, vector<16xi32>], vector<16xf32>, vector<16xi1>
            tpu.vector_store_idx %arg10[%sub3A_194, %broadcast_in_dim3A_283], %gather3A_284 masked %and3A_166 : memref<128x128xf32, #tpu.memory_space<vmem>>[vector<16xi32>, vector<16xi32>], vector<16xf32>, vector<16xi1>
            %broadcast_in_dim3A_285 = arith.constant 30 : i32
            %broadcast_in_dim3A_286 = vector.broadcast %broadcast_in_dim3A_285 : i32 to vector<16xi32>
            %gather3A_287 = tpu.vector_load_idx %arg9[%broadcast_in_dim3A_286, %min3A_186] masked %and3A_166 : memref<32x1024xf32, #tpu.memory_space<vmem>>[vector<16xi32>, vector<16xi32>], vector<16xf32>, vector<16xi1>
            tpu.vector_store_idx %arg10[%sub3A_194, %broadcast_in_dim3A_286], %gather3A_287 masked %and3A_166 : memref<128x128xf32, #tpu.memory_space<vmem>>[vector<16xi32>, vector<16xi32>], vector<16xf32>, vector<16xi1>
            %broadcast_in_dim3A_288 = arith.constant 31 : i32
            %broadcast_in_dim3A_289 = vector.broadcast %broadcast_in_dim3A_288 : i32 to vector<16xi32>
            %gather3A_290 = tpu.vector_load_idx %arg9[%broadcast_in_dim3A_289, %min3A_186] masked %and3A_166 : memref<32x1024xf32, #tpu.memory_space<vmem>>[vector<16xi32>, vector<16xi32>], vector<16xf32>, vector<16xi1>
            tpu.vector_store_idx %arg10[%sub3A_194, %broadcast_in_dim3A_289], %gather3A_290 masked %and3A_166 : memref<128x128xf32, #tpu.memory_space<vmem>>[vector<16xi32>, vector<16xi32>], vector<16xf32>, vector<16xi1>
            tpu.vector_store_idx %arg11[%sub3A_194], %get3A_151 masked %and3A_166 : memref<128xi32, #tpu.memory_space<vmem>>[vector<16xi32>], vector<16xi32>, vector<16xi1>
            %add3A_291 = arith.addi %cond3A_179, %squeeze3A : i32
            scf.yield %add3A_291 : i32
          } else {
            scf.yield %while3A_148 : i32
          }
          scf.yield %cond3A_171 : i32
        }
        %add3A_142 = arith.constant 2 : i32
        %add3A_143 = arith.addi %while3A_110, %add3A_142 : i32
        %lt3A = arith.cmpi slt, %add3A_143, %sub3A_4 : i32
        %convert_element_type3A_144 = arith.extui %lt3A : i1 to i32
        %cond3A_145 = arith.constant 0 : i32
        %cond3A_146 = arith.cmpi ne, %convert_element_type3A_144, %cond3A_145 : i32
        scf.if %cond3A_146 {
          %add3A_147 = arith.constant 2 : i32
          %add3A_148 = arith.addi %while3A_110, %add3A_147 : i32
          %mul3A_149 = arith.constant 1024 : i32
          %mul3A_150 = arith.muli %add3A_148, %mul3A_149 : i32
          %add3A_151 = arith.addi %mul3A_10, %mul3A_150 : i32
          %multiple_of3A_152 = tpu.assume_multiple %add3A_151, 1024 : i32
          %dma_start3A_153 = arith.constant 0 : i32
          %dma_start3A_154 = tpu.memref_slice %arg3[%dma_start3A_153, %multiple_of3A_152] : memref<32x1000000xf32, #tpu.memory_space<hbm>> -> memref<32x1024xf32, #tpu.memory_space<hbm>>
          %dma_start3A_155 = arith.constant 0 : i32
          %dma_start3A_156 = tpu.memref_slice %arg3[%dma_start3A_155, %multiple_of3A_152] : memref<32x1000000xf32, #tpu.memory_space<hbm>> -> memref<32x1024xf32, #tpu.memory_space<hbm>>
          tpu.enqueue_dma source(%dma_start3A_156 : memref<32x1024xf32, #tpu.memory_space<hbm>>) target(%arg9 : memref<32x1024xf32, #tpu.memory_space<vmem>>) target_semaphore(%arg13 : memref<!tpu.dma_semaphore, #tpu.memory_space<semaphore_mem>>)
        } else {
        }
        scf.yield %while3A_141 : i32
      }
      scf.yield %cond3A_122 : i32
    }
    %convert_element_type3A = arith.extui %eq3A_1 : i1 to i32
    %cond3A = arith.constant 0 : i32
    %cond3A_84 = arith.cmpi ne, %convert_element_type3A, %cond3A : i32
    %cond3A_85 = scf.if %cond3A_84 -> (i32) {
      "tpu.region"() ({
        %run_scoped3A = tpu.sem_alloc : memref<!tpu.dma_semaphore, #tpu.memory_space<semaphore_mem>>
        %dma_start3A_121 = arith.constant 0 : i32
        %dma_start3A_122 = arith.constant 0 : i32
        %dma_start3A_123 = tpu.memref_slice %arg8[%dma_start3A_121, %dma_start3A_122] : memref<32x1024xf32, #tpu.memory_space<vmem>> -> memref<24x1024xf32, #tpu.memory_space<vmem>>
        %dma_start3A_124 = arith.constant 0 : i32
        %dma_start3A_125 = arith.constant 0 : i32
        %dma_start3A_126 = tpu.memref_slice %arg8[%dma_start3A_124, %dma_start3A_125] : memref<32x1024xf32, #tpu.memory_space<vmem>> -> memref<24x1024xf32, #tpu.memory_space<vmem>>
        tpu.enqueue_dma source(%arg4 : memref<24x1024xf32, #tpu.memory_space<hbm>>) target(%dma_start3A_126 : memref<24x1024xf32, #tpu.memory_space<vmem>>) target_semaphore(%run_scoped3A : memref<!tpu.dma_semaphore, #tpu.memory_space<semaphore_mem>>)
        %dma_wait3A_127 = arith.constant 0 : i32
        %dma_wait3A_128 = arith.constant 0 : i32
        %dma_wait3A_129 = tpu.memref_slice %arg8[%dma_wait3A_127, %dma_wait3A_128] : memref<32x1024xf32, #tpu.memory_space<vmem>> -> memref<24x1024xf32, #tpu.memory_space<vmem>>
        %dma_wait3A_130 = arith.constant 0 : i32
        %dma_wait3A_131 = arith.constant 0 : i32
        %dma_wait3A_132 = tpu.memref_slice %arg8[%dma_wait3A_130, %dma_wait3A_131] : memref<32x1024xf32, #tpu.memory_space<vmem>> -> memref<24x1024xf32, #tpu.memory_space<vmem>>
        tpu.wait_dma2 semaphore(%run_scoped3A : memref<!tpu.dma_semaphore, #tpu.memory_space<semaphore_mem>>) src(%arg4 : memref<24x1024xf32, #tpu.memory_space<hbm>>) dst(%dma_wait3A_132 : memref<24x1024xf32, #tpu.memory_space<vmem>>)
        tpu.yield
      }) : () -> ()
      %while3A_110 = arith.constant 0 : i32
      %while3A_111 = arith.subi %select_n3A_56, %while3A_110 : i32
      %while3A_112 = arith.addi %while3A_110, %while3A_111 : i32
      %while3A_113 = arith.constant 1 : i32
      %while3A_114 = arith.divsi %while3A_111, %while3A_113 : i32
      %while3A_115 = arith.muli %while3A_114, %while3A_113 : i32
      %while3A_116 = arith.addi %while3A_110, %while3A_115 : i32
      %while3A_117 = arith.constant 1 : i32
      %while3A_118 = scf.for %while3A_121 = %while3A_110 to %while3A_116 step %while3A_117 iter_args(%while3A_122 = %while3A_83) -> (i32)  : i32 {
        %mul3A_123 = arith.constant 16 : i32
        %mul3A_124 = arith.muli %while3A_121, %mul3A_123 : i32
        %get3A = arith.index_cast %mul3A_124 : i32 to index
        %get3A_125 = tpu.vector_load %arg7[%get3A] {strides = array<i32>} : memref<16400xi32, #tpu.memory_space<vmem>>, vector<16xi32>,
        %mul3A_126 = arith.constant 16 : i32
        %mul3A_127 = arith.muli %while3A_121, %mul3A_126 : i32
        %add3A_128 = vector.broadcast %mul3A_127 : i32 to vector<16xi32>
        %add3A_129 = arith.addi %add3A_128, %iota3A : vector<16xi32>
        %lt3A = vector.broadcast %scan3A_34 : i32 to vector<16xi32>
        %lt3A_130 = arith.cmpi slt, %add3A_129, %lt3A : vector<16xi32>
        %and3A_131 = arith.constant 16383 : i32
        %and3A_132 = vector.broadcast %and3A_131 : i32 to vector<16xi32>
        %and3A_133 = arith.andi %get3A_125, %and3A_132 : vector<16xi32>
        %gather3A = tpu.vector_load_idx %arg6[%and3A_133] : memref<16384xi32, #tpu.memory_space<vmem>>[vector<16xi32>], vector<16xi32>,
        %ge3A_134 = arith.constant 999424 : i32
        %ge3A_135 = vector.broadcast %ge3A_134 : i32 to vector<16xi32>
        %ge3A_136 = arith.cmpi sge, %gather3A, %ge3A_135 : vector<16xi32>
        %and3A_137 = arith.andi %lt3A_130, %ge3A_136 : vector<16xi1>
        %lt3A_138 = arith.constant 1000000 : i32
        %lt3A_139 = vector.broadcast %lt3A_138 : i32 to vector<16xi32>
        %lt3A_140 = arith.cmpi slt, %gather3A, %lt3A_139 : vector<16xi32>
        %and3A_141 = arith.andi %and3A_137, %lt3A_140 : vector<16xi1>
        %all_reduce_population_count3A = tpu.all_reduce %and3A_141 {dim = 0 : i64, kind = #tpu.reduction_kind<sum>} : vector<16xi1> -> vector<16xi32>
        %slice3A = vector.extract_strided_slice %all_reduce_population_count3A {offsets = [0], sizes = [1], strides = [1]} : vector<16xi32> to vector<1xi32>
        %squeeze3A = vector.extract %slice3A[0] : i32 from vector<1xi32>
        %gt3A = arith.constant 0 : i32
        %gt3A_142 = arith.cmpi sgt, %squeeze3A, %gt3A : i32
        %convert_element_type3A_143 = arith.extui %gt3A_142 : i1 to i32
        %cond3A_144 = arith.constant 0 : i32
        %cond3A_145 = arith.cmpi ne, %convert_element_type3A_143, %cond3A_144 : i32
        %cond3A_146 = scf.if %cond3A_145 -> (i32) {
          %add3A_147 = arith.addi %while3A_122, %squeeze3A : i32
          %gt3A_148 = arith.constant 128 : i32
          %gt3A_149 = arith.cmpi sgt, %add3A_147, %gt3A_148 : i32
          %convert_element_type3A_150 = arith.extui %gt3A_149 : i1 to i32
          %cond3A_151 = arith.constant 0 : i32
          %cond3A_152 = arith.constant 0 : i32
          %cond3A_153 = arith.cmpi ne, %convert_element_type3A_150, %cond3A_152 : i32
          %cond3A_154 = scf.if %cond3A_153 -> (i32) {
            %dma_start3A_651 = arith.constant 0 : i32
            %dma_start3A_652 = arith.constant 0 : i32
            %dma_start3A_653 = tpu.memref_slice %arg5[%dma_start3A_651, %dma_start3A_652] : memref<16384x128xf32, #tpu.memory_space<hbm>> -> memref<16384x128xf32, #tpu.memory_space<hbm>>
            %dma_start3A_654 = arith.constant -1 : i32
            tpu.enqueue_indirect_dma source(%arg10 : memref<128x128xf32, #tpu.memory_space<vmem>>) target(%dma_start3A_653 : memref<16384x128xf32, #tpu.memory_space<hbm>>) offsets(%arg11 : memref<128xi32, #tpu.memory_space<vmem>>) offset_filter(%dma_start3A_654) semaphore(%arg14 : memref<!tpu.dma_semaphore, #tpu.memory_space<semaphore_mem>>)
            %dma_wait3A_655 = arith.constant 0 : i32
            %dma_wait3A_656 = arith.constant 0 : i32
            %dma_wait3A_657 = tpu.memref_slice %arg5[%dma_wait3A_655, %dma_wait3A_656] : memref<16384x128xf32, #tpu.memory_space<hbm>> -> memref<16384x128xf32, #tpu.memory_space<hbm>>
            tpu.wait_indirect_dma semaphore(%arg14 : memref<!tpu.dma_semaphore, #tpu.memory_space<semaphore_mem>>) src(%arg10 : memref<128x128xf32, #tpu.memory_space<vmem>>) dst(%dma_wait3A_657 : memref<16384x128xf32, #tpu.memory_space<hbm>>)
            %broadcast_in_dim3A_658 = arith.constant -1 : i32
            %broadcast_in_dim3A_659 = vector.broadcast %broadcast_in_dim3A_658 : i32 to vector<16xi32>
            %swap3A_660 = arith.constant 0 : index
            %swap3A_661 = tpu.vector_load %arg11[%swap3A_660] {strides = array<i32>} : memref<128xi32, #tpu.memory_space<vmem>>, vector<16xi32>,
            tpu.vector_store %arg11[%swap3A_660], %broadcast_in_dim3A_659 {strides = array<i32>} : memref<128xi32, #tpu.memory_space<vmem>>, vector<16xi32>,
            %swap3A_662 = arith.constant 16 : index
            %swap3A_663 = tpu.vector_load %arg11[%swap3A_662] {strides = array<i32>} : memref<128xi32, #tpu.memory_space<vmem>>, vector<16xi32>,
            tpu.vector_store %arg11[%swap3A_662], %broadcast_in_dim3A_659 {strides = array<i32>} : memref<128xi32, #tpu.memory_space<vmem>>, vector<16xi32>,
            %swap3A_664 = arith.constant 32 : index
            %swap3A_665 = tpu.vector_load %arg11[%swap3A_664] {strides = array<i32>} : memref<128xi32, #tpu.memory_space<vmem>>, vector<16xi32>,
            tpu.vector_store %arg11[%swap3A_664], %broadcast_in_dim3A_659 {strides = array<i32>} : memref<128xi32, #tpu.memory_space<vmem>>, vector<16xi32>,
            %swap3A_666 = arith.constant 48 : index
            %swap3A_667 = tpu.vector_load %arg11[%swap3A_666] {strides = array<i32>} : memref<128xi32, #tpu.memory_space<vmem>>, vector<16xi32>,
            tpu.vector_store %arg11[%swap3A_666], %broadcast_in_dim3A_659 {strides = array<i32>} : memref<128xi32, #tpu.memory_space<vmem>>, vector<16xi32>,
            %swap3A_668 = arith.constant 64 : index
            %swap3A_669 = tpu.vector_load %arg11[%swap3A_668] {strides = array<i32>} : memref<128xi32, #tpu.memory_space<vmem>>, vector<16xi32>,
            tpu.vector_store %arg11[%swap3A_668], %broadcast_in_dim3A_659 {strides = array<i32>} : memref<128xi32, #tpu.memory_space<vmem>>, vector<16xi32>,
            %swap3A_670 = arith.constant 80 : index
            %swap3A_671 = tpu.vector_load %arg11[%swap3A_670] {strides = array<i32>} : memref<128xi32, #tpu.memory_space<vmem>>, vector<16xi32>,
            tpu.vector_store %arg11[%swap3A_670], %broadcast_in_dim3A_659 {strides = array<i32>} : memref<128xi32, #tpu.memory_space<vmem>>, vector<16xi32>,
            %swap3A_672 = arith.constant 96 : index
            %swap3A_673 = tpu.vector_load %arg11[%swap3A_672] {strides = array<i32>} : memref<128xi32, #tpu.memory_space<vmem>>, vector<16xi32>,
            tpu.vector_store %arg11[%swap3A_672], %broadcast_in_dim3A_659 {strides = array<i32>} : memref<128xi32, #tpu.memory_space<vmem>>, vector<16xi32>,
            %swap3A_674 = arith.constant 112 : index
            %swap3A_675 = tpu.vector_load %arg11[%swap3A_674] {strides = array<i32>} : memref<128xi32, #tpu.memory_space<vmem>>, vector<16xi32>,
            tpu.vector_store %arg11[%swap3A_674], %broadcast_in_dim3A_659 {strides = array<i32>} : memref<128xi32, #tpu.memory_space<vmem>>, vector<16xi32>,
            %cond3A_676 = arith.constant 0 : i32
            scf.yield %cond3A_676 : i32
          } else {
            scf.yield %while3A_122 : i32
          }
          %sub3A_155 = arith.constant 999232 : i32
          %sub3A_156 = vector.broadcast %sub3A_155 : i32 to vector<16xi32>
          %sub3A_157 = arith.subi %gather3A, %sub3A_156 : vector<16xi32>
          %max3A = arith.constant 0 : i32
          %max3A_158 = vector.broadcast %max3A : i32 to vector<16xi32>
          %max3A_159 = arith.maxsi %sub3A_157, %max3A_158 : vector<16xi32>
          %min3A_160 = arith.constant 767 : i32
          %min3A_161 = vector.broadcast %min3A_160 : i32 to vector<16xi32>
          %min3A_162 = arith.minsi %max3A_159, %min3A_161 : vector<16xi32>
          %convert_element_type3A_163 = arith.extui %and3A_141 : vector<16xi1> to vector<16xi32>
          %broadcast_in_dim3A_164 = arith.constant true
          %broadcast_in_dim3A_165 = vector.broadcast %broadcast_in_dim3A_164 : i1 to vector<16xi1>
          %masked_cumsum3A = tpu.scan <sum>, %convert_element_type3A_163 masked %broadcast_in_dim3A_165 : vector<16xi32>, vector<16xi1> -> vector<16xi32>
          %add3A_166 = vector.broadcast %cond3A_154 : i32 to vector<16xi32>
          %add3A_167 = arith.addi %add3A_166, %masked_cumsum3A : vector<16xi32>
          %sub3A_168 = arith.constant 1 : i32
          %sub3A_169 = vector.broadcast %sub3A_168 : i32 to vector<16xi32>
          %sub3A_170 = arith.subi %add3A_167, %sub3A_169 : vector<16xi32>
          %broadcast_in_dim3A_171 = arith.constant 0 : i32
          %broadcast_in_dim3A_172 = vector.broadcast %broadcast_in_dim3A_171 : i32 to vector<16xi32>
          %mul3A_173 = arith.constant 32 : i32
          %mul3A_174 = vector.broadcast %mul3A_173 : i32 to vector<16xi32>
          %mul3A_175 = arith.muli %min3A_162, %mul3A_174 : vector<16xi32>
          %add3A_176 = arith.constant 0 : i32
          %add3A_177 = vector.broadcast %add3A_176 : i32 to vector<16xi32>
          %add3A_178 = arith.addi %mul3A_175, %add3A_177 : vector<16xi32>
          %shift_right_arithmetic3A = arith.constant 10 : i32
          %shift_right_arithmetic3A_179 = vector.broadcast %shift_right_arithmetic3A : i32 to vector<16xi32>
          %shift_right_arithmetic3A_180 = arith.shrsi %add3A_178, %shift_right_arithmetic3A_179 : vector<16xi32>
          %and3A_181 = arith.constant 1023 : i32
          %and3A_182 = vector.broadcast %and3A_181 : i32 to vector<16xi32>
          %and3A_183 = arith.andi %add3A_178, %and3A_182 : vector<16xi32>
          %gather3A_184 = tpu.vector_load_idx %arg8[%shift_right_arithmetic3A_180, %and3A_183] masked %and3A_141 : memref<32x1024xf32, #tpu.memory_space<vmem>>[vector<16xi32>, vector<16xi32>], vector<16xf32>, vector<16xi1>
          tpu.vector_store_idx %arg10[%sub3A_170, %broadcast_in_dim3A_172], %gather3A_184 masked %and3A_141 : memref<128x128xf32, #tpu.memory_space<vmem>>[vector<16xi32>, vector<16xi32>], vector<16xf32>, vector<16xi1>
          %broadcast_in_dim3A_185 = arith.constant 1 : i32
          %broadcast_in_dim3A_186 = vector.broadcast %broadcast_in_dim3A_185 : i32 to vector<16xi32>
          %mul3A_187 = arith.constant 32 : i32
          %mul3A_188 = vector.broadcast %mul3A_187 : i32 to vector<16xi32>
          %mul3A_189 = arith.muli %min3A_162, %mul3A_188 : vector<16xi32>
          %add3A_190 = arith.constant 1 : i32
          %add3A_191 = vector.broadcast %add3A_190 : i32 to vector<16xi32>
          %add3A_192 = arith.addi %mul3A_189, %add3A_191 : vector<16xi32>
          %shift_right_arithmetic3A_193 = arith.constant 10 : i32
          %shift_right_arithmetic3A_194 = vector.broadcast %shift_right_arithmetic3A_193 : i32 to vector<16xi32>
          %shift_right_arithmetic3A_195 = arith.shrsi %add3A_192, %shift_right_arithmetic3A_194 : vector<16xi32>
          %and3A_196 = arith.constant 1023 : i32
          %and3A_197 = vector.broadcast %and3A_196 : i32 to vector<16xi32>
          %and3A_198 = arith.andi %add3A_192, %and3A_197 : vector<16xi32>
          %gather3A_199 = tpu.vector_load_idx %arg8[%shift_right_arithmetic3A_195, %and3A_198] masked %and3A_141 : memref<32x1024xf32, #tpu.memory_space<vmem>>[vector<16xi32>, vector<16xi32>], vector<16xf32>, vector<16xi1>
          tpu.vector_store_idx %arg10[%sub3A_170, %broadcast_in_dim3A_186], %gather3A_199 masked %and3A_141 : memref<128x128xf32, #tpu.memory_space<vmem>>[vector<16xi32>, vector<16xi32>], vector<16xf32>, vector<16xi1>
          %broadcast_in_dim3A_200 = arith.constant 2 : i32
          %broadcast_in_dim3A_201 = vector.broadcast %broadcast_in_dim3A_200 : i32 to vector<16xi32>
          %mul3A_202 = arith.constant 32 : i32
          %mul3A_203 = vector.broadcast %mul3A_202 : i32 to vector<16xi32>
          %mul3A_204 = arith.muli %min3A_162, %mul3A_203 : vector<16xi32>
          %add3A_205 = arith.constant 2 : i32
          %add3A_206 = vector.broadcast %add3A_205 : i32 to vector<16xi32>
          %add3A_207 = arith.addi %mul3A_204, %add3A_206 : vector<16xi32>
          %shift_right_arithmetic3A_208 = arith.constant 10 : i32
          %shift_right_arithmetic3A_209 = vector.broadcast %shift_right_arithmetic3A_208 : i32 to vector<16xi32>
          %shift_right_arithmetic3A_210 = arith.shrsi %add3A_207, %shift_right_arithmetic3A_209 : vector<16xi32>
          %and3A_211 = arith.constant 1023 : i32
          %and3A_212 = vector.broadcast %and3A_211 : i32 to vector<16xi32>
          %and3A_213 = arith.andi %add3A_207, %and3A_212 : vector<16xi32>
          %gather3A_214 = tpu.vector_load_idx %arg8[%shift_right_arithmetic3A_210, %and3A_213] masked %and3A_141 : memref<32x1024xf32, #tpu.memory_space<vmem>>[vector<16xi32>, vector<16xi32>], vector<16xf32>, vector<16xi1>
          tpu.vector_store_idx %arg10[%sub3A_170, %broadcast_in_dim3A_201], %gather3A_214 masked %and3A_141 : memref<128x128xf32, #tpu.memory_space<vmem>>[vector<16xi32>, vector<16xi32>], vector<16xf32>, vector<16xi1>
          %broadcast_in_dim3A_215 = arith.constant 3 : i32
          %broadcast_in_dim3A_216 = vector.broadcast %broadcast_in_dim3A_215 : i32 to vector<16xi32>
          %mul3A_217 = arith.constant 32 : i32
          %mul3A_218 = vector.broadcast %mul3A_217 : i32 to vector<16xi32>
          %mul3A_219 = arith.muli %min3A_162, %mul3A_218 : vector<16xi32>
          %add3A_220 = arith.constant 3 : i32
          %add3A_221 = vector.broadcast %add3A_220 : i32 to vector<16xi32>
          %add3A_222 = arith.addi %mul3A_219, %add3A_221 : vector<16xi32>
          %shift_right_arithmetic3A_223 = arith.constant 10 : i32
          %shift_right_arithmetic3A_224 = vector.broadcast %shift_right_arithmetic3A_223 : i32 to vector<16xi32>
          %shift_right_arithmetic3A_225 = arith.shrsi %add3A_222, %shift_right_arithmetic3A_224 : vector<16xi32>
          %and3A_226 = arith.constant 1023 : i32
          %and3A_227 = vector.broadcast %and3A_226 : i32 to vector<16xi32>
          %and3A_228 = arith.andi %add3A_222, %and3A_227 : vector<16xi32>
          %gather3A_229 = tpu.vector_load_idx %arg8[%shift_right_arithmetic3A_225, %and3A_228] masked %and3A_141 : memref<32x1024xf32, #tpu.memory_space<vmem>>[vector<16xi32>, vector<16xi32>], vector<16xf32>, vector<16xi1>
          tpu.vector_store_idx %arg10[%sub3A_170, %broadcast_in_dim3A_216], %gather3A_229 masked %and3A_141 : memref<128x128xf32, #tpu.memory_space<vmem>>[vector<16xi32>, vector<16xi32>], vector<16xf32>, vector<16xi1>
          %broadcast_in_dim3A_230 = arith.constant 4 : i32
          %broadcast_in_dim3A_231 = vector.broadcast %broadcast_in_dim3A_230 : i32 to vector<16xi32>
          %mul3A_232 = arith.constant 32 : i32
          %mul3A_233 = vector.broadcast %mul3A_232 : i32 to vector<16xi32>
          %mul3A_234 = arith.muli %min3A_162, %mul3A_233 : vector<16xi32>
          %add3A_235 = arith.constant 4 : i32
          %add3A_236 = vector.broadcast %add3A_235 : i32 to vector<16xi32>
          %add3A_237 = arith.addi %mul3A_234, %add3A_236 : vector<16xi32>
          %shift_right_arithmetic3A_238 = arith.constant 10 : i32
          %shift_right_arithmetic3A_239 = vector.broadcast %shift_right_arithmetic3A_238 : i32 to vector<16xi32>
          %shift_right_arithmetic3A_240 = arith.shrsi %add3A_237, %shift_right_arithmetic3A_239 : vector<16xi32>
          %and3A_241 = arith.constant 1023 : i32
          %and3A_242 = vector.broadcast %and3A_241 : i32 to vector<16xi32>
          %and3A_243 = arith.andi %add3A_237, %and3A_242 : vector<16xi32>
          %gather3A_244 = tpu.vector_load_idx %arg8[%shift_right_arithmetic3A_240, %and3A_243] masked %and3A_141 : memref<32x1024xf32, #tpu.memory_space<vmem>>[vector<16xi32>, vector<16xi32>], vector<16xf32>, vector<16xi1>
          tpu.vector_store_idx %arg10[%sub3A_170, %broadcast_in_dim3A_231], %gather3A_244 masked %and3A_141 : memref<128x128xf32, #tpu.memory_space<vmem>>[vector<16xi32>, vector<16xi32>], vector<16xf32>, vector<16xi1>
          %broadcast_in_dim3A_245 = arith.constant 5 : i32
          %broadcast_in_dim3A_246 = vector.broadcast %broadcast_in_dim3A_245 : i32 to vector<16xi32>
          %mul3A_247 = arith.constant 32 : i32
          %mul3A_248 = vector.broadcast %mul3A_247 : i32 to vector<16xi32>
          %mul3A_249 = arith.muli %min3A_162, %mul3A_248 : vector<16xi32>
          %add3A_250 = arith.constant 5 : i32
          %add3A_251 = vector.broadcast %add3A_250 : i32 to vector<16xi32>
          %add3A_252 = arith.addi %mul3A_249, %add3A_251 : vector<16xi32>
          %shift_right_arithmetic3A_253 = arith.constant 10 : i32
          %shift_right_arithmetic3A_254 = vector.broadcast %shift_right_arithmetic3A_253 : i32 to vector<16xi32>
          %shift_right_arithmetic3A_255 = arith.shrsi %add3A_252, %shift_right_arithmetic3A_254 : vector<16xi32>
          %and3A_256 = arith.constant 1023 : i32
          %and3A_257 = vector.broadcast %and3A_256 : i32 to vector<16xi32>
          %and3A_258 = arith.andi %add3A_252, %and3A_257 : vector<16xi32>
          %gather3A_259 = tpu.vector_load_idx %arg8[%shift_right_arithmetic3A_255, %and3A_258] masked %and3A_141 : memref<32x1024xf32, #tpu.memory_space<vmem>>[vector<16xi32>, vector<16xi32>], vector<16xf32>, vector<16xi1>
          tpu.vector_store_idx %arg10[%sub3A_170, %broadcast_in_dim3A_246], %gather3A_259 masked %and3A_141 : memref<128x128xf32, #tpu.memory_space<vmem>>[vector<16xi32>, vector<16xi32>], vector<16xf32>, vector<16xi1>
          %broadcast_in_dim3A_260 = arith.constant 6 : i32
          %broadcast_in_dim3A_261 = vector.broadcast %broadcast_in_dim3A_260 : i32 to vector<16xi32>
          %mul3A_262 = arith.constant 32 : i32
          %mul3A_263 = vector.broadcast %mul3A_262 : i32 to vector<16xi32>
          %mul3A_264 = arith.muli %min3A_162, %mul3A_263 : vector<16xi32>
          %add3A_265 = arith.constant 6 : i32
          %add3A_266 = vector.broadcast %add3A_265 : i32 to vector<16xi32>
          %add3A_267 = arith.addi %mul3A_264, %add3A_266 : vector<16xi32>
          %shift_right_arithmetic3A_268 = arith.constant 10 : i32
          %shift_right_arithmetic3A_269 = vector.broadcast %shift_right_arithmetic3A_268 : i32 to vector<16xi32>
          %shift_right_arithmetic3A_270 = arith.shrsi %add3A_267, %shift_right_arithmetic3A_269 : vector<16xi32>
          %and3A_271 = arith.constant 1023 : i32
          %and3A_272 = vector.broadcast %and3A_271 : i32 to vector<16xi32>
          %and3A_273 = arith.andi %add3A_267, %and3A_272 : vector<16xi32>
          %gather3A_274 = tpu.vector_load_idx %arg8[%shift_right_arithmetic3A_270, %and3A_273] masked %and3A_141 : memref<32x1024xf32, #tpu.memory_space<vmem>>[vector<16xi32>, vector<16xi32>], vector<16xf32>, vector<16xi1>
          tpu.vector_store_idx %arg10[%sub3A_170, %broadcast_in_dim3A_261], %gather3A_274 masked %and3A_141 : memref<128x128xf32, #tpu.memory_space<vmem>>[vector<16xi32>, vector<16xi32>], vector<16xf32>, vector<16xi1>
          %broadcast_in_dim3A_275 = arith.constant 7 : i32
          %broadcast_in_dim3A_276 = vector.broadcast %broadcast_in_dim3A_275 : i32 to vector<16xi32>
          %mul3A_277 = arith.constant 32 : i32
          %mul3A_278 = vector.broadcast %mul3A_277 : i32 to vector<16xi32>
          %mul3A_279 = arith.muli %min3A_162, %mul3A_278 : vector<16xi32>
          %add3A_280 = arith.constant 7 : i32
          %add3A_281 = vector.broadcast %add3A_280 : i32 to vector<16xi32>
          %add3A_282 = arith.addi %mul3A_279, %add3A_281 : vector<16xi32>
          %shift_right_arithmetic3A_283 = arith.constant 10 : i32
          %shift_right_arithmetic3A_284 = vector.broadcast %shift_right_arithmetic3A_283 : i32 to vector<16xi32>
          %shift_right_arithmetic3A_285 = arith.shrsi %add3A_282, %shift_right_arithmetic3A_284 : vector<16xi32>
          %and3A_286 = arith.constant 1023 : i32
          %and3A_287 = vector.broadcast %and3A_286 : i32 to vector<16xi32>
          %and3A_288 = arith.andi %add3A_282, %and3A_287 : vector<16xi32>
          %gather3A_289 = tpu.vector_load_idx %arg8[%shift_right_arithmetic3A_285, %and3A_288] masked %and3A_141 : memref<32x1024xf32, #tpu.memory_space<vmem>>[vector<16xi32>, vector<16xi32>], vector<16xf32>, vector<16xi1>
          tpu.vector_store_idx %arg10[%sub3A_170, %broadcast_in_dim3A_276], %gather3A_289 masked %and3A_141 : memref<128x128xf32, #tpu.memory_space<vmem>>[vector<16xi32>, vector<16xi32>], vector<16xf32>, vector<16xi1>
          %broadcast_in_dim3A_290 = arith.constant 8 : i32
          %broadcast_in_dim3A_291 = vector.broadcast %broadcast_in_dim3A_290 : i32 to vector<16xi32>
          %mul3A_292 = arith.constant 32 : i32
          %mul3A_293 = vector.broadcast %mul3A_292 : i32 to vector<16xi32>
          %mul3A_294 = arith.muli %min3A_162, %mul3A_293 : vector<16xi32>
          %add3A_295 = arith.constant 8 : i32
          %add3A_296 = vector.broadcast %add3A_295 : i32 to vector<16xi32>
          %add3A_297 = arith.addi %mul3A_294, %add3A_296 : vector<16xi32>
          %shift_right_arithmetic3A_298 = arith.constant 10 : i32
          %shift_right_arithmetic3A_299 = vector.broadcast %shift_right_arithmetic3A_298 : i32 to vector<16xi32>
          %shift_right_arithmetic3A_300 = arith.shrsi %add3A_297, %shift_right_arithmetic3A_299 : vector<16xi32>
          %and3A_301 = arith.constant 1023 : i32
          %and3A_302 = vector.broadcast %and3A_301 : i32 to vector<16xi32>
          %and3A_303 = arith.andi %add3A_297, %and3A_302 : vector<16xi32>
          %gather3A_304 = tpu.vector_load_idx %arg8[%shift_right_arithmetic3A_300, %and3A_303] masked %and3A_141 : memref<32x1024xf32, #tpu.memory_space<vmem>>[vector<16xi32>, vector<16xi32>], vector<16xf32>, vector<16xi1>
          tpu.vector_store_idx %arg10[%sub3A_170, %broadcast_in_dim3A_291], %gather3A_304 masked %and3A_141 : memref<128x128xf32, #tpu.memory_space<vmem>>[vector<16xi32>, vector<16xi32>], vector<16xf32>, vector<16xi1>
          %broadcast_in_dim3A_305 = arith.constant 9 : i32
          %broadcast_in_dim3A_306 = vector.broadcast %broadcast_in_dim3A_305 : i32 to vector<16xi32>
          %mul3A_307 = arith.constant 32 : i32
          %mul3A_308 = vector.broadcast %mul3A_307 : i32 to vector<16xi32>
          %mul3A_309 = arith.muli %min3A_162, %mul3A_308 : vector<16xi32>
          %add3A_310 = arith.constant 9 : i32
          %add3A_311 = vector.broadcast %add3A_310 : i32 to vector<16xi32>
          %add3A_312 = arith.addi %mul3A_309, %add3A_311 : vector<16xi32>
          %shift_right_arithmetic3A_313 = arith.constant 10 : i32
          %shift_right_arithmetic3A_314 = vector.broadcast %shift_right_arithmetic3A_313 : i32 to vector<16xi32>
          %shift_right_arithmetic3A_315 = arith.shrsi %add3A_312, %shift_right_arithmetic3A_314 : vector<16xi32>
          %and3A_316 = arith.constant 1023 : i32
          %and3A_317 = vector.broadcast %and3A_316 : i32 to vector<16xi32>
          %and3A_318 = arith.andi %add3A_312, %and3A_317 : vector<16xi32>
          %gather3A_319 = tpu.vector_load_idx %arg8[%shift_right_arithmetic3A_315, %and3A_318] masked %and3A_141 : memref<32x1024xf32, #tpu.memory_space<vmem>>[vector<16xi32>, vector<16xi32>], vector<16xf32>, vector<16xi1>
          tpu.vector_store_idx %arg10[%sub3A_170, %broadcast_in_dim3A_306], %gather3A_319 masked %and3A_141 : memref<128x128xf32, #tpu.memory_space<vmem>>[vector<16xi32>, vector<16xi32>], vector<16xf32>, vector<16xi1>
          %broadcast_in_dim3A_320 = arith.constant 10 : i32
          %broadcast_in_dim3A_321 = vector.broadcast %broadcast_in_dim3A_320 : i32 to vector<16xi32>
          %mul3A_322 = arith.constant 32 : i32
          %mul3A_323 = vector.broadcast %mul3A_322 : i32 to vector<16xi32>
          %mul3A_324 = arith.muli %min3A_162, %mul3A_323 : vector<16xi32>
          %add3A_325 = arith.constant 10 : i32
          %add3A_326 = vector.broadcast %add3A_325 : i32 to vector<16xi32>
          %add3A_327 = arith.addi %mul3A_324, %add3A_326 : vector<16xi32>
          %shift_right_arithmetic3A_328 = arith.constant 10 : i32
          %shift_right_arithmetic3A_329 = vector.broadcast %shift_right_arithmetic3A_328 : i32 to vector<16xi32>
          %shift_right_arithmetic3A_330 = arith.shrsi %add3A_327, %shift_right_arithmetic3A_329 : vector<16xi32>
          %and3A_331 = arith.constant 1023 : i32
          %and3A_332 = vector.broadcast %and3A_331 : i32 to vector<16xi32>
          %and3A_333 = arith.andi %add3A_327, %and3A_332 : vector<16xi32>
          %gather3A_334 = tpu.vector_load_idx %arg8[%shift_right_arithmetic3A_330, %and3A_333] masked %and3A_141 : memref<32x1024xf32, #tpu.memory_space<vmem>>[vector<16xi32>, vector<16xi32>], vector<16xf32>, vector<16xi1>
          tpu.vector_store_idx %arg10[%sub3A_170, %broadcast_in_dim3A_321], %gather3A_334 masked %and3A_141 : memref<128x128xf32, #tpu.memory_space<vmem>>[vector<16xi32>, vector<16xi32>], vector<16xf32>, vector<16xi1>
          %broadcast_in_dim3A_335 = arith.constant 11 : i32
          %broadcast_in_dim3A_336 = vector.broadcast %broadcast_in_dim3A_335 : i32 to vector<16xi32>
          %mul3A_337 = arith.constant 32 : i32
          %mul3A_338 = vector.broadcast %mul3A_337 : i32 to vector<16xi32>
          %mul3A_339 = arith.muli %min3A_162, %mul3A_338 : vector<16xi32>
          %add3A_340 = arith.constant 11 : i32
          %add3A_341 = vector.broadcast %add3A_340 : i32 to vector<16xi32>
          %add3A_342 = arith.addi %mul3A_339, %add3A_341 : vector<16xi32>
          %shift_right_arithmetic3A_343 = arith.constant 10 : i32
          %shift_right_arithmetic3A_344 = vector.broadcast %shift_right_arithmetic3A_343 : i32 to vector<16xi32>
          %shift_right_arithmetic3A_345 = arith.shrsi %add3A_342, %shift_right_arithmetic3A_344 : vector<16xi32>
          %and3A_346 = arith.constant 1023 : i32
          %and3A_347 = vector.broadcast %and3A_346 : i32 to vector<16xi32>
          %and3A_348 = arith.andi %add3A_342, %and3A_347 : vector<16xi32>
          %gather3A_349 = tpu.vector_load_idx %arg8[%shift_right_arithmetic3A_345, %and3A_348] masked %and3A_141 : memref<32x1024xf32, #tpu.memory_space<vmem>>[vector<16xi32>, vector<16xi32>], vector<16xf32>, vector<16xi1>
          tpu.vector_store_idx %arg10[%sub3A_170, %broadcast_in_dim3A_336], %gather3A_349 masked %and3A_141 : memref<128x128xf32, #tpu.memory_space<vmem>>[vector<16xi32>, vector<16xi32>], vector<16xf32>, vector<16xi1>
          %broadcast_in_dim3A_350 = arith.constant 12 : i32
          %broadcast_in_dim3A_351 = vector.broadcast %broadcast_in_dim3A_350 : i32 to vector<16xi32>
          %mul3A_352 = arith.constant 32 : i32
          %mul3A_353 = vector.broadcast %mul3A_352 : i32 to vector<16xi32>
          %mul3A_354 = arith.muli %min3A_162, %mul3A_353 : vector<16xi32>
          %add3A_355 = arith.constant 12 : i32
          %add3A_356 = vector.broadcast %add3A_355 : i32 to vector<16xi32>
          %add3A_357 = arith.addi %mul3A_354, %add3A_356 : vector<16xi32>
          %shift_right_arithmetic3A_358 = arith.constant 10 : i32
          %shift_right_arithmetic3A_359 = vector.broadcast %shift_right_arithmetic3A_358 : i32 to vector<16xi32>
          %shift_right_arithmetic3A_360 = arith.shrsi %add3A_357, %shift_right_arithmetic3A_359 : vector<16xi32>
          %and3A_361 = arith.constant 1023 : i32
          %and3A_362 = vector.broadcast %and3A_361 : i32 to vector<16xi32>
          %and3A_363 = arith.andi %add3A_357, %and3A_362 : vector<16xi32>
          %gather3A_364 = tpu.vector_load_idx %arg8[%shift_right_arithmetic3A_360, %and3A_363] masked %and3A_141 : memref<32x1024xf32, #tpu.memory_space<vmem>>[vector<16xi32>, vector<16xi32>], vector<16xf32>, vector<16xi1>
          tpu.vector_store_idx %arg10[%sub3A_170, %broadcast_in_dim3A_351], %gather3A_364 masked %and3A_141 : memref<128x128xf32, #tpu.memory_space<vmem>>[vector<16xi32>, vector<16xi32>], vector<16xf32>, vector<16xi1>
          %broadcast_in_dim3A_365 = arith.constant 13 : i32
          %broadcast_in_dim3A_366 = vector.broadcast %broadcast_in_dim3A_365 : i32 to vector<16xi32>
          %mul3A_367 = arith.constant 32 : i32
          %mul3A_368 = vector.broadcast %mul3A_367 : i32 to vector<16xi32>
          %mul3A_369 = arith.muli %min3A_162, %mul3A_368 : vector<16xi32>
          %add3A_370 = arith.constant 13 : i32
          %add3A_371 = vector.broadcast %add3A_370 : i32 to vector<16xi32>
          %add3A_372 = arith.addi %mul3A_369, %add3A_371 : vector<16xi32>
          %shift_right_arithmetic3A_373 = arith.constant 10 : i32
          %shift_right_arithmetic3A_374 = vector.broadcast %shift_right_arithmetic3A_373 : i32 to vector<16xi32>
          %shift_right_arithmetic3A_375 = arith.shrsi %add3A_372, %shift_right_arithmetic3A_374 : vector<16xi32>
          %and3A_376 = arith.constant 1023 : i32
          %and3A_377 = vector.broadcast %and3A_376 : i32 to vector<16xi32>
          %and3A_378 = arith.andi %add3A_372, %and3A_377 : vector<16xi32>
          %gather3A_379 = tpu.vector_load_idx %arg8[%shift_right_arithmetic3A_375, %and3A_378] masked %and3A_141 : memref<32x1024xf32, #tpu.memory_space<vmem>>[vector<16xi32>, vector<16xi32>], vector<16xf32>, vector<16xi1>
          tpu.vector_store_idx %arg10[%sub3A_170, %broadcast_in_dim3A_366], %gather3A_379 masked %and3A_141 : memref<128x128xf32, #tpu.memory_space<vmem>>[vector<16xi32>, vector<16xi32>], vector<16xf32>, vector<16xi1>
          %broadcast_in_dim3A_380 = arith.constant 14 : i32
          %broadcast_in_dim3A_381 = vector.broadcast %broadcast_in_dim3A_380 : i32 to vector<16xi32>
          %mul3A_382 = arith.constant 32 : i32
          %mul3A_383 = vector.broadcast %mul3A_382 : i32 to vector<16xi32>
          %mul3A_384 = arith.muli %min3A_162, %mul3A_383 : vector<16xi32>
          %add3A_385 = arith.constant 14 : i32
          %add3A_386 = vector.broadcast %add3A_385 : i32 to vector<16xi32>
          %add3A_387 = arith.addi %mul3A_384, %add3A_386 : vector<16xi32>
          %shift_right_arithmetic3A_388 = arith.constant 10 : i32
          %shift_right_arithmetic3A_389 = vector.broadcast %shift_right_arithmetic3A_388 : i32 to vector<16xi32>
          %shift_right_arithmetic3A_390 = arith.shrsi %add3A_387, %shift_right_arithmetic3A_389 : vector<16xi32>
          %and3A_391 = arith.constant 1023 : i32
          %and3A_392 = vector.broadcast %and3A_391 : i32 to vector<16xi32>
          %and3A_393 = arith.andi %add3A_387, %and3A_392 : vector<16xi32>
          %gather3A_394 = tpu.vector_load_idx %arg8[%shift_right_arithmetic3A_390, %and3A_393] masked %and3A_141 : memref<32x1024xf32, #tpu.memory_space<vmem>>[vector<16xi32>, vector<16xi32>], vector<16xf32>, vector<16xi1>
          tpu.vector_store_idx %arg10[%sub3A_170, %broadcast_in_dim3A_381], %gather3A_394 masked %and3A_141 : memref<128x128xf32, #tpu.memory_space<vmem>>[vector<16xi32>, vector<16xi32>], vector<16xf32>, vector<16xi1>
          %broadcast_in_dim3A_395 = arith.constant 15 : i32
          %broadcast_in_dim3A_396 = vector.broadcast %broadcast_in_dim3A_395 : i32 to vector<16xi32>
          %mul3A_397 = arith.constant 32 : i32
          %mul3A_398 = vector.broadcast %mul3A_397 : i32 to vector<16xi32>
          %mul3A_399 = arith.muli %min3A_162, %mul3A_398 : vector<16xi32>
          %add3A_400 = arith.constant 15 : i32
          %add3A_401 = vector.broadcast %add3A_400 : i32 to vector<16xi32>
          %add3A_402 = arith.addi %mul3A_399, %add3A_401 : vector<16xi32>
          %shift_right_arithmetic3A_403 = arith.constant 10 : i32
          %shift_right_arithmetic3A_404 = vector.broadcast %shift_right_arithmetic3A_403 : i32 to vector<16xi32>
          %shift_right_arithmetic3A_405 = arith.shrsi %add3A_402, %shift_right_arithmetic3A_404 : vector<16xi32>
          %and3A_406 = arith.constant 1023 : i32
          %and3A_407 = vector.broadcast %and3A_406 : i32 to vector<16xi32>
          %and3A_408 = arith.andi %add3A_402, %and3A_407 : vector<16xi32>
          %gather3A_409 = tpu.vector_load_idx %arg8[%shift_right_arithmetic3A_405, %and3A_408] masked %and3A_141 : memref<32x1024xf32, #tpu.memory_space<vmem>>[vector<16xi32>, vector<16xi32>], vector<16xf32>, vector<16xi1>
          tpu.vector_store_idx %arg10[%sub3A_170, %broadcast_in_dim3A_396], %gather3A_409 masked %and3A_141 : memref<128x128xf32, #tpu.memory_space<vmem>>[vector<16xi32>, vector<16xi32>], vector<16xf32>, vector<16xi1>
          %broadcast_in_dim3A_410 = arith.constant 16 : i32
          %broadcast_in_dim3A_411 = vector.broadcast %broadcast_in_dim3A_410 : i32 to vector<16xi32>
          %mul3A_412 = arith.constant 32 : i32
          %mul3A_413 = vector.broadcast %mul3A_412 : i32 to vector<16xi32>
          %mul3A_414 = arith.muli %min3A_162, %mul3A_413 : vector<16xi32>
          %add3A_415 = arith.constant 16 : i32
          %add3A_416 = vector.broadcast %add3A_415 : i32 to vector<16xi32>
          %add3A_417 = arith.addi %mul3A_414, %add3A_416 : vector<16xi32>
          %shift_right_arithmetic3A_418 = arith.constant 10 : i32
          %shift_right_arithmetic3A_419 = vector.broadcast %shift_right_arithmetic3A_418 : i32 to vector<16xi32>
          %shift_right_arithmetic3A_420 = arith.shrsi %add3A_417, %shift_right_arithmetic3A_419 : vector<16xi32>
          %and3A_421 = arith.constant 1023 : i32
          %and3A_422 = vector.broadcast %and3A_421 : i32 to vector<16xi32>
          %and3A_423 = arith.andi %add3A_417, %and3A_422 : vector<16xi32>
          %gather3A_424 = tpu.vector_load_idx %arg8[%shift_right_arithmetic3A_420, %and3A_423] masked %and3A_141 : memref<32x1024xf32, #tpu.memory_space<vmem>>[vector<16xi32>, vector<16xi32>], vector<16xf32>, vector<16xi1>
          tpu.vector_store_idx %arg10[%sub3A_170, %broadcast_in_dim3A_411], %gather3A_424 masked %and3A_141 : memref<128x128xf32, #tpu.memory_space<vmem>>[vector<16xi32>, vector<16xi32>], vector<16xf32>, vector<16xi1>
          %broadcast_in_dim3A_425 = arith.constant 17 : i32
          %broadcast_in_dim3A_426 = vector.broadcast %broadcast_in_dim3A_425 : i32 to vector<16xi32>
          %mul3A_427 = arith.constant 32 : i32
          %mul3A_428 = vector.broadcast %mul3A_427 : i32 to vector<16xi32>
          %mul3A_429 = arith.muli %min3A_162, %mul3A_428 : vector<16xi32>
          %add3A_430 = arith.constant 17 : i32
          %add3A_431 = vector.broadcast %add3A_430 : i32 to vector<16xi32>
          %add3A_432 = arith.addi %mul3A_429, %add3A_431 : vector<16xi32>
          %shift_right_arithmetic3A_433 = arith.constant 10 : i32
          %shift_right_arithmetic3A_434 = vector.broadcast %shift_right_arithmetic3A_433 : i32 to vector<16xi32>
          %shift_right_arithmetic3A_435 = arith.shrsi %add3A_432, %shift_right_arithmetic3A_434 : vector<16xi32>
          %and3A_436 = arith.constant 1023 : i32
          %and3A_437 = vector.broadcast %and3A_436 : i32 to vector<16xi32>
          %and3A_438 = arith.andi %add3A_432, %and3A_437 : vector<16xi32>
          %gather3A_439 = tpu.vector_load_idx %arg8[%shift_right_arithmetic3A_435, %and3A_438] masked %and3A_141 : memref<32x1024xf32, #tpu.memory_space<vmem>>[vector<16xi32>, vector<16xi32>], vector<16xf32>, vector<16xi1>
          tpu.vector_store_idx %arg10[%sub3A_170, %broadcast_in_dim3A_426], %gather3A_439 masked %and3A_141 : memref<128x128xf32, #tpu.memory_space<vmem>>[vector<16xi32>, vector<16xi32>], vector<16xf32>, vector<16xi1>
          %broadcast_in_dim3A_440 = arith.constant 18 : i32
          %broadcast_in_dim3A_441 = vector.broadcast %broadcast_in_dim3A_440 : i32 to vector<16xi32>
          %mul3A_442 = arith.constant 32 : i32
          %mul3A_443 = vector.broadcast %mul3A_442 : i32 to vector<16xi32>
          %mul3A_444 = arith.muli %min3A_162, %mul3A_443 : vector<16xi32>
          %add3A_445 = arith.constant 18 : i32
          %add3A_446 = vector.broadcast %add3A_445 : i32 to vector<16xi32>
          %add3A_447 = arith.addi %mul3A_444, %add3A_446 : vector<16xi32>
          %shift_right_arithmetic3A_448 = arith.constant 10 : i32
          %shift_right_arithmetic3A_449 = vector.broadcast %shift_right_arithmetic3A_448 : i32 to vector<16xi32>
          %shift_right_arithmetic3A_450 = arith.shrsi %add3A_447, %shift_right_arithmetic3A_449 : vector<16xi32>
          %and3A_451 = arith.constant 1023 : i32
          %and3A_452 = vector.broadcast %and3A_451 : i32 to vector<16xi32>
          %and3A_453 = arith.andi %add3A_447, %and3A_452 : vector<16xi32>
          %gather3A_454 = tpu.vector_load_idx %arg8[%shift_right_arithmetic3A_450, %and3A_453] masked %and3A_141 : memref<32x1024xf32, #tpu.memory_space<vmem>>[vector<16xi32>, vector<16xi32>], vector<16xf32>, vector<16xi1>
          tpu.vector_store_idx %arg10[%sub3A_170, %broadcast_in_dim3A_441], %gather3A_454 masked %and3A_141 : memref<128x128xf32, #tpu.memory_space<vmem>>[vector<16xi32>, vector<16xi32>], vector<16xf32>, vector<16xi1>
          %broadcast_in_dim3A_455 = arith.constant 19 : i32
          %broadcast_in_dim3A_456 = vector.broadcast %broadcast_in_dim3A_455 : i32 to vector<16xi32>
          %mul3A_457 = arith.constant 32 : i32
          %mul3A_458 = vector.broadcast %mul3A_457 : i32 to vector<16xi32>
          %mul3A_459 = arith.muli %min3A_162, %mul3A_458 : vector<16xi32>
          %add3A_460 = arith.constant 19 : i32
          %add3A_461 = vector.broadcast %add3A_460 : i32 to vector<16xi32>
          %add3A_462 = arith.addi %mul3A_459, %add3A_461 : vector<16xi32>
          %shift_right_arithmetic3A_463 = arith.constant 10 : i32
          %shift_right_arithmetic3A_464 = vector.broadcast %shift_right_arithmetic3A_463 : i32 to vector<16xi32>
          %shift_right_arithmetic3A_465 = arith.shrsi %add3A_462, %shift_right_arithmetic3A_464 : vector<16xi32>
          %and3A_466 = arith.constant 1023 : i32
          %and3A_467 = vector.broadcast %and3A_466 : i32 to vector<16xi32>
          %and3A_468 = arith.andi %add3A_462, %and3A_467 : vector<16xi32>
          %gather3A_469 = tpu.vector_load_idx %arg8[%shift_right_arithmetic3A_465, %and3A_468] masked %and3A_141 : memref<32x1024xf32, #tpu.memory_space<vmem>>[vector<16xi32>, vector<16xi32>], vector<16xf32>, vector<16xi1>
          tpu.vector_store_idx %arg10[%sub3A_170, %broadcast_in_dim3A_456], %gather3A_469 masked %and3A_141 : memref<128x128xf32, #tpu.memory_space<vmem>>[vector<16xi32>, vector<16xi32>], vector<16xf32>, vector<16xi1>
          %broadcast_in_dim3A_470 = arith.constant 20 : i32
          %broadcast_in_dim3A_471 = vector.broadcast %broadcast_in_dim3A_470 : i32 to vector<16xi32>
          %mul3A_472 = arith.constant 32 : i32
          %mul3A_473 = vector.broadcast %mul3A_472 : i32 to vector<16xi32>
          %mul3A_474 = arith.muli %min3A_162, %mul3A_473 : vector<16xi32>
          %add3A_475 = arith.constant 20 : i32
          %add3A_476 = vector.broadcast %add3A_475 : i32 to vector<16xi32>
          %add3A_477 = arith.addi %mul3A_474, %add3A_476 : vector<16xi32>
          %shift_right_arithmetic3A_478 = arith.constant 10 : i32
          %shift_right_arithmetic3A_479 = vector.broadcast %shift_right_arithmetic3A_478 : i32 to vector<16xi32>
          %shift_right_arithmetic3A_480 = arith.shrsi %add3A_477, %shift_right_arithmetic3A_479 : vector<16xi32>
          %and3A_481 = arith.constant 1023 : i32
          %and3A_482 = vector.broadcast %and3A_481 : i32 to vector<16xi32>
          %and3A_483 = arith.andi %add3A_477, %and3A_482 : vector<16xi32>
          %gather3A_484 = tpu.vector_load_idx %arg8[%shift_right_arithmetic3A_480, %and3A_483] masked %and3A_141 : memref<32x1024xf32, #tpu.memory_space<vmem>>[vector<16xi32>, vector<16xi32>], vector<16xf32>, vector<16xi1>
          tpu.vector_store_idx %arg10[%sub3A_170, %broadcast_in_dim3A_471], %gather3A_484 masked %and3A_141 : memref<128x128xf32, #tpu.memory_space<vmem>>[vector<16xi32>, vector<16xi32>], vector<16xf32>, vector<16xi1>
          %broadcast_in_dim3A_485 = arith.constant 21 : i32
          %broadcast_in_dim3A_486 = vector.broadcast %broadcast_in_dim3A_485 : i32 to vector<16xi32>
          %mul3A_487 = arith.constant 32 : i32
          %mul3A_488 = vector.broadcast %mul3A_487 : i32 to vector<16xi32>
          %mul3A_489 = arith.muli %min3A_162, %mul3A_488 : vector<16xi32>
          %add3A_490 = arith.constant 21 : i32
          %add3A_491 = vector.broadcast %add3A_490 : i32 to vector<16xi32>
          %add3A_492 = arith.addi %mul3A_489, %add3A_491 : vector<16xi32>
          %shift_right_arithmetic3A_493 = arith.constant 10 : i32
          %shift_right_arithmetic3A_494 = vector.broadcast %shift_right_arithmetic3A_493 : i32 to vector<16xi32>
          %shift_right_arithmetic3A_495 = arith.shrsi %add3A_492, %shift_right_arithmetic3A_494 : vector<16xi32>
          %and3A_496 = arith.constant 1023 : i32
          %and3A_497 = vector.broadcast %and3A_496 : i32 to vector<16xi32>
          %and3A_498 = arith.andi %add3A_492, %and3A_497 : vector<16xi32>
          %gather3A_499 = tpu.vector_load_idx %arg8[%shift_right_arithmetic3A_495, %and3A_498] masked %and3A_141 : memref<32x1024xf32, #tpu.memory_space<vmem>>[vector<16xi32>, vector<16xi32>], vector<16xf32>, vector<16xi1>
          tpu.vector_store_idx %arg10[%sub3A_170, %broadcast_in_dim3A_486], %gather3A_499 masked %and3A_141 : memref<128x128xf32, #tpu.memory_space<vmem>>[vector<16xi32>, vector<16xi32>], vector<16xf32>, vector<16xi1>
          %broadcast_in_dim3A_500 = arith.constant 22 : i32
          %broadcast_in_dim3A_501 = vector.broadcast %broadcast_in_dim3A_500 : i32 to vector<16xi32>
          %mul3A_502 = arith.constant 32 : i32
          %mul3A_503 = vector.broadcast %mul3A_502 : i32 to vector<16xi32>
          %mul3A_504 = arith.muli %min3A_162, %mul3A_503 : vector<16xi32>
          %add3A_505 = arith.constant 22 : i32
          %add3A_506 = vector.broadcast %add3A_505 : i32 to vector<16xi32>
          %add3A_507 = arith.addi %mul3A_504, %add3A_506 : vector<16xi32>
          %shift_right_arithmetic3A_508 = arith.constant 10 : i32
          %shift_right_arithmetic3A_509 = vector.broadcast %shift_right_arithmetic3A_508 : i32 to vector<16xi32>
          %shift_right_arithmetic3A_510 = arith.shrsi %add3A_507, %shift_right_arithmetic3A_509 : vector<16xi32>
          %and3A_511 = arith.constant 1023 : i32
          %and3A_512 = vector.broadcast %and3A_511 : i32 to vector<16xi32>
          %and3A_513 = arith.andi %add3A_507, %and3A_512 : vector<16xi32>
          %gather3A_514 = tpu.vector_load_idx %arg8[%shift_right_arithmetic3A_510, %and3A_513] masked %and3A_141 : memref<32x1024xf32, #tpu.memory_space<vmem>>[vector<16xi32>, vector<16xi32>], vector<16xf32>, vector<16xi1>
          tpu.vector_store_idx %arg10[%sub3A_170, %broadcast_in_dim3A_501], %gather3A_514 masked %and3A_141 : memref<128x128xf32, #tpu.memory_space<vmem>>[vector<16xi32>, vector<16xi32>], vector<16xf32>, vector<16xi1>
          %broadcast_in_dim3A_515 = arith.constant 23 : i32
          %broadcast_in_dim3A_516 = vector.broadcast %broadcast_in_dim3A_515 : i32 to vector<16xi32>
          %mul3A_517 = arith.constant 32 : i32
          %mul3A_518 = vector.broadcast %mul3A_517 : i32 to vector<16xi32>
          %mul3A_519 = arith.muli %min3A_162, %mul3A_518 : vector<16xi32>
          %add3A_520 = arith.constant 23 : i32
          %add3A_521 = vector.broadcast %add3A_520 : i32 to vector<16xi32>
          %add3A_522 = arith.addi %mul3A_519, %add3A_521 : vector<16xi32>
          %shift_right_arithmetic3A_523 = arith.constant 10 : i32
          %shift_right_arithmetic3A_524 = vector.broadcast %shift_right_arithmetic3A_523 : i32 to vector<16xi32>
          %shift_right_arithmetic3A_525 = arith.shrsi %add3A_522, %shift_right_arithmetic3A_524 : vector<16xi32>
          %and3A_526 = arith.constant 1023 : i32
          %and3A_527 = vector.broadcast %and3A_526 : i32 to vector<16xi32>
          %and3A_528 = arith.andi %add3A_522, %and3A_527 : vector<16xi32>
          %gather3A_529 = tpu.vector_load_idx %arg8[%shift_right_arithmetic3A_525, %and3A_528] masked %and3A_141 : memref<32x1024xf32, #tpu.memory_space<vmem>>[vector<16xi32>, vector<16xi32>], vector<16xf32>, vector<16xi1>
          tpu.vector_store_idx %arg10[%sub3A_170, %broadcast_in_dim3A_516], %gather3A_529 masked %and3A_141 : memref<128x128xf32, #tpu.memory_space<vmem>>[vector<16xi32>, vector<16xi32>], vector<16xf32>, vector<16xi1>
          %broadcast_in_dim3A_530 = arith.constant 24 : i32
          %broadcast_in_dim3A_531 = vector.broadcast %broadcast_in_dim3A_530 : i32 to vector<16xi32>
          %mul3A_532 = arith.constant 32 : i32
          %mul3A_533 = vector.broadcast %mul3A_532 : i32 to vector<16xi32>
          %mul3A_534 = arith.muli %min3A_162, %mul3A_533 : vector<16xi32>
          %add3A_535 = arith.constant 24 : i32
          %add3A_536 = vector.broadcast %add3A_535 : i32 to vector<16xi32>
          %add3A_537 = arith.addi %mul3A_534, %add3A_536 : vector<16xi32>
          %shift_right_arithmetic3A_538 = arith.constant 10 : i32
          %shift_right_arithmetic3A_539 = vector.broadcast %shift_right_arithmetic3A_538 : i32 to vector<16xi32>
          %shift_right_arithmetic3A_540 = arith.shrsi %add3A_537, %shift_right_arithmetic3A_539 : vector<16xi32>
          %and3A_541 = arith.constant 1023 : i32
          %and3A_542 = vector.broadcast %and3A_541 : i32 to vector<16xi32>
          %and3A_543 = arith.andi %add3A_537, %and3A_542 : vector<16xi32>
          %gather3A_544 = tpu.vector_load_idx %arg8[%shift_right_arithmetic3A_540, %and3A_543] masked %and3A_141 : memref<32x1024xf32, #tpu.memory_space<vmem>>[vector<16xi32>, vector<16xi32>], vector<16xf32>, vector<16xi1>
          tpu.vector_store_idx %arg10[%sub3A_170, %broadcast_in_dim3A_531], %gather3A_544 masked %and3A_141 : memref<128x128xf32, #tpu.memory_space<vmem>>[vector<16xi32>, vector<16xi32>], vector<16xf32>, vector<16xi1>
          %broadcast_in_dim3A_545 = arith.constant 25 : i32
          %broadcast_in_dim3A_546 = vector.broadcast %broadcast_in_dim3A_545 : i32 to vector<16xi32>
          %mul3A_547 = arith.constant 32 : i32
          %mul3A_548 = vector.broadcast %mul3A_547 : i32 to vector<16xi32>
          %mul3A_549 = arith.muli %min3A_162, %mul3A_548 : vector<16xi32>
          %add3A_550 = arith.constant 25 : i32
          %add3A_551 = vector.broadcast %add3A_550 : i32 to vector<16xi32>
          %add3A_552 = arith.addi %mul3A_549, %add3A_551 : vector<16xi32>
          %shift_right_arithmetic3A_553 = arith.constant 10 : i32
          %shift_right_arithmetic3A_554 = vector.broadcast %shift_right_arithmetic3A_553 : i32 to vector<16xi32>
          %shift_right_arithmetic3A_555 = arith.shrsi %add3A_552, %shift_right_arithmetic3A_554 : vector<16xi32>
          %and3A_556 = arith.constant 1023 : i32
          %and3A_557 = vector.broadcast %and3A_556 : i32 to vector<16xi32>
          %and3A_558 = arith.andi %add3A_552, %and3A_557 : vector<16xi32>
          %gather3A_559 = tpu.vector_load_idx %arg8[%shift_right_arithmetic3A_555, %and3A_558] masked %and3A_141 : memref<32x1024xf32, #tpu.memory_space<vmem>>[vector<16xi32>, vector<16xi32>], vector<16xf32>, vector<16xi1>
          tpu.vector_store_idx %arg10[%sub3A_170, %broadcast_in_dim3A_546], %gather3A_559 masked %and3A_141 : memref<128x128xf32, #tpu.memory_space<vmem>>[vector<16xi32>, vector<16xi32>], vector<16xf32>, vector<16xi1>
          %broadcast_in_dim3A_560 = arith.constant 26 : i32
          %broadcast_in_dim3A_561 = vector.broadcast %broadcast_in_dim3A_560 : i32 to vector<16xi32>
          %mul3A_562 = arith.constant 32 : i32
          %mul3A_563 = vector.broadcast %mul3A_562 : i32 to vector<16xi32>
          %mul3A_564 = arith.muli %min3A_162, %mul3A_563 : vector<16xi32>
          %add3A_565 = arith.constant 26 : i32
          %add3A_566 = vector.broadcast %add3A_565 : i32 to vector<16xi32>
          %add3A_567 = arith.addi %mul3A_564, %add3A_566 : vector<16xi32>
          %shift_right_arithmetic3A_568 = arith.constant 10 : i32
          %shift_right_arithmetic3A_569 = vector.broadcast %shift_right_arithmetic3A_568 : i32 to vector<16xi32>
          %shift_right_arithmetic3A_570 = arith.shrsi %add3A_567, %shift_right_arithmetic3A_569 : vector<16xi32>
          %and3A_571 = arith.constant 1023 : i32
          %and3A_572 = vector.broadcast %and3A_571 : i32 to vector<16xi32>
          %and3A_573 = arith.andi %add3A_567, %and3A_572 : vector<16xi32>
          %gather3A_574 = tpu.vector_load_idx %arg8[%shift_right_arithmetic3A_570, %and3A_573] masked %and3A_141 : memref<32x1024xf32, #tpu.memory_space<vmem>>[vector<16xi32>, vector<16xi32>], vector<16xf32>, vector<16xi1>
          tpu.vector_store_idx %arg10[%sub3A_170, %broadcast_in_dim3A_561], %gather3A_574 masked %and3A_141 : memref<128x128xf32, #tpu.memory_space<vmem>>[vector<16xi32>, vector<16xi32>], vector<16xf32>, vector<16xi1>
          %broadcast_in_dim3A_575 = arith.constant 27 : i32
          %broadcast_in_dim3A_576 = vector.broadcast %broadcast_in_dim3A_575 : i32 to vector<16xi32>
          %mul3A_577 = arith.constant 32 : i32
          %mul3A_578 = vector.broadcast %mul3A_577 : i32 to vector<16xi32>
          %mul3A_579 = arith.muli %min3A_162, %mul3A_578 : vector<16xi32>
          %add3A_580 = arith.constant 27 : i32
          %add3A_581 = vector.broadcast %add3A_580 : i32 to vector<16xi32>
          %add3A_582 = arith.addi %mul3A_579, %add3A_581 : vector<16xi32>
          %shift_right_arithmetic3A_583 = arith.constant 10 : i32
          %shift_right_arithmetic3A_584 = vector.broadcast %shift_right_arithmetic3A_583 : i32 to vector<16xi32>
          %shift_right_arithmetic3A_585 = arith.shrsi %add3A_582, %shift_right_arithmetic3A_584 : vector<16xi32>
          %and3A_586 = arith.constant 1023 : i32
          %and3A_587 = vector.broadcast %and3A_586 : i32 to vector<16xi32>
          %and3A_588 = arith.andi %add3A_582, %and3A_587 : vector<16xi32>
          %gather3A_589 = tpu.vector_load_idx %arg8[%shift_right_arithmetic3A_585, %and3A_588] masked %and3A_141 : memref<32x1024xf32, #tpu.memory_space<vmem>>[vector<16xi32>, vector<16xi32>], vector<16xf32>, vector<16xi1>
          tpu.vector_store_idx %arg10[%sub3A_170, %broadcast_in_dim3A_576], %gather3A_589 masked %and3A_141 : memref<128x128xf32, #tpu.memory_space<vmem>>[vector<16xi32>, vector<16xi32>], vector<16xf32>, vector<16xi1>
          %broadcast_in_dim3A_590 = arith.constant 28 : i32
          %broadcast_in_dim3A_591 = vector.broadcast %broadcast_in_dim3A_590 : i32 to vector<16xi32>
          %mul3A_592 = arith.constant 32 : i32
          %mul3A_593 = vector.broadcast %mul3A_592 : i32 to vector<16xi32>
          %mul3A_594 = arith.muli %min3A_162, %mul3A_593 : vector<16xi32>
          %add3A_595 = arith.constant 28 : i32
          %add3A_596 = vector.broadcast %add3A_595 : i32 to vector<16xi32>
          %add3A_597 = arith.addi %mul3A_594, %add3A_596 : vector<16xi32>
          %shift_right_arithmetic3A_598 = arith.constant 10 : i32
          %shift_right_arithmetic3A_599 = vector.broadcast %shift_right_arithmetic3A_598 : i32 to vector<16xi32>
          %shift_right_arithmetic3A_600 = arith.shrsi %add3A_597, %shift_right_arithmetic3A_599 : vector<16xi32>
          %and3A_601 = arith.constant 1023 : i32
          %and3A_602 = vector.broadcast %and3A_601 : i32 to vector<16xi32>
          %and3A_603 = arith.andi %add3A_597, %and3A_602 : vector<16xi32>
          %gather3A_604 = tpu.vector_load_idx %arg8[%shift_right_arithmetic3A_600, %and3A_603] masked %and3A_141 : memref<32x1024xf32, #tpu.memory_space<vmem>>[vector<16xi32>, vector<16xi32>], vector<16xf32>, vector<16xi1>
          tpu.vector_store_idx %arg10[%sub3A_170, %broadcast_in_dim3A_591], %gather3A_604 masked %and3A_141 : memref<128x128xf32, #tpu.memory_space<vmem>>[vector<16xi32>, vector<16xi32>], vector<16xf32>, vector<16xi1>
          %broadcast_in_dim3A_605 = arith.constant 29 : i32
          %broadcast_in_dim3A_606 = vector.broadcast %broadcast_in_dim3A_605 : i32 to vector<16xi32>
          %mul3A_607 = arith.constant 32 : i32
          %mul3A_608 = vector.broadcast %mul3A_607 : i32 to vector<16xi32>
          %mul3A_609 = arith.muli %min3A_162, %mul3A_608 : vector<16xi32>
          %add3A_610 = arith.constant 29 : i32
          %add3A_611 = vector.broadcast %add3A_610 : i32 to vector<16xi32>
          %add3A_612 = arith.addi %mul3A_609, %add3A_611 : vector<16xi32>
          %shift_right_arithmetic3A_613 = arith.constant 10 : i32
          %shift_right_arithmetic3A_614 = vector.broadcast %shift_right_arithmetic3A_613 : i32 to vector<16xi32>
          %shift_right_arithmetic3A_615 = arith.shrsi %add3A_612, %shift_right_arithmetic3A_614 : vector<16xi32>
          %and3A_616 = arith.constant 1023 : i32
          %and3A_617 = vector.broadcast %and3A_616 : i32 to vector<16xi32>
          %and3A_618 = arith.andi %add3A_612, %and3A_617 : vector<16xi32>
          %gather3A_619 = tpu.vector_load_idx %arg8[%shift_right_arithmetic3A_615, %and3A_618] masked %and3A_141 : memref<32x1024xf32, #tpu.memory_space<vmem>>[vector<16xi32>, vector<16xi32>], vector<16xf32>, vector<16xi1>
          tpu.vector_store_idx %arg10[%sub3A_170, %broadcast_in_dim3A_606], %gather3A_619 masked %and3A_141 : memref<128x128xf32, #tpu.memory_space<vmem>>[vector<16xi32>, vector<16xi32>], vector<16xf32>, vector<16xi1>
          %broadcast_in_dim3A_620 = arith.constant 30 : i32
          %broadcast_in_dim3A_621 = vector.broadcast %broadcast_in_dim3A_620 : i32 to vector<16xi32>
          %mul3A_622 = arith.constant 32 : i32
          %mul3A_623 = vector.broadcast %mul3A_622 : i32 to vector<16xi32>
          %mul3A_624 = arith.muli %min3A_162, %mul3A_623 : vector<16xi32>
          %add3A_625 = arith.constant 30 : i32
          %add3A_626 = vector.broadcast %add3A_625 : i32 to vector<16xi32>
          %add3A_627 = arith.addi %mul3A_624, %add3A_626 : vector<16xi32>
          %shift_right_arithmetic3A_628 = arith.constant 10 : i32
          %shift_right_arithmetic3A_629 = vector.broadcast %shift_right_arithmetic3A_628 : i32 to vector<16xi32>
          %shift_right_arithmetic3A_630 = arith.shrsi %add3A_627, %shift_right_arithmetic3A_629 : vector<16xi32>
          %and3A_631 = arith.constant 1023 : i32
          %and3A_632 = vector.broadcast %and3A_631 : i32 to vector<16xi32>
          %and3A_633 = arith.andi %add3A_627, %and3A_632 : vector<16xi32>
          %gather3A_634 = tpu.vector_load_idx %arg8[%shift_right_arithmetic3A_630, %and3A_633] masked %and3A_141 : memref<32x1024xf32, #tpu.memory_space<vmem>>[vector<16xi32>, vector<16xi32>], vector<16xf32>, vector<16xi1>
          tpu.vector_store_idx %arg10[%sub3A_170, %broadcast_in_dim3A_621], %gather3A_634 masked %and3A_141 : memref<128x128xf32, #tpu.memory_space<vmem>>[vector<16xi32>, vector<16xi32>], vector<16xf32>, vector<16xi1>
          %broadcast_in_dim3A_635 = arith.constant 31 : i32
          %broadcast_in_dim3A_636 = vector.broadcast %broadcast_in_dim3A_635 : i32 to vector<16xi32>
          %mul3A_637 = arith.constant 32 : i32
          %mul3A_638 = vector.broadcast %mul3A_637 : i32 to vector<16xi32>
          %mul3A_639 = arith.muli %min3A_162, %mul3A_638 : vector<16xi32>
          %add3A_640 = arith.constant 31 : i32
          %add3A_641 = vector.broadcast %add3A_640 : i32 to vector<16xi32>
          %add3A_642 = arith.addi %mul3A_639, %add3A_641 : vector<16xi32>
          %shift_right_arithmetic3A_643 = arith.constant 10 : i32
          %shift_right_arithmetic3A_644 = vector.broadcast %shift_right_arithmetic3A_643 : i32 to vector<16xi32>
          %shift_right_arithmetic3A_645 = arith.shrsi %add3A_642, %shift_right_arithmetic3A_644 : vector<16xi32>
          %and3A_646 = arith.constant 1023 : i32
          %and3A_647 = vector.broadcast %and3A_646 : i32 to vector<16xi32>
          %and3A_648 = arith.andi %add3A_642, %and3A_647 : vector<16xi32>
          %gather3A_649 = tpu.vector_load_idx %arg8[%shift_right_arithmetic3A_645, %and3A_648] masked %and3A_141 : memref<32x1024xf32, #tpu.memory_space<vmem>>[vector<16xi32>, vector<16xi32>], vector<16xf32>, vector<16xi1>
          tpu.vector_store_idx %arg10[%sub3A_170, %broadcast_in_dim3A_636], %gather3A_649 masked %and3A_141 : memref<128x128xf32, #tpu.memory_space<vmem>>[vector<16xi32>, vector<16xi32>], vector<16xf32>, vector<16xi1>
          tpu.vector_store_idx %arg11[%sub3A_170], %get3A_125 masked %and3A_141 : memref<128xi32, #tpu.memory_space<vmem>>[vector<16xi32>], vector<16xi32>, vector<16xi1>
          %add3A_650 = arith.addi %cond3A_154, %squeeze3A : i32
          scf.yield %add3A_650 : i32
        } else {
          scf.yield %while3A_122 : i32
        }
        scf.yield %cond3A_146 : i32
      }
      %while3A_119 = arith.constant 1 : i32
      %while3A_120 = scf.for %while3A_121 = %while3A_116 to %while3A_112 step %while3A_119 iter_args(%while3A_122 = %while3A_118) -> (i32)  : i32 {
        %mul3A_123 = arith.constant 16 : i32
        %mul3A_124 = arith.muli %while3A_121, %mul3A_123 : i32
        %get3A = arith.index_cast %mul3A_124 : i32 to index
        %get3A_125 = tpu.vector_load %arg7[%get3A] {strides = array<i32>} : memref<16400xi32, #tpu.memory_space<vmem>>, vector<16xi32>,
        %mul3A_126 = arith.constant 16 : i32
        %mul3A_127 = arith.muli %while3A_121, %mul3A_126 : i32
        %add3A_128 = vector.broadcast %mul3A_127 : i32 to vector<16xi32>
        %add3A_129 = arith.addi %add3A_128, %iota3A : vector<16xi32>
        %lt3A = vector.broadcast %scan3A_34 : i32 to vector<16xi32>
        %lt3A_130 = arith.cmpi slt, %add3A_129, %lt3A : vector<16xi32>
        %and3A_131 = arith.constant 16383 : i32
        %and3A_132 = vector.broadcast %and3A_131 : i32 to vector<16xi32>
        %and3A_133 = arith.andi %get3A_125, %and3A_132 : vector<16xi32>
        %gather3A = tpu.vector_load_idx %arg6[%and3A_133] : memref<16384xi32, #tpu.memory_space<vmem>>[vector<16xi32>], vector<16xi32>,
        %ge3A_134 = arith.constant 999424 : i32
        %ge3A_135 = vector.broadcast %ge3A_134 : i32 to vector<16xi32>
        %ge3A_136 = arith.cmpi sge, %gather3A, %ge3A_135 : vector<16xi32>
        %and3A_137 = arith.andi %lt3A_130, %ge3A_136 : vector<16xi1>
        %lt3A_138 = arith.constant 1000000 : i32
        %lt3A_139 = vector.broadcast %lt3A_138 : i32 to vector<16xi32>
        %lt3A_140 = arith.cmpi slt, %gather3A, %lt3A_139 : vector<16xi32>
        %and3A_141 = arith.andi %and3A_137, %lt3A_140 : vector<16xi1>
        %all_reduce_population_count3A = tpu.all_reduce %and3A_141 {dim = 0 : i64, kind = #tpu.reduction_kind<sum>} : vector<16xi1> -> vector<16xi32>
        %slice3A = vector.extract_strided_slice %all_reduce_population_count3A {offsets = [0], sizes = [1], strides = [1]} : vector<16xi32> to vector<1xi32>
        %squeeze3A = vector.extract %slice3A[0] : i32 from vector<1xi32>
        %gt3A = arith.constant 0 : i32
        %gt3A_142 = arith.cmpi sgt, %squeeze3A, %gt3A : i32
        %convert_element_type3A_143 = arith.extui %gt3A_142 : i1 to i32
        %cond3A_144 = arith.constant 0 : i32
        %cond3A_145 = arith.cmpi ne, %convert_element_type3A_143, %cond3A_144 : i32
        %cond3A_146 = scf.if %cond3A_145 -> (i32) {
          %add3A_147 = arith.addi %while3A_122, %squeeze3A : i32
          %gt3A_148 = arith.constant 128 : i32
          %gt3A_149 = arith.cmpi sgt, %add3A_147, %gt3A_148 : i32
          %convert_element_type3A_150 = arith.extui %gt3A_149 : i1 to i32
          %cond3A_151 = arith.constant 0 : i32
          %cond3A_152 = arith.constant 0 : i32
          %cond3A_153 = arith.cmpi ne, %convert_element_type3A_150, %cond3A_152 : i32
          %cond3A_154 = scf.if %cond3A_153 -> (i32) {
            %dma_start3A_651 = arith.constant 0 : i32
            %dma_start3A_652 = arith.constant 0 : i32
            %dma_start3A_653 = tpu.memref_slice %arg5[%dma_start3A_651, %dma_start3A_652] : memref<16384x128xf32, #tpu.memory_space<hbm>> -> memref<16384x128xf32, #tpu.memory_space<hbm>>
            %dma_start3A_654 = arith.constant -1 : i32
            tpu.enqueue_indirect_dma source(%arg10 : memref<128x128xf32, #tpu.memory_space<vmem>>) target(%dma_start3A_653 : memref<16384x128xf32, #tpu.memory_space<hbm>>) offsets(%arg11 : memref<128xi32, #tpu.memory_space<vmem>>) offset_filter(%dma_start3A_654) semaphore(%arg14 : memref<!tpu.dma_semaphore, #tpu.memory_space<semaphore_mem>>)
            %dma_wait3A_655 = arith.constant 0 : i32
            %dma_wait3A_656 = arith.constant 0 : i32
            %dma_wait3A_657 = tpu.memref_slice %arg5[%dma_wait3A_655, %dma_wait3A_656] : memref<16384x128xf32, #tpu.memory_space<hbm>> -> memref<16384x128xf32, #tpu.memory_space<hbm>>
            tpu.wait_indirect_dma semaphore(%arg14 : memref<!tpu.dma_semaphore, #tpu.memory_space<semaphore_mem>>) src(%arg10 : memref<128x128xf32, #tpu.memory_space<vmem>>) dst(%dma_wait3A_657 : memref<16384x128xf32, #tpu.memory_space<hbm>>)
            %broadcast_in_dim3A_658 = arith.constant -1 : i32
            %broadcast_in_dim3A_659 = vector.broadcast %broadcast_in_dim3A_658 : i32 to vector<16xi32>
            %swap3A_660 = arith.constant 0 : index
            %swap3A_661 = tpu.vector_load %arg11[%swap3A_660] {strides = array<i32>} : memref<128xi32, #tpu.memory_space<vmem>>, vector<16xi32>,
            tpu.vector_store %arg11[%swap3A_660], %broadcast_in_dim3A_659 {strides = array<i32>} : memref<128xi32, #tpu.memory_space<vmem>>, vector<16xi32>,
            %swap3A_662 = arith.constant 16 : index
            %swap3A_663 = tpu.vector_load %arg11[%swap3A_662] {strides = array<i32>} : memref<128xi32, #tpu.memory_space<vmem>>, vector<16xi32>,
            tpu.vector_store %arg11[%swap3A_662], %broadcast_in_dim3A_659 {strides = array<i32>} : memref<128xi32, #tpu.memory_space<vmem>>, vector<16xi32>,
            %swap3A_664 = arith.constant 32 : index
            %swap3A_665 = tpu.vector_load %arg11[%swap3A_664] {strides = array<i32>} : memref<128xi32, #tpu.memory_space<vmem>>, vector<16xi32>,
            tpu.vector_store %arg11[%swap3A_664], %broadcast_in_dim3A_659 {strides = array<i32>} : memref<128xi32, #tpu.memory_space<vmem>>, vector<16xi32>,
            %swap3A_666 = arith.constant 48 : index
            %swap3A_667 = tpu.vector_load %arg11[%swap3A_666] {strides = array<i32>} : memref<128xi32, #tpu.memory_space<vmem>>, vector<16xi32>,
            tpu.vector_store %arg11[%swap3A_666], %broadcast_in_dim3A_659 {strides = array<i32>} : memref<128xi32, #tpu.memory_space<vmem>>, vector<16xi32>,
            %swap3A_668 = arith.constant 64 : index
            %swap3A_669 = tpu.vector_load %arg11[%swap3A_668] {strides = array<i32>} : memref<128xi32, #tpu.memory_space<vmem>>, vector<16xi32>,
            tpu.vector_store %arg11[%swap3A_668], %broadcast_in_dim3A_659 {strides = array<i32>} : memref<128xi32, #tpu.memory_space<vmem>>, vector<16xi32>,
            %swap3A_670 = arith.constant 80 : index
            %swap3A_671 = tpu.vector_load %arg11[%swap3A_670] {strides = array<i32>} : memref<128xi32, #tpu.memory_space<vmem>>, vector<16xi32>,
            tpu.vector_store %arg11[%swap3A_670], %broadcast_in_dim3A_659 {strides = array<i32>} : memref<128xi32, #tpu.memory_space<vmem>>, vector<16xi32>,
            %swap3A_672 = arith.constant 96 : index
            %swap3A_673 = tpu.vector_load %arg11[%swap3A_672] {strides = array<i32>} : memref<128xi32, #tpu.memory_space<vmem>>, vector<16xi32>,
            tpu.vector_store %arg11[%swap3A_672], %broadcast_in_dim3A_659 {strides = array<i32>} : memref<128xi32, #tpu.memory_space<vmem>>, vector<16xi32>,
            %swap3A_674 = arith.constant 112 : index
            %swap3A_675 = tpu.vector_load %arg11[%swap3A_674] {strides = array<i32>} : memref<128xi32, #tpu.memory_space<vmem>>, vector<16xi32>,
            tpu.vector_store %arg11[%swap3A_674], %broadcast_in_dim3A_659 {strides = array<i32>} : memref<128xi32, #tpu.memory_space<vmem>>, vector<16xi32>,
            %cond3A_676 = arith.constant 0 : i32
            scf.yield %cond3A_676 : i32
          } else {
            scf.yield %while3A_122 : i32
          }
          %sub3A_155 = arith.constant 999232 : i32
          %sub3A_156 = vector.broadcast %sub3A_155 : i32 to vector<16xi32>
          %sub3A_157 = arith.subi %gather3A, %sub3A_156 : vector<16xi32>
          %max3A = arith.constant 0 : i32
          %max3A_158 = vector.broadcast %max3A : i32 to vector<16xi32>
          %max3A_159 = arith.maxsi %sub3A_157, %max3A_158 : vector<16xi32>
          %min3A_160 = arith.constant 767 : i32
          %min3A_161 = vector.broadcast %min3A_160 : i32 to vector<16xi32>
          %min3A_162 = arith.minsi %max3A_159, %min3A_161 : vector<16xi32>
          %convert_element_type3A_163 = arith.extui %and3A_141 : vector<16xi1> to vector<16xi32>
          %broadcast_in_dim3A_164 = arith.constant true
          %broadcast_in_dim3A_165 = vector.broadcast %broadcast_in_dim3A_164 : i1 to vector<16xi1>
          %masked_cumsum3A = tpu.scan <sum>, %convert_element_type3A_163 masked %broadcast_in_dim3A_165 : vector<16xi32>, vector<16xi1> -> vector<16xi32>
          %add3A_166 = vector.broadcast %cond3A_154 : i32 to vector<16xi32>
          %add3A_167 = arith.addi %add3A_166, %masked_cumsum3A : vector<16xi32>
          %sub3A_168 = arith.constant 1 : i32
          %sub3A_169 = vector.broadcast %sub3A_168 : i32 to vector<16xi32>
          %sub3A_170 = arith.subi %add3A_167, %sub3A_169 : vector<16xi32>
          %broadcast_in_dim3A_171 = arith.constant 0 : i32
          %broadcast_in_dim3A_172 = vector.broadcast %broadcast_in_dim3A_171 : i32 to vector<16xi32>
          %mul3A_173 = arith.constant 32 : i32
          %mul3A_174 = vector.broadcast %mul3A_173 : i32 to vector<16xi32>
          %mul3A_175 = arith.muli %min3A_162, %mul3A_174 : vector<16xi32>
          %add3A_176 = arith.constant 0 : i32
          %add3A_177 = vector.broadcast %add3A_176 : i32 to vector<16xi32>
          %add3A_178 = arith.addi %mul3A_175, %add3A_177 : vector<16xi32>
          %shift_right_arithmetic3A = arith.constant 10 : i32
          %shift_right_arithmetic3A_179 = vector.broadcast %shift_right_arithmetic3A : i32 to vector<16xi32>
          %shift_right_arithmetic3A_180 = arith.shrsi %add3A_178, %shift_right_arithmetic3A_179 : vector<16xi32>
          %and3A_181 = arith.constant 1023 : i32
          %and3A_182 = vector.broadcast %and3A_181 : i32 to vector<16xi32>
          %and3A_183 = arith.andi %add3A_178, %and3A_182 : vector<16xi32>
          %gather3A_184 = tpu.vector_load_idx %arg8[%shift_right_arithmetic3A_180, %and3A_183] masked %and3A_141 : memref<32x1024xf32, #tpu.memory_space<vmem>>[vector<16xi32>, vector<16xi32>], vector<16xf32>, vector<16xi1>
          tpu.vector_store_idx %arg10[%sub3A_170, %broadcast_in_dim3A_172], %gather3A_184 masked %and3A_141 : memref<128x128xf32, #tpu.memory_space<vmem>>[vector<16xi32>, vector<16xi32>], vector<16xf32>, vector<16xi1>
          %broadcast_in_dim3A_185 = arith.constant 1 : i32
          %broadcast_in_dim3A_186 = vector.broadcast %broadcast_in_dim3A_185 : i32 to vector<16xi32>
          %mul3A_187 = arith.constant 32 : i32
          %mul3A_188 = vector.broadcast %mul3A_187 : i32 to vector<16xi32>
          %mul3A_189 = arith.muli %min3A_162, %mul3A_188 : vector<16xi32>
          %add3A_190 = arith.constant 1 : i32
          %add3A_191 = vector.broadcast %add3A_190 : i32 to vector<16xi32>
          %add3A_192 = arith.addi %mul3A_189, %add3A_191 : vector<16xi32>
          %shift_right_arithmetic3A_193 = arith.constant 10 : i32
          %shift_right_arithmetic3A_194 = vector.broadcast %shift_right_arithmetic3A_193 : i32 to vector<16xi32>
          %shift_right_arithmetic3A_195 = arith.shrsi %add3A_192, %shift_right_arithmetic3A_194 : vector<16xi32>
          %and3A_196 = arith.constant 1023 : i32
          %and3A_197 = vector.broadcast %and3A_196 : i32 to vector<16xi32>
          %and3A_198 = arith.andi %add3A_192, %and3A_197 : vector<16xi32>
          %gather3A_199 = tpu.vector_load_idx %arg8[%shift_right_arithmetic3A_195, %and3A_198] masked %and3A_141 : memref<32x1024xf32, #tpu.memory_space<vmem>>[vector<16xi32>, vector<16xi32>], vector<16xf32>, vector<16xi1>
          tpu.vector_store_idx %arg10[%sub3A_170, %broadcast_in_dim3A_186], %gather3A_199 masked %and3A_141 : memref<128x128xf32, #tpu.memory_space<vmem>>[vector<16xi32>, vector<16xi32>], vector<16xf32>, vector<16xi1>
          %broadcast_in_dim3A_200 = arith.constant 2 : i32
          %broadcast_in_dim3A_201 = vector.broadcast %broadcast_in_dim3A_200 : i32 to vector<16xi32>
          %mul3A_202 = arith.constant 32 : i32
          %mul3A_203 = vector.broadcast %mul3A_202 : i32 to vector<16xi32>
          %mul3A_204 = arith.muli %min3A_162, %mul3A_203 : vector<16xi32>
          %add3A_205 = arith.constant 2 : i32
          %add3A_206 = vector.broadcast %add3A_205 : i32 to vector<16xi32>
          %add3A_207 = arith.addi %mul3A_204, %add3A_206 : vector<16xi32>
          %shift_right_arithmetic3A_208 = arith.constant 10 : i32
          %shift_right_arithmetic3A_209 = vector.broadcast %shift_right_arithmetic3A_208 : i32 to vector<16xi32>
          %shift_right_arithmetic3A_210 = arith.shrsi %add3A_207, %shift_right_arithmetic3A_209 : vector<16xi32>
          %and3A_211 = arith.constant 1023 : i32
          %and3A_212 = vector.broadcast %and3A_211 : i32 to vector<16xi32>
          %and3A_213 = arith.andi %add3A_207, %and3A_212 : vector<16xi32>
          %gather3A_214 = tpu.vector_load_idx %arg8[%shift_right_arithmetic3A_210, %and3A_213] masked %and3A_141 : memref<32x1024xf32, #tpu.memory_space<vmem>>[vector<16xi32>, vector<16xi32>], vector<16xf32>, vector<16xi1>
          tpu.vector_store_idx %arg10[%sub3A_170, %broadcast_in_dim3A_201], %gather3A_214 masked %and3A_141 : memref<128x128xf32, #tpu.memory_space<vmem>>[vector<16xi32>, vector<16xi32>], vector<16xf32>, vector<16xi1>
          %broadcast_in_dim3A_215 = arith.constant 3 : i32
          %broadcast_in_dim3A_216 = vector.broadcast %broadcast_in_dim3A_215 : i32 to vector<16xi32>
          %mul3A_217 = arith.constant 32 : i32
          %mul3A_218 = vector.broadcast %mul3A_217 : i32 to vector<16xi32>
          %mul3A_219 = arith.muli %min3A_162, %mul3A_218 : vector<16xi32>
          %add3A_220 = arith.constant 3 : i32
          %add3A_221 = vector.broadcast %add3A_220 : i32 to vector<16xi32>
          %add3A_222 = arith.addi %mul3A_219, %add3A_221 : vector<16xi32>
          %shift_right_arithmetic3A_223 = arith.constant 10 : i32
          %shift_right_arithmetic3A_224 = vector.broadcast %shift_right_arithmetic3A_223 : i32 to vector<16xi32>
          %shift_right_arithmetic3A_225 = arith.shrsi %add3A_222, %shift_right_arithmetic3A_224 : vector<16xi32>
          %and3A_226 = arith.constant 1023 : i32
          %and3A_227 = vector.broadcast %and3A_226 : i32 to vector<16xi32>
          %and3A_228 = arith.andi %add3A_222, %and3A_227 : vector<16xi32>
          %gather3A_229 = tpu.vector_load_idx %arg8[%shift_right_arithmetic3A_225, %and3A_228] masked %and3A_141 : memref<32x1024xf32, #tpu.memory_space<vmem>>[vector<16xi32>, vector<16xi32>], vector<16xf32>, vector<16xi1>
          tpu.vector_store_idx %arg10[%sub3A_170, %broadcast_in_dim3A_216], %gather3A_229 masked %and3A_141 : memref<128x128xf32, #tpu.memory_space<vmem>>[vector<16xi32>, vector<16xi32>], vector<16xf32>, vector<16xi1>
          %broadcast_in_dim3A_230 = arith.constant 4 : i32
          %broadcast_in_dim3A_231 = vector.broadcast %broadcast_in_dim3A_230 : i32 to vector<16xi32>
          %mul3A_232 = arith.constant 32 : i32
          %mul3A_233 = vector.broadcast %mul3A_232 : i32 to vector<16xi32>
          %mul3A_234 = arith.muli %min3A_162, %mul3A_233 : vector<16xi32>
          %add3A_235 = arith.constant 4 : i32
          %add3A_236 = vector.broadcast %add3A_235 : i32 to vector<16xi32>
          %add3A_237 = arith.addi %mul3A_234, %add3A_236 : vector<16xi32>
          %shift_right_arithmetic3A_238 = arith.constant 10 : i32
          %shift_right_arithmetic3A_239 = vector.broadcast %shift_right_arithmetic3A_238 : i32 to vector<16xi32>
          %shift_right_arithmetic3A_240 = arith.shrsi %add3A_237, %shift_right_arithmetic3A_239 : vector<16xi32>
          %and3A_241 = arith.constant 1023 : i32
          %and3A_242 = vector.broadcast %and3A_241 : i32 to vector<16xi32>
          %and3A_243 = arith.andi %add3A_237, %and3A_242 : vector<16xi32>
          %gather3A_244 = tpu.vector_load_idx %arg8[%shift_right_arithmetic3A_240, %and3A_243] masked %and3A_141 : memref<32x1024xf32, #tpu.memory_space<vmem>>[vector<16xi32>, vector<16xi32>], vector<16xf32>, vector<16xi1>
          tpu.vector_store_idx %arg10[%sub3A_170, %broadcast_in_dim3A_231], %gather3A_244 masked %and3A_141 : memref<128x128xf32, #tpu.memory_space<vmem>>[vector<16xi32>, vector<16xi32>], vector<16xf32>, vector<16xi1>
          %broadcast_in_dim3A_245 = arith.constant 5 : i32
          %broadcast_in_dim3A_246 = vector.broadcast %broadcast_in_dim3A_245 : i32 to vector<16xi32>
          %mul3A_247 = arith.constant 32 : i32
          %mul3A_248 = vector.broadcast %mul3A_247 : i32 to vector<16xi32>
          %mul3A_249 = arith.muli %min3A_162, %mul3A_248 : vector<16xi32>
          %add3A_250 = arith.constant 5 : i32
          %add3A_251 = vector.broadcast %add3A_250 : i32 to vector<16xi32>
          %add3A_252 = arith.addi %mul3A_249, %add3A_251 : vector<16xi32>
          %shift_right_arithmetic3A_253 = arith.constant 10 : i32
          %shift_right_arithmetic3A_254 = vector.broadcast %shift_right_arithmetic3A_253 : i32 to vector<16xi32>
          %shift_right_arithmetic3A_255 = arith.shrsi %add3A_252, %shift_right_arithmetic3A_254 : vector<16xi32>
          %and3A_256 = arith.constant 1023 : i32
          %and3A_257 = vector.broadcast %and3A_256 : i32 to vector<16xi32>
          %and3A_258 = arith.andi %add3A_252, %and3A_257 : vector<16xi32>
          %gather3A_259 = tpu.vector_load_idx %arg8[%shift_right_arithmetic3A_255, %and3A_258] masked %and3A_141 : memref<32x1024xf32, #tpu.memory_space<vmem>>[vector<16xi32>, vector<16xi32>], vector<16xf32>, vector<16xi1>
          tpu.vector_store_idx %arg10[%sub3A_170, %broadcast_in_dim3A_246], %gather3A_259 masked %and3A_141 : memref<128x128xf32, #tpu.memory_space<vmem>>[vector<16xi32>, vector<16xi32>], vector<16xf32>, vector<16xi1>
          %broadcast_in_dim3A_260 = arith.constant 6 : i32
          %broadcast_in_dim3A_261 = vector.broadcast %broadcast_in_dim3A_260 : i32 to vector<16xi32>
          %mul3A_262 = arith.constant 32 : i32
          %mul3A_263 = vector.broadcast %mul3A_262 : i32 to vector<16xi32>
          %mul3A_264 = arith.muli %min3A_162, %mul3A_263 : vector<16xi32>
          %add3A_265 = arith.constant 6 : i32
          %add3A_266 = vector.broadcast %add3A_265 : i32 to vector<16xi32>
          %add3A_267 = arith.addi %mul3A_264, %add3A_266 : vector<16xi32>
          %shift_right_arithmetic3A_268 = arith.constant 10 : i32
          %shift_right_arithmetic3A_269 = vector.broadcast %shift_right_arithmetic3A_268 : i32 to vector<16xi32>
          %shift_right_arithmetic3A_270 = arith.shrsi %add3A_267, %shift_right_arithmetic3A_269 : vector<16xi32>
          %and3A_271 = arith.constant 1023 : i32
          %and3A_272 = vector.broadcast %and3A_271 : i32 to vector<16xi32>
          %and3A_273 = arith.andi %add3A_267, %and3A_272 : vector<16xi32>
          %gather3A_274 = tpu.vector_load_idx %arg8[%shift_right_arithmetic3A_270, %and3A_273] masked %and3A_141 : memref<32x1024xf32, #tpu.memory_space<vmem>>[vector<16xi32>, vector<16xi32>], vector<16xf32>, vector<16xi1>
          tpu.vector_store_idx %arg10[%sub3A_170, %broadcast_in_dim3A_261], %gather3A_274 masked %and3A_141 : memref<128x128xf32, #tpu.memory_space<vmem>>[vector<16xi32>, vector<16xi32>], vector<16xf32>, vector<16xi1>
          %broadcast_in_dim3A_275 = arith.constant 7 : i32
          %broadcast_in_dim3A_276 = vector.broadcast %broadcast_in_dim3A_275 : i32 to vector<16xi32>
          %mul3A_277 = arith.constant 32 : i32
          %mul3A_278 = vector.broadcast %mul3A_277 : i32 to vector<16xi32>
          %mul3A_279 = arith.muli %min3A_162, %mul3A_278 : vector<16xi32>
          %add3A_280 = arith.constant 7 : i32
          %add3A_281 = vector.broadcast %add3A_280 : i32 to vector<16xi32>
          %add3A_282 = arith.addi %mul3A_279, %add3A_281 : vector<16xi32>
          %shift_right_arithmetic3A_283 = arith.constant 10 : i32
          %shift_right_arithmetic3A_284 = vector.broadcast %shift_right_arithmetic3A_283 : i32 to vector<16xi32>
          %shift_right_arithmetic3A_285 = arith.shrsi %add3A_282, %shift_right_arithmetic3A_284 : vector<16xi32>
          %and3A_286 = arith.constant 1023 : i32
          %and3A_287 = vector.broadcast %and3A_286 : i32 to vector<16xi32>
          %and3A_288 = arith.andi %add3A_282, %and3A_287 : vector<16xi32>
          %gather3A_289 = tpu.vector_load_idx %arg8[%shift_right_arithmetic3A_285, %and3A_288] masked %and3A_141 : memref<32x1024xf32, #tpu.memory_space<vmem>>[vector<16xi32>, vector<16xi32>], vector<16xf32>, vector<16xi1>
          tpu.vector_store_idx %arg10[%sub3A_170, %broadcast_in_dim3A_276], %gather3A_289 masked %and3A_141 : memref<128x128xf32, #tpu.memory_space<vmem>>[vector<16xi32>, vector<16xi32>], vector<16xf32>, vector<16xi1>
          %broadcast_in_dim3A_290 = arith.constant 8 : i32
          %broadcast_in_dim3A_291 = vector.broadcast %broadcast_in_dim3A_290 : i32 to vector<16xi32>
          %mul3A_292 = arith.constant 32 : i32
          %mul3A_293 = vector.broadcast %mul3A_292 : i32 to vector<16xi32>
          %mul3A_294 = arith.muli %min3A_162, %mul3A_293 : vector<16xi32>
          %add3A_295 = arith.constant 8 : i32
          %add3A_296 = vector.broadcast %add3A_295 : i32 to vector<16xi32>
          %add3A_297 = arith.addi %mul3A_294, %add3A_296 : vector<16xi32>
          %shift_right_arithmetic3A_298 = arith.constant 10 : i32
          %shift_right_arithmetic3A_299 = vector.broadcast %shift_right_arithmetic3A_298 : i32 to vector<16xi32>
          %shift_right_arithmetic3A_300 = arith.shrsi %add3A_297, %shift_right_arithmetic3A_299 : vector<16xi32>
          %and3A_301 = arith.constant 1023 : i32
          %and3A_302 = vector.broadcast %and3A_301 : i32 to vector<16xi32>
          %and3A_303 = arith.andi %add3A_297, %and3A_302 : vector<16xi32>
          %gather3A_304 = tpu.vector_load_idx %arg8[%shift_right_arithmetic3A_300, %and3A_303] masked %and3A_141 : memref<32x1024xf32, #tpu.memory_space<vmem>>[vector<16xi32>, vector<16xi32>], vector<16xf32>, vector<16xi1>
          tpu.vector_store_idx %arg10[%sub3A_170, %broadcast_in_dim3A_291], %gather3A_304 masked %and3A_141 : memref<128x128xf32, #tpu.memory_space<vmem>>[vector<16xi32>, vector<16xi32>], vector<16xf32>, vector<16xi1>
          %broadcast_in_dim3A_305 = arith.constant 9 : i32
          %broadcast_in_dim3A_306 = vector.broadcast %broadcast_in_dim3A_305 : i32 to vector<16xi32>
          %mul3A_307 = arith.constant 32 : i32
          %mul3A_308 = vector.broadcast %mul3A_307 : i32 to vector<16xi32>
          %mul3A_309 = arith.muli %min3A_162, %mul3A_308 : vector<16xi32>
          %add3A_310 = arith.constant 9 : i32
          %add3A_311 = vector.broadcast %add3A_310 : i32 to vector<16xi32>
          %add3A_312 = arith.addi %mul3A_309, %add3A_311 : vector<16xi32>
          %shift_right_arithmetic3A_313 = arith.constant 10 : i32
          %shift_right_arithmetic3A_314 = vector.broadcast %shift_right_arithmetic3A_313 : i32 to vector<16xi32>
          %shift_right_arithmetic3A_315 = arith.shrsi %add3A_312, %shift_right_arithmetic3A_314 : vector<16xi32>
          %and3A_316 = arith.constant 1023 : i32
          %and3A_317 = vector.broadcast %and3A_316 : i32 to vector<16xi32>
          %and3A_318 = arith.andi %add3A_312, %and3A_317 : vector<16xi32>
          %gather3A_319 = tpu.vector_load_idx %arg8[%shift_right_arithmetic3A_315, %and3A_318] masked %and3A_141 : memref<32x1024xf32, #tpu.memory_space<vmem>>[vector<16xi32>, vector<16xi32>], vector<16xf32>, vector<16xi1>
          tpu.vector_store_idx %arg10[%sub3A_170, %broadcast_in_dim3A_306], %gather3A_319 masked %and3A_141 : memref<128x128xf32, #tpu.memory_space<vmem>>[vector<16xi32>, vector<16xi32>], vector<16xf32>, vector<16xi1>
          %broadcast_in_dim3A_320 = arith.constant 10 : i32
          %broadcast_in_dim3A_321 = vector.broadcast %broadcast_in_dim3A_320 : i32 to vector<16xi32>
          %mul3A_322 = arith.constant 32 : i32
          %mul3A_323 = vector.broadcast %mul3A_322 : i32 to vector<16xi32>
          %mul3A_324 = arith.muli %min3A_162, %mul3A_323 : vector<16xi32>
          %add3A_325 = arith.constant 10 : i32
          %add3A_326 = vector.broadcast %add3A_325 : i32 to vector<16xi32>
          %add3A_327 = arith.addi %mul3A_324, %add3A_326 : vector<16xi32>
          %shift_right_arithmetic3A_328 = arith.constant 10 : i32
          %shift_right_arithmetic3A_329 = vector.broadcast %shift_right_arithmetic3A_328 : i32 to vector<16xi32>
          %shift_right_arithmetic3A_330 = arith.shrsi %add3A_327, %shift_right_arithmetic3A_329 : vector<16xi32>
          %and3A_331 = arith.constant 1023 : i32
          %and3A_332 = vector.broadcast %and3A_331 : i32 to vector<16xi32>
          %and3A_333 = arith.andi %add3A_327, %and3A_332 : vector<16xi32>
          %gather3A_334 = tpu.vector_load_idx %arg8[%shift_right_arithmetic3A_330, %and3A_333] masked %and3A_141 : memref<32x1024xf32, #tpu.memory_space<vmem>>[vector<16xi32>, vector<16xi32>], vector<16xf32>, vector<16xi1>
          tpu.vector_store_idx %arg10[%sub3A_170, %broadcast_in_dim3A_321], %gather3A_334 masked %and3A_141 : memref<128x128xf32, #tpu.memory_space<vmem>>[vector<16xi32>, vector<16xi32>], vector<16xf32>, vector<16xi1>
          %broadcast_in_dim3A_335 = arith.constant 11 : i32
          %broadcast_in_dim3A_336 = vector.broadcast %broadcast_in_dim3A_335 : i32 to vector<16xi32>
          %mul3A_337 = arith.constant 32 : i32
          %mul3A_338 = vector.broadcast %mul3A_337 : i32 to vector<16xi32>
          %mul3A_339 = arith.muli %min3A_162, %mul3A_338 : vector<16xi32>
          %add3A_340 = arith.constant 11 : i32
          %add3A_341 = vector.broadcast %add3A_340 : i32 to vector<16xi32>
          %add3A_342 = arith.addi %mul3A_339, %add3A_341 : vector<16xi32>
          %shift_right_arithmetic3A_343 = arith.constant 10 : i32
          %shift_right_arithmetic3A_344 = vector.broadcast %shift_right_arithmetic3A_343 : i32 to vector<16xi32>
          %shift_right_arithmetic3A_345 = arith.shrsi %add3A_342, %shift_right_arithmetic3A_344 : vector<16xi32>
          %and3A_346 = arith.constant 1023 : i32
          %and3A_347 = vector.broadcast %and3A_346 : i32 to vector<16xi32>
          %and3A_348 = arith.andi %add3A_342, %and3A_347 : vector<16xi32>
          %gather3A_349 = tpu.vector_load_idx %arg8[%shift_right_arithmetic3A_345, %and3A_348] masked %and3A_141 : memref<32x1024xf32, #tpu.memory_space<vmem>>[vector<16xi32>, vector<16xi32>], vector<16xf32>, vector<16xi1>
          tpu.vector_store_idx %arg10[%sub3A_170, %broadcast_in_dim3A_336], %gather3A_349 masked %and3A_141 : memref<128x128xf32, #tpu.memory_space<vmem>>[vector<16xi32>, vector<16xi32>], vector<16xf32>, vector<16xi1>
          %broadcast_in_dim3A_350 = arith.constant 12 : i32
          %broadcast_in_dim3A_351 = vector.broadcast %broadcast_in_dim3A_350 : i32 to vector<16xi32>
          %mul3A_352 = arith.constant 32 : i32
          %mul3A_353 = vector.broadcast %mul3A_352 : i32 to vector<16xi32>
          %mul3A_354 = arith.muli %min3A_162, %mul3A_353 : vector<16xi32>
          %add3A_355 = arith.constant 12 : i32
          %add3A_356 = vector.broadcast %add3A_355 : i32 to vector<16xi32>
          %add3A_357 = arith.addi %mul3A_354, %add3A_356 : vector<16xi32>
          %shift_right_arithmetic3A_358 = arith.constant 10 : i32
          %shift_right_arithmetic3A_359 = vector.broadcast %shift_right_arithmetic3A_358 : i32 to vector<16xi32>
          %shift_right_arithmetic3A_360 = arith.shrsi %add3A_357, %shift_right_arithmetic3A_359 : vector<16xi32>
          %and3A_361 = arith.constant 1023 : i32
          %and3A_362 = vector.broadcast %and3A_361 : i32 to vector<16xi32>
          %and3A_363 = arith.andi %add3A_357, %and3A_362 : vector<16xi32>
          %gather3A_364 = tpu.vector_load_idx %arg8[%shift_right_arithmetic3A_360, %and3A_363] masked %and3A_141 : memref<32x1024xf32, #tpu.memory_space<vmem>>[vector<16xi32>, vector<16xi32>], vector<16xf32>, vector<16xi1>
          tpu.vector_store_idx %arg10[%sub3A_170, %broadcast_in_dim3A_351], %gather3A_364 masked %and3A_141 : memref<128x128xf32, #tpu.memory_space<vmem>>[vector<16xi32>, vector<16xi32>], vector<16xf32>, vector<16xi1>
          %broadcast_in_dim3A_365 = arith.constant 13 : i32
          %broadcast_in_dim3A_366 = vector.broadcast %broadcast_in_dim3A_365 : i32 to vector<16xi32>
          %mul3A_367 = arith.constant 32 : i32
          %mul3A_368 = vector.broadcast %mul3A_367 : i32 to vector<16xi32>
          %mul3A_369 = arith.muli %min3A_162, %mul3A_368 : vector<16xi32>
          %add3A_370 = arith.constant 13 : i32
          %add3A_371 = vector.broadcast %add3A_370 : i32 to vector<16xi32>
          %add3A_372 = arith.addi %mul3A_369, %add3A_371 : vector<16xi32>
          %shift_right_arithmetic3A_373 = arith.constant 10 : i32
          %shift_right_arithmetic3A_374 = vector.broadcast %shift_right_arithmetic3A_373 : i32 to vector<16xi32>
          %shift_right_arithmetic3A_375 = arith.shrsi %add3A_372, %shift_right_arithmetic3A_374 : vector<16xi32>
          %and3A_376 = arith.constant 1023 : i32
          %and3A_377 = vector.broadcast %and3A_376 : i32 to vector<16xi32>
          %and3A_378 = arith.andi %add3A_372, %and3A_377 : vector<16xi32>
          %gather3A_379 = tpu.vector_load_idx %arg8[%shift_right_arithmetic3A_375, %and3A_378] masked %and3A_141 : memref<32x1024xf32, #tpu.memory_space<vmem>>[vector<16xi32>, vector<16xi32>], vector<16xf32>, vector<16xi1>
          tpu.vector_store_idx %arg10[%sub3A_170, %broadcast_in_dim3A_366], %gather3A_379 masked %and3A_141 : memref<128x128xf32, #tpu.memory_space<vmem>>[vector<16xi32>, vector<16xi32>], vector<16xf32>, vector<16xi1>
          %broadcast_in_dim3A_380 = arith.constant 14 : i32
          %broadcast_in_dim3A_381 = vector.broadcast %broadcast_in_dim3A_380 : i32 to vector<16xi32>
          %mul3A_382 = arith.constant 32 : i32
          %mul3A_383 = vector.broadcast %mul3A_382 : i32 to vector<16xi32>
          %mul3A_384 = arith.muli %min3A_162, %mul3A_383 : vector<16xi32>
          %add3A_385 = arith.constant 14 : i32
          %add3A_386 = vector.broadcast %add3A_385 : i32 to vector<16xi32>
          %add3A_387 = arith.addi %mul3A_384, %add3A_386 : vector<16xi32>
          %shift_right_arithmetic3A_388 = arith.constant 10 : i32
          %shift_right_arithmetic3A_389 = vector.broadcast %shift_right_arithmetic3A_388 : i32 to vector<16xi32>
          %shift_right_arithmetic3A_390 = arith.shrsi %add3A_387, %shift_right_arithmetic3A_389 : vector<16xi32>
          %and3A_391 = arith.constant 1023 : i32
          %and3A_392 = vector.broadcast %and3A_391 : i32 to vector<16xi32>
          %and3A_393 = arith.andi %add3A_387, %and3A_392 : vector<16xi32>
          %gather3A_394 = tpu.vector_load_idx %arg8[%shift_right_arithmetic3A_390, %and3A_393] masked %and3A_141 : memref<32x1024xf32, #tpu.memory_space<vmem>>[vector<16xi32>, vector<16xi32>], vector<16xf32>, vector<16xi1>
          tpu.vector_store_idx %arg10[%sub3A_170, %broadcast_in_dim3A_381], %gather3A_394 masked %and3A_141 : memref<128x128xf32, #tpu.memory_space<vmem>>[vector<16xi32>, vector<16xi32>], vector<16xf32>, vector<16xi1>
          %broadcast_in_dim3A_395 = arith.constant 15 : i32
          %broadcast_in_dim3A_396 = vector.broadcast %broadcast_in_dim3A_395 : i32 to vector<16xi32>
          %mul3A_397 = arith.constant 32 : i32
          %mul3A_398 = vector.broadcast %mul3A_397 : i32 to vector<16xi32>
          %mul3A_399 = arith.muli %min3A_162, %mul3A_398 : vector<16xi32>
          %add3A_400 = arith.constant 15 : i32
          %add3A_401 = vector.broadcast %add3A_400 : i32 to vector<16xi32>
          %add3A_402 = arith.addi %mul3A_399, %add3A_401 : vector<16xi32>
          %shift_right_arithmetic3A_403 = arith.constant 10 : i32
          %shift_right_arithmetic3A_404 = vector.broadcast %shift_right_arithmetic3A_403 : i32 to vector<16xi32>
          %shift_right_arithmetic3A_405 = arith.shrsi %add3A_402, %shift_right_arithmetic3A_404 : vector<16xi32>
          %and3A_406 = arith.constant 1023 : i32
          %and3A_407 = vector.broadcast %and3A_406 : i32 to vector<16xi32>
          %and3A_408 = arith.andi %add3A_402, %and3A_407 : vector<16xi32>
          %gather3A_409 = tpu.vector_load_idx %arg8[%shift_right_arithmetic3A_405, %and3A_408] masked %and3A_141 : memref<32x1024xf32, #tpu.memory_space<vmem>>[vector<16xi32>, vector<16xi32>], vector<16xf32>, vector<16xi1>
          tpu.vector_store_idx %arg10[%sub3A_170, %broadcast_in_dim3A_396], %gather3A_409 masked %and3A_141 : memref<128x128xf32, #tpu.memory_space<vmem>>[vector<16xi32>, vector<16xi32>], vector<16xf32>, vector<16xi1>
          %broadcast_in_dim3A_410 = arith.constant 16 : i32
          %broadcast_in_dim3A_411 = vector.broadcast %broadcast_in_dim3A_410 : i32 to vector<16xi32>
          %mul3A_412 = arith.constant 32 : i32
          %mul3A_413 = vector.broadcast %mul3A_412 : i32 to vector<16xi32>
          %mul3A_414 = arith.muli %min3A_162, %mul3A_413 : vector<16xi32>
          %add3A_415 = arith.constant 16 : i32
          %add3A_416 = vector.broadcast %add3A_415 : i32 to vector<16xi32>
          %add3A_417 = arith.addi %mul3A_414, %add3A_416 : vector<16xi32>
          %shift_right_arithmetic3A_418 = arith.constant 10 : i32
          %shift_right_arithmetic3A_419 = vector.broadcast %shift_right_arithmetic3A_418 : i32 to vector<16xi32>
          %shift_right_arithmetic3A_420 = arith.shrsi %add3A_417, %shift_right_arithmetic3A_419 : vector<16xi32>
          %and3A_421 = arith.constant 1023 : i32
          %and3A_422 = vector.broadcast %and3A_421 : i32 to vector<16xi32>
          %and3A_423 = arith.andi %add3A_417, %and3A_422 : vector<16xi32>
          %gather3A_424 = tpu.vector_load_idx %arg8[%shift_right_arithmetic3A_420, %and3A_423] masked %and3A_141 : memref<32x1024xf32, #tpu.memory_space<vmem>>[vector<16xi32>, vector<16xi32>], vector<16xf32>, vector<16xi1>
          tpu.vector_store_idx %arg10[%sub3A_170, %broadcast_in_dim3A_411], %gather3A_424 masked %and3A_141 : memref<128x128xf32, #tpu.memory_space<vmem>>[vector<16xi32>, vector<16xi32>], vector<16xf32>, vector<16xi1>
          %broadcast_in_dim3A_425 = arith.constant 17 : i32
          %broadcast_in_dim3A_426 = vector.broadcast %broadcast_in_dim3A_425 : i32 to vector<16xi32>
          %mul3A_427 = arith.constant 32 : i32
          %mul3A_428 = vector.broadcast %mul3A_427 : i32 to vector<16xi32>
          %mul3A_429 = arith.muli %min3A_162, %mul3A_428 : vector<16xi32>
          %add3A_430 = arith.constant 17 : i32
          %add3A_431 = vector.broadcast %add3A_430 : i32 to vector<16xi32>
          %add3A_432 = arith.addi %mul3A_429, %add3A_431 : vector<16xi32>
          %shift_right_arithmetic3A_433 = arith.constant 10 : i32
          %shift_right_arithmetic3A_434 = vector.broadcast %shift_right_arithmetic3A_433 : i32 to vector<16xi32>
          %shift_right_arithmetic3A_435 = arith.shrsi %add3A_432, %shift_right_arithmetic3A_434 : vector<16xi32>
          %and3A_436 = arith.constant 1023 : i32
          %and3A_437 = vector.broadcast %and3A_436 : i32 to vector<16xi32>
          %and3A_438 = arith.andi %add3A_432, %and3A_437 : vector<16xi32>
          %gather3A_439 = tpu.vector_load_idx %arg8[%shift_right_arithmetic3A_435, %and3A_438] masked %and3A_141 : memref<32x1024xf32, #tpu.memory_space<vmem>>[vector<16xi32>, vector<16xi32>], vector<16xf32>, vector<16xi1>
          tpu.vector_store_idx %arg10[%sub3A_170, %broadcast_in_dim3A_426], %gather3A_439 masked %and3A_141 : memref<128x128xf32, #tpu.memory_space<vmem>>[vector<16xi32>, vector<16xi32>], vector<16xf32>, vector<16xi1>
          %broadcast_in_dim3A_440 = arith.constant 18 : i32
          %broadcast_in_dim3A_441 = vector.broadcast %broadcast_in_dim3A_440 : i32 to vector<16xi32>
          %mul3A_442 = arith.constant 32 : i32
          %mul3A_443 = vector.broadcast %mul3A_442 : i32 to vector<16xi32>
          %mul3A_444 = arith.muli %min3A_162, %mul3A_443 : vector<16xi32>
          %add3A_445 = arith.constant 18 : i32
          %add3A_446 = vector.broadcast %add3A_445 : i32 to vector<16xi32>
          %add3A_447 = arith.addi %mul3A_444, %add3A_446 : vector<16xi32>
          %shift_right_arithmetic3A_448 = arith.constant 10 : i32
          %shift_right_arithmetic3A_449 = vector.broadcast %shift_right_arithmetic3A_448 : i32 to vector<16xi32>
          %shift_right_arithmetic3A_450 = arith.shrsi %add3A_447, %shift_right_arithmetic3A_449 : vector<16xi32>
          %and3A_451 = arith.constant 1023 : i32
          %and3A_452 = vector.broadcast %and3A_451 : i32 to vector<16xi32>
          %and3A_453 = arith.andi %add3A_447, %and3A_452 : vector<16xi32>
          %gather3A_454 = tpu.vector_load_idx %arg8[%shift_right_arithmetic3A_450, %and3A_453] masked %and3A_141 : memref<32x1024xf32, #tpu.memory_space<vmem>>[vector<16xi32>, vector<16xi32>], vector<16xf32>, vector<16xi1>
          tpu.vector_store_idx %arg10[%sub3A_170, %broadcast_in_dim3A_441], %gather3A_454 masked %and3A_141 : memref<128x128xf32, #tpu.memory_space<vmem>>[vector<16xi32>, vector<16xi32>], vector<16xf32>, vector<16xi1>
          %broadcast_in_dim3A_455 = arith.constant 19 : i32
          %broadcast_in_dim3A_456 = vector.broadcast %broadcast_in_dim3A_455 : i32 to vector<16xi32>
          %mul3A_457 = arith.constant 32 : i32
          %mul3A_458 = vector.broadcast %mul3A_457 : i32 to vector<16xi32>
          %mul3A_459 = arith.muli %min3A_162, %mul3A_458 : vector<16xi32>
          %add3A_460 = arith.constant 19 : i32
          %add3A_461 = vector.broadcast %add3A_460 : i32 to vector<16xi32>
          %add3A_462 = arith.addi %mul3A_459, %add3A_461 : vector<16xi32>
          %shift_right_arithmetic3A_463 = arith.constant 10 : i32
          %shift_right_arithmetic3A_464 = vector.broadcast %shift_right_arithmetic3A_463 : i32 to vector<16xi32>
          %shift_right_arithmetic3A_465 = arith.shrsi %add3A_462, %shift_right_arithmetic3A_464 : vector<16xi32>
          %and3A_466 = arith.constant 1023 : i32
          %and3A_467 = vector.broadcast %and3A_466 : i32 to vector<16xi32>
          %and3A_468 = arith.andi %add3A_462, %and3A_467 : vector<16xi32>
          %gather3A_469 = tpu.vector_load_idx %arg8[%shift_right_arithmetic3A_465, %and3A_468] masked %and3A_141 : memref<32x1024xf32, #tpu.memory_space<vmem>>[vector<16xi32>, vector<16xi32>], vector<16xf32>, vector<16xi1>
          tpu.vector_store_idx %arg10[%sub3A_170, %broadcast_in_dim3A_456], %gather3A_469 masked %and3A_141 : memref<128x128xf32, #tpu.memory_space<vmem>>[vector<16xi32>, vector<16xi32>], vector<16xf32>, vector<16xi1>
          %broadcast_in_dim3A_470 = arith.constant 20 : i32
          %broadcast_in_dim3A_471 = vector.broadcast %broadcast_in_dim3A_470 : i32 to vector<16xi32>
          %mul3A_472 = arith.constant 32 : i32
          %mul3A_473 = vector.broadcast %mul3A_472 : i32 to vector<16xi32>
          %mul3A_474 = arith.muli %min3A_162, %mul3A_473 : vector<16xi32>
          %add3A_475 = arith.constant 20 : i32
          %add3A_476 = vector.broadcast %add3A_475 : i32 to vector<16xi32>
          %add3A_477 = arith.addi %mul3A_474, %add3A_476 : vector<16xi32>
          %shift_right_arithmetic3A_478 = arith.constant 10 : i32
          %shift_right_arithmetic3A_479 = vector.broadcast %shift_right_arithmetic3A_478 : i32 to vector<16xi32>
          %shift_right_arithmetic3A_480 = arith.shrsi %add3A_477, %shift_right_arithmetic3A_479 : vector<16xi32>
          %and3A_481 = arith.constant 1023 : i32
          %and3A_482 = vector.broadcast %and3A_481 : i32 to vector<16xi32>
          %and3A_483 = arith.andi %add3A_477, %and3A_482 : vector<16xi32>
          %gather3A_484 = tpu.vector_load_idx %arg8[%shift_right_arithmetic3A_480, %and3A_483] masked %and3A_141 : memref<32x1024xf32, #tpu.memory_space<vmem>>[vector<16xi32>, vector<16xi32>], vector<16xf32>, vector<16xi1>
          tpu.vector_store_idx %arg10[%sub3A_170, %broadcast_in_dim3A_471], %gather3A_484 masked %and3A_141 : memref<128x128xf32, #tpu.memory_space<vmem>>[vector<16xi32>, vector<16xi32>], vector<16xf32>, vector<16xi1>
          %broadcast_in_dim3A_485 = arith.constant 21 : i32
          %broadcast_in_dim3A_486 = vector.broadcast %broadcast_in_dim3A_485 : i32 to vector<16xi32>
          %mul3A_487 = arith.constant 32 : i32
          %mul3A_488 = vector.broadcast %mul3A_487 : i32 to vector<16xi32>
          %mul3A_489 = arith.muli %min3A_162, %mul3A_488 : vector<16xi32>
          %add3A_490 = arith.constant 21 : i32
          %add3A_491 = vector.broadcast %add3A_490 : i32 to vector<16xi32>
          %add3A_492 = arith.addi %mul3A_489, %add3A_491 : vector<16xi32>
          %shift_right_arithmetic3A_493 = arith.constant 10 : i32
          %shift_right_arithmetic3A_494 = vector.broadcast %shift_right_arithmetic3A_493 : i32 to vector<16xi32>
          %shift_right_arithmetic3A_495 = arith.shrsi %add3A_492, %shift_right_arithmetic3A_494 : vector<16xi32>
          %and3A_496 = arith.constant 1023 : i32
          %and3A_497 = vector.broadcast %and3A_496 : i32 to vector<16xi32>
          %and3A_498 = arith.andi %add3A_492, %and3A_497 : vector<16xi32>
          %gather3A_499 = tpu.vector_load_idx %arg8[%shift_right_arithmetic3A_495, %and3A_498] masked %and3A_141 : memref<32x1024xf32, #tpu.memory_space<vmem>>[vector<16xi32>, vector<16xi32>], vector<16xf32>, vector<16xi1>
          tpu.vector_store_idx %arg10[%sub3A_170, %broadcast_in_dim3A_486], %gather3A_499 masked %and3A_141 : memref<128x128xf32, #tpu.memory_space<vmem>>[vector<16xi32>, vector<16xi32>], vector<16xf32>, vector<16xi1>
          %broadcast_in_dim3A_500 = arith.constant 22 : i32
          %broadcast_in_dim3A_501 = vector.broadcast %broadcast_in_dim3A_500 : i32 to vector<16xi32>
          %mul3A_502 = arith.constant 32 : i32
          %mul3A_503 = vector.broadcast %mul3A_502 : i32 to vector<16xi32>
          %mul3A_504 = arith.muli %min3A_162, %mul3A_503 : vector<16xi32>
          %add3A_505 = arith.constant 22 : i32
          %add3A_506 = vector.broadcast %add3A_505 : i32 to vector<16xi32>
          %add3A_507 = arith.addi %mul3A_504, %add3A_506 : vector<16xi32>
          %shift_right_arithmetic3A_508 = arith.constant 10 : i32
          %shift_right_arithmetic3A_509 = vector.broadcast %shift_right_arithmetic3A_508 : i32 to vector<16xi32>
          %shift_right_arithmetic3A_510 = arith.shrsi %add3A_507, %shift_right_arithmetic3A_509 : vector<16xi32>
          %and3A_511 = arith.constant 1023 : i32
          %and3A_512 = vector.broadcast %and3A_511 : i32 to vector<16xi32>
          %and3A_513 = arith.andi %add3A_507, %and3A_512 : vector<16xi32>
          %gather3A_514 = tpu.vector_load_idx %arg8[%shift_right_arithmetic3A_510, %and3A_513] masked %and3A_141 : memref<32x1024xf32, #tpu.memory_space<vmem>>[vector<16xi32>, vector<16xi32>], vector<16xf32>, vector<16xi1>
          tpu.vector_store_idx %arg10[%sub3A_170, %broadcast_in_dim3A_501], %gather3A_514 masked %and3A_141 : memref<128x128xf32, #tpu.memory_space<vmem>>[vector<16xi32>, vector<16xi32>], vector<16xf32>, vector<16xi1>
          %broadcast_in_dim3A_515 = arith.constant 23 : i32
          %broadcast_in_dim3A_516 = vector.broadcast %broadcast_in_dim3A_515 : i32 to vector<16xi32>
          %mul3A_517 = arith.constant 32 : i32
          %mul3A_518 = vector.broadcast %mul3A_517 : i32 to vector<16xi32>
          %mul3A_519 = arith.muli %min3A_162, %mul3A_518 : vector<16xi32>
          %add3A_520 = arith.constant 23 : i32
          %add3A_521 = vector.broadcast %add3A_520 : i32 to vector<16xi32>
          %add3A_522 = arith.addi %mul3A_519, %add3A_521 : vector<16xi32>
          %shift_right_arithmetic3A_523 = arith.constant 10 : i32
          %shift_right_arithmetic3A_524 = vector.broadcast %shift_right_arithmetic3A_523 : i32 to vector<16xi32>
          %shift_right_arithmetic3A_525 = arith.shrsi %add3A_522, %shift_right_arithmetic3A_524 : vector<16xi32>
          %and3A_526 = arith.constant 1023 : i32
          %and3A_527 = vector.broadcast %and3A_526 : i32 to vector<16xi32>
          %and3A_528 = arith.andi %add3A_522, %and3A_527 : vector<16xi32>
          %gather3A_529 = tpu.vector_load_idx %arg8[%shift_right_arithmetic3A_525, %and3A_528] masked %and3A_141 : memref<32x1024xf32, #tpu.memory_space<vmem>>[vector<16xi32>, vector<16xi32>], vector<16xf32>, vector<16xi1>
          tpu.vector_store_idx %arg10[%sub3A_170, %broadcast_in_dim3A_516], %gather3A_529 masked %and3A_141 : memref<128x128xf32, #tpu.memory_space<vmem>>[vector<16xi32>, vector<16xi32>], vector<16xf32>, vector<16xi1>
          %broadcast_in_dim3A_530 = arith.constant 24 : i32
          %broadcast_in_dim3A_531 = vector.broadcast %broadcast_in_dim3A_530 : i32 to vector<16xi32>
          %mul3A_532 = arith.constant 32 : i32
          %mul3A_533 = vector.broadcast %mul3A_532 : i32 to vector<16xi32>
          %mul3A_534 = arith.muli %min3A_162, %mul3A_533 : vector<16xi32>
          %add3A_535 = arith.constant 24 : i32
          %add3A_536 = vector.broadcast %add3A_535 : i32 to vector<16xi32>
          %add3A_537 = arith.addi %mul3A_534, %add3A_536 : vector<16xi32>
          %shift_right_arithmetic3A_538 = arith.constant 10 : i32
          %shift_right_arithmetic3A_539 = vector.broadcast %shift_right_arithmetic3A_538 : i32 to vector<16xi32>
          %shift_right_arithmetic3A_540 = arith.shrsi %add3A_537, %shift_right_arithmetic3A_539 : vector<16xi32>
          %and3A_541 = arith.constant 1023 : i32
          %and3A_542 = vector.broadcast %and3A_541 : i32 to vector<16xi32>
          %and3A_543 = arith.andi %add3A_537, %and3A_542 : vector<16xi32>
          %gather3A_544 = tpu.vector_load_idx %arg8[%shift_right_arithmetic3A_540, %and3A_543] masked %and3A_141 : memref<32x1024xf32, #tpu.memory_space<vmem>>[vector<16xi32>, vector<16xi32>], vector<16xf32>, vector<16xi1>
          tpu.vector_store_idx %arg10[%sub3A_170, %broadcast_in_dim3A_531], %gather3A_544 masked %and3A_141 : memref<128x128xf32, #tpu.memory_space<vmem>>[vector<16xi32>, vector<16xi32>], vector<16xf32>, vector<16xi1>
          %broadcast_in_dim3A_545 = arith.constant 25 : i32
          %broadcast_in_dim3A_546 = vector.broadcast %broadcast_in_dim3A_545 : i32 to vector<16xi32>
          %mul3A_547 = arith.constant 32 : i32
          %mul3A_548 = vector.broadcast %mul3A_547 : i32 to vector<16xi32>
          %mul3A_549 = arith.muli %min3A_162, %mul3A_548 : vector<16xi32>
          %add3A_550 = arith.constant 25 : i32
          %add3A_551 = vector.broadcast %add3A_550 : i32 to vector<16xi32>
          %add3A_552 = arith.addi %mul3A_549, %add3A_551 : vector<16xi32>
          %shift_right_arithmetic3A_553 = arith.constant 10 : i32
          %shift_right_arithmetic3A_554 = vector.broadcast %shift_right_arithmetic3A_553 : i32 to vector<16xi32>
          %shift_right_arithmetic3A_555 = arith.shrsi %add3A_552, %shift_right_arithmetic3A_554 : vector<16xi32>
          %and3A_556 = arith.constant 1023 : i32
          %and3A_557 = vector.broadcast %and3A_556 : i32 to vector<16xi32>
          %and3A_558 = arith.andi %add3A_552, %and3A_557 : vector<16xi32>
          %gather3A_559 = tpu.vector_load_idx %arg8[%shift_right_arithmetic3A_555, %and3A_558] masked %and3A_141 : memref<32x1024xf32, #tpu.memory_space<vmem>>[vector<16xi32>, vector<16xi32>], vector<16xf32>, vector<16xi1>
          tpu.vector_store_idx %arg10[%sub3A_170, %broadcast_in_dim3A_546], %gather3A_559 masked %and3A_141 : memref<128x128xf32, #tpu.memory_space<vmem>>[vector<16xi32>, vector<16xi32>], vector<16xf32>, vector<16xi1>
          %broadcast_in_dim3A_560 = arith.constant 26 : i32
          %broadcast_in_dim3A_561 = vector.broadcast %broadcast_in_dim3A_560 : i32 to vector<16xi32>
          %mul3A_562 = arith.constant 32 : i32
          %mul3A_563 = vector.broadcast %mul3A_562 : i32 to vector<16xi32>
          %mul3A_564 = arith.muli %min3A_162, %mul3A_563 : vector<16xi32>
          %add3A_565 = arith.constant 26 : i32
          %add3A_566 = vector.broadcast %add3A_565 : i32 to vector<16xi32>
          %add3A_567 = arith.addi %mul3A_564, %add3A_566 : vector<16xi32>
          %shift_right_arithmetic3A_568 = arith.constant 10 : i32
          %shift_right_arithmetic3A_569 = vector.broadcast %shift_right_arithmetic3A_568 : i32 to vector<16xi32>
          %shift_right_arithmetic3A_570 = arith.shrsi %add3A_567, %shift_right_arithmetic3A_569 : vector<16xi32>
          %and3A_571 = arith.constant 1023 : i32
          %and3A_572 = vector.broadcast %and3A_571 : i32 to vector<16xi32>
          %and3A_573 = arith.andi %add3A_567, %and3A_572 : vector<16xi32>
          %gather3A_574 = tpu.vector_load_idx %arg8[%shift_right_arithmetic3A_570, %and3A_573] masked %and3A_141 : memref<32x1024xf32, #tpu.memory_space<vmem>>[vector<16xi32>, vector<16xi32>], vector<16xf32>, vector<16xi1>
          tpu.vector_store_idx %arg10[%sub3A_170, %broadcast_in_dim3A_561], %gather3A_574 masked %and3A_141 : memref<128x128xf32, #tpu.memory_space<vmem>>[vector<16xi32>, vector<16xi32>], vector<16xf32>, vector<16xi1>
          %broadcast_in_dim3A_575 = arith.constant 27 : i32
          %broadcast_in_dim3A_576 = vector.broadcast %broadcast_in_dim3A_575 : i32 to vector<16xi32>
          %mul3A_577 = arith.constant 32 : i32
          %mul3A_578 = vector.broadcast %mul3A_577 : i32 to vector<16xi32>
          %mul3A_579 = arith.muli %min3A_162, %mul3A_578 : vector<16xi32>
          %add3A_580 = arith.constant 27 : i32
          %add3A_581 = vector.broadcast %add3A_580 : i32 to vector<16xi32>
          %add3A_582 = arith.addi %mul3A_579, %add3A_581 : vector<16xi32>
          %shift_right_arithmetic3A_583 = arith.constant 10 : i32
          %shift_right_arithmetic3A_584 = vector.broadcast %shift_right_arithmetic3A_583 : i32 to vector<16xi32>
          %shift_right_arithmetic3A_585 = arith.shrsi %add3A_582, %shift_right_arithmetic3A_584 : vector<16xi32>
          %and3A_586 = arith.constant 1023 : i32
          %and3A_587 = vector.broadcast %and3A_586 : i32 to vector<16xi32>
          %and3A_588 = arith.andi %add3A_582, %and3A_587 : vector<16xi32>
          %gather3A_589 = tpu.vector_load_idx %arg8[%shift_right_arithmetic3A_585, %and3A_588] masked %and3A_141 : memref<32x1024xf32, #tpu.memory_space<vmem>>[vector<16xi32>, vector<16xi32>], vector<16xf32>, vector<16xi1>
          tpu.vector_store_idx %arg10[%sub3A_170, %broadcast_in_dim3A_576], %gather3A_589 masked %and3A_141 : memref<128x128xf32, #tpu.memory_space<vmem>>[vector<16xi32>, vector<16xi32>], vector<16xf32>, vector<16xi1>
          %broadcast_in_dim3A_590 = arith.constant 28 : i32
          %broadcast_in_dim3A_591 = vector.broadcast %broadcast_in_dim3A_590 : i32 to vector<16xi32>
          %mul3A_592 = arith.constant 32 : i32
          %mul3A_593 = vector.broadcast %mul3A_592 : i32 to vector<16xi32>
          %mul3A_594 = arith.muli %min3A_162, %mul3A_593 : vector<16xi32>
          %add3A_595 = arith.constant 28 : i32
          %add3A_596 = vector.broadcast %add3A_595 : i32 to vector<16xi32>
          %add3A_597 = arith.addi %mul3A_594, %add3A_596 : vector<16xi32>
          %shift_right_arithmetic3A_598 = arith.constant 10 : i32
          %shift_right_arithmetic3A_599 = vector.broadcast %shift_right_arithmetic3A_598 : i32 to vector<16xi32>
          %shift_right_arithmetic3A_600 = arith.shrsi %add3A_597, %shift_right_arithmetic3A_599 : vector<16xi32>
          %and3A_601 = arith.constant 1023 : i32
          %and3A_602 = vector.broadcast %and3A_601 : i32 to vector<16xi32>
          %and3A_603 = arith.andi %add3A_597, %and3A_602 : vector<16xi32>
          %gather3A_604 = tpu.vector_load_idx %arg8[%shift_right_arithmetic3A_600, %and3A_603] masked %and3A_141 : memref<32x1024xf32, #tpu.memory_space<vmem>>[vector<16xi32>, vector<16xi32>], vector<16xf32>, vector<16xi1>
          tpu.vector_store_idx %arg10[%sub3A_170, %broadcast_in_dim3A_591], %gather3A_604 masked %and3A_141 : memref<128x128xf32, #tpu.memory_space<vmem>>[vector<16xi32>, vector<16xi32>], vector<16xf32>, vector<16xi1>
          %broadcast_in_dim3A_605 = arith.constant 29 : i32
          %broadcast_in_dim3A_606 = vector.broadcast %broadcast_in_dim3A_605 : i32 to vector<16xi32>
          %mul3A_607 = arith.constant 32 : i32
          %mul3A_608 = vector.broadcast %mul3A_607 : i32 to vector<16xi32>
          %mul3A_609 = arith.muli %min3A_162, %mul3A_608 : vector<16xi32>
          %add3A_610 = arith.constant 29 : i32
          %add3A_611 = vector.broadcast %add3A_610 : i32 to vector<16xi32>
          %add3A_612 = arith.addi %mul3A_609, %add3A_611 : vector<16xi32>
          %shift_right_arithmetic3A_613 = arith.constant 10 : i32
          %shift_right_arithmetic3A_614 = vector.broadcast %shift_right_arithmetic3A_613 : i32 to vector<16xi32>
          %shift_right_arithmetic3A_615 = arith.shrsi %add3A_612, %shift_right_arithmetic3A_614 : vector<16xi32>
          %and3A_616 = arith.constant 1023 : i32
          %and3A_617 = vector.broadcast %and3A_616 : i32 to vector<16xi32>
          %and3A_618 = arith.andi %add3A_612, %and3A_617 : vector<16xi32>
          %gather3A_619 = tpu.vector_load_idx %arg8[%shift_right_arithmetic3A_615, %and3A_618] masked %and3A_141 : memref<32x1024xf32, #tpu.memory_space<vmem>>[vector<16xi32>, vector<16xi32>], vector<16xf32>, vector<16xi1>
          tpu.vector_store_idx %arg10[%sub3A_170, %broadcast_in_dim3A_606], %gather3A_619 masked %and3A_141 : memref<128x128xf32, #tpu.memory_space<vmem>>[vector<16xi32>, vector<16xi32>], vector<16xf32>, vector<16xi1>
          %broadcast_in_dim3A_620 = arith.constant 30 : i32
          %broadcast_in_dim3A_621 = vector.broadcast %broadcast_in_dim3A_620 : i32 to vector<16xi32>
          %mul3A_622 = arith.constant 32 : i32
          %mul3A_623 = vector.broadcast %mul3A_622 : i32 to vector<16xi32>
          %mul3A_624 = arith.muli %min3A_162, %mul3A_623 : vector<16xi32>
          %add3A_625 = arith.constant 30 : i32
          %add3A_626 = vector.broadcast %add3A_625 : i32 to vector<16xi32>
          %add3A_627 = arith.addi %mul3A_624, %add3A_626 : vector<16xi32>
          %shift_right_arithmetic3A_628 = arith.constant 10 : i32
          %shift_right_arithmetic3A_629 = vector.broadcast %shift_right_arithmetic3A_628 : i32 to vector<16xi32>
          %shift_right_arithmetic3A_630 = arith.shrsi %add3A_627, %shift_right_arithmetic3A_629 : vector<16xi32>
          %and3A_631 = arith.constant 1023 : i32
          %and3A_632 = vector.broadcast %and3A_631 : i32 to vector<16xi32>
          %and3A_633 = arith.andi %add3A_627, %and3A_632 : vector<16xi32>
          %gather3A_634 = tpu.vector_load_idx %arg8[%shift_right_arithmetic3A_630, %and3A_633] masked %and3A_141 : memref<32x1024xf32, #tpu.memory_space<vmem>>[vector<16xi32>, vector<16xi32>], vector<16xf32>, vector<16xi1>
          tpu.vector_store_idx %arg10[%sub3A_170, %broadcast_in_dim3A_621], %gather3A_634 masked %and3A_141 : memref<128x128xf32, #tpu.memory_space<vmem>>[vector<16xi32>, vector<16xi32>], vector<16xf32>, vector<16xi1>
          %broadcast_in_dim3A_635 = arith.constant 31 : i32
          %broadcast_in_dim3A_636 = vector.broadcast %broadcast_in_dim3A_635 : i32 to vector<16xi32>
          %mul3A_637 = arith.constant 32 : i32
          %mul3A_638 = vector.broadcast %mul3A_637 : i32 to vector<16xi32>
          %mul3A_639 = arith.muli %min3A_162, %mul3A_638 : vector<16xi32>
          %add3A_640 = arith.constant 31 : i32
          %add3A_641 = vector.broadcast %add3A_640 : i32 to vector<16xi32>
          %add3A_642 = arith.addi %mul3A_639, %add3A_641 : vector<16xi32>
          %shift_right_arithmetic3A_643 = arith.constant 10 : i32
          %shift_right_arithmetic3A_644 = vector.broadcast %shift_right_arithmetic3A_643 : i32 to vector<16xi32>
          %shift_right_arithmetic3A_645 = arith.shrsi %add3A_642, %shift_right_arithmetic3A_644 : vector<16xi32>
          %and3A_646 = arith.constant 1023 : i32
          %and3A_647 = vector.broadcast %and3A_646 : i32 to vector<16xi32>
          %and3A_648 = arith.andi %add3A_642, %and3A_647 : vector<16xi32>
          %gather3A_649 = tpu.vector_load_idx %arg8[%shift_right_arithmetic3A_645, %and3A_648] masked %and3A_141 : memref<32x1024xf32, #tpu.memory_space<vmem>>[vector<16xi32>, vector<16xi32>], vector<16xf32>, vector<16xi1>
          tpu.vector_store_idx %arg10[%sub3A_170, %broadcast_in_dim3A_636], %gather3A_649 masked %and3A_141 : memref<128x128xf32, #tpu.memory_space<vmem>>[vector<16xi32>, vector<16xi32>], vector<16xf32>, vector<16xi1>
          tpu.vector_store_idx %arg11[%sub3A_170], %get3A_125 masked %and3A_141 : memref<128xi32, #tpu.memory_space<vmem>>[vector<16xi32>], vector<16xi32>, vector<16xi1>
          %add3A_650 = arith.addi %cond3A_154, %squeeze3A : i32
          scf.yield %add3A_650 : i32
        } else {
          scf.yield %while3A_122 : i32
        }
        scf.yield %cond3A_146 : i32
      }
      scf.yield %while3A_120 : i32
    } else {
      scf.yield %while3A_83 : i32
    }
    %dma_start3A_86 = arith.constant 0 : i32
    %dma_start3A_87 = arith.constant 0 : i32
    %dma_start3A_88 = tpu.memref_slice %arg5[%dma_start3A_86, %dma_start3A_87] : memref<16384x128xf32, #tpu.memory_space<hbm>> -> memref<16384x128xf32, #tpu.memory_space<hbm>>
    %dma_start3A_89 = arith.constant -1 : i32
    tpu.enqueue_indirect_dma source(%arg10 : memref<128x128xf32, #tpu.memory_space<vmem>>) target(%dma_start3A_88 : memref<16384x128xf32, #tpu.memory_space<hbm>>) offsets(%arg11 : memref<128xi32, #tpu.memory_space<vmem>>) offset_filter(%dma_start3A_89) semaphore(%arg14 : memref<!tpu.dma_semaphore, #tpu.memory_space<semaphore_mem>>)
    %dma_wait3A = arith.constant 0 : i32
    %dma_wait3A_90 = arith.constant 0 : i32
    %dma_wait3A_91 = tpu.memref_slice %arg5[%dma_wait3A, %dma_wait3A_90] : memref<16384x128xf32, #tpu.memory_space<hbm>> -> memref<16384x128xf32, #tpu.memory_space<hbm>>
    tpu.wait_indirect_dma semaphore(%arg14 : memref<!tpu.dma_semaphore, #tpu.memory_space<semaphore_mem>>) src(%arg10 : memref<128x128xf32, #tpu.memory_space<vmem>>) dst(%dma_wait3A_91 : memref<16384x128xf32, #tpu.memory_space<hbm>>)
    %broadcast_in_dim3A_92 = arith.constant -1 : i32
    %broadcast_in_dim3A_93 = vector.broadcast %broadcast_in_dim3A_92 : i32 to vector<16xi32>
    %swap3A_94 = arith.constant 0 : index
    %swap3A_95 = tpu.vector_load %arg11[%swap3A_94] {strides = array<i32>} : memref<128xi32, #tpu.memory_space<vmem>>, vector<16xi32>,
    tpu.vector_store %arg11[%swap3A_94], %broadcast_in_dim3A_93 {strides = array<i32>} : memref<128xi32, #tpu.memory_space<vmem>>, vector<16xi32>,
    %swap3A_96 = arith.constant 16 : index
    %swap3A_97 = tpu.vector_load %arg11[%swap3A_96] {strides = array<i32>} : memref<128xi32, #tpu.memory_space<vmem>>, vector<16xi32>,
    tpu.vector_store %arg11[%swap3A_96], %broadcast_in_dim3A_93 {strides = array<i32>} : memref<128xi32, #tpu.memory_space<vmem>>, vector<16xi32>,
    %swap3A_98 = arith.constant 32 : index
    %swap3A_99 = tpu.vector_load %arg11[%swap3A_98] {strides = array<i32>} : memref<128xi32, #tpu.memory_space<vmem>>, vector<16xi32>,
    tpu.vector_store %arg11[%swap3A_98], %broadcast_in_dim3A_93 {strides = array<i32>} : memref<128xi32, #tpu.memory_space<vmem>>, vector<16xi32>,
    %swap3A_100 = arith.constant 48 : index
    %swap3A_101 = tpu.vector_load %arg11[%swap3A_100] {strides = array<i32>} : memref<128xi32, #tpu.memory_space<vmem>>, vector<16xi32>,
    tpu.vector_store %arg11[%swap3A_100], %broadcast_in_dim3A_93 {strides = array<i32>} : memref<128xi32, #tpu.memory_space<vmem>>, vector<16xi32>,
    %swap3A_102 = arith.constant 64 : index
    %swap3A_103 = tpu.vector_load %arg11[%swap3A_102] {strides = array<i32>} : memref<128xi32, #tpu.memory_space<vmem>>, vector<16xi32>,
    tpu.vector_store %arg11[%swap3A_102], %broadcast_in_dim3A_93 {strides = array<i32>} : memref<128xi32, #tpu.memory_space<vmem>>, vector<16xi32>,
    %swap3A_104 = arith.constant 80 : index
    %swap3A_105 = tpu.vector_load %arg11[%swap3A_104] {strides = array<i32>} : memref<128xi32, #tpu.memory_space<vmem>>, vector<16xi32>,
    tpu.vector_store %arg11[%swap3A_104], %broadcast_in_dim3A_93 {strides = array<i32>} : memref<128xi32, #tpu.memory_space<vmem>>, vector<16xi32>,
    %swap3A_106 = arith.constant 96 : index
    %swap3A_107 = tpu.vector_load %arg11[%swap3A_106] {strides = array<i32>} : memref<128xi32, #tpu.memory_space<vmem>>, vector<16xi32>,
    tpu.vector_store %arg11[%swap3A_106], %broadcast_in_dim3A_93 {strides = array<i32>} : memref<128xi32, #tpu.memory_space<vmem>>, vector<16xi32>,
    %swap3A_108 = arith.constant 112 : index
    %swap3A_109 = tpu.vector_load %arg11[%swap3A_108] {strides = array<i32>} : memref<128xi32, #tpu.memory_space<vmem>>, vector<16xi32>,
    tpu.vector_store %arg11[%swap3A_108], %broadcast_in_dim3A_93 {strides = array<i32>} : memref<128xi32, #tpu.memory_space<vmem>>, vector<16xi32>,
    return
  }
}

#map = affine_map<(d0, d1) -> (0)>
#map1 = affine_map<(d0, d1) -> (0, 0)>
module attributes {stable_mosaic.version = 14 : i64} {
  func.func @k(%arg0: i32, %arg1: i32, %arg2: memref<16384xi32, #tpu.memory_space<hbm>>, %arg3: memref<16384xi32, #tpu.memory_space<hbm>>, %arg4: memref<16384xi32, #tpu.memory_space<hbm>>, %arg5: memref<16384x128xf32, #tpu.memory_space<hbm>>, %arg6: memref<1000x32xf32, #tpu.memory_space<hbm>>, %arg7: memref<1000x32xf32, #tpu.memory_space<hbm>>, %arg8: memref<1000x32xf32, #tpu.memory_space<hbm>>, %arg9: memref<16384x128xf32, #tpu.memory_space<hbm>>, %arg10: memref<512xi32, #tpu.memory_space<vmem>>, %arg11: memref<512xi32, #tpu.memory_space<vmem>>, %arg12: memref<512xi32, #tpu.memory_space<vmem>>, %arg13: memref<512x32xf32, #tpu.memory_space<vmem>>, %arg14: memref<512x32xf32, #tpu.memory_space<vmem>>, %arg15: memref<512x32xf32, #tpu.memory_space<vmem>>, %arg16: memref<512x32xf32, #tpu.memory_space<vmem>>, %arg17: memref<!tpu.dma_semaphore, #tpu.memory_space<semaphore_mem>>, %arg18: memref<!tpu.dma_semaphore, #tpu.memory_space<semaphore_mem>>, %arg19: memref<!tpu.dma_semaphore, #tpu.memory_space<semaphore_mem>>, %arg20: memref<!tpu.dma_semaphore, #tpu.memory_space<semaphore_mem>>) attributes {dimension_semantics = [#tpu.dimension_semantics<core_parallel>, #tpu.dimension_semantics<subcore_parallel>], iteration_bounds = array<i64: 2, 16>, scalar_prefetch = 0 : i64, scratch_operands = 11 : i64, tpu.core_type = #tpu.core_type<sc_vector_subcore>, window_params = [{transform_indices = #map}, {transform_indices = #map}, {transform_indices = #map}, {transform_indices = #map1}, {transform_indices = #map1}, {transform_indices = #map1}, {transform_indices = #map1}, {transform_indices = #map1}]} {
    %mul3A = arith.constant 2 : i32
    %mul3A_0 = arith.muli %arg1, %mul3A : i32
    %add3A = arith.addi %mul3A_0, %arg0 : i32
    %mul3A_1 = arith.constant 512 : i32
    %mul3A_2 = arith.muli %add3A, %mul3A_1 : i32
    "tpu.region"() ({
      %run_scoped3A = tpu.sem_alloc : memref<!tpu.dma_semaphore, #tpu.memory_space<semaphore_mem>>
      %dma_start3A_27 = tpu.memref_slice %arg2[%mul3A_2] : memref<16384xi32, #tpu.memory_space<hbm>> -> memref<512xi32, #tpu.memory_space<hbm>>
      %dma_start3A_28 = tpu.memref_slice %arg2[%mul3A_2] : memref<16384xi32, #tpu.memory_space<hbm>> -> memref<512xi32, #tpu.memory_space<hbm>>
      tpu.enqueue_dma source(%dma_start3A_28 : memref<512xi32, #tpu.memory_space<hbm>>) target(%arg10 : memref<512xi32, #tpu.memory_space<vmem>>) target_semaphore(%run_scoped3A : memref<!tpu.dma_semaphore, #tpu.memory_space<semaphore_mem>>)
      %dma_wait3A_29 = tpu.memref_slice %arg2[%mul3A_2] : memref<16384xi32, #tpu.memory_space<hbm>> -> memref<512xi32, #tpu.memory_space<hbm>>
      %dma_wait3A_30 = tpu.memref_slice %arg2[%mul3A_2] : memref<16384xi32, #tpu.memory_space<hbm>> -> memref<512xi32, #tpu.memory_space<hbm>>
      tpu.wait_dma2 semaphore(%run_scoped3A : memref<!tpu.dma_semaphore, #tpu.memory_space<semaphore_mem>>) src(%dma_wait3A_30 : memref<512xi32, #tpu.memory_space<hbm>>) dst(%arg10 : memref<512xi32, #tpu.memory_space<vmem>>)
      tpu.yield
    }) : () -> ()
    "tpu.region"() ({
      %run_scoped3A = tpu.sem_alloc : memref<!tpu.dma_semaphore, #tpu.memory_space<semaphore_mem>>
      %dma_start3A_27 = tpu.memref_slice %arg3[%mul3A_2] : memref<16384xi32, #tpu.memory_space<hbm>> -> memref<512xi32, #tpu.memory_space<hbm>>
      %dma_start3A_28 = tpu.memref_slice %arg3[%mul3A_2] : memref<16384xi32, #tpu.memory_space<hbm>> -> memref<512xi32, #tpu.memory_space<hbm>>
      tpu.enqueue_dma source(%dma_start3A_28 : memref<512xi32, #tpu.memory_space<hbm>>) target(%arg11 : memref<512xi32, #tpu.memory_space<vmem>>) target_semaphore(%run_scoped3A : memref<!tpu.dma_semaphore, #tpu.memory_space<semaphore_mem>>)
      %dma_wait3A_29 = tpu.memref_slice %arg3[%mul3A_2] : memref<16384xi32, #tpu.memory_space<hbm>> -> memref<512xi32, #tpu.memory_space<hbm>>
      %dma_wait3A_30 = tpu.memref_slice %arg3[%mul3A_2] : memref<16384xi32, #tpu.memory_space<hbm>> -> memref<512xi32, #tpu.memory_space<hbm>>
      tpu.wait_dma2 semaphore(%run_scoped3A : memref<!tpu.dma_semaphore, #tpu.memory_space<semaphore_mem>>) src(%dma_wait3A_30 : memref<512xi32, #tpu.memory_space<hbm>>) dst(%arg11 : memref<512xi32, #tpu.memory_space<vmem>>)
      tpu.yield
    }) : () -> ()
    "tpu.region"() ({
      %run_scoped3A = tpu.sem_alloc : memref<!tpu.dma_semaphore, #tpu.memory_space<semaphore_mem>>
      %dma_start3A_27 = tpu.memref_slice %arg4[%mul3A_2] : memref<16384xi32, #tpu.memory_space<hbm>> -> memref<512xi32, #tpu.memory_space<hbm>>
      %dma_start3A_28 = tpu.memref_slice %arg4[%mul3A_2] : memref<16384xi32, #tpu.memory_space<hbm>> -> memref<512xi32, #tpu.memory_space<hbm>>
      tpu.enqueue_dma source(%dma_start3A_28 : memref<512xi32, #tpu.memory_space<hbm>>) target(%arg12 : memref<512xi32, #tpu.memory_space<vmem>>) target_semaphore(%run_scoped3A : memref<!tpu.dma_semaphore, #tpu.memory_space<semaphore_mem>>)
      %dma_wait3A_29 = tpu.memref_slice %arg4[%mul3A_2] : memref<16384xi32, #tpu.memory_space<hbm>> -> memref<512xi32, #tpu.memory_space<hbm>>
      %dma_wait3A_30 = tpu.memref_slice %arg4[%mul3A_2] : memref<16384xi32, #tpu.memory_space<hbm>> -> memref<512xi32, #tpu.memory_space<hbm>>
      tpu.wait_dma2 semaphore(%run_scoped3A : memref<!tpu.dma_semaphore, #tpu.memory_space<semaphore_mem>>) src(%dma_wait3A_30 : memref<512xi32, #tpu.memory_space<hbm>>) dst(%arg12 : memref<512xi32, #tpu.memory_space<vmem>>)
      tpu.yield
    }) : () -> ()
    %dma_start3A = arith.constant 0 : i32
    %dma_start3A_3 = tpu.memref_slice %arg5[%mul3A_2, %dma_start3A] : memref<16384x128xf32, #tpu.memory_space<hbm>> -> memref<512x32xf32, #tpu.memory_space<hbm>>
    %dma_start3A_4 = arith.constant 0 : i32
    %dma_start3A_5 = tpu.memref_slice %arg5[%mul3A_2, %dma_start3A_4] : memref<16384x128xf32, #tpu.memory_space<hbm>> -> memref<512x32xf32, #tpu.memory_space<hbm>>
    tpu.enqueue_dma source(%dma_start3A_5 : memref<512x32xf32, #tpu.memory_space<hbm>>) target(%arg13 : memref<512x32xf32, #tpu.memory_space<vmem>>) target_semaphore(%arg17 : memref<!tpu.dma_semaphore, #tpu.memory_space<semaphore_mem>>)
    %dma_start3A_6 = arith.constant 0 : i32
    %dma_start3A_7 = arith.constant 0 : i32
    %dma_start3A_8 = tpu.memref_slice %arg6[%dma_start3A_6, %dma_start3A_7] : memref<1000x32xf32, #tpu.memory_space<hbm>> -> memref<1000x32xf32, #tpu.memory_space<hbm>>
    tpu.enqueue_indirect_dma source(%dma_start3A_8 : memref<1000x32xf32, #tpu.memory_space<hbm>>) target(%arg14 : memref<512x32xf32, #tpu.memory_space<vmem>>) offsets(%arg10 : memref<512xi32, #tpu.memory_space<vmem>>) semaphore(%arg18 : memref<!tpu.dma_semaphore, #tpu.memory_space<semaphore_mem>>)
    %dma_start3A_9 = arith.constant 0 : i32
    %dma_start3A_10 = arith.constant 0 : i32
    %dma_start3A_11 = tpu.memref_slice %arg7[%dma_start3A_9, %dma_start3A_10] : memref<1000x32xf32, #tpu.memory_space<hbm>> -> memref<1000x32xf32, #tpu.memory_space<hbm>>
    tpu.enqueue_indirect_dma source(%dma_start3A_11 : memref<1000x32xf32, #tpu.memory_space<hbm>>) target(%arg15 : memref<512x32xf32, #tpu.memory_space<vmem>>) offsets(%arg11 : memref<512xi32, #tpu.memory_space<vmem>>) semaphore(%arg19 : memref<!tpu.dma_semaphore, #tpu.memory_space<semaphore_mem>>)
    %dma_start3A_12 = arith.constant 0 : i32
    %dma_start3A_13 = arith.constant 0 : i32
    %dma_start3A_14 = tpu.memref_slice %arg8[%dma_start3A_12, %dma_start3A_13] : memref<1000x32xf32, #tpu.memory_space<hbm>> -> memref<1000x32xf32, #tpu.memory_space<hbm>>
    tpu.enqueue_indirect_dma source(%dma_start3A_14 : memref<1000x32xf32, #tpu.memory_space<hbm>>) target(%arg16 : memref<512x32xf32, #tpu.memory_space<vmem>>) offsets(%arg12 : memref<512xi32, #tpu.memory_space<vmem>>) semaphore(%arg20 : memref<!tpu.dma_semaphore, #tpu.memory_space<semaphore_mem>>)
    %dma_wait3A = arith.constant 0 : i32
    %dma_wait3A_15 = tpu.memref_slice %arg5[%mul3A_2, %dma_wait3A] : memref<16384x128xf32, #tpu.memory_space<hbm>> -> memref<512x32xf32, #tpu.memory_space<hbm>>
    %dma_wait3A_16 = arith.constant 0 : i32
    %dma_wait3A_17 = tpu.memref_slice %arg5[%mul3A_2, %dma_wait3A_16] : memref<16384x128xf32, #tpu.memory_space<hbm>> -> memref<512x32xf32, #tpu.memory_space<hbm>>
    tpu.wait_dma2 semaphore(%arg17 : memref<!tpu.dma_semaphore, #tpu.memory_space<semaphore_mem>>) src(%dma_wait3A_17 : memref<512x32xf32, #tpu.memory_space<hbm>>) dst(%arg13 : memref<512x32xf32, #tpu.memory_space<vmem>>)
    "tpu.region"() ({
      %run_scoped3A = tpu.sem_alloc : memref<!tpu.dma_semaphore, #tpu.memory_space<semaphore_mem>>
      %dma_start3A_27 = arith.constant 0 : i32
      %dma_start3A_28 = tpu.memref_slice %arg9[%mul3A_2, %dma_start3A_27] : memref<16384x128xf32, #tpu.memory_space<hbm>> -> memref<512x32xf32, #tpu.memory_space<hbm>>
      %dma_start3A_29 = arith.constant 0 : i32
      %dma_start3A_30 = tpu.memref_slice %arg9[%mul3A_2, %dma_start3A_29] : memref<16384x128xf32, #tpu.memory_space<hbm>> -> memref<512x32xf32, #tpu.memory_space<hbm>>
      tpu.enqueue_dma source(%arg13 : memref<512x32xf32, #tpu.memory_space<vmem>>) target(%dma_start3A_30 : memref<512x32xf32, #tpu.memory_space<hbm>>) target_semaphore(%run_scoped3A : memref<!tpu.dma_semaphore, #tpu.memory_space<semaphore_mem>>)
      %dma_wait3A_31 = arith.constant 0 : i32
      %dma_wait3A_32 = tpu.memref_slice %arg9[%mul3A_2, %dma_wait3A_31] : memref<16384x128xf32, #tpu.memory_space<hbm>> -> memref<512x32xf32, #tpu.memory_space<hbm>>
      %dma_wait3A_33 = arith.constant 0 : i32
      %dma_wait3A_34 = tpu.memref_slice %arg9[%mul3A_2, %dma_wait3A_33] : memref<16384x128xf32, #tpu.memory_space<hbm>> -> memref<512x32xf32, #tpu.memory_space<hbm>>
      tpu.wait_dma2 semaphore(%run_scoped3A : memref<!tpu.dma_semaphore, #tpu.memory_space<semaphore_mem>>) src(%arg13 : memref<512x32xf32, #tpu.memory_space<vmem>>) dst(%dma_wait3A_34 : memref<512x32xf32, #tpu.memory_space<hbm>>)
      tpu.yield
    }) : () -> ()
    %dma_wait3A_18 = arith.constant 0 : i32
    %dma_wait3A_19 = arith.constant 0 : i32
    %dma_wait3A_20 = tpu.memref_slice %arg6[%dma_wait3A_18, %dma_wait3A_19] : memref<1000x32xf32, #tpu.memory_space<hbm>> -> memref<1000x32xf32, #tpu.memory_space<hbm>>
    tpu.wait_indirect_dma semaphore(%arg18 : memref<!tpu.dma_semaphore, #tpu.memory_space<semaphore_mem>>) src(%dma_wait3A_20 : memref<1000x32xf32, #tpu.memory_space<hbm>>) dst(%arg14 : memref<512x32xf32, #tpu.memory_space<vmem>>)
    "tpu.region"() ({
      %run_scoped3A = tpu.sem_alloc : memref<!tpu.dma_semaphore, #tpu.memory_space<semaphore_mem>>
      %dma_start3A_27 = arith.constant 32 : i32
      %dma_start3A_28 = tpu.memref_slice %arg9[%mul3A_2, %dma_start3A_27] : memref<16384x128xf32, #tpu.memory_space<hbm>> -> memref<512x32xf32, #tpu.memory_space<hbm>>
      %dma_start3A_29 = arith.constant 32 : i32
      %dma_start3A_30 = tpu.memref_slice %arg9[%mul3A_2, %dma_start3A_29] : memref<16384x128xf32, #tpu.memory_space<hbm>> -> memref<512x32xf32, #tpu.memory_space<hbm>>
      tpu.enqueue_dma source(%arg14 : memref<512x32xf32, #tpu.memory_space<vmem>>) target(%dma_start3A_30 : memref<512x32xf32, #tpu.memory_space<hbm>>) target_semaphore(%run_scoped3A : memref<!tpu.dma_semaphore, #tpu.memory_space<semaphore_mem>>)
      %dma_wait3A_31 = arith.constant 32 : i32
      %dma_wait3A_32 = tpu.memref_slice %arg9[%mul3A_2, %dma_wait3A_31] : memref<16384x128xf32, #tpu.memory_space<hbm>> -> memref<512x32xf32, #tpu.memory_space<hbm>>
      %dma_wait3A_33 = arith.constant 32 : i32
      %dma_wait3A_34 = tpu.memref_slice %arg9[%mul3A_2, %dma_wait3A_33] : memref<16384x128xf32, #tpu.memory_space<hbm>> -> memref<512x32xf32, #tpu.memory_space<hbm>>
      tpu.wait_dma2 semaphore(%run_scoped3A : memref<!tpu.dma_semaphore, #tpu.memory_space<semaphore_mem>>) src(%arg14 : memref<512x32xf32, #tpu.memory_space<vmem>>) dst(%dma_wait3A_34 : memref<512x32xf32, #tpu.memory_space<hbm>>)
      tpu.yield
    }) : () -> ()
    %dma_wait3A_21 = arith.constant 0 : i32
    %dma_wait3A_22 = arith.constant 0 : i32
    %dma_wait3A_23 = tpu.memref_slice %arg7[%dma_wait3A_21, %dma_wait3A_22] : memref<1000x32xf32, #tpu.memory_space<hbm>> -> memref<1000x32xf32, #tpu.memory_space<hbm>>
    tpu.wait_indirect_dma semaphore(%arg19 : memref<!tpu.dma_semaphore, #tpu.memory_space<semaphore_mem>>) src(%dma_wait3A_23 : memref<1000x32xf32, #tpu.memory_space<hbm>>) dst(%arg15 : memref<512x32xf32, #tpu.memory_space<vmem>>)
    "tpu.region"() ({
      %run_scoped3A = tpu.sem_alloc : memref<!tpu.dma_semaphore, #tpu.memory_space<semaphore_mem>>
      %dma_start3A_27 = arith.constant 64 : i32
      %dma_start3A_28 = tpu.memref_slice %arg9[%mul3A_2, %dma_start3A_27] : memref<16384x128xf32, #tpu.memory_space<hbm>> -> memref<512x32xf32, #tpu.memory_space<hbm>>
      %dma_start3A_29 = arith.constant 64 : i32
      %dma_start3A_30 = tpu.memref_slice %arg9[%mul3A_2, %dma_start3A_29] : memref<16384x128xf32, #tpu.memory_space<hbm>> -> memref<512x32xf32, #tpu.memory_space<hbm>>
      tpu.enqueue_dma source(%arg15 : memref<512x32xf32, #tpu.memory_space<vmem>>) target(%dma_start3A_30 : memref<512x32xf32, #tpu.memory_space<hbm>>) target_semaphore(%run_scoped3A : memref<!tpu.dma_semaphore, #tpu.memory_space<semaphore_mem>>)
      %dma_wait3A_31 = arith.constant 64 : i32
      %dma_wait3A_32 = tpu.memref_slice %arg9[%mul3A_2, %dma_wait3A_31] : memref<16384x128xf32, #tpu.memory_space<hbm>> -> memref<512x32xf32, #tpu.memory_space<hbm>>
      %dma_wait3A_33 = arith.constant 64 : i32
      %dma_wait3A_34 = tpu.memref_slice %arg9[%mul3A_2, %dma_wait3A_33] : memref<16384x128xf32, #tpu.memory_space<hbm>> -> memref<512x32xf32, #tpu.memory_space<hbm>>
      tpu.wait_dma2 semaphore(%run_scoped3A : memref<!tpu.dma_semaphore, #tpu.memory_space<semaphore_mem>>) src(%arg15 : memref<512x32xf32, #tpu.memory_space<vmem>>) dst(%dma_wait3A_34 : memref<512x32xf32, #tpu.memory_space<hbm>>)
      tpu.yield
    }) : () -> ()
    %dma_wait3A_24 = arith.constant 0 : i32
    %dma_wait3A_25 = arith.constant 0 : i32
    %dma_wait3A_26 = tpu.memref_slice %arg8[%dma_wait3A_24, %dma_wait3A_25] : memref<1000x32xf32, #tpu.memory_space<hbm>> -> memref<1000x32xf32, #tpu.memory_space<hbm>>
    tpu.wait_indirect_dma semaphore(%arg20 : memref<!tpu.dma_semaphore, #tpu.memory_space<semaphore_mem>>) src(%dma_wait3A_26 : memref<1000x32xf32, #tpu.memory_space<hbm>>) dst(%arg16 : memref<512x32xf32, #tpu.memory_space<vmem>>)
    "tpu.region"() ({
      %run_scoped3A = tpu.sem_alloc : memref<!tpu.dma_semaphore, #tpu.memory_space<semaphore_mem>>
      %dma_start3A_27 = arith.constant 96 : i32
      %dma_start3A_28 = tpu.memref_slice %arg9[%mul3A_2, %dma_start3A_27] : memref<16384x128xf32, #tpu.memory_space<hbm>> -> memref<512x32xf32, #tpu.memory_space<hbm>>
      %dma_start3A_29 = arith.constant 96 : i32
      %dma_start3A_30 = tpu.memref_slice %arg9[%mul3A_2, %dma_start3A_29] : memref<16384x128xf32, #tpu.memory_space<hbm>> -> memref<512x32xf32, #tpu.memory_space<hbm>>
      tpu.enqueue_dma source(%arg16 : memref<512x32xf32, #tpu.memory_space<vmem>>) target(%dma_start3A_30 : memref<512x32xf32, #tpu.memory_space<hbm>>) target_semaphore(%run_scoped3A : memref<!tpu.dma_semaphore, #tpu.memory_space<semaphore_mem>>)
      %dma_wait3A_31 = arith.constant 96 : i32
      %dma_wait3A_32 = tpu.memref_slice %arg9[%mul3A_2, %dma_wait3A_31] : memref<16384x128xf32, #tpu.memory_space<hbm>> -> memref<512x32xf32, #tpu.memory_space<hbm>>
      %dma_wait3A_33 = arith.constant 96 : i32
      %dma_wait3A_34 = tpu.memref_slice %arg9[%mul3A_2, %dma_wait3A_33] : memref<16384x128xf32, #tpu.memory_space<hbm>> -> memref<512x32xf32, #tpu.memory_space<hbm>>
      tpu.wait_dma2 semaphore(%run_scoped3A : memref<!tpu.dma_semaphore, #tpu.memory_space<semaphore_mem>>) src(%arg16 : memref<512x32xf32, #tpu.memory_space<vmem>>) dst(%dma_wait3A_34 : memref<512x32xf32, #tpu.memory_space<hbm>>)
      tpu.yield
    }) : () -> ()
    return
  }
}

</mosaic_0001>

<sc_bundles>
// kernel: kernel.4.cloned.1.call-start
scs
__scs_entry_jumppad:
0x0: {  	(pc) =	sbr.rel $0x88, $3  }
0x1: {  	(tag) =	ssettag $0x0;
	lr =	simm.s32 $0x1  }
0x2: {  	[smem:$0x3F99] =	sst lr;
	_ =	strace $0xD0000000  }
0x3: {  	_ = 	snop  }
0x4: {  	_ = 	snop  }
0x5: {  	_ = 	snop  }
0x6: {  	_ = 	snop  }
0x7: {  	_ = 	snop  }
__scs_overlays_trampoline_lowered:
0x8: {  	[smem:$0x3FA8] =	sst s0  }
0x9: {  	[smem:$0x3FA9] =	sst s1  }
0xa: {  	[smem:$0x3FAA] =	sst s2  }
0xb: {  	[smem:$0x3FAB] =	sst s3  }
0xc: {  	[smem:$0x3FAC] =	sst s4  }
0xd: {  	[smem:$0x3FAD] =	sst s5  }
0xe: {  	[smem:$0x3FAE] =	sst s6  }
0xf: {  	[smem:$0x3FAF] =	sst s7  }
0x10: {  	[smem:$0x3FB0] =	sst s8  }
0x11: {  	[smem:$0x3FB1] =	sst s9;
	s0 =	simm.s32 @!p0 $0x0  }
0x12: {  	s1 =	sld [smem:$0x3F97];
	s0 =	simm.s32 @p0 $0x1  }
0x13: {  	[smem:$0x3FB2] =	sst s0;
	s0 =	simm.s32 @!p1 $0x0  }
0x14: {  	s2 =	sld [smem:$0x3F96];
	s0 =	simm.s32 @p1 $0x1  }
0x15: {  	[smem:$0x3FB3] =	sst s0;
	s0 =	simm.s32 @!p2 $0x0  }
0x16: {  	s3 =	sld [smem:$0x3FDB];
	s0 =	simm.s32 @p2 $0x1  }
0x17: {  	s4 =	simm.s32 $0x1BF5;
	[smem:$0x3FB5] =	sst s0  }
0x18: {  	s0 =	sld [smem:$0x3F98];
	_ =	swait.ge [sflag:s4], $0x0  }
0x19: {  	s7 =	sld [smem:$0x3F99]  }
0x1a: {  	s8 =	sadd.s32 $0xFFFFE003, lr  }
0x1b: {  	s9 =	sadd.s32 $0xFFFFFEF7, lr;
	s5 =	simm.s32 $0xFFFFFFFF;
	p2 =	slt.u32 s8, $0xFFFFF086  }
0x1c: {  	p1 =	slt.u32 s9, $0xF7A;
	s5 =	simm.s32 @!p2 $0x0  }
0x1d: {  	s5 =	simm.s32 @p1 $0x1;
	p0 =	seq.s32 s7, s2  }
0x1e: {  	s7 =	smul.u32 @!p0 $0xF7A, s2;
	p2 =	seq.s32 @!p0 s5, $0x0  }
0x1f: {  	s9 =	smul.u32 $0xF7A, s1;
	s8 =	simm.s32 @!p0 $0x1BF5;
	p2 =	por !p2, p0  }
0x20: {  	[sflag:s8] =	ssyncset.s32 @!p0 $0xFFFFF086;
	s6 =	sadd.s32 @!p0 s3, s7;
	s7 =	simm.s32 @!p0 $0x108  }
0x21: {  	s3 =	sadd.s32 s3, s9;
	s6 =	sadd.s32 @!p0 $0x88, s6;
	s7 =	simm.s32 @p2 $0x1082  }
0x22: {  	[simem:s7], [sflag:s8] =	dma.local @!p0 [hbm:s6], $0xF7A  }
0x23: {  	s9 =	sor.u32 $0xD0000000, s2;
	s6 =	simm.s32 $0x108;
	_ =	swait.ge @!p0 [sflag:s8], $0x0  }
0x24: {  	s3 =	sadd.s32 $0x88, s3;
	s6 =	simm.s32 @!p1 $0x1082;
	[sflag:s4] =	ssyncset.s32 $0xFFFFF086  }
0x25: {  	[simem:s6], [sflag:s4] =	dma.local [hbm:s3], $0xF7A  }
0x26: {  	[smem:$0x3F99] =	sst s1;
	(tag) =	ssettag s2;
	_ =	strace s9  }
0x27: {  	s1 =	sld [smem:$0x3FA9]  }
0x28: {  	s2 =	sld [smem:$0x3FAA]  }
0x29: {  	s4 =	sld [smem:$0x3FAC]  }
0x2a: {  	p0 =	seq.s32 s5, $0x0;
	s5 =	sld [smem:$0x3FAD]  }
0x2b: {  	s6 =	sld [smem:$0x3FAE]  }
0x2c: {  	s7 =	sld [smem:$0x3FAF]  }
0x2d: {  	s3 =	simm.s32 $0x108;
	s8 =	sld [smem:$0x3FB0]  }
0x2e: {  	s3 =	simm.s32 @!p0 $0x1082;
	s9 =	sld [smem:$0x3FB1]  }
0x2f: {  	lr =	sadd.s32 s0, s3;
	s0 =	sld [smem:$0x3FA8]  }
0x30: {  	s3 =	sld [smem:$0x3FAB]  }
0x31: {  	[smem:$0x3FB4] =	sst s10  }
0x32: {  	s10 =	sld [smem:$0x3FB2];
	_ =	sdelay $0x3  }
0x33: {  	p0 =	seq.s32 s10, $0x1;
	s10 =	sld [smem:$0x3FB4];
	_ =	sdelay $0x3  }
0x34: {  	[smem:$0x3FB4] =	sst s10  }
0x35: {  	s10 =	sld [smem:$0x3FB3];
	_ =	sdelay $0x3  }
0x36: {  	p1 =	seq.s32 s10, $0x1;
	s10 =	sld [smem:$0x3FB4];
	_ =	sdelay $0x3  }
0x37: {  	[smem:$0x3FB4] =	sst s10  }
0x38: {  	s10 =	sld [smem:$0x3FB5]  }
0x39: {  	_ = 	snop;
	(pc) =	sbr.ind lr, $3  }
0x3a: {  	_ = 	snop  }
0x3b: {  	_ = 	snop  }
0x3c: {  	p2 =	seq.s32 s10, $0x1;
	s10 =	sld [smem:$0x3FB4]  }
0x3d: {  	_ =	shalt  }
0x3e: {  	_ =	shalt  }
0x3f: {  	_ =	shalt  }
0x40: {  	_ =	shalt  }
0x41: {  	_ =	shalt  }
0x42: {  	_ =	shalt  }
0x43: {  	_ =	shalt  }
0x44: {  	_ =	shalt  }
0x45: {  	_ =	shalt  }
0x46: {  	_ =	shalt  }
0x47: {  	_ =	shalt  }
0x48: {  	_ =	shalt  }
0x49: {  	_ =	shalt  }
0x4a: {  	_ =	shalt  }
0x4b: {  	_ =	shalt  }
0x4c: {  	_ =	shalt  }
0x4d: {  	_ =	shalt  }
0x4e: {  	_ =	shalt  }
0x4f: {  	_ =	shalt  }
0x50: {  	_ =	shalt  }
0x51: {  	_ =	shalt  }
0x52: {  	_ =	shalt  }
0x53: {  	_ =	shalt  }
0x54: {  	_ =	shalt  }
0x55: {  	_ =	shalt  }
0x56: {  	_ =	shalt  }
0x57: {  	_ =	shalt  }
0x58: {  	_ =	shalt  }
0x59: {  	_ =	shalt  }
0x5a: {  	_ =	shalt  }
0x5b: {  	_ =	shalt  }
0x5c: {  	_ =	shalt  }
0x5d: {  	_ =	shalt  }
0x5e: {  	_ =	shalt  }
0x5f: {  	_ =	shalt  }
0x60: {  	_ =	shalt  }
0x61: {  	_ =	shalt  }
0x62: {  	_ =	shalt  }
0x63: {  	_ =	shalt  }
0x64: {  	_ =	shalt  }
0x65: {  	_ =	shalt  }
0x66: {  	_ =	shalt  }
0x67: {  	_ =	shalt  }
0x68: {  	_ =	shalt  }
0x69: {  	_ =	shalt  }
0x6a: {  	_ =	shalt  }
0x6b: {  	_ =	shalt  }
0x6c: {  	_ =	shalt  }
0x6d: {  	_ =	shalt  }
0x6e: {  	_ =	shalt  }
0x6f: {  	_ =	shalt  }
0x70: {  	_ =	shalt  }
0x71: {  	_ =	shalt  }
0x72: {  	_ =	shalt  }
0x73: {  	_ =	shalt  }
0x74: {  	_ =	shalt  }
0x75: {  	_ =	shalt  }
0x76: {  	_ =	shalt  }
0x77: {  	_ =	shalt  }
0x78: {  	_ =	shalt  }
0x79: {  	_ =	shalt  }
0x7a: {  	_ =	shalt  }
0x7b: {  	_ =	shalt  }
0x7c: {  	_ =	shalt  }
0x7d: {  	_ =	shalt  }
0x7e: {  	_ =	shalt  }
0x7f: {  	_ =	shalt  }
0x80: {  	_ =	shalt  }
0x81: {  	_ =	shalt  }
0x82: {  	_ =	shalt  }
0x83: {  	_ =	shalt  }
0x84: {  	_ =	shalt  }
0x85: {  	_ =	shalt  }
0x86: {  	_ =	shalt  }
0x87: {  	_ =	shalt  }
.Lfunc_end0:
.L_simem_size_0:
called_computation_lowered:
.L_overlay_start_0:
0x88: {  	s2 =	sld [smem:$0x3FD9]  }
0x89: {  	s3 =	sld [smem:$0x3FFE];
	_ =	sdelay $0x1  }
0x8a: {  	s1 =	srdreg.scid  }
0x8b: {  	s0 =	sand.u32 $0x1, s1  }
0x8c: {  	s17 =	sshll.u32 s0, $0xA;
	s2 =	sadd.s32 s3, s2  }
0x8d: {  	s2 =	sadd.s32 s2, s17  }
0x8e: {  	[smem:$0x3FC0] =	sst s2  }
0x8f: {  	_ = 	snop  }
0x90: {  	s2 =	sld [smem:$0x3FC9]  }
0x91: {  	s18 =	sld [smem:$0x3FC5]  }
0x92: {  	s4 =	sld [smem:$0x3FD0];
	(tm) =	ssettm $0x1  }
0x93: {  	s5 =	sld [smem:$0x3FFB];
	_ =	sdelay $0x3  }
0x94: {  	_ =	strace s5  }
0x95: {  	s5 =	sld [smem:$0x3FFC];
	_ =	sdelay $0x3  }
0x96: {  	_ =	strace s5  }
0x97: {  	s5 =	sld [smem:$0x3FFD];
	_ =	sdelay $0x3  }
0x98: {  	_ =	strace s5  }
0x99: {  	_ =	strace $0x8FFFFFFF  }
0x9a: {  	s19 =	sld [smem:$0x3FDB];
	_ =	sdelay $0x1  }
0x9b: {  	s6 =	simm.s32 $_scs_section_size  }
0x9c: {  	s7 =	simm.s32 $_size__tile_overlayer_lowered;
	s8 =	simm.s32 $_tile_overlayer_lowered  }
0x9d: {  	s22 =	simm.s32 $0x1BFF;
	s21 =	sshll.u32 s8, $0x1;
	s5 =	sadd.s32 s6, s19  }
0x9e: {  	s9 =	simm.s32 $0x0;
	s20 =	sshll.u32 s7, $0x1;
	s7 =	sadd.s32 s21, s5  }
0x9f: {  	[timem:s9], [sflag:s22] =	dma.local [hbm:s7], s20  }
0xa0: {  	_ =	swait.ge [sflag:s22], s20  }
0xa1: {  	s6 =	ssub.s32 $0x0, s20;
	[sflag:s22] =	ssyncset.done $0x0  }
0xa2: {  	[sflag:s22] =	ssyncadd.s32 s6;
	_ =	sdelay $0x1  }
0xa3: {  	s23 =	simm.s32 $0x1B8B  }
0xa4: {  	_ =	swait.ge [sflag:s23], $0x1  }
0xa5: {  	[sflag:s23] =	ssyncset.done $0x0  }
0xa6: {  	s25 =	simm.s32 $0x1B8E;
	s24 =	sld [smem:$0x3FFE];
	[sflag:s23] =	ssyncadd.s32 $0xFFFFFFFF  }
0xa7: {  	s26 =	simm.s32 $execute0_lowered;
	[smem:$0x3FD2] =	sst s25  }
0xa8: {  	s7 =	sshll.u32 s26, $0x1;
	_ =	strace $0x80000046;
	[dreg:$0x1] =	wrdreg $0xFFFFFFFF  }
0xa9: {  	s28 =	simm.s32 $_size_execute0_lowered;
	s5 =	sadd.s32 s5, s7;
	[dreg:$0x0] =	wrdreg $0x0  }
0xaa: {  	s7 =	sshll.u32 s28, $0x1;
	[dreg:$0x2] =	wrdreg s5  }
0xab: {  	[dreg:$0x3] =	wrdreg s7  }
0xac: {  	[dreg:$0x4] =	wrdreg $0xC0  }
0xad: {  	_ =	task [dreg:s9], $0x5FFFF  }
0xae: {  	[dreg:$0x1] =	wrdreg $0xFFFFFFFF  }
0xaf: {  	[dreg:$0x0] =	wrdreg $0x60  }
0xb0: {  	[dreg:$0x2] =	wrdreg s2  }
0xb1: {  	[dreg:$0x3] =	wrdreg s18  }
0xb2: {  	[dreg:$0x4] =	wrdreg s4  }
0xb3: {  	[dreg:$0x5] =	wrdreg s24  }
0xb4: {  	[dreg:$0x6] =	wrdreg $0x9  }
0xb5: {  	_ =	task.clear_ibuf [dreg:s9], $0x7FFFF;
	_ =	strace $0x90000046  }
0xb6: {  	s29 =	simm.s32 $0x9;
	_ =	strace $0x80000048  }
0xb7: {  	_ =	swait.ge [sflag:s29], $0x1  }
0xb8: {  	[sflag:s29] =	ssyncadd.s32 $0xFFFFFFFF  }
0xb9: {  	_ =	strace $0x90000048  }
0xba: {  	_ =	sfence  }
0xbb: {  	s30 =	sld [smem:$0x0];
	_ =	sdelay $0x2  }
0xbc: {  	s31 =	sshll.u32 s1, $0xD;
	s1 =	sshrl.u32 s1, $0x2  }
0xbd: {  	s3 =	sand.u32 $0x4000, s31;
	s1 =	sadd.s32 s1, s30  }
0xbe: {  	s0 =	sor.u32 s3, s0;
	s1 =	sshll.u32 s1, $0x11  }
0xbf: {  	s0 =	sor.u32 s1, s0  }
0xc0: {  	s0 =	sadd.s32 $0x8F2B, s0  }
0xc1: {  	[sflag:s0] =	ssyncadd.remote.s32 $0x1  }
0xc2: {  	_ =	sfence.sel $0xFFFF  }
0xc3: {  	[dreg:$0x0] =	wrdreg $0xFFFFFFFF;
	(pc) =	sbr.abs _section_cstart, $3  }
0xc4: {  	[dreg:$0x1] =	wrdreg $0xFFFFFFFF  }
0xc5: {  	_ =	task.clear_ibuf [dreg:s9], $0x2FFFF;
	_ =	strace $0x9FFFFFFF  }
0xc6: {  	(tm) =	ssettm $0x7FFFFFFF  }
0xc7: {  	_ =	shalt  }
tec
execute0_lowered:
.L_overlay_start_1:
0x0: {  	(tag) =	ssettag $0x1  }
0x1: {  	s2 =	rddreg [dreg:$0x1]  }
0x2: {  	s6 =	rddreg [dreg:$0x3]  }
0x3: {  	s5 =	simm.s32 $0x0;
	s7 =	srdreg.scid;
	s0 =	stileid.u32  }
0x4: {  	s12 =	simm.s32 $0x240;
	s13 =	simm.s32 $0x2000;
	s14 =	simm.s32 $0x7A1400  }
0x5: {  	s15 =	simm.s32 $0x8080;
	s16 =	simm.s32 $0x10080;
	s17 =	simm.s32 $0x1  }
0x6: {  	s18 =	simm.s32 $0x18080;
	s22 =	simm.s32 $0x2;
	s23 =	simm.s32 $0x0  }
0x7: {  	[smem:$0x7FF] =	sst s5;
	s7 =	sand.u32 $0x1, s7;
	s8 =	sshll.u32 s0, $0x1  }
0x8: {  	s6 =	sadd.s32 $0xE00, s6;
	p0 =	sgt.u32 s0, $0x7;
	_ =	strace $0x80000047  }
0x9: {  	s20 =	sor.u32 s7, s8;
	s9 =	ssub.s32 $0x2, s7;
	s7 =	simm.s32 $0x1E  }
0xa: {  	s8 =	smul.u32 $0x1E, s20;
	s7 =	simm.s32 @!p0 $0x1F;
	p0 =	seq.s32 s20, $0x1F  }
0xb: {  	s10 =	smin.u32 s20, $0x10;
	s11 =	sshrl.u32 s9, $0x1;
	s12 =	simm.s32 @!p0 $0x0  }
.Ltmp0:
0xc: {  	s11 =	ssub.s32 s9, s11;
	s8 =	sadd.s32 s10, s8;
	(pc) =	sbr.rel .LBB2_1-.Ltmp0, $4  }
0xd: {  	p0 =	sne.s32 s20, $0x1F;
	s20 =	simm.s32 $0x80;
	s10 =	sadd.s32 s7, s8  }
0xe: {  	s11 =	smax.u32 s11, $0x1;
	s19 =	sshll.u32 s8, $0xA;
	s10 =	sshll.u32 s10, $0xA  }
0xf: {  	v2 =	vlaneseq.u32;
	s9 =	sadd.s32 s2, s19;
	v0 =	vmov s19;
	s19 =	simm.s32 $0x1C080;
	s21 =	sor.u32 s12, s10  }
0x10: {  	v3 =	vimm.s32 $0xFFFFFFFF;
	v4 =	vimm.s32 $0x0;
	s10 =	sadd.s32 $0x400, s9;
	s12 =	simm.s32 $0x4;
	v1 =	vmov s21;
	s21 =	simm.s32 $0x3  }
.LBB2_22:
0x11: {  	(ifvalue) =	ssetifvalue $0xFFFFFFFF  }
0x12: {  	(ifvalue) =	ssetifvalue $0xFFFFFFFF  }
0x13: {  	[hbm4b:s6+s20] =	stream.indirect.scatter [tilespmem:s18], [sflag:$0x3], $0x80, s19, s20, $0x40b8;
	[tilespmem:$0x1C100] =	vst v63  }
0x14: {  	_ =	swait.ge [sflag:s21], $0x4000  }
0x15: {  	[sflag:s21] =	ssyncset.done $0x0  }
0x16: {  	[sflag:s21] =	ssyncadd.s32 $0xFFFFC000  }
0x17: {  	[tilespmem:$0x1C080] =	vst v3  }
0x18: {  	s23 =	sadd.s32 $0x1, s23;
	[tilespmem:$0x1C090] =	vst v3  }
0x19: {  	p1 =	sne.s32 s23, s11;
	[tilespmem:$0x1C0A0] =	vst v3  }
.Ltmp1:
0x1a: {  	[tilespmem:$0x1C0B0] =	vst v3;
	(pc) =	sbr.rel @!p1 .LBB2_23-.Ltmp1, $4  }
0x1b: {  	[tilespmem:$0x1C0C0] =	vst v3  }
0x1c: {  	[tilespmem:$0x1C0D0] =	vst v3  }
0x1d: {  	[tilespmem:$0x1C0E0] =	vst v3  }
0x1e: {  	[tilespmem:$0x1C0F0] =	vst v3  }
.LBB2_1:
0x1f: {  	s0 =	rddreg [dreg:$0x0]  }
0x20: {  	[tilespmem:s5], [sflag:$0x4] =	stream.linear.gather [hbm4b:s0+s5], $0x4000, $0x38;
	[tilespmem:$0x1C100] =	vst v63  }
0x21: {  	_ =	swait.ge [sflag:s12], $0x4000  }
0x22: {  	[sflag:s12] =	ssyncset.done $0x0  }
0x23: {  	[sflag:s12] =	ssyncadd.s32 $0xFFFFC000  }
0x24: {  	[tilespmem:s15], [sflag:$0x1] =	stream.strided.gather [hbm4b:s9+s13], $0x8000, s14, s13, $0x38;
	[tilespmem:$0x1C100] =	vst v63  }
0x25: {  	_ = 	snop  }
0x26: {  	[tilespmem:s16], [sflag:$0x2] =	stream.strided.gather [hbm4b:s10+s13], $0x8000, s14, s13, $0x38;
	[tilespmem:$0x1C100] =	vst v63  }
0x27: {  	v5 =	vld [tilespmem:s5+$0x0];
	_ =	sdelay $0x4  }
0x28: {  	vm0 =	vge.s32 v5, v0;
	vm1 =	vlt.s32 v5, v1  }
0x29: {  	vm0 =	vmand vm0, vm1  }
0x2a: {  	v5 =	vmpcnt.ones.xlane vm0;
	_ =	sdelay $0x1  }
0x2b: {  	(v2sf) =	vpush v5, $0x0;
	_ =	sdelay $0x4  }
0x2c: {  	v6 =	vor.u32 s5, v2  }
0x2d: {  	s24 =	simm.s32 $0x10;
	[tilespmem:s5+$0x4000] =	vst.msk vm0, v6  }
0x2e: {  	s26 =	simm.s32 $0x20;
	s25 =	simm.s32 $0x0;
	s28 =	simm.s32 $0x10;
	v5 =	vld [tilespmem:s24+$0x0]  }
.LBB2_2:
0x2f: {  	p1 =	sne.s32 s26, $0x3FF0;
	_ =	sdelay $0x3  }
0x30: {  	vm0 =	vge.s32 v5, v0;
	vm1 =	vlt.s32 v5, v1  }
0x31: {  	vm0 =	vmand vm0, vm1  }
0x32: {  	v5 =	vmpcnt.ones.xlane vm0  }
0x33: {  	s29 =	spop (v2sf)  }
0x34: {  	v6 =	vor.u32 s24, v2;
	s24 =	smov.u32 s26;
	(v2sf) =	vpush v5, $0x0;
	s25 =	sadd.s32 s25, s29  }
0x35: {  	[tilespmem:s25+$0x4000] =	vst.msk vm0, v6;
	_ =	sdelay $0x1  }
.Ltmp2:
0x36: {  	(pc) =	sbr.rel @p1 .LBB2_2-.Ltmp2, $3  }
0x37: {  	_ =	sdelay $0x1  }
0x38: {  	s28 =	sadd.s32 $0x10, s28  }
0x39: {  	s26 =	sadd.s32 $0x10, s26;
	v5 =	vld [tilespmem:s28+$0x0]  }
0x3a: {  	_ =	sdelay $0x3  }
0x3b: {  	vm0 =	vge.s32 v5, v0;
	vm1 =	vlt.s32 v5, v1  }
0x3c: {  	vm0 =	vmand vm0, vm1  }
0x3d: {  	v5 =	vmpcnt.ones.xlane vm0;
	_ =	sdelay $0x1  }
0x3e: {  	(v2sf) =	vpush v5, $0x0;
	_ =	sdelay $0xd  }
0x3f: {  	s26 =	spop (v2sf)  }
0x40: {  	v5 =	vor.u32 s24, v2;
	s28 =	sadd.s32 s25, s26;
	s29 =	spop (v2sf)  }
0x41: {  	[tilespmem:s28+$0x4000] =	vst.msk vm0, v5;
	s25 =	sadd.s32 s28, s29  }
0x42: {  	[tilespmem:$0x1C080] =	vst v3;
	s24 =	sadd.s32 $0xF, s25  }
0x43: {  	[tilespmem:$0x1C090] =	vst v3;
	s30 =	sand.u32 $0xF, s24  }
0x44: {  	[tilespmem:$0x1C0A0] =	vst v3;
	s31 =	sshra.s32 s24, $0x1F;
	p2 =	slt.s32 s24, $0x1;
	p1 =	sne.s32 s30, $0x0  }
.Ltmp3:
0x45: {  	[tilespmem:$0x1C0B0] =	vst v3;
	s26 =	sshrl.u32 s31, $0x1C;
	p1 =	por !p2, !p1;
	(pc) =	sbr.rel .LBB2_4-.Ltmp3, $4  }
0x46: {  	[tilespmem:$0x1C0C0] =	vst v3;
	s24 =	sadd.s32 s26, s24;
	s26 =	simm.s32 $0x1;
	p1 =	por !p1, !p1  }
0x47: {  	[tilespmem:$0x1C0D0] =	vst v3;
	s24 =	sshra.s32 s24, $0x4;
	s26 =	simm.s32 @!p1 $0x0  }
0x48: {  	[tilespmem:$0x1C0E0] =	vst v3;
	s24 =	ssub.s32 s24, s26  }
0x49: {  	[tilespmem:$0x1C0F0] =	vst v3;
	v5 =	vmov s25;
	s25 =	simm.s32 $0x0;
	s26 =	simm.s32 $0x0;
	p1 =	slt.s32 s24, $0x1  }
.LBB2_16:
0x4a: {  	s0 =	sadd.s32 $0x2, s26  }
0x4b: {  	p2 =	sge.u32 s0, s7  }
0x4c: {  	s0 =	sadd.s32 @!p2 s8, s0  }
0x4d: {  	s0 =	sshll.u32 @!p2 s0, $0xA  }
0x4e: {  	s1 =	simm.s32 @!p2 $0x2000;
	s0 =	sand.u32 @!p2 $0x1FFFFC00, s0  }
0x4f: {  	s3 =	simm.s32 @!p2 $0x7A1400;
	s4 =	simm.s32 @!p2 $0x10080;
	s0 =	sadd.s32 @!p2 s2, s0  }
0x50: {  	[tilespmem:s4], [sflag:$0x2] =	stream.strided.gather @!p2 [hbm4b:s0+s1], $0x8000, s3, s1, $0x38;
	[tilespmem:$0x1C100] =	vst v63  }
.LBB2_17:
0x51: {  	s26 =	sadd.s32 $0x1, s26  }
0x52: {  	p2 =	sne.s32 s26, s7  }
.Ltmp4:
0x53: {  	_ = 	snop;
	(pc) =	sbr.rel @!p2 .LBB2_18-.Ltmp4, $1  }
0x54: {  	_ =	sdelay $0x3  }
.LBB2_4:
0x55: {  	s28 =	sand.u32 $0x1, s26  }
0x56: {  	p2 =	seq.s32 s28, $0x1  }
.Ltmp5:
0x57: {  	_ = 	snop;
	(pc) =	sbr.rel @p2 .LBB2_11-.Ltmp5, $3  }
0x58: {  	_ =	sdelay $0x1  }
0x59: {  	s29 =	sadd.s32 s8, s26  }
0x5a: {  	s28 =	sshll.u32 s29, $0xA  }
.Ltmp6:
0x5b: {  	(pc) =	sbr.rel @p1 .LBB2_10-.Ltmp6, $4  }
0x5c: {  	_ = 	snop  }
0x5d: {  	_ =	swait.ge [sflag:s17], $0x8000  }
0x5e: {  	[sflag:s17] =	ssyncset.done $0x0  }
0x5f: {  	[sflag:s17] =	ssyncadd.s32 $0xFFFF8000  }
.Ltmp7:
0x60: {  	(pc) =	sbr.rel .LBB2_7-.Ltmp7, $3  }
0x61: {  	_ =	sdelay $0x1  }
0x62: {  	s29 =	sadd.s32 $0x400, s28  }
0x63: {  	v6 =	vmov s28;
	s28 =	simm.s32 $0x4000;
	s30 =	smov.u32 s24;
	v7 =	vmov s29;
	s29 =	simm.s32 $0x0  }
.LBB2_9:
0x64: {  	s30 =	sadd.s32 $0xFFFFFFFF, s30  }
0x65: {  	p2 =	sne.s32 s30, $0x0  }
.Ltmp8:
0x66: {  	_ = 	snop;
	(pc) =	sbr.rel @!p2 .LBB2_10-.Ltmp8, $2  }
0x67: {  	_ =	sdelay $0x2  }
0x68: {  	s28 =	sadd.s32 $0x10, s28;
	s29 =	sadd.s32 $0x10, s29  }
.LBB2_7:
0x69: {  	v8 =	vld [tilespmem:s28+$0x0];
	_ =	sdelay $0x4  }
0x6a: {  	v9 =	vand.u32 $0x3FFF, v8;
	_ =	sdelay $0x4  }
0x6b: {  	v9 =	vld.idx.msk [tilespmem:v9+s5+$0x0], $0xffff;
	_ =	sdelay $0x3  }
0x6c: {  	v10 =	vor.u32 s29, v2  }
0x6d: {  	vm0 =	vlt.s32 v10, v5;
	vm1 =	vlt.s32 v9, v7  }
0x6e: {  	vm2 =	vge.s32 v9, v6;
	vm0 =	vmand vm0, vm1  }
0x6f: {  	vm0 =	vmand vm0, vm2  }
0x70: {  	v10 =	vmpcnt.ones.xlane vm0;
	_ =	sdelay $0x1  }
0x71: {  	(v2sf) =	vpush v10, $0x0;
	_ =	sdelay $0xe  }
0x72: {  	s31 =	spop (v2sf)  }
0x73: {  	p2 =	slt.s32 s31, $0x1  }
.Ltmp9:
0x74: {  	_ = 	snop;
	(pc) =	sbr.rel @p2 .LBB2_9-.Ltmp9, $1  }
0x75: {  	_ =	sdelay $0x3  }
0x76: {  	s0 =	sadd.s32 s25, s31  }
0x77: {  	p2 =	slt.s32 s0, $0x81  }
0x78: {  	(ifvalue) =	ssetifvalue @!p2 $0xFFFFFFFF;
	s4 =	simm.s32 @!p2 $0x80  }
0x79: {  	s1 =	simm.s32 @!p2 $0x1C080;
	s3 =	simm.s32 @!p2 $0x18080;
	(ifvalue) =	ssetifvalue @!p2 $0xFFFFFFFF  }
0x7a: {  	[hbm4b:s6+s4] =	stream.indirect.scatter @!p2 [tilespmem:s3], [sflag:$0x3], $0x80, s1, s4, $0x40b8;
	[tilespmem:$0x1C100] =	vst v63  }
0x7b: {  	s1 =	simm.s32 @!p2 $0x3  }
0x7c: {  	v9 =	vsub.s32 v9, v6;
	_ =	swait.ge @!p2 [sflag:s1], $0x4000  }
0x7d: {  	vm1 =	vgt.s32 v9, $0x0;
	[sflag:s1] =	ssyncset.done @!p2 $0x0  }
0x7e: {  	v11 =	vsel vm0, $0x1, v4;
	v10 =	vimm.s32 @!p2 $0xFFFFFFFF;
	v9 =	vnsel vm1, $0x0, v9;
	[sflag:s1] =	ssyncadd.s32 @!p2 $0xFFFFC000  }
0x7f: {  	v12 =	vmin.u32 v9, $0x3FF;
	(xrf0) =	vadd.scan.msk.s32 $0xffff, v11;
	[tilespmem:$0x1C080] =	vst @!p2 v10  }
0x80: {  	p3 =	sgt.s32 s0, $0x80;
	v9 =	vshll.u32 v12, $0x3;
	[tilespmem:$0x1C090] =	vst @!p2 v10  }
0x81: {  	s25 =	simm.s32 @p3 $0x0;
	v51 =	vand.u32 $0x7F, v12;
	v13 =	vand.u32 $0x1C00, v9;
	[tilespmem:$0x1C0A0] =	vst @!p2 v10  }
0x82: {  	v52 =	vmov s25;
	v11 =	vor.u32 v51, v13;
	[tilespmem:$0x1C0B0] =	vst @!p2 v10  }
0x83: {  	v9 =	vadd.s32 $0xFFFFFFFF, v52;
	[tilespmem:$0x1C0C0] =	vst @!p2 v10  }
0x84: {  	v9 =	vbroadcast v9, $0x0;
	[tilespmem:$0x1C0D0] =	vst @!p2 v10  }
0x85: {  	[tilespmem:$0x1C0E0] =	vst @!p2 v10;
	v14, _, _ =	vpop (xrf0)  }
0x86: {  	[tilespmem:$0x1C0F0] =	vst @!p2 v10;
	v9 =	vadd.s32 v14, v9  }
0x87: {  	v10 =	vld.idx.msk [tilespmem:v11+s15+$0x0], vm0;
	v14 =	vshll.u32 v9, $0x7  }
0x88: {  	v15 =	vor.u32 $0x80, v11;
	_ =	sdelay $0x3  }
0x89: {  	[tilespmem:v14+s18+$0x0] =	vst.idx.msk vm0, v10  }
0x8a: {  	v53 =	vor.u32 $0x1, v14;
	v10 =	vld.idx.msk [tilespmem:v15+s15+$0x0], vm0  }
0x8b: {  	v16 =	vor.u32 $0x100, v11;
	_ =	sdelay $0x3  }
0x8c: {  	[tilespmem:v53+s18+$0x0] =	vst.idx.msk vm0, v10  }
0x8d: {  	v54 =	vor.u32 $0x2, v14;
	v10 =	vld.idx.msk [tilespmem:v16+s15+$0x0], vm0  }
0x8e: {  	v55 =	vor.u32 $0x180, v11;
	_ =	sdelay $0x3  }
0x8f: {  	[tilespmem:v54+s18+$0x0] =	vst.idx.msk vm0, v10  }
0x90: {  	v56 =	vor.u32 $0x3, v14;
	v10 =	vld.idx.msk [tilespmem:v55+s15+$0x0], vm0  }
0x91: {  	v57 =	vor.u32 $0x200, v11;
	_ =	sdelay $0x3  }
0x92: {  	[tilespmem:v56+s18+$0x0] =	vst.idx.msk vm0, v10  }
0x93: {  	v58 =	vor.u32 $0x4, v14;
	v10 =	vld.idx.msk [tilespmem:v57+s15+$0x0], vm0  }
0x94: {  	v59 =	vor.u32 $0x280, v11;
	_ =	sdelay $0x3  }
0x95: {  	[tilespmem:v58+s18+$0x0] =	vst.idx.msk vm0, v10  }
0x96: {  	v60 =	vor.u32 $0x5, v14;
	v10 =	vld.idx.msk [tilespmem:v59+s15+$0x0], vm0  }
0x97: {  	v61 =	vor.u32 $0x300, v11;
	_ =	sdelay $0x3  }
0x98: {  	[tilespmem:v60+s18+$0x0] =	vst.idx.msk vm0, v10  }
0x99: {  	v12 =	vor.u32 v12, v13;
	v62 =	vor.u32 $0x6, v14;
	v10 =	vld.idx.msk [tilespmem:v61+s15+$0x0], vm0  }
0x9a: {  	v13 =	vor.u32 $0x380, v12;
	_ =	sdelay $0x3  }
0x9b: {  	[tilespmem:v62+s18+$0x0] =	vst.idx.msk vm0, v10  }
0x9c: {  	v63 =	vor.u32 $0x7, v14;
	v10 =	vld.idx.msk [tilespmem:v13+s15+$0x0], vm0  }
0x9d: {  	v18 =	vor.u32 $0x2000, v11;
	_ =	sdelay $0x3  }
0x9e: {  	[tilespmem:v63+s18+$0x0] =	vst.idx.msk vm0, v10  }
0x9f: {  	v19 =	vor.u32 $0x8, v14;
	v10 =	vld.idx.msk [tilespmem:v18+s15+$0x0], vm0  }
0xa0: {  	v20 =	vor.u32 $0x2080, v11;
	_ =	sdelay $0x3  }
0xa1: {  	[tilespmem:v19+s18+$0x0] =	vst.idx.msk vm0, v10  }
0xa2: {  	v21 =	vor.u32 $0x9, v14;
	v10 =	vld.idx.msk [tilespmem:v20+s15+$0x0], vm0  }
0xa3: {  	v22 =	vor.u32 $0x2100, v11;
	_ =	sdelay $0x3  }
0xa4: {  	[tilespmem:v21+s18+$0x0] =	vst.idx.msk vm0, v10  }
0xa5: {  	v23 =	vor.u32 $0xA, v14;
	v10 =	vld.idx.msk [tilespmem:v22+s15+$0x0], vm0  }
0xa6: {  	v24 =	vor.u32 $0x2180, v11;
	_ =	sdelay $0x3  }
0xa7: {  	[tilespmem:v23+s18+$0x0] =	vst.idx.msk vm0, v10  }
0xa8: {  	v25 =	vor.u32 $0xB, v14;
	v10 =	vld.idx.msk [tilespmem:v24+s15+$0x0], vm0  }
0xa9: {  	v26 =	vor.u32 $0x2200, v11;
	_ =	sdelay $0x3  }
0xaa: {  	[tilespmem:v25+s18+$0x0] =	vst.idx.msk vm0, v10  }
0xab: {  	v27 =	vor.u32 $0xC, v14;
	v10 =	vld.idx.msk [tilespmem:v26+s15+$0x0], vm0  }
0xac: {  	v28 =	vor.u32 $0x2280, v11;
	_ =	sdelay $0x3  }
0xad: {  	[tilespmem:v27+s18+$0x0] =	vst.idx.msk vm0, v10  }
0xae: {  	v29 =	vor.u32 $0xD, v14;
	v10 =	vld.idx.msk [tilespmem:v28+s15+$0x0], vm0  }
0xaf: {  	v30 =	vor.u32 $0x2300, v11;
	_ =	sdelay $0x3  }
0xb0: {  	[tilespmem:v29+s18+$0x0] =	vst.idx.msk vm0, v10  }
0xb1: {  	v31 =	vor.u32 $0xE, v14;
	v10 =	vld.idx.msk [tilespmem:v30+s15+$0x0], vm0  }
0xb2: {  	v32 =	vor.u32 $0x2380, v12;
	_ =	sdelay $0x3  }
0xb3: {  	[tilespmem:v31+s18+$0x0] =	vst.idx.msk vm0, v10  }
0xb4: {  	v33 =	vor.u32 $0xF, v14;
	v10 =	vld.idx.msk [tilespmem:v32+s15+$0x0], vm0  }
0xb5: {  	v34 =	vor.u32 $0x4000, v11;
	_ =	sdelay $0x3  }
0xb6: {  	[tilespmem:v33+s18+$0x0] =	vst.idx.msk vm0, v10  }
0xb7: {  	v35 =	vor.u32 $0x10, v14;
	v10 =	vld.idx.msk [tilespmem:v34+s15+$0x0], vm0  }
0xb8: {  	v36 =	vor.u32 $0x4080, v11;
	_ =	sdelay $0x3  }
0xb9: {  	[tilespmem:v35+s18+$0x0] =	vst.idx.msk vm0, v10  }
0xba: {  	v37 =	vor.u32 $0x11, v14;
	v10 =	vld.idx.msk [tilespmem:v36+s15+$0x0], vm0  }
0xbb: {  	v38 =	vor.u32 $0x4100, v11;
	_ =	sdelay $0x3  }
0xbc: {  	[tilespmem:v37+s18+$0x0] =	vst.idx.msk vm0, v10  }
0xbd: {  	v39 =	vor.u32 $0x12, v14;
	v10 =	vld.idx.msk [tilespmem:v38+s15+$0x0], vm0  }
0xbe: {  	v40 =	vor.u32 $0x4180, v11;
	_ =	sdelay $0x3  }
0xbf: {  	[tilespmem:v39+s18+$0x0] =	vst.idx.msk vm0, v10  }
0xc0: {  	v41 =	vor.u32 $0x13, v14;
	v10 =	vld.idx.msk [tilespmem:v40+s15+$0x0], vm0  }
0xc1: {  	v42 =	vor.u32 $0x4200, v11;
	_ =	sdelay $0x3  }
0xc2: {  	[tilespmem:v41+s18+$0x0] =	vst.idx.msk vm0, v10  }
0xc3: {  	v43 =	vor.u32 $0x14, v14;
	v10 =	vld.idx.msk [tilespmem:v42+s15+$0x0], vm0  }
0xc4: {  	v44 =	vor.u32 $0x4280, v11;
	_ =	sdelay $0x3  }
0xc5: {  	[tilespmem:v43+s18+$0x0] =	vst.idx.msk vm0, v10  }
0xc6: {  	v45 =	vor.u32 $0x15, v14;
	v10 =	vld.idx.msk [tilespmem:v44+s15+$0x0], vm0  }
0xc7: {  	v46 =	vor.u32 $0x4300, v11;
	_ =	sdelay $0x3  }
0xc8: {  	[tilespmem:v45+s18+$0x0] =	vst.idx.msk vm0, v10  }
0xc9: {  	v47 =	vor.u32 $0x16, v14;
	v10 =	vld.idx.msk [tilespmem:v46+s15+$0x0], vm0  }
0xca: {  	v48 =	vor.u32 $0x4380, v12;
	_ =	sdelay $0x3  }
0xcb: {  	[tilespmem:v47+s18+$0x0] =	vst.idx.msk vm0, v10  }
0xcc: {  	v49 =	vor.u32 $0x17, v14;
	v10 =	vld.idx.msk [tilespmem:v48+s15+$0x0], vm0  }
0xcd: {  	v50 =	vor.u32 $0x6000, v11;
	_ =	sdelay $0x3  }
0xce: {  	[tilespmem:v49+s18+$0x0] =	vst.idx.msk vm0, v10  }
0xcf: {  	v51 =	vor.u32 $0x18, v14;
	v10 =	vld.idx.msk [tilespmem:v50+s15+$0x0], vm0  }
0xd0: {  	v52 =	vor.u32 $0x6080, v11;
	_ =	sdelay $0x3  }
0xd1: {  	[tilespmem:v51+s18+$0x0] =	vst.idx.msk vm0, v10  }
0xd2: {  	v53 =	vor.u32 $0x19, v14;
	v10 =	vld.idx.msk [tilespmem:v52+s15+$0x0], vm0  }
0xd3: {  	v54 =	vor.u32 $0x6100, v11;
	_ =	sdelay $0x3  }
0xd4: {  	[tilespmem:v53+s18+$0x0] =	vst.idx.msk vm0, v10  }
0xd5: {  	v55 =	vor.u32 $0x1A, v14;
	v10 =	vld.idx.msk [tilespmem:v54+s15+$0x0], vm0  }
0xd6: {  	v56 =	vor.u32 $0x6180, v11;
	_ =	sdelay $0x3  }
0xd7: {  	[tilespmem:v55+s18+$0x0] =	vst.idx.msk vm0, v10  }
0xd8: {  	v57 =	vor.u32 $0x1B, v14;
	v10 =	vld.idx.msk [tilespmem:v56+s15+$0x0], vm0  }
0xd9: {  	v58 =	vor.u32 $0x6200, v11;
	_ =	sdelay $0x3  }
0xda: {  	[tilespmem:v57+s18+$0x0] =	vst.idx.msk vm0, v10  }
0xdb: {  	v59 =	vor.u32 $0x1C, v14;
	v10 =	vld.idx.msk [tilespmem:v58+s15+$0x0], vm0  }
0xdc: {  	v60 =	vor.u32 $0x6280, v11;
	_ =	sdelay $0x3  }
0xdd: {  	[tilespmem:v59+s18+$0x0] =	vst.idx.msk vm0, v10  }
0xde: {  	v61 =	vor.u32 $0x1D, v14;
	v10 =	vld.idx.msk [tilespmem:v60+s15+$0x0], vm0  }
0xdf: {  	v11 =	vor.u32 $0x6300, v11;
	_ =	sdelay $0x3  }
0xe0: {  	[tilespmem:v61+s18+$0x0] =	vst.idx.msk vm0, v10  }
0xe1: {  	v62 =	vor.u32 $0x1E, v14;
	v10 =	vld.idx.msk [tilespmem:v11+s15+$0x0], vm0  }
0xe2: {  	v12 =	vor.u32 $0x6380, v12;
	_ =	sdelay $0x3  }
0xe3: {  	[tilespmem:v62+s18+$0x0] =	vst.idx.msk vm0, v10  }
0xe4: {  	v63 =	vor.u32 $0x1F, v14;
	v10 =	vld.idx.msk [tilespmem:v12+s15+$0x0], vm0;
	_ =	sdelay $0x1  }
.Ltmp10:
0xe5: {  	_ = 	snop;
	(pc) =	sbr.rel .LBB2_9-.Ltmp10, $3  }
0xe6: {  	_ =	sdelay $0x1  }
0xe7: {  	[tilespmem:v63+s18+$0x0] =	vst.idx.msk vm0, v10  }
0xe8: {  	s25 =	sadd.s32 s31, s25;
	[tilespmem:v9+s19+$0x0] =	vst.idx.msk vm0, v8  }
.LBB2_11:
.Ltmp11:
0xe9: {  	(pc) =	sbr.rel @p1 .LBB2_16-.Ltmp11, $4  }
0xea: {  	_ = 	snop  }
0xeb: {  	_ =	swait.ge [sflag:s22], $0x8000  }
0xec: {  	[sflag:s22] =	ssyncset.done $0x0  }
0xed: {  	[sflag:s22] =	ssyncadd.s32 $0xFFFF8000  }
.Ltmp12:
0xee: {  	(pc) =	sbr.rel .LBB2_13-.Ltmp12, $3  }
0xef: {  	_ =	sdelay $0x1  }
0xf0: {  	s0 =	sadd.s32 $0x400, s28  }
0xf1: {  	v6 =	vmov s28;
	s28 =	simm.s32 $0x4000;
	s29 =	simm.s32 $0x0;
	s30 =	smov.u32 s24;
	v7 =	vmov s0  }
.LBB2_15:
0xf2: {  	s30 =	sadd.s32 $0xFFFFFFFF, s30  }
0xf3: {  	p2 =	sne.s32 s30, $0x0  }
.Ltmp13:
0xf4: {  	_ = 	snop;
	(pc) =	sbr.rel @!p2 .LBB2_16-.Ltmp13, $2  }
0xf5: {  	_ =	sdelay $0x2  }
0xf6: {  	s28 =	sadd.s32 $0x10, s28;
	s29 =	sadd.s32 $0x10, s29  }
.LBB2_13:
0xf7: {  	v8 =	vld [tilespmem:s28+$0x0];
	_ =	sdelay $0x4  }
0xf8: {  	v9 =	vand.u32 $0x3FFF, v8;
	_ =	sdelay $0x4  }
0xf9: {  	v9 =	vld.idx.msk [tilespmem:v9+s5+$0x0], $0xffff;
	_ =	sdelay $0x3  }
0xfa: {  	v10 =	vor.u32 s29, v2  }
0xfb: {  	vm0 =	vlt.s32 v10, v5;
	vm1 =	vlt.s32 v9, v7  }
0xfc: {  	vm2 =	vge.s32 v9, v6;
	vm0 =	vmand vm0, vm1  }
0xfd: {  	vm0 =	vmand vm0, vm2  }
0xfe: {  	v10 =	vmpcnt.ones.xlane vm0;
	_ =	sdelay $0x1  }
0xff: {  	(v2sf) =	vpush v10, $0x0;
	_ =	sdelay $0xe  }
0x100: {  	s31 =	spop (v2sf)  }
0x101: {  	p2 =	slt.s32 s31, $0x1  }
.Ltmp14:
0x102: {  	_ = 	snop;
	(pc) =	sbr.rel @p2 .LBB2_15-.Ltmp14, $1  }
0x103: {  	_ =	sdelay $0x3  }
0x104: {  	s0 =	sadd.s32 s25, s31  }
0x105: {  	p2 =	slt.s32 s0, $0x81  }
0x106: {  	(ifvalue) =	ssetifvalue @!p2 $0xFFFFFFFF;
	s1 =	simm.s32 @!p2 $0x80  }
0x107: {  	s3 =	simm.s32 @!p2 $0x1C080;
	s4 =	simm.s32 @!p2 $0x18080;
	(ifvalue) =	ssetifvalue @!p2 $0xFFFFFFFF  }
0x108: {  	[hbm4b:s6+s1] =	stream.indirect.scatter @!p2 [tilespmem:s4], [sflag:$0x3], $0x80, s3, s1, $0x40b8;
	[tilespmem:$0x1C100] =	vst v63  }
0x109: {  	s1 =	simm.s32 @!p2 $0x3  }
0x10a: {  	v9 =	vsub.s32 v9, v6;
	_ =	swait.ge @!p2 [sflag:s1], $0x4000  }
0x10b: {  	vm1 =	vgt.s32 v9, $0x0;
	[sflag:s1] =	ssyncset.done @!p2 $0x0  }
0x10c: {  	v11 =	vsel vm0, $0x1, v4;
	v10 =	vimm.s32 @!p2 $0xFFFFFFFF;
	v9 =	vnsel vm1, $0x0, v9;
	[sflag:s1] =	ssyncadd.s32 @!p2 $0xFFFFC000  }
0x10d: {  	v12 =	vmin.u32 v9, $0x3FF;
	(xrf0) =	vadd.scan.msk.s32 $0xffff, v11;
	[tilespmem:$0x1C080] =	vst @!p2 v10  }
0x10e: {  	p3 =	sgt.s32 s0, $0x80;
	v9 =	vshll.u32 v12, $0x3;
	[tilespmem:$0x1C090] =	vst @!p2 v10  }
0x10f: {  	s25 =	simm.s32 @p3 $0x0;
	v51 =	vand.u32 $0x7F, v12;
	v13 =	vand.u32 $0x1C00, v9;
	[tilespmem:$0x1C0A0] =	vst @!p2 v10  }
0x110: {  	v52 =	vmov s25;
	v11 =	vor.u32 v51, v13;
	[tilespmem:$0x1C0B0] =	vst @!p2 v10  }
0x111: {  	v9 =	vadd.s32 $0xFFFFFFFF, v52;
	[tilespmem:$0x1C0C0] =	vst @!p2 v10  }
0x112: {  	v9 =	vbroadcast v9, $0x0;
	[tilespmem:$0x1C0D0] =	vst @!p2 v10  }
0x113: {  	[tilespmem:$0x1C0E0] =	vst @!p2 v10;
	v14, _, _ =	vpop (xrf0)  }
0x114: {  	[tilespmem:$0x1C0F0] =	vst @!p2 v10;
	v9 =	vadd.s32 v14, v9  }
0x115: {  	v10 =	vld.idx.msk [tilespmem:v11+s16+$0x0], vm0;
	v14 =	vshll.u32 v9, $0x7  }
0x116: {  	v15 =	vor.u32 $0x80, v11;
	_ =	sdelay $0x3  }
0x117: {  	[tilespmem:v14+s18+$0x0] =	vst.idx.msk vm0, v10  }
0x118: {  	v53 =	vor.u32 $0x1, v14;
	v10 =	vld.idx.msk [tilespmem:v15+s16+$0x0], vm0  }
0x119: {  	v16 =	vor.u32 $0x100, v11;
	_ =	sdelay $0x3  }
0x11a: {  	[tilespmem:v53+s18+$0x0] =	vst.idx.msk vm0, v10  }
0x11b: {  	v54 =	vor.u32 $0x2, v14;
	v10 =	vld.idx.msk [tilespmem:v16+s16+$0x0], vm0  }
0x11c: {  	v55 =	vor.u32 $0x180, v11;
	_ =	sdelay $0x3  }
0x11d: {  	[tilespmem:v54+s18+$0x0] =	vst.idx.msk vm0, v10  }
0x11e: {  	v56 =	vor.u32 $0x3, v14;
	v10 =	vld.idx.msk [tilespmem:v55+s16+$0x0], vm0  }
0x11f: {  	v57 =	vor.u32 $0x200, v11;
	_ =	sdelay $0x3  }
0x120: {  	[tilespmem:v56+s18+$0x0] =	vst.idx.msk vm0, v10  }
0x121: {  	v58 =	vor.u32 $0x4, v14;
	v10 =	vld.idx.msk [tilespmem:v57+s16+$0x0], vm0  }
0x122: {  	v59 =	vor.u32 $0x280, v11;
	_ =	sdelay $0x3  }
0x123: {  	[tilespmem:v58+s18+$0x0] =	vst.idx.msk vm0, v10  }
0x124: {  	v60 =	vor.u32 $0x5, v14;
	v10 =	vld.idx.msk [tilespmem:v59+s16+$0x0], vm0  }
0x125: {  	v61 =	vor.u32 $0x300, v11;
	_ =	sdelay $0x3  }
0x126: {  	[tilespmem:v60+s18+$0x0] =	vst.idx.msk vm0, v10  }
0x127: {  	v12 =	vor.u32 v12, v13;
	v62 =	vor.u32 $0x6, v14;
	v10 =	vld.idx.msk [tilespmem:v61+s16+$0x0], vm0  }
0x128: {  	v13 =	vor.u32 $0x380, v12;
	_ =	sdelay $0x3  }
0x129: {  	[tilespmem:v62+s18+$0x0] =	vst.idx.msk vm0, v10  }
0x12a: {  	v63 =	vor.u32 $0x7, v14;
	v10 =	vld.idx.msk [tilespmem:v13+s16+$0x0], vm0  }
0x12b: {  	v18 =	vor.u32 $0x2000, v11;
	_ =	sdelay $0x3  }
0x12c: {  	[tilespmem:v63+s18+$0x0] =	vst.idx.msk vm0, v10  }
0x12d: {  	v19 =	vor.u32 $0x8, v14;
	v10 =	vld.idx.msk [tilespmem:v18+s16+$0x0], vm0  }
0x12e: {  	v20 =	vor.u32 $0x2080, v11;
	_ =	sdelay $0x3  }
0x12f: {  	[tilespmem:v19+s18+$0x0] =	vst.idx.msk vm0, v10  }
0x130: {  	v21 =	vor.u32 $0x9, v14;
	v10 =	vld.idx.msk [tilespmem:v20+s16+$0x0], vm0  }
0x131: {  	v22 =	vor.u32 $0x2100, v11;
	_ =	sdelay $0x3  }
0x132: {  	[tilespmem:v21+s18+$0x0] =	vst.idx.msk vm0, v10  }
0x133: {  	v23 =	vor.u32 $0xA, v14;
	v10 =	vld.idx.msk [tilespmem:v22+s16+$0x0], vm0  }
0x134: {  	v24 =	vor.u32 $0x2180, v11;
	_ =	sdelay $0x3  }
0x135: {  	[tilespmem:v23+s18+$0x0] =	vst.idx.msk vm0, v10  }
0x136: {  	v25 =	vor.u32 $0xB, v14;
	v10 =	vld.idx.msk [tilespmem:v24+s16+$0x0], vm0  }
0x137: {  	v26 =	vor.u32 $0x2200, v11;
	_ =	sdelay $0x3  }
0x138: {  	[tilespmem:v25+s18+$0x0] =	vst.idx.msk vm0, v10  }
0x139: {  	v27 =	vor.u32 $0xC, v14;
	v10 =	vld.idx.msk [tilespmem:v26+s16+$0x0], vm0  }
0x13a: {  	v28 =	vor.u32 $0x2280, v11;
	_ =	sdelay $0x3  }
0x13b: {  	[tilespmem:v27+s18+$0x0] =	vst.idx.msk vm0, v10  }
0x13c: {  	v29 =	vor.u32 $0xD, v14;
	v10 =	vld.idx.msk [tilespmem:v28+s16+$0x0], vm0  }
0x13d: {  	v30 =	vor.u32 $0x2300, v11;
	_ =	sdelay $0x3  }
0x13e: {  	[tilespmem:v29+s18+$0x0] =	vst.idx.msk vm0, v10  }
0x13f: {  	v31 =	vor.u32 $0xE, v14;
	v10 =	vld.idx.msk [tilespmem:v30+s16+$0x0], vm0  }
0x140: {  	v32 =	vor.u32 $0x2380, v12;
	_ =	sdelay $0x3  }
0x141: {  	[tilespmem:v31+s18+$0x0] =	vst.idx.msk vm0, v10  }
0x142: {  	v33 =	vor.u32 $0xF, v14;
	v10 =	vld.idx.msk [tilespmem:v32+s16+$0x0], vm0  }
0x143: {  	v34 =	vor.u32 $0x4000, v11;
	_ =	sdelay $0x3  }
0x144: {  	[tilespmem:v33+s18+$0x0] =	vst.idx.msk vm0, v10  }
0x145: {  	v35 =	vor.u32 $0x10, v14;
	v10 =	vld.idx.msk [tilespmem:v34+s16+$0x0], vm0  }
0x146: {  	v36 =	vor.u32 $0x4080, v11;
	_ =	sdelay $0x3  }
0x147: {  	[tilespmem:v35+s18+$0x0] =	vst.idx.msk vm0, v10  }
0x148: {  	v37 =	vor.u32 $0x11, v14;
	v10 =	vld.idx.msk [tilespmem:v36+s16+$0x0], vm0  }
0x149: {  	v38 =	vor.u32 $0x4100, v11;
	_ =	sdelay $0x3  }
0x14a: {  	[tilespmem:v37+s18+$0x0] =	vst.idx.msk vm0, v10  }
0x14b: {  	v39 =	vor.u32 $0x12, v14;
	v10 =	vld.idx.msk [tilespmem:v38+s16+$0x0], vm0  }
0x14c: {  	v40 =	vor.u32 $0x4180, v11;
	_ =	sdelay $0x3  }
0x14d: {  	[tilespmem:v39+s18+$0x0] =	vst.idx.msk vm0, v10  }
0x14e: {  	v41 =	vor.u32 $0x13, v14;
	v10 =	vld.idx.msk [tilespmem:v40+s16+$0x0], vm0  }
0x14f: {  	v42 =	vor.u32 $0x4200, v11;
	_ =	sdelay $0x3  }
0x150: {  	[tilespmem:v41+s18+$0x0] =	vst.idx.msk vm0, v10  }
0x151: {  	v43 =	vor.u32 $0x14, v14;
	v10 =	vld.idx.msk [tilespmem:v42+s16+$0x0], vm0  }
0x152: {  	v44 =	vor.u32 $0x4280, v11;
	_ =	sdelay $0x3  }
0x153: {  	[tilespmem:v43+s18+$0x0] =	vst.idx.msk vm0, v10  }
0x154: {  	v45 =	vor.u32 $0x15, v14;
	v10 =	vld.idx.msk [tilespmem:v44+s16+$0x0], vm0  }
0x155: {  	v46 =	vor.u32 $0x4300, v11;
	_ =	sdelay $0x3  }
0x156: {  	[tilespmem:v45+s18+$0x0] =	vst.idx.msk vm0, v10  }
0x157: {  	v47 =	vor.u32 $0x16, v14;
	v10 =	vld.idx.msk [tilespmem:v46+s16+$0x0], vm0  }
0x158: {  	v48 =	vor.u32 $0x4380, v12;
	_ =	sdelay $0x3  }
0x159: {  	[tilespmem:v47+s18+$0x0] =	vst.idx.msk vm0, v10  }
0x15a: {  	v49 =	vor.u32 $0x17, v14;
	v10 =	vld.idx.msk [tilespmem:v48+s16+$0x0], vm0  }
0x15b: {  	v50 =	vor.u32 $0x6000, v11;
	_ =	sdelay $0x3  }
0x15c: {  	[tilespmem:v49+s18+$0x0] =	vst.idx.msk vm0, v10  }
0x15d: {  	v51 =	vor.u32 $0x18, v14;
	v10 =	vld.idx.msk [tilespmem:v50+s16+$0x0], vm0  }
0x15e: {  	v52 =	vor.u32 $0x6080, v11;
	_ =	sdelay $0x3  }
0x15f: {  	[tilespmem:v51+s18+$0x0] =	vst.idx.msk vm0, v10  }
0x160: {  	v53 =	vor.u32 $0x19, v14;
	v10 =	vld.idx.msk [tilespmem:v52+s16+$0x0], vm0  }
0x161: {  	v54 =	vor.u32 $0x6100, v11;
	_ =	sdelay $0x3  }
0x162: {  	[tilespmem:v53+s18+$0x0] =	vst.idx.msk vm0, v10  }
0x163: {  	v55 =	vor.u32 $0x1A, v14;
	v10 =	vld.idx.msk [tilespmem:v54+s16+$0x0], vm0  }
0x164: {  	v56 =	vor.u32 $0x6180, v11;
	_ =	sdelay $0x3  }
0x165: {  	[tilespmem:v55+s18+$0x0] =	vst.idx.msk vm0, v10  }
0x166: {  	v57 =	vor.u32 $0x1B, v14;
	v10 =	vld.idx.msk [tilespmem:v56+s16+$0x0], vm0  }
0x167: {  	v58 =	vor.u32 $0x6200, v11;
	_ =	sdelay $0x3  }
0x168: {  	[tilespmem:v57+s18+$0x0] =	vst.idx.msk vm0, v10  }
0x169: {  	v59 =	vor.u32 $0x1C, v14;
	v10 =	vld.idx.msk [tilespmem:v58+s16+$0x0], vm0  }
0x16a: {  	v60 =	vor.u32 $0x6280, v11;
	_ =	sdelay $0x3  }
0x16b: {  	[tilespmem:v59+s18+$0x0] =	vst.idx.msk vm0, v10  }
0x16c: {  	v61 =	vor.u32 $0x1D, v14;
	v10 =	vld.idx.msk [tilespmem:v60+s16+$0x0], vm0  }
0x16d: {  	v11 =	vor.u32 $0x6300, v11;
	_ =	sdelay $0x3  }
0x16e: {  	[tilespmem:v61+s18+$0x0] =	vst.idx.msk vm0, v10  }
0x16f: {  	v62 =	vor.u32 $0x1E, v14;
	v10 =	vld.idx.msk [tilespmem:v11+s16+$0x0], vm0  }
0x170: {  	v12 =	vor.u32 $0x6380, v12;
	_ =	sdelay $0x3  }
0x171: {  	[tilespmem:v62+s18+$0x0] =	vst.idx.msk vm0, v10  }
0x172: {  	v63 =	vor.u32 $0x1F, v14;
	v10 =	vld.idx.msk [tilespmem:v12+s16+$0x0], vm0;
	_ =	sdelay $0x1  }
.Ltmp15:
0x173: {  	_ = 	snop;
	(pc) =	sbr.rel .LBB2_15-.Ltmp15, $3  }
0x174: {  	_ =	sdelay $0x1  }
0x175: {  	[tilespmem:v63+s18+$0x0] =	vst.idx.msk vm0, v10  }
0x176: {  	s25 =	sadd.s32 s31, s25;
	[tilespmem:v9+s19+$0x0] =	vst.idx.msk vm0, v8  }
.LBB2_10:
0x177: {  	s0 =	sadd.s32 $0x2, s26  }
0x178: {  	p2 =	sge.u32 s0, s7  }
.Ltmp16:
0x179: {  	s0 =	sadd.s32 @!p2 s8, s0;
	(pc) =	sbr.rel .LBB2_17-.Ltmp16, $4  }
0x17a: {  	s0 =	sshll.u32 @!p2 s0, $0xA  }
0x17b: {  	s1 =	simm.s32 @!p2 $0x2000;
	s0 =	sand.u32 @!p2 $0x1FFFFC00, s0  }
0x17c: {  	s3 =	simm.s32 @!p2 $0x7A1400;
	s4 =	simm.s32 @!p2 $0x8080;
	s0 =	sadd.s32 @!p2 s2, s0  }
0x17d: {  	[tilespmem:s4], [sflag:$0x1] =	stream.strided.gather @!p2 [hbm4b:s0+s1], $0x8000, s3, s1, $0x38;
	[tilespmem:$0x1C100] =	vst v63  }
.LBB2_18:
0x17e: {  	s26 =	simm.s32 @!p0 $0x0  }
0x17f: {  	s0 =	simm.s32 @!p0 $0x8080;
	s1 =	rddreg [dreg:$0x2];
	p1 =	slt.s32 @!p0 s24, $0x1  }
0x180: {  	[tilespmem:s0], [sflag:$0x4] =	stream.linear.gather @!p0 [hbm4b:s1+s26], $0x6000, $0x38;
	[tilespmem:$0x1C100] =	vst v63  }
0x181: {  	p1 =	por p0, p1  }
.Ltmp17:
0x182: {  	_ = 	snop;
	(pc) =	sbr.rel @!p1 .LBB2_19-.Ltmp17, $4  }
.Ltmp18:
0x183: {  	s0 =	simm.s32 @!p0 $0x4;
	(pc) =	sbr.rel @p1 .LBB2_22-.Ltmp18, $4  }
0x184: {  	_ =	swait.ge @!p0 [sflag:s0], $0x6000  }
0x185: {  	[sflag:s0] =	ssyncset.done @!p0 $0x0  }
0x186: {  	s28 =	simm.s32 @!p0 $0x4000;
	[sflag:s0] =	ssyncadd.s32 @!p0 $0xFFFFA000  }
0x187: {  	_ = 	snop  }
.LBB2_21:
0x188: {  	s24 =	sadd.s32 $0xFFFFFFFF, s24  }
0x189: {  	p1 =	sne.s32 s24, $0x0  }
.Ltmp19:
0x18a: {  	_ = 	snop;
	(pc) =	sbr.rel @!p1 .LBB2_22-.Ltmp19, $2  }
0x18b: {  	_ =	sdelay $0x2  }
0x18c: {  	s28 =	sadd.s32 $0x10, s28;
	s26 =	sadd.s32 $0x10, s26  }
.LBB2_19:
0x18d: {  	v6 =	vld [tilespmem:s28+$0x0];
	_ =	sdelay $0x4  }
0x18e: {  	v7 =	vand.u32 $0x3FFF, v6;
	_ =	sdelay $0x4  }
0x18f: {  	v7 =	vld.idx.msk [tilespmem:v7+s5+$0x0], $0xffff;
	_ =	sdelay $0x4  }
0x190: {  	v8 =	vor.u32 s26, v2;
	v9 =	vadd.s32 $0xFFF0C000, v7  }
0x191: {  	vm0 =	vlt.s32 v8, v5;
	vm1 =	vlt.u32 v9, $0x240  }
0x192: {  	vm0 =	vmand vm0, vm1  }
0x193: {  	v8 =	vmpcnt.ones.xlane vm0;
	_ =	sdelay $0x1  }
0x194: {  	(v2sf) =	vpush v8, $0x0;
	_ =	sdelay $0xe  }
0x195: {  	s29 =	spop (v2sf)  }
0x196: {  	p1 =	slt.s32 s29, $0x1  }
.Ltmp20:
0x197: {  	_ = 	snop;
	(pc) =	sbr.rel @p1 .LBB2_21-.Ltmp20, $1  }
0x198: {  	_ =	sdelay $0x3  }
0x199: {  	s0 =	sadd.s32 s25, s29  }
0x19a: {  	p1 =	slt.s32 s0, $0x81  }
0x19b: {  	(ifvalue) =	ssetifvalue @!p1 $0xFFFFFFFF;
	s1 =	simm.s32 @!p1 $0x80  }
0x19c: {  	s3 =	simm.s32 @!p1 $0x1C080;
	s4 =	simm.s32 @!p1 $0x18080;
	(ifvalue) =	ssetifvalue @!p1 $0xFFFFFFFF  }
0x19d: {  	v7 =	vadd.s32 $0xFFF0C0C0, v7;
	[hbm4b:s6+s1] =	stream.indirect.scatter @!p1 [tilespmem:s4], [sflag:$0x3], $0x80, s3, s1, $0x40b8;
	[tilespmem:$0x1C100] =	vst v63  }
0x19e: {  	vm1 =	vgt.s32 v7, $0x0;
	s1 =	simm.s32 @!p1 $0x3  }
0x19f: {  	v7 =	vnsel vm1, $0x0, v7;
	_ =	swait.ge @!p1 [sflag:s1], $0x4000  }
0x1a0: {  	v9 =	vsel vm0, $0x1, v4;
	v8 =	vimm.s32 @!p1 $0xFFFFFFFF;
	v7 =	vmin.u32 v7, $0x2FF;
	[sflag:s1] =	ssyncset.done @!p1 $0x0  }
0x1a1: {  	v10 =	vshll.u32 v7, $0x5;
	v11 =	vshll.u32 v7, $0x8;
	v7 =	vshll.u32 v7, $0x2;
	[sflag:s1] =	ssyncadd.s32 @!p1 $0xFFFFC000  }
0x1a2: {  	(xrf0) =	vadd.scan.msk.s32 $0xffff, v9;
	v48 =	vand.u32 $0x6000, v10;
	v11 =	vand.u32 $0x1C00, v11;
	[tilespmem:$0x1C080] =	vst @!p1 v8  }
0x1a3: {  	p2 =	sgt.s32 s0, $0x80;
	v7 =	vand.u32 $0x380, v7;
	v9 =	vor.u32 v11, v48;
	[tilespmem:$0x1C090] =	vst @!p1 v8  }
0x1a4: {  	s25 =	simm.s32 @p2 $0x0;
	v10 =	vand.u32 $0x60, v10;
	[tilespmem:$0x1C0A0] =	vst @!p1 v8;
	v7 =	vor.u32 v7, v9  }
0x1a5: {  	v49 =	vmov s25;
	[tilespmem:$0x1C0B0] =	vst @!p1 v8;
	v7 =	vor.u32 v10, v7  }
0x1a6: {  	[tilespmem:$0x1C0C0] =	vst @!p1 v8;
	v9 =	vadd.s32 $0xFFFFFFFF, v49  }
0x1a7: {  	[tilespmem:$0x1C0D0] =	vst @!p1 v8;
	v9 =	vbroadcast v9, $0x0  }
0x1a8: {  	[tilespmem:$0x1C0E0] =	vst @!p1 v8;
	v50, _, _ =	vpop (xrf0)  }
0x1a9: {  	[tilespmem:$0x1C0F0] =	vst @!p1 v8;
	v8 =	vadd.s32 v50, v9  }
0x1aa: {  	v51 =	vld.idx.msk [tilespmem:v7+s15+$0x0], vm0;
	v10 =	vshll.u32 v8, $0x7  }
0x1ab: {  	v52 =	vor.u32 $0x1, v7;
	_ =	sdelay $0x3  }
0x1ac: {  	[tilespmem:v10+s18+$0x0] =	vst.idx.msk vm0, v51  }
0x1ad: {  	v53 =	vor.u32 $0x1, v10;
	v9 =	vld.idx.msk [tilespmem:v52+s15+$0x0], vm0  }
0x1ae: {  	v12 =	vor.u32 $0x2, v7;
	_ =	sdelay $0x3  }
0x1af: {  	[tilespmem:v53+s18+$0x0] =	vst.idx.msk vm0, v9  }
0x1b0: {  	v54 =	vor.u32 $0x2, v10;
	v9 =	vld.idx.msk [tilespmem:v12+s15+$0x0], vm0  }
0x1b1: {  	v55 =	vor.u32 $0x3, v7;
	_ =	sdelay $0x3  }
0x1b2: {  	[tilespmem:v54+s18+$0x0] =	vst.idx.msk vm0, v9  }
0x1b3: {  	v56 =	vor.u32 $0x3, v10;
	v9 =	vld.idx.msk [tilespmem:v55+s15+$0x0], vm0  }
0x1b4: {  	v57 =	vor.u32 $0x4, v7;
	_ =	sdelay $0x3  }
0x1b5: {  	[tilespmem:v56+s18+$0x0] =	vst.idx.msk vm0, v9  }
0x1b6: {  	v58 =	vor.u32 $0x4, v10;
	v9 =	vld.idx.msk [tilespmem:v57+s15+$0x0], vm0  }
0x1b7: {  	v59 =	vor.u32 $0x5, v7;
	_ =	sdelay $0x3  }
0x1b8: {  	[tilespmem:v58+s18+$0x0] =	vst.idx.msk vm0, v9  }
0x1b9: {  	v60 =	vor.u32 $0x5, v10;
	v9 =	vld.idx.msk [tilespmem:v59+s15+$0x0], vm0  }
0x1ba: {  	v61 =	vor.u32 $0x6, v7;
	_ =	sdelay $0x3  }
0x1bb: {  	[tilespmem:v60+s18+$0x0] =	vst.idx.msk vm0, v9  }
0x1bc: {  	v62 =	vor.u32 $0x6, v10;
	v9 =	vld.idx.msk [tilespmem:v61+s15+$0x0], vm0  }
0x1bd: {  	v63 =	vor.u32 $0x7, v7;
	_ =	sdelay $0x3  }
0x1be: {  	[tilespmem:v62+s18+$0x0] =	vst.idx.msk vm0, v9  }
0x1bf: {  	v16 =	vor.u32 $0x7, v10;
	v9 =	vld.idx.msk [tilespmem:v63+s15+$0x0], vm0  }
0x1c0: {  	v17 =	vor.u32 $0x8, v7;
	_ =	sdelay $0x3  }
0x1c1: {  	[tilespmem:v16+s18+$0x0] =	vst.idx.msk vm0, v9  }
0x1c2: {  	v18 =	vor.u32 $0x8, v10;
	v9 =	vld.idx.msk [tilespmem:v17+s15+$0x0], vm0  }
0x1c3: {  	v19 =	vor.u32 $0x9, v7;
	_ =	sdelay $0x3  }
0x1c4: {  	[tilespmem:v18+s18+$0x0] =	vst.idx.msk vm0, v9  }
0x1c5: {  	v20 =	vor.u32 $0x9, v10;
	v9 =	vld.idx.msk [tilespmem:v19+s15+$0x0], vm0  }
0x1c6: {  	v21 =	vor.u32 $0xA, v7;
	_ =	sdelay $0x3  }
0x1c7: {  	[tilespmem:v20+s18+$0x0] =	vst.idx.msk vm0, v9  }
0x1c8: {  	v22 =	vor.u32 $0xA, v10;
	v9 =	vld.idx.msk [tilespmem:v21+s15+$0x0], vm0  }
0x1c9: {  	v23 =	vor.u32 $0xB, v7;
	_ =	sdelay $0x3  }
0x1ca: {  	[tilespmem:v22+s18+$0x0] =	vst.idx.msk vm0, v9  }
0x1cb: {  	v24 =	vor.u32 $0xB, v10;
	v9 =	vld.idx.msk [tilespmem:v23+s15+$0x0], vm0  }
0x1cc: {  	v25 =	vor.u32 $0xC, v7;
	_ =	sdelay $0x3  }
0x1cd: {  	[tilespmem:v24+s18+$0x0] =	vst.idx.msk vm0, v9  }
0x1ce: {  	v26 =	vor.u32 $0xC, v10;
	v9 =	vld.idx.msk [tilespmem:v25+s15+$0x0], vm0  }
0x1cf: {  	v27 =	vor.u32 $0xD, v7;
	_ =	sdelay $0x3  }
0x1d0: {  	[tilespmem:v26+s18+$0x0] =	vst.idx.msk vm0, v9  }
0x1d1: {  	v28 =	vor.u32 $0xD, v10;
	v9 =	vld.idx.msk [tilespmem:v27+s15+$0x0], vm0  }
0x1d2: {  	v29 =	vor.u32 $0xE, v7;
	_ =	sdelay $0x3  }
0x1d3: {  	[tilespmem:v28+s18+$0x0] =	vst.idx.msk vm0, v9  }
0x1d4: {  	v30 =	vor.u32 $0xE, v10;
	v9 =	vld.idx.msk [tilespmem:v29+s15+$0x0], vm0  }
0x1d5: {  	v31 =	vor.u32 $0xF, v7;
	_ =	sdelay $0x3  }
0x1d6: {  	[tilespmem:v30+s18+$0x0] =	vst.idx.msk vm0, v9  }
0x1d7: {  	v32 =	vor.u32 $0xF, v10;
	v9 =	vld.idx.msk [tilespmem:v31+s15+$0x0], vm0  }
0x1d8: {  	v33 =	vor.u32 $0x10, v7;
	_ =	sdelay $0x3  }
0x1d9: {  	[tilespmem:v32+s18+$0x0] =	vst.idx.msk vm0, v9  }
0x1da: {  	v34 =	vor.u32 $0x10, v10;
	v9 =	vld.idx.msk [tilespmem:v33+s15+$0x0], vm0  }
0x1db: {  	v35 =	vor.u32 $0x11, v7;
	_ =	sdelay $0x3  }
0x1dc: {  	[tilespmem:v34+s18+$0x0] =	vst.idx.msk vm0, v9  }
0x1dd: {  	v36 =	vor.u32 $0x11, v10;
	v9 =	vld.idx.msk [tilespmem:v35+s15+$0x0], vm0  }
0x1de: {  	v37 =	vor.u32 $0x12, v7;
	_ =	sdelay $0x3  }
0x1df: {  	[tilespmem:v36+s18+$0x0] =	vst.idx.msk vm0, v9  }
0x1e0: {  	v38 =	vor.u32 $0x12, v10;
	v9 =	vld.idx.msk [tilespmem:v37+s15+$0x0], vm0  }
0x1e1: {  	v39 =	vor.u32 $0x13, v7;
	_ =	sdelay $0x3  }
0x1e2: {  	[tilespmem:v38+s18+$0x0] =	vst.idx.msk vm0, v9  }
0x1e3: {  	v40 =	vor.u32 $0x13, v10;
	v9 =	vld.idx.msk [tilespmem:v39+s15+$0x0], vm0  }
0x1e4: {  	v41 =	vor.u32 $0x14, v7;
	_ =	sdelay $0x3  }
0x1e5: {  	[tilespmem:v40+s18+$0x0] =	vst.idx.msk vm0, v9  }
0x1e6: {  	v42 =	vor.u32 $0x14, v10;
	v9 =	vld.idx.msk [tilespmem:v41+s15+$0x0], vm0  }
0x1e7: {  	v43 =	vor.u32 $0x15, v7;
	_ =	sdelay $0x3  }
0x1e8: {  	[tilespmem:v42+s18+$0x0] =	vst.idx.msk vm0, v9  }
0x1e9: {  	v44 =	vor.u32 $0x15, v10;
	v9 =	vld.idx.msk [tilespmem:v43+s15+$0x0], vm0  }
0x1ea: {  	v45 =	vor.u32 $0x16, v7;
	_ =	sdelay $0x3  }
0x1eb: {  	[tilespmem:v44+s18+$0x0] =	vst.idx.msk vm0, v9  }
0x1ec: {  	v46 =	vor.u32 $0x16, v10;
	v9 =	vld.idx.msk [tilespmem:v45+s15+$0x0], vm0  }
0x1ed: {  	v47 =	vor.u32 $0x17, v7;
	_ =	sdelay $0x3  }
0x1ee: {  	[tilespmem:v46+s18+$0x0] =	vst.idx.msk vm0, v9  }
0x1ef: {  	v48 =	vor.u32 $0x17, v10;
	v9 =	vld.idx.msk [tilespmem:v47+s15+$0x0], vm0  }
0x1f0: {  	v49 =	vor.u32 $0x18, v7;
	_ =	sdelay $0x3  }
0x1f1: {  	[tilespmem:v48+s18+$0x0] =	vst.idx.msk vm0, v9  }
0x1f2: {  	v50 =	vor.u32 $0x18, v10;
	v9 =	vld.idx.msk [tilespmem:v49+s15+$0x0], vm0  }
0x1f3: {  	v51 =	vor.u32 $0x19, v7;
	_ =	sdelay $0x3  }
0x1f4: {  	[tilespmem:v50+s18+$0x0] =	vst.idx.msk vm0, v9  }
0x1f5: {  	v52 =	vor.u32 $0x19, v10;
	v9 =	vld.idx.msk [tilespmem:v51+s15+$0x0], vm0  }
0x1f6: {  	v53 =	vor.u32 $0x1A, v7;
	_ =	sdelay $0x3  }
0x1f7: {  	[tilespmem:v52+s18+$0x0] =	vst.idx.msk vm0, v9  }
0x1f8: {  	v54 =	vor.u32 $0x1A, v10;
	v9 =	vld.idx.msk [tilespmem:v53+s15+$0x0], vm0  }
0x1f9: {  	v55 =	vor.u32 $0x1B, v7;
	_ =	sdelay $0x3  }
0x1fa: {  	[tilespmem:v54+s18+$0x0] =	vst.idx.msk vm0, v9  }
0x1fb: {  	v56 =	vor.u32 $0x1B, v10;
	v9 =	vld.idx.msk [tilespmem:v55+s15+$0x0], vm0  }
0x1fc: {  	v57 =	vor.u32 $0x1C, v7;
	_ =	sdelay $0x3  }
0x1fd: {  	[tilespmem:v56+s18+$0x0] =	vst.idx.msk vm0, v9  }
0x1fe: {  	v58 =	vor.u32 $0x1C, v10;
	v9 =	vld.idx.msk [tilespmem:v57+s15+$0x0], vm0  }
0x1ff: {  	v59 =	vor.u32 $0x1D, v7;
	_ =	sdelay $0x3  }
0x200: {  	[tilespmem:v58+s18+$0x0] =	vst.idx.msk vm0, v9  }
0x201: {  	v60 =	vor.u32 $0x1D, v10;
	v9 =	vld.idx.msk [tilespmem:v59+s15+$0x0], vm0  }
0x202: {  	v61 =	vor.u32 $0x1E, v7;
	_ =	sdelay $0x3  }
0x203: {  	[tilespmem:v60+s18+$0x0] =	vst.idx.msk vm0, v9  }
0x204: {  	v62 =	vor.u32 $0x1E, v10;
	v9 =	vld.idx.msk [tilespmem:v61+s15+$0x0], vm0  }
0x205: {  	v7 =	vor.u32 $0x1F, v7;
	_ =	sdelay $0x3  }
0x206: {  	[tilespmem:v62+s18+$0x0] =	vst.idx.msk vm0, v9  }
0x207: {  	v63 =	vor.u32 $0x1F, v10;
	v7 =	vld.idx.msk [tilespmem:v7+s15+$0x0], vm0;
	_ =	sdelay $0x1  }
.Ltmp21:
0x208: {  	_ = 	snop;
	(pc) =	sbr.rel .LBB2_21-.Ltmp21, $3  }
0x209: {  	_ =	sdelay $0x1  }
0x20a: {  	[tilespmem:v63+s18+$0x0] =	vst.idx.msk vm0, v7  }
0x20b: {  	s25 =	sadd.s32 s29, s25;
	[tilespmem:v8+s19+$0x0] =	vst.idx.msk vm0, v6  }
.LBB2_23:
0x20c: {  	_ =	sfence.sel $0x180000  }
0x20d: {  	[bflag:$0x0] =	sbarrier.arrive $0xFFFF  }
0x20e: {  	_ =	strace $0x90000047  }
0x20f: {  	s0 =	stileid.u32;
	[bflag:$0x2] =	sbarrier.arrive $0xFFFF  }
0x210: {  	p0 =	sne.s32 s0, $0x0;
	s0 =	rddreg [dreg:$0x4]  }
0x211: {  	s0 =	sadd.s32 @!p0 $0x100000, s0  }
0x212: {  	[sflag:s0] =	ssyncadd.tile.s32 @!p0 $0x1;
	_ =	shalt  }
.Lfunc_end2:
_tile_overlayer_lowered:
.L_overlay_start_2:
0x213: {  	(tag) =	ssettag $0x2  }
0x214: {  	s0 =	rddreg [dreg:$0x0];
	s2 =	stileid.u32  }
0x215: {  	s1 =	rddreg [dreg:$0x1];
	p0 =	sne.s32 s2, $0x0  }
0x216: {  	s3 =	rddreg [dreg:$0x2];
	[bflag:$0x3] =	sbarrier.arrive $0xFFFF;
	s2 =	simm.s32 @!p0 $0x1C04  }
0x217: {  	[timem:s3], [sflag:s2] =	dma.local @!p0 [hbm:s0], s1  }
0x218: {  	s0 =	simm.s32 @!p0 $0x4  }
0x219: {  	_ =	swait.ge @!p0 [sflag:s0], s1  }
0x21a: {  	s1 =	ssub.s32 @!p0 $0x0, s1;
	[sflag:s0] =	ssyncset.done @!p0 $0x0  }
0x21b: {  	[sflag:s0] =	ssyncadd.s32 @!p0 s1  }
0x21c: {  	[bflag:$0x3] =	sbarrier.arrive $0xFFFF  }
0x21d: {  	_ =	shalt  }

// kernel: kernel.7.cloned.1.call-start
scs
__scs_entry_jumppad:
0x0: {  	(pc) =	sbr.rel $0x88, $3  }
0x1: {  	(tag) =	ssettag $0x0;
	lr =	simm.s32 $0x1  }
0x2: {  	[smem:$0x3F99] =	sst lr;
	_ =	strace $0xD0000000  }
0x3: {  	_ = 	snop  }
0x4: {  	_ = 	snop  }
0x5: {  	_ = 	snop  }
0x6: {  	_ = 	snop  }
0x7: {  	_ = 	snop  }
__scs_overlays_trampoline_lowered:
0x8: {  	[smem:$0x3FA8] =	sst s0  }
0x9: {  	[smem:$0x3FA9] =	sst s1  }
0xa: {  	[smem:$0x3FAA] =	sst s2  }
0xb: {  	[smem:$0x3FAB] =	sst s3  }
0xc: {  	[smem:$0x3FAC] =	sst s4  }
0xd: {  	[smem:$0x3FAD] =	sst s5  }
0xe: {  	[smem:$0x3FAE] =	sst s6  }
0xf: {  	[smem:$0x3FAF] =	sst s7  }
0x10: {  	[smem:$0x3FB0] =	sst s8  }
0x11: {  	[smem:$0x3FB1] =	sst s9;
	s0 =	simm.s32 @!p0 $0x0  }
0x12: {  	s1 =	sld [smem:$0x3F97];
	s0 =	simm.s32 @p0 $0x1  }
0x13: {  	[smem:$0x3FB2] =	sst s0;
	s0 =	simm.s32 @!p1 $0x0  }
0x14: {  	s2 =	sld [smem:$0x3F96];
	s0 =	simm.s32 @p1 $0x1  }
0x15: {  	[smem:$0x3FB3] =	sst s0;
	s0 =	simm.s32 @!p2 $0x0  }
0x16: {  	s3 =	sld [smem:$0x3FDB];
	s0 =	simm.s32 @p2 $0x1  }
0x17: {  	s4 =	simm.s32 $0x1BF5;
	[smem:$0x3FB5] =	sst s0  }
0x18: {  	s0 =	sld [smem:$0x3F98];
	_ =	swait.ge [sflag:s4], $0x0  }
0x19: {  	s7 =	sld [smem:$0x3F99]  }
0x1a: {  	s8 =	sadd.s32 $0xFFFFE003, lr  }
0x1b: {  	s9 =	sadd.s32 $0xFFFFFEF7, lr;
	s5 =	simm.s32 $0xFFFFFFFF;
	p2 =	slt.u32 s8, $0xFFFFF086  }
0x1c: {  	p1 =	slt.u32 s9, $0xF7A;
	s5 =	simm.s32 @!p2 $0x0  }
0x1d: {  	s5 =	simm.s32 @p1 $0x1;
	p0 =	seq.s32 s7, s2  }
0x1e: {  	s7 =	smul.u32 @!p0 $0xF7A, s2;
	p2 =	seq.s32 @!p0 s5, $0x0  }
0x1f: {  	s9 =	smul.u32 $0xF7A, s1;
	s8 =	simm.s32 @!p0 $0x1BF5;
	p2 =	por !p2, p0  }
0x20: {  	[sflag:s8] =	ssyncset.s32 @!p0 $0xFFFFF086;
	s6 =	sadd.s32 @!p0 s3, s7;
	s7 =	simm.s32 @!p0 $0x108  }
0x21: {  	s3 =	sadd.s32 s3, s9;
	s6 =	sadd.s32 @!p0 $0x88, s6;
	s7 =	simm.s32 @p2 $0x1082  }
0x22: {  	[simem:s7], [sflag:s8] =	dma.local @!p0 [hbm:s6], $0xF7A  }
0x23: {  	s9 =	sor.u32 $0xD0000000, s2;
	s6 =	simm.s32 $0x108;
	_ =	swait.ge @!p0 [sflag:s8], $0x0  }
0x24: {  	s3 =	sadd.s32 $0x88, s3;
	s6 =	simm.s32 @!p1 $0x1082;
	[sflag:s4] =	ssyncset.s32 $0xFFFFF086  }
0x25: {  	[simem:s6], [sflag:s4] =	dma.local [hbm:s3], $0xF7A  }
0x26: {  	[smem:$0x3F99] =	sst s1;
	(tag) =	ssettag s2;
	_ =	strace s9  }
0x27: {  	s1 =	sld [smem:$0x3FA9]  }
0x28: {  	s2 =	sld [smem:$0x3FAA]  }
0x29: {  	s4 =	sld [smem:$0x3FAC]  }
0x2a: {  	p0 =	seq.s32 s5, $0x0;
	s5 =	sld [smem:$0x3FAD]  }
0x2b: {  	s6 =	sld [smem:$0x3FAE]  }
0x2c: {  	s7 =	sld [smem:$0x3FAF]  }
0x2d: {  	s3 =	simm.s32 $0x108;
	s8 =	sld [smem:$0x3FB0]  }
0x2e: {  	s3 =	simm.s32 @!p0 $0x1082;
	s9 =	sld [smem:$0x3FB1]  }
0x2f: {  	lr =	sadd.s32 s0, s3;
	s0 =	sld [smem:$0x3FA8]  }
0x30: {  	s3 =	sld [smem:$0x3FAB]  }
0x31: {  	[smem:$0x3FB4] =	sst s10  }
0x32: {  	s10 =	sld [smem:$0x3FB2];
	_ =	sdelay $0x3  }
0x33: {  	p0 =	seq.s32 s10, $0x1;
	s10 =	sld [smem:$0x3FB4];
	_ =	sdelay $0x3  }
0x34: {  	[smem:$0x3FB4] =	sst s10  }
0x35: {  	s10 =	sld [smem:$0x3FB3];
	_ =	sdelay $0x3  }
0x36: {  	p1 =	seq.s32 s10, $0x1;
	s10 =	sld [smem:$0x3FB4];
	_ =	sdelay $0x3  }
0x37: {  	[smem:$0x3FB4] =	sst s10  }
0x38: {  	s10 =	sld [smem:$0x3FB5]  }
0x39: {  	_ = 	snop;
	(pc) =	sbr.ind lr, $3  }
0x3a: {  	_ = 	snop  }
0x3b: {  	_ = 	snop  }
0x3c: {  	p2 =	seq.s32 s10, $0x1;
	s10 =	sld [smem:$0x3FB4]  }
0x3d: {  	_ =	shalt  }
0x3e: {  	_ =	shalt  }
0x3f: {  	_ =	shalt  }
0x40: {  	_ =	shalt  }
0x41: {  	_ =	shalt  }
0x42: {  	_ =	shalt  }
0x43: {  	_ =	shalt  }
0x44: {  	_ =	shalt  }
0x45: {  	_ =	shalt  }
0x46: {  	_ =	shalt  }
0x47: {  	_ =	shalt  }
0x48: {  	_ =	shalt  }
0x49: {  	_ =	shalt  }
0x4a: {  	_ =	shalt  }
0x4b: {  	_ =	shalt  }
0x4c: {  	_ =	shalt  }
0x4d: {  	_ =	shalt  }
0x4e: {  	_ =	shalt  }
0x4f: {  	_ =	shalt  }
0x50: {  	_ =	shalt  }
0x51: {  	_ =	shalt  }
0x52: {  	_ =	shalt  }
0x53: {  	_ =	shalt  }
0x54: {  	_ =	shalt  }
0x55: {  	_ =	shalt  }
0x56: {  	_ =	shalt  }
0x57: {  	_ =	shalt  }
0x58: {  	_ =	shalt  }
0x59: {  	_ =	shalt  }
0x5a: {  	_ =	shalt  }
0x5b: {  	_ =	shalt  }
0x5c: {  	_ =	shalt  }
0x5d: {  	_ =	shalt  }
0x5e: {  	_ =	shalt  }
0x5f: {  	_ =	shalt  }
0x60: {  	_ =	shalt  }
0x61: {  	_ =	shalt  }
0x62: {  	_ =	shalt  }
0x63: {  	_ =	shalt  }
0x64: {  	_ =	shalt  }
0x65: {  	_ =	shalt  }
0x66: {  	_ =	shalt  }
0x67: {  	_ =	shalt  }
0x68: {  	_ =	shalt  }
0x69: {  	_ =	shalt  }
0x6a: {  	_ =	shalt  }
0x6b: {  	_ =	shalt  }
0x6c: {  	_ =	shalt  }
0x6d: {  	_ =	shalt  }
0x6e: {  	_ =	shalt  }
0x6f: {  	_ =	shalt  }
0x70: {  	_ =	shalt  }
0x71: {  	_ =	shalt  }
0x72: {  	_ =	shalt  }
0x73: {  	_ =	shalt  }
0x74: {  	_ =	shalt  }
0x75: {  	_ =	shalt  }
0x76: {  	_ =	shalt  }
0x77: {  	_ =	shalt  }
0x78: {  	_ =	shalt  }
0x79: {  	_ =	shalt  }
0x7a: {  	_ =	shalt  }
0x7b: {  	_ =	shalt  }
0x7c: {  	_ =	shalt  }
0x7d: {  	_ =	shalt  }
0x7e: {  	_ =	shalt  }
0x7f: {  	_ =	shalt  }
0x80: {  	_ =	shalt  }
0x81: {  	_ =	shalt  }
0x82: {  	_ =	shalt  }
0x83: {  	_ =	shalt  }
0x84: {  	_ =	shalt  }
0x85: {  	_ =	shalt  }
0x86: {  	_ =	shalt  }
0x87: {  	_ =	shalt  }
.Lfunc_end0:
.L_simem_size_0:
called_computation.1_lowered:
.L_overlay_start_0:
0x88: {  	s2 =	sld [smem:$0x3FD9]  }
0x89: {  	s3 =	sld [smem:$0x3FFE];
	_ =	sdelay $0x1  }
0x8a: {  	s1 =	srdreg.scid  }
0x8b: {  	s0 =	sand.u32 $0x1, s1  }
0x8c: {  	s17 =	sshll.u32 s0, $0xA;
	s2 =	sadd.s32 s3, s2  }
0x8d: {  	s2 =	sadd.s32 s2, s17  }
0x8e: {  	[smem:$0x3FC0] =	sst s2  }
0x8f: {  	_ = 	snop  }
0x90: {  	s2 =	sld [smem:$0x3FC8]  }
0x91: {  	s18 =	sld [smem:$0x3FC7]  }
0x92: {  	s4 =	sld [smem:$0x3FC6]  }
0x93: {  	s5 =	sld [smem:$0x3FD0];
	(tm) =	ssettm $0x1  }
0x94: {  	s6 =	sld [smem:$0x3FFB];
	_ =	sdelay $0x3  }
0x95: {  	_ =	strace s6  }
0x96: {  	s6 =	sld [smem:$0x3FFC];
	_ =	sdelay $0x3  }
0x97: {  	_ =	strace s6  }
0x98: {  	s6 =	sld [smem:$0x3FFD];
	_ =	sdelay $0x3  }
0x99: {  	_ =	strace s6  }
0x9a: {  	_ =	strace $0x8FFFFFFF  }
0x9b: {  	s19 =	sld [smem:$0x3FDB];
	_ =	sdelay $0x1  }
0x9c: {  	s7 =	simm.s32 $_scs_section_size  }
0x9d: {  	s8 =	simm.s32 $_size__tile_overlayer_lowered;
	s9 =	simm.s32 $_tile_overlayer_lowered  }
0x9e: {  	s22 =	simm.s32 $0x1BFF;
	s21 =	sshll.u32 s9, $0x1;
	s6 =	sadd.s32 s7, s19  }
0x9f: {  	s10 =	simm.s32 $0x0;
	s20 =	sshll.u32 s8, $0x1;
	s8 =	sadd.s32 s21, s6  }
0xa0: {  	[timem:s10], [sflag:s22] =	dma.local [hbm:s8], s20  }
0xa1: {  	_ =	swait.ge [sflag:s22], s20  }
0xa2: {  	s7 =	ssub.s32 $0x0, s20;
	[sflag:s22] =	ssyncset.done $0x0  }
0xa3: {  	[sflag:s22] =	ssyncadd.s32 s7;
	_ =	sdelay $0x1  }
0xa4: {  	s23 =	simm.s32 $0x1B8B  }
0xa5: {  	_ =	swait.ge [sflag:s23], $0x1  }
0xa6: {  	[sflag:s23] =	ssyncset.done $0x0  }
0xa7: {  	s25 =	simm.s32 $0x1B8E;
	s24 =	sld [smem:$0x3FFE];
	[sflag:s23] =	ssyncadd.s32 $0xFFFFFFFF  }
0xa8: {  	s26 =	simm.s32 $execute0_lowered;
	[smem:$0x3FD2] =	sst s25  }
0xa9: {  	s8 =	sshll.u32 s26, $0x1;
	_ =	strace $0x80000049;
	[dreg:$0x1] =	wrdreg $0xFFFFFFFF  }
0xaa: {  	s28 =	simm.s32 $_size_execute0_lowered;
	s6 =	sadd.s32 s6, s8;
	[dreg:$0x0] =	wrdreg $0x0  }
0xab: {  	s8 =	sshll.u32 s28, $0x1;
	[dreg:$0x2] =	wrdreg s6  }
0xac: {  	[dreg:$0x3] =	wrdreg s8  }
0xad: {  	[dreg:$0x4] =	wrdreg $0xC0  }
0xae: {  	_ =	task [dreg:s10], $0x5FFFF  }
0xaf: {  	[dreg:$0x1] =	wrdreg $0xFFFFFFFF  }
0xb0: {  	[dreg:$0x0] =	wrdreg $0x60  }
0xb1: {  	[dreg:$0x2] =	wrdreg s2  }
0xb2: {  	[dreg:$0x3] =	wrdreg s18  }
0xb3: {  	[dreg:$0x4] =	wrdreg s4  }
0xb4: {  	[dreg:$0x5] =	wrdreg s24  }
0xb5: {  	[dreg:$0x6] =	wrdreg s5  }
0xb6: {  	[dreg:$0x7] =	wrdreg $0x9  }
0xb7: {  	_ =	task.clear_ibuf [dreg:s10], $0x8FFFF;
	_ =	strace $0x90000049  }
0xb8: {  	s29 =	simm.s32 $0x9;
	_ =	strace $0x8000004B  }
0xb9: {  	_ =	swait.ge [sflag:s29], $0x1  }
0xba: {  	[sflag:s29] =	ssyncadd.s32 $0xFFFFFFFF  }
0xbb: {  	_ =	strace $0x9000004B  }
0xbc: {  	_ =	sfence  }
0xbd: {  	s30 =	sld [smem:$0x0];
	_ =	sdelay $0x2  }
0xbe: {  	s31 =	sshll.u32 s1, $0xD;
	s1 =	sshrl.u32 s1, $0x2  }
0xbf: {  	s3 =	sand.u32 $0x4000, s31;
	s1 =	sadd.s32 s1, s30  }
0xc0: {  	s0 =	sor.u32 s3, s0;
	s1 =	sshll.u32 s1, $0x11  }
0xc1: {  	s0 =	sor.u32 s1, s0  }
0xc2: {  	s0 =	sadd.s32 $0x8F2B, s0  }
0xc3: {  	[sflag:s0] =	ssyncadd.remote.s32 $0x1  }
0xc4: {  	_ =	sfence.sel $0xFFFF  }
0xc5: {  	[dreg:$0x0] =	wrdreg $0xFFFFFFFF;
	(pc) =	sbr.abs _section_cstart, $3  }
0xc6: {  	[dreg:$0x1] =	wrdreg $0xFFFFFFFF  }
0xc7: {  	_ =	task.clear_ibuf [dreg:s10], $0x2FFFF;
	_ =	strace $0x9FFFFFFF  }
0xc8: {  	(tm) =	ssettm $0x7FFFFFFF  }
0xc9: {  	_ =	shalt  }
tec
execute0_lowered:
.L_overlay_start_1:
0x0: {  	(tag) =	ssettag $0x1  }
0x1: {  	s3 =	rddreg [dreg:$0x0]  }
0x2: {  	s5 =	rddreg [dreg:$0x1]  }
0x3: {  	s7 =	rddreg [dreg:$0x2];
	s1 =	srdreg.scid  }
0x4: {  	s17 =	rddreg [dreg:$0x3];
	s0 =	stileid.u32;
	s25 =	sand.u32 $0x1, s1  }
0x5: {  	s20 =	rddreg [dreg:$0x4];
	s4 =	sshll.u32 s0, $0xA;
	s6 =	sshll.u32 s25, $0x9  }
0x6: {  	s2 =	simm.s32 $0x0;
	s1 =	rddreg [dreg:$0x5];
	s8 =	sor.u32 s6, s4  }
0x7: {  	[smem:$0x7FF] =	sst s2;
	s9 =	sshrl.u32 s8, $0x3  }
0x8: {  	_ =	strace $0x8000004A;
	s4 =	sadd.s32 s3, s9;
	s3 =	simm.s32 $0x5  }
0x9: {  	[tilespmem:s2], [sflag:$0x5] =	stream.linear.gather [hbm4b:s4+s2], $0x200, $0x38;
	[tilespmem:$0x10600] =	vst v63  }
0xa: {  	_ =	swait.ge [sflag:s3], $0x200  }
0xb: {  	[sflag:s3] =	ssyncset.done $0x0  }
0xc: {  	s6 =	simm.s32 $0x200;
	s5 =	sadd.s32 s5, s9;
	[sflag:s3] =	ssyncadd.s32 $0xFFFFFE00  }
0xd: {  	[tilespmem:s6], [sflag:$0x5] =	stream.linear.gather [hbm4b:s5+s2], $0x200, $0x38;
	[tilespmem:$0x10600] =	vst v63  }
0xe: {  	_ =	swait.ge [sflag:s3], $0x200  }
0xf: {  	s21 =	sshll.u32 s8, $0x4;
	[sflag:s3] =	ssyncset.done $0x0  }
0x10: {  	s8 =	simm.s32 $0x400;
	s7 =	sadd.s32 s7, s9;
	[sflag:s3] =	ssyncadd.s32 $0xFFFFFE00  }
0x11: {  	[tilespmem:s8], [sflag:$0x5] =	stream.linear.gather [hbm4b:s7+s2], $0x200, $0x38;
	[tilespmem:$0x10600] =	vst v63  }
0x12: {  	s10 =	simm.s32 $0x20;
	_ =	swait.ge [sflag:s3], $0x200  }
0x13: {  	s11 =	simm.s32 $0x80;
	s31 =	sadd.s32 s21, s17;
	[sflag:s3] =	ssyncset.done $0x0  }
0x14: {  	s12 =	simm.s32 $0x600;
	s9 =	sadd.s32 $0xE00, s31;
	[sflag:s3] =	ssyncadd.s32 $0xFFFFFE00  }
0x15: {  	[tilespmem:s12], [sflag:$0x1] =	stream.strided.gather [hbm4b:s9+s10], $0x4000, s11, s10, $0x38;
	[tilespmem:$0x10600] =	vst v63  }
0x16: {  	s14 =	simm.s32 $0x4600;
	s13 =	sadd.s32 $0x40E00, s17  }
0x17: {  	[tilespmem:s14], [sflag:$0x2] =	stream.indirect.gather [hbm4b:s13+s6], $0x20, s2, s6, $0xb8;
	[tilespmem:$0x10600] =	vst v63  }
0x18: {  	s16 =	simm.s32 $0x8600;
	s15 =	sadd.s32 $0x41E00, s17  }
0x19: {  	[tilespmem:s16], [sflag:$0x3] =	stream.indirect.gather [hbm4b:s15+s6], $0x20, s6, s6, $0xb8;
	[tilespmem:$0x10600] =	vst v63  }
0x1a: {  	s18 =	simm.s32 $0xC600;
	s19 =	simm.s32 $0x1;
	s17 =	sadd.s32 $0x42E00, s17  }
0x1b: {  	[tilespmem:s18], [sflag:$0x4] =	stream.indirect.gather [hbm4b:s17+s6], $0x20, s8, s6, $0xb8;
	[tilespmem:$0x10600] =	vst v63  }
0x1c: {  	_ =	swait.ge [sflag:s19], $0x4000  }
0x1d: {  	[sflag:s19] =	ssyncset.done $0x0  }
0x1e: {  	s20 =	sadd.s32 s20, s21;
	[sflag:s19] =	ssyncadd.s32 $0xFFFFC000  }
0x1f: {  	[hbm4b:s20+s10] =	stream.strided.scatter [tilespmem:s12], [sflag:$0x5], $0x4000, s11, s10, $0x38;
	[tilespmem:$0x10600] =	vst v63  }
0x20: {  	_ =	swait.ge [sflag:s3], $0x4000  }
0x21: {  	[sflag:s3] =	ssyncset.done $0x0  }
0x22: {  	s21 =	simm.s32 $0x2;
	[sflag:s3] =	ssyncadd.s32 $0xFFFFC000  }
0x23: {  	_ =	swait.ge [sflag:s21], $0x4000  }
0x24: {  	[sflag:s21] =	ssyncset.done $0x0  }
0x25: {  	s22 =	sadd.s32 $0x4, s20;
	[sflag:s21] =	ssyncadd.s32 $0xFFFFC000  }
0x26: {  	[hbm4b:s22+s10] =	stream.strided.scatter [tilespmem:s14], [sflag:$0x5], $0x4000, s11, s10, $0x38;
	[tilespmem:$0x10600] =	vst v63  }
0x27: {  	_ =	swait.ge [sflag:s3], $0x4000  }
0x28: {  	[sflag:s3] =	ssyncset.done $0x0  }
0x29: {  	s23 =	simm.s32 $0x3;
	[sflag:s3] =	ssyncadd.s32 $0xFFFFC000  }
0x2a: {  	_ =	swait.ge [sflag:s23], $0x4000  }
0x2b: {  	[sflag:s23] =	ssyncset.done $0x0  }
0x2c: {  	s26 =	ssub.s32 $0x2, s25;
	s24 =	sadd.s32 $0x8, s20;
	[sflag:s23] =	ssyncadd.s32 $0xFFFFC000  }
0x2d: {  	[hbm4b:s24+s10] =	stream.strided.scatter [tilespmem:s16], [sflag:$0x5], $0x4000, s11, s10, $0x38;
	[tilespmem:$0x10600] =	vst v63  }
0x2e: {  	s28 =	sshrl.u32 s26, $0x1;
	_ =	swait.ge [sflag:s3], $0x4000  }
0x2f: {  	s26 =	ssub.s32 s26, s28;
	[sflag:s3] =	ssyncset.done $0x0  }
0x30: {  	s25 =	simm.s32 $0x4;
	s28 =	smax.u32 s26, $0x1;
	[sflag:s3] =	ssyncadd.s32 $0xFFFFC000  }
0x31: {  	p0 =	sne.s32 s28, $0x1;
	_ =	swait.ge [sflag:s25], $0x4000  }
.Ltmp0:
0x32: {  	[sflag:s25] =	ssyncset.done $0x0;
	(pc) =	sbr.rel @!p0 .LBB2_2-.Ltmp0, $4  }
0x33: {  	s26 =	sadd.s32 $0xC, s20;
	[sflag:s25] =	ssyncadd.s32 $0xFFFFC000  }
0x34: {  	[hbm4b:s26+s10] =	stream.strided.scatter [tilespmem:s18], [sflag:$0x5], $0x4000, s11, s10, $0x38;
	[tilespmem:$0x10600] =	vst v63  }
0x35: {  	_ =	swait.ge [sflag:s3], $0x4000  }
0x36: {  	s28 =	sadd.s32 $0xFFFFFFFF, s28;
	[sflag:s3] =	ssyncset.done $0x0  }
.LBB2_1:
0x37: {  	p0 =	sne.s32 s28, $0x1;
	s28 =	sadd.s32 $0xFFFFFFFF, s28;
	[sflag:s3] =	ssyncadd.s32 $0xFFFFC000  }
0x38: {  	[tilespmem:s2], [sflag:$0x5] =	stream.linear.gather [hbm4b:s4+s2], $0x200, $0x38;
	[tilespmem:$0x10600] =	vst v63  }
0x39: {  	_ =	swait.ge [sflag:s3], $0x200  }
0x3a: {  	[sflag:s3] =	ssyncset.done $0x0  }
0x3b: {  	[sflag:s3] =	ssyncadd.s32 $0xFFFFFE00  }
0x3c: {  	[tilespmem:s6], [sflag:$0x5] =	stream.linear.gather [hbm4b:s5+s2], $0x200, $0x38;
	[tilespmem:$0x10600] =	vst v63  }
0x3d: {  	_ =	swait.ge [sflag:s3], $0x200  }
0x3e: {  	[sflag:s3] =	ssyncset.done $0x0  }
0x3f: {  	[sflag:s3] =	ssyncadd.s32 $0xFFFFFE00  }
0x40: {  	[tilespmem:s8], [sflag:$0x5] =	stream.linear.gather [hbm4b:s7+s2], $0x200, $0x38;
	[tilespmem:$0x10600] =	vst v63  }
0x41: {  	_ =	swait.ge [sflag:s3], $0x200  }
0x42: {  	[sflag:s3] =	ssyncset.done $0x0  }
0x43: {  	[sflag:s3] =	ssyncadd.s32 $0xFFFFFE00  }
0x44: {  	[tilespmem:s12], [sflag:$0x1] =	stream.strided.gather [hbm4b:s9+s10], $0x4000, s11, s10, $0x38;
	[tilespmem:$0x10600] =	vst v63  }
0x45: {  	_ = 	snop  }
0x46: {  	[tilespmem:s14], [sflag:$0x2] =	stream.indirect.gather [hbm4b:s13+s6], $0x20, s2, s6, $0xb8;
	[tilespmem:$0x10600] =	vst v63  }
0x47: {  	_ = 	snop  }
0x48: {  	[tilespmem:s16], [sflag:$0x3] =	stream.indirect.gather [hbm4b:s15+s6], $0x20, s6, s6, $0xb8;
	[tilespmem:$0x10600] =	vst v63  }
0x49: {  	_ = 	snop  }
0x4a: {  	[tilespmem:s18], [sflag:$0x4] =	stream.indirect.gather [hbm4b:s17+s6], $0x20, s8, s6, $0xb8;
	[tilespmem:$0x10600] =	vst v63  }
0x4b: {  	_ =	swait.ge [sflag:s19], $0x4000  }
0x4c: {  	[sflag:s19] =	ssyncset.done $0x0  }
0x4d: {  	[sflag:s19] =	ssyncadd.s32 $0xFFFFC000  }
0x4e: {  	[hbm4b:s20+s10] =	stream.strided.scatter [tilespmem:s12], [sflag:$0x5], $0x4000, s11, s10, $0x38;
	[tilespmem:$0x10600] =	vst v63  }
0x4f: {  	_ =	swait.ge [sflag:s3], $0x4000  }
0x50: {  	[sflag:s3] =	ssyncset.done $0x0  }
0x51: {  	[sflag:s3] =	ssyncadd.s32 $0xFFFFC000  }
0x52: {  	_ =	swait.ge [sflag:s21], $0x4000  }
0x53: {  	[sflag:s21] =	ssyncset.done $0x0  }
0x54: {  	[sflag:s21] =	ssyncadd.s32 $0xFFFFC000  }
0x55: {  	[hbm4b:s22+s10] =	stream.strided.scatter [tilespmem:s14], [sflag:$0x5], $0x4000, s11, s10, $0x38;
	[tilespmem:$0x10600] =	vst v63  }
0x56: {  	_ =	swait.ge [sflag:s3], $0x4000  }
0x57: {  	[sflag:s3] =	ssyncset.done $0x0  }
0x58: {  	[sflag:s3] =	ssyncadd.s32 $0xFFFFC000  }
0x59: {  	_ =	swait.ge [sflag:s23], $0x4000  }
0x5a: {  	[sflag:s23] =	ssyncset.done $0x0  }
0x5b: {  	[sflag:s23] =	ssyncadd.s32 $0xFFFFC000  }
0x5c: {  	[hbm4b:s24+s10] =	stream.strided.scatter [tilespmem:s16], [sflag:$0x5], $0x4000, s11, s10, $0x38;
	[tilespmem:$0x10600] =	vst v63  }
0x5d: {  	_ =	swait.ge [sflag:s3], $0x4000  }
0x5e: {  	[sflag:s3] =	ssyncset.done $0x0  }
0x5f: {  	[sflag:s3] =	ssyncadd.s32 $0xFFFFC000  }
0x60: {  	_ =	swait.ge [sflag:s25], $0x4000  }
.Ltmp1:
0x61: {  	[sflag:s25] =	ssyncset.done $0x0;
	(pc) =	sbr.rel @p0 .LBB2_1-.Ltmp1, $4  }
0x62: {  	[sflag:s25] =	ssyncadd.s32 $0xFFFFC000  }
0x63: {  	[hbm4b:s26+s10] =	stream.strided.scatter [tilespmem:s18], [sflag:$0x5], $0x4000, s11, s10, $0x38;
	[tilespmem:$0x10600] =	vst v63  }
0x64: {  	_ =	swait.ge [sflag:s3], $0x4000  }
0x65: {  	[sflag:s3] =	ssyncset.done $0x0  }
.LBB2_2:
0x66: {  	[sflag:s3] =	ssyncadd.s32 $0xFFFFC000  }
0x67: {  	_ =	sfence.sel $0x180000  }
0x68: {  	[bflag:$0x0] =	sbarrier.arrive $0xFFFF  }
0x69: {  	p0 =	sne.s32 s0, $0x0;
	_ =	strace $0x9000004A  }
0x6a: {  	s0 =	sadd.s32 @!p0 $0x100000, s1;
	[bflag:$0x2] =	sbarrier.arrive $0xFFFF  }
0x6b: {  	[sflag:s0] =	ssyncadd.tile.s32 @!p0 $0x1;
	_ =	shalt  }
.Lfunc_end2:
_tile_overlayer_lowered:
.L_overlay_start_2:
0x6c: {  	(tag) =	ssettag $0x2  }
0x6d: {  	s0 =	rddreg [dreg:$0x0];
	s2 =	stileid.u32  }
0x6e: {  	s1 =	rddreg [dreg:$0x1];
	p0 =	sne.s32 s2, $0x0  }
0x6f: {  	s3 =	rddreg [dreg:$0x2];
	[bflag:$0x3] =	sbarrier.arrive $0xFFFF;
	s2 =	simm.s32 @!p0 $0x1C05  }
0x70: {  	[timem:s3], [sflag:s2] =	dma.local @!p0 [hbm:s0], s1  }
0x71: {  	s0 =	simm.s32 @!p0 $0x5  }
0x72: {  	_ =	swait.ge @!p0 [sflag:s0], s1  }
0x73: {  	s1 =	ssub.s32 @!p0 $0x0, s1;
	[sflag:s0] =	ssyncset.done @!p0 $0x0  }
0x74: {  	[sflag:s0] =	ssyncadd.s32 @!p0 s1  }
0x75: {  	[bflag:$0x3] =	sbarrier.arrive $0xFFFF  }
0x76: {  	_ =	shalt  }

</sc_bundles>
